<compile_context>
chip_gen: v7x
topology: tpu7x:2x2x1
jax: 0.10.2.dev20260603
libtpu: 0.0.44.dev20260713+nightly
codegen_flags: <defaults>
</compile_context>

<pallas_src>
import functools
import math

import jax
import jax.numpy as jnp
from jax import lax
from jax.experimental import pallas as pl
from jax.experimental.pallas import tpu as pltpu
from jax.experimental.pallas import tpu_sc as plsc

B = 16
G = 80
A = 3
CH = 85
NCLS = 80
STRIDE = 8.0
NT = 256
KPAD = 96
ROWS = B * A * CH * G
MCELLS = float(B * A * G * G)

_ANCH_W = (10.0, 16.0, 33.0)
_ANCH_H = (13.0, 30.0, 23.0)



def _sc_gather_body(pred_hbm, tgt_hbm, out_hbm, tgt_v, meta_v, rows_v, out_v,
                    sem):
    nc = 2
    wid = lax.axis_index("s") * nc + lax.axis_index("c")
    pltpu.sync_copy(tgt_hbm, tgt_v)

    def field(g, f):
        return plsc.load_gather(tgt_v, [g * 6 + f])

    ch0_list = []
    for t in range(8):
        g = jnp.full((16,), wid * 8 + t, jnp.int32)
        bv = field(g, 0)
        x1 = field(g, 2)
        y1 = field(g, 3)
        x2 = field(g, 4)
        y2 = field(g, 5)
        cx = (x1 + x2) / 2.0
        cy = (y1 + y2) / 2.0
        tw = x2 - x1
        th = y2 - y1
        gi = jnp.clip((cx / STRIDE).astype(jnp.int32), 0, G - 1)
        gj = jnp.clip((cy / STRIDE).astype(jnp.int32), 0, G - 1)
        bi = jnp.clip(bv.astype(jnp.int32), 0, B - 1)
        twg = tw / STRIDE
        thg = th / STRIDE

        def ratio(aw, ah):
            qw = twg / aw
            qh = thg / ah
            return jnp.maximum(jnp.maximum(qw, 1.0 / qw),
                               jnp.maximum(qh, 1.0 / qh))

        r0 = ratio(1.25, 1.625)
        r1 = ratio(2.0, 3.75)
        r2 = ratio(4.125, 2.875)
        best = jnp.where(r1 < r0, 1, 0)
        best = jnp.where(r2 < jnp.minimum(r0, r1), 2, best)
        meta_v[3 * t + 0, :] = bi
        meta_v[3 * t + 1, :] = gj
        meta_v[3 * t + 2, :] = gi
        ch0_list.append(best * CH)

    copies = []
    for t in range(8):
        b_s = meta_v[3 * t + 0, :][0]
        gj_s = meta_v[3 * t + 1, :][0]
        gi_s = meta_v[3 * t + 2, :][0]
        copies.append(pltpu.async_copy(
            pred_hbm.at[pl.ds(b_s, 1), pl.ds(gj_s, 1), pl.ds(gi_s, 1), :],
            rows_v.at[t], sem))
    for cp in copies:
        cp.wait()

    iota = lax.broadcasted_iota(jnp.int32, (16,), 0)
    zeros = jnp.zeros((16,), jnp.int32)
    for t in range(8):
        tsp = jnp.full((16,), t, jnp.int32)
        for c in range(6):
            ch = ch0_list[t] + jnp.minimum(c * 16 + iota, CH - 1)
            vals = plsc.load_gather(rows_v, [tsp, zeros, zeros, zeros, ch])
            out_v[t, pl.ds(c * 16, 16)] = vals

    pltpu.sync_copy(out_v, out_hbm.at[pl.ds(wid * 8, 8)])


def _sc_gather(pred_t, targets_flat):
    mesh = plsc.VectorSubcoreMesh(core_axis_name="c", subcore_axis_name="s")
    fn = functools.partial(
        pl.kernel,
        mesh=mesh,
        compiler_params=pltpu.CompilerParams(needs_layout_passes=False,
                                             use_tc_tiling_on_sc=True),
        out_type=jax.ShapeDtypeStruct((NT, KPAD), jnp.float32),
        scratch_types=[
            pltpu.VMEM((NT * 6,), jnp.float32),
            pltpu.VMEM((24, 16), jnp.int32),
            pltpu.VMEM((8, 1, 1, 1, A * CH), jnp.float32),
            pltpu.VMEM((8, KPAD), jnp.float32),
            pltpu.SemaphoreType.DMA,
        ],
    )(_sc_gather_body)
    return fn(pred_t, targets_flat)



def _obj_body(pred_ref, out_ref):
    b = pl.program_id(0)
    x = pred_ref[...].reshape(2 * G * G, A * CH)
    chid = lax.broadcasted_iota(jnp.int32, (A * CH, 8), 0)
    j = lax.broadcasted_iota(jnp.int32, (A * CH, 8), 1)
    sel = (((chid == 4) & (j == 0)) | ((chid == CH + 4) & (j == 1))
           | ((chid == 2 * CH + 4) & (j == 2))).astype(jnp.float32)
    y = jax.lax.dot_general(x, sel, (((1,), (0,)), ((), ())),
                            preferred_element_type=jnp.float32)
    jm = lax.broadcasted_iota(jnp.int32, (2 * G * G, 8), 1) < A
    s = jnp.sum(jnp.where(
        jm, jnp.maximum(y, 0.0) + jnp.log(1.0 + jnp.exp(-jnp.abs(y))), 0.0))

    @pl.when(b == 0)
    def _init():
        out_ref[...] = jnp.zeros_like(out_ref)

    out_ref[...] += s


def _obj_sum(pred_t):
    return pl.pallas_call(
        _obj_body,
        grid=(B // 2,),
        in_specs=[pl.BlockSpec((2, G, G, A * CH),
                               lambda b: (b, 0, 0, 0))],
        out_specs=pl.BlockSpec((1, 1), lambda b: (0, 0)),
        out_shape=jax.ShapeDtypeStruct((1, 1), jnp.float32),
    )(pred_t)



def _assign(x1, y1, x2, y2):
    cx = (x1 + x2) / 2.0
    cy = (y1 + y2) / 2.0
    tw = x2 - x1
    th = y2 - y1
    gi = jnp.clip((cx / STRIDE).astype(jnp.int32), 0, G - 1)
    gj = jnp.clip((cy / STRIDE).astype(jnp.int32), 0, G - 1)
    twg = tw / STRIDE
    thg = th / STRIDE

    def ratio(aw, ah):
        qw = twg / aw
        qh = thg / ah
        return jnp.maximum(jnp.maximum(qw, 1.0 / qw),
                           jnp.maximum(qh, 1.0 / qh))

    r0 = ratio(1.25, 1.625)
    r1 = ratio(2.0, 3.75)
    r2 = ratio(4.125, 2.875)
    best = jnp.where(r1 < r0, 1, 0)
    best = jnp.where(r2 < jnp.minimum(r0, r1), 2, best)
    return cx, cy, tw, th, gi, gj, best


def _softplus(x):
    return jnp.maximum(x, 0.0) + jnp.log(1.0 + jnp.exp(-jnp.abs(x)))


def _atan(u):
    s = jnp.sign(u)
    a = jnp.abs(u)
    big = a > 2.414213562373095
    mid = a > 0.4142135623730950
    x = jnp.where(big, -1.0 / a, jnp.where(mid, (a - 1.0) / (a + 1.0), a))
    y = jnp.where(big, math.pi / 2, jnp.where(mid, math.pi / 4, 0.0))
    z = x * x
    p = (((8.05374449538e-2 * z - 1.38776856032e-1) * z
          + 1.99777106478e-1) * z - 3.33329491539e-1) * z * x + x
    return s * (y + p)


def _combine_body(g_ref, t_ref, tt_ref, objsum_ref, out_ref):
    t = t_ref[...]
    tt = tt_ref[...]

    w = (t[:, 0:1] >= 0.0).astype(jnp.float32)
    bi = jnp.clip(t[:, 0:1].astype(jnp.int32), 0, B - 1)
    cls_i = t[:, 1:2].astype(jnp.int32)
    cx, cy, tw, th, gi, gj, best = _assign(
        t[:, 2:3], t[:, 3:4], t[:, 4:5], t[:, 5:6])
    lin = ((bi * A + best) * G + gj) * G + gi

    w_c = tt[0:1, :] >= 0.0
    bi_c = jnp.clip(tt[0:1, :].astype(jnp.int32), 0, B - 1)
    _, _, _, _, gi_c, gj_c, best_c = _assign(
        tt[2:3, :], tt[3:4, :], tt[4:5, :], tt[5:6, :])
    lin_c = ((bi_c * A + best_c) * G + gj_c) * G + gi_c

    row_i = lax.broadcasted_iota(jnp.int32, (NT, NT), 0)
    col_i = lax.broadcasted_iota(jnp.int32, (NT, NT), 1)
    dupmat = (lin == lin_c) & (col_i < row_i) & w_c
    dup = jnp.max(dupmat.astype(jnp.float32), axis=1, keepdims=True)
    keep = w * (1.0 - dup)
    obj_corr = jnp.sum(keep * g_ref[:, 4:5])

    L = g_ref[:, 5:CH]
    iota_cls = lax.broadcasted_iota(jnp.int32, (NT, NCLS), 1)
    sp_sum = jnp.sum(_softplus(L), axis=1, keepdims=True)
    l_at_cls = jnp.sum(jnp.where(iota_cls == cls_i, L, 0.0),
                       axis=1, keepdims=True)
    cls_valid = (cls_i < NCLS).astype(jnp.float32) * w
    cls_sum = jnp.sum((sp_sum - l_at_cls) * cls_valid)

    gif = gi.astype(jnp.float32)
    gjf = gj.astype(jnp.float32)
    sig = lambda v: 1.0 / (1.0 + jnp.exp(-v))
    px = (sig(g_ref[:, 0:1]) + gif) * STRIDE
    py = (sig(g_ref[:, 1:2]) + gjf) * STRIDE
    aw = jnp.where(best == 0, _ANCH_W[0],
                   jnp.where(best == 1, _ANCH_W[1], _ANCH_W[2]))
    ah = jnp.where(best == 0, _ANCH_H[0],
                   jnp.where(best == 1, _ANCH_H[1], _ANCH_H[2]))
    pw = jnp.exp(g_ref[:, 2:3]) * aw * STRIDE
    ph = jnp.exp(g_ref[:, 3:4]) * ah * STRIDE

    b1x1 = px - pw / 2; b1y1 = py - ph / 2
    b1x2 = px + pw / 2; b1y2 = py + ph / 2
    b2x1 = cx - tw / 2; b2y1 = cy - th / 2
    b2x2 = cx + tw / 2; b2y2 = cy + th / 2
    iw = jnp.maximum(jnp.minimum(b1x2, b2x2) - jnp.maximum(b1x1, b2x1), 0.0)
    ih = jnp.maximum(jnp.minimum(b1y2, b2y2) - jnp.maximum(b1y1, b2y1), 0.0)
    inter = iw * ih
    area1 = (b1x2 - b1x1) * (b1y2 - b1y1)
    area2 = (b2x2 - b2x1) * (b2y2 - b2y1)
    union = area1 + area2 - inter + 1e-10
    iou = inter / union
    center_d = (px - cx) ** 2 + (py - cy) ** 2
    ew = jnp.maximum(b1x2, b2x2) - jnp.minimum(b1x1, b2x1)
    eh = jnp.maximum(b1y2, b2y2) - jnp.minimum(b1y1, b2y1)
    diag = ew ** 2 + eh ** 2 + 1e-10
    v = (4.0 / math.pi ** 2) * (_atan(tw / (th + 1e-10))
                                - _atan(pw / (ph + 1e-10))) ** 2
    alpha = v / (1.0 - iou + v + 1e-10)
    ciou = iou - center_d / diag - alpha * v
    box_sum = jnp.sum((1.0 - ciou) * w)

    n_t = jnp.maximum(jnp.sum(w), 1.0)
    obj_loss = (objsum_ref[0, 0] - obj_corr) / MCELLS
    box_loss = box_sum / n_t
    cls_loss = cls_sum / n_t
    total = 5.0 * box_loss + obj_loss + cls_loss
    out_ref[...] = jnp.stack([total, box_loss, obj_loss,
                              cls_loss]).reshape(1, 4)


def _combine(gathered, targets, targets_t, objsum):
    return pl.pallas_call(
        _combine_body,
        in_specs=[pl.BlockSpec((NT, KPAD), lambda: (0, 0)),
                  pl.BlockSpec((NT, 6), lambda: (0, 0)),
                  pl.BlockSpec((6, NT), lambda: (0, 0)),
                  pl.BlockSpec((1, 1), lambda: (0, 0))],
        out_specs=pl.BlockSpec((1, 4), lambda: (0, 0)),
        out_shape=jax.ShapeDtypeStruct((1, 4), jnp.float32),
    )(gathered, targets, targets_t, objsum)


def kernel(predictions, targets):
    pred_t = jnp.transpose(predictions, (0, 2, 3, 1))
    gathered = _sc_gather(pred_t, targets.reshape(NT * 6))
    objsum = _obj_sum(pred_t)
    out = _combine(gathered, targets, targets.T, objsum)
    return (out[0, 0], out[0, 1], out[0, 2], out[0, 3])

# --- scband reference (transcript-rebuilt; emitter-appended) ---
"""Pipeline reference for scband-yololoss-69535520522282 (READ-ONLY COPY).

The authoritative reference and input builder live on the scoring server;
editing this copy changes nothing except your own understanding.
"""

import jax, jax.numpy as jnp
import numpy as np
import math

NUM_CLASSES = 80
IMG_SIZE = 640.0
NUM_ANCHORS = 3
ANCHORS = jnp.array([[10.0, 13.0], [16.0, 30.0], [33.0, 23.0]], dtype=jnp.float32)
BOX_W, OBJ_W, CLS_W = 5.0, 1.0, 1.0


def _bce_logits(x, z):
    return jnp.maximum(x, 0.0) - x * z + jnp.log1p(jnp.exp(-jnp.abs(x)))


def _box_ciou(box1, box2):
    b1_x1 = box1[:, 0] - box1[:, 2] / 2; b1_y1 = box1[:, 1] - box1[:, 3] / 2
    b1_x2 = box1[:, 0] + box1[:, 2] / 2; b1_y2 = box1[:, 1] + box1[:, 3] / 2
    b2_x1 = box2[:, 0] - box2[:, 2] / 2; b2_y1 = box2[:, 1] - box2[:, 3] / 2
    b2_x2 = box2[:, 0] + box2[:, 2] / 2; b2_y2 = box2[:, 1] + box2[:, 3] / 2
    inter_w = jnp.clip(jnp.minimum(b1_x2, b2_x2) - jnp.maximum(b1_x1, b2_x1), 0.0)
    inter_h = jnp.clip(jnp.minimum(b1_y2, b2_y2) - jnp.maximum(b1_y1, b2_y1), 0.0)
    inter = inter_w * inter_h
    area1 = (b1_x2 - b1_x1) * (b1_y2 - b1_y1)
    area2 = (b2_x2 - b2_x1) * (b2_y2 - b2_y1)
    union = area1 + area2 - inter + 1e-10
    iou = inter / union
    center_d = (box1[:, 0] - box2[:, 0]) ** 2 + (box1[:, 1] - box2[:, 1]) ** 2
    ew = jnp.maximum(b1_x2, b2_x2) - jnp.minimum(b1_x1, b2_x1)
    eh = jnp.maximum(b1_y2, b2_y2) - jnp.minimum(b1_y1, b2_y1)
    diag = ew ** 2 + eh ** 2 + 1e-10
    v = (4.0 / math.pi ** 2) * (jnp.arctan(box2[:, 2] / (box2[:, 3] + 1e-10)) - jnp.arctan(box1[:, 2] / (box1[:, 3] + 1e-10))) ** 2
    alpha = v / (1.0 - iou + v + 1e-10)
    return iou - center_d / diag - alpha * v


def _yolo_loss(predictions, targets):
    B = predictions.shape[0]
    grid_h, grid_w = predictions.shape[2], predictions.shape[3]
    pred = predictions.reshape(B, NUM_ANCHORS, 5 + NUM_CLASSES, grid_h, grid_w)
    pred = jnp.transpose(pred, (0, 1, 3, 4, 2))
    stride = IMG_SIZE / grid_h
    pred_xy = jax.nn.sigmoid(pred[..., 0:2])
    pred_wh = jnp.exp(pred[..., 2:4])
    pred_obj = pred[..., 4]
    pred_cls = pred[..., 5:]
    gy, gx = jnp.meshgrid(jnp.arange(grid_h), jnp.arange(grid_w), indexing='ij')
    grid = jnp.stack((gx, gy), 2).reshape(1, 1, grid_h, grid_w, 2).astype(jnp.float32)
    pred_xy = (pred_xy + grid) * stride
    anchor_grid = ANCHORS.reshape(1, NUM_ANCHORS, 1, 1, 2)
    pred_wh = pred_wh * anchor_grid * stride
    pred_boxes = jnp.concatenate((pred_xy, pred_wh), axis=4)
    # valid-target mask (replaces dynamic boolean indexing)
    w = (targets[:, 0] >= 0).astype(jnp.float32)
    b_idx = jnp.clip(targets[:, 0].astype(jnp.int32), 0, B - 1)
    t_cls = targets[:, 1].astype(jnp.int32)
    t_box = targets[:, 2:6]
    t_xy = (t_box[:, :2] + t_box[:, 2:4]) / 2
    t_wh = t_box[:, 2:4] - t_box[:, :2]
    t_xy_grid = t_xy / stride
    t_wh_grid = t_wh / stride
    gi = jnp.clip(t_xy_grid[:, 0].astype(jnp.int32), 0, grid_w - 1)
    gj = jnp.clip(t_xy_grid[:, 1].astype(jnp.int32), 0, grid_h - 1)
    anchors_wh = ANCHORS / stride
    wh_ratio = t_wh_grid[:, None, :] / anchors_wh[None, :, :]
    wh_ratio = jnp.maximum(wh_ratio, 1.0 / wh_ratio)
    max_ratio = jnp.max(wh_ratio, axis=2)
    best_anchor = jnp.argmin(max_ratio, axis=1).astype(jnp.int32)
    target_obj = jnp.zeros_like(pred_obj)
    target_obj = target_obj.at[b_idx, best_anchor, gj, gi].max(w)
    # classification loss (per-target gather, matches torch loop accumulation)
    cls_logits = pred_cls[b_idx, best_anchor, gj, gi]
    one_hot = jax.nn.one_hot(t_cls, NUM_CLASSES, dtype=jnp.float32)
    cls_valid = (t_cls < NUM_CLASSES).astype(jnp.float32) * w
    cls_loss = jnp.sum(jnp.sum(_bce_logits(cls_logits, one_hot), axis=1) * cls_valid)
    # box loss (CIoU per target)
    pb = pred_boxes[b_idx, best_anchor, gj, gi]
    tb = jnp.concatenate((t_xy, t_wh), axis=1)
    ciou = _box_ciou(pb, tb)
    box_loss = jnp.sum((1.0 - ciou) * w)
    obj_loss = jnp.mean(_bce_logits(pred_obj, target_obj))
    n_targets = jnp.maximum(jnp.sum(w), 1.0)
    box_loss = box_loss / n_targets
    cls_loss = cls_loss / n_targets
    total = BOX_W * box_loss + OBJ_W * obj_loss + CLS_W * cls_loss
    return total, box_loss, obj_loss, cls_loss


def setup_inputs(seed: int = 0):
    key = jax.random.key(seed)
    k1, k2, k3, k4, k5 = jax.random.split(key, 5)
    B, G = 16, 80
    C = NUM_ANCHORS * (5 + NUM_CLASSES)
    predictions = jax.random.normal(k1, (B, C, G, G), dtype=jnp.float32)
    N = 256
    b_idx = jax.random.randint(k2, (N,), 0, B).astype(jnp.float32)
    cls = jax.random.randint(k3, (N,), 0, NUM_CLASSES).astype(jnp.float32)
    xy1 = jax.random.uniform(k4, (N, 2), minval=0.0, maxval=IMG_SIZE - 64.0)
    wh = jax.random.uniform(k5, (N, 2), minval=8.0, maxval=64.0)
    xy2 = xy1 + wh
    targets = jnp.concatenate([b_idx[:, None], cls[:, None], xy1, xy2], axis=1).astype(jnp.float32)
    return {"predictions": predictions, "targets": targets}


def reference(predictions, targets):
    total, box_loss, obj_loss, cls_loss = _yolo_loss(predictions, targets)
    return (total, box_loss, obj_loss, cls_loss)

if __name__ == "__main__":
    import jax
    _d = setup_inputs()
    print(jax.jit(kernel)(*tuple(_d.values())))

</pallas_src>

<mosaic_0001>
#map = affine_map<(d0, d1) -> (0, 0, 0, 0)>
#map1 = affine_map<(d0, d1) -> (0)>
#map2 = affine_map<(d0, d1) -> (0, 0)>
module attributes {stable_mosaic.version = 14 : i64} {
  func.func @_sc_gather_body(%arg0: i32, %arg1: i32, %arg2: memref<16x80x80x255xf32, #tpu.memory_space<hbm>>, %arg3: memref<1536xf32, #tpu.memory_space<hbm>>, %arg4: memref<256x96xf32, #tpu.memory_space<hbm>>, %arg5: memref<1536xf32, #tpu.memory_space<vmem>>, %arg6: memref<24x16xi32, #tpu.memory_space<vmem>>, %arg7: memref<8x1x1x1x255xf32, #tpu.memory_space<vmem>>, %arg8: memref<8x96xf32, #tpu.memory_space<vmem>>, %arg9: memref<!tpu.dma_semaphore, #tpu.memory_space<semaphore_mem>>) attributes {dimension_semantics = [#tpu.dimension_semantics<core_parallel>, #tpu.dimension_semantics<subcore_parallel>], iteration_bounds = array<i64: 2, 16>, scalar_prefetch = 0 : i64, scratch_operands = 5 : i64, tpu.core_type = #tpu.core_type<sc_vector_subcore>, window_params = [{transform_indices = #map}, {transform_indices = #map1}, {transform_indices = #map2}]} {
    %mul3A = arith.constant 2 : i32
    %mul3A_0 = arith.muli %arg1, %mul3A : i32
    %add3A = arith.addi %mul3A_0, %arg0 : i32
    "tpu.region"() ({
      %run_scoped3A = tpu.sem_alloc : memref<!tpu.dma_semaphore, #tpu.memory_space<semaphore_mem>>
      tpu.enqueue_dma source(%arg3 : memref<1536xf32, #tpu.memory_space<hbm>>) target(%arg5 : memref<1536xf32, #tpu.memory_space<vmem>>) target_semaphore(%run_scoped3A : memref<!tpu.dma_semaphore, #tpu.memory_space<semaphore_mem>>)
      tpu.wait_dma2 semaphore(%run_scoped3A : memref<!tpu.dma_semaphore, #tpu.memory_space<semaphore_mem>>) src(%arg3 : memref<1536xf32, #tpu.memory_space<hbm>>) dst(%arg5 : memref<1536xf32, #tpu.memory_space<vmem>>)
      tpu.yield
    }) : () -> ()
    %mul3A_1 = arith.constant 8 : i32
    %mul3A_2 = arith.muli %add3A, %mul3A_1 : i32
    %add3A_3 = arith.constant 0 : i32
    %add3A_4 = arith.addi %mul3A_2, %add3A_3 : i32
    %broadcast_in_dim3A = vector.broadcast %add3A_4 : i32 to vector<16xi32>
    %mul3A_5 = arith.constant 6 : i32
    %mul3A_6 = vector.broadcast %mul3A_5 : i32 to vector<16xi32>
    %mul3A_7 = arith.muli %broadcast_in_dim3A, %mul3A_6 : vector<16xi32>
    %add3A_8 = arith.constant 0 : i32
    %add3A_9 = vector.broadcast %add3A_8 : i32 to vector<16xi32>
    %add3A_10 = arith.addi %mul3A_7, %add3A_9 : vector<16xi32>
    %gather3A = tpu.vector_load_idx %arg5[%add3A_10] : memref<1536xf32, #tpu.memory_space<vmem>>[vector<16xi32>], vector<16xf32>,
    %mul3A_11 = arith.constant 6 : i32
    %mul3A_12 = vector.broadcast %mul3A_11 : i32 to vector<16xi32>
    %mul3A_13 = arith.muli %broadcast_in_dim3A, %mul3A_12 : vector<16xi32>
    %add3A_14 = arith.constant 2 : i32
    %add3A_15 = vector.broadcast %add3A_14 : i32 to vector<16xi32>
    %add3A_16 = arith.addi %mul3A_13, %add3A_15 : vector<16xi32>
    %gather3A_17 = tpu.vector_load_idx %arg5[%add3A_16] : memref<1536xf32, #tpu.memory_space<vmem>>[vector<16xi32>], vector<16xf32>,
    %mul3A_18 = arith.constant 6 : i32
    %mul3A_19 = vector.broadcast %mul3A_18 : i32 to vector<16xi32>
    %mul3A_20 = arith.muli %broadcast_in_dim3A, %mul3A_19 : vector<16xi32>
    %add3A_21 = arith.constant 3 : i32
    %add3A_22 = vector.broadcast %add3A_21 : i32 to vector<16xi32>
    %add3A_23 = arith.addi %mul3A_20, %add3A_22 : vector<16xi32>
    %gather3A_24 = tpu.vector_load_idx %arg5[%add3A_23] : memref<1536xf32, #tpu.memory_space<vmem>>[vector<16xi32>], vector<16xf32>,
    %mul3A_25 = arith.constant 6 : i32
    %mul3A_26 = vector.broadcast %mul3A_25 : i32 to vector<16xi32>
    %mul3A_27 = arith.muli %broadcast_in_dim3A, %mul3A_26 : vector<16xi32>
    %add3A_28 = arith.constant 4 : i32
    %add3A_29 = vector.broadcast %add3A_28 : i32 to vector<16xi32>
    %add3A_30 = arith.addi %mul3A_27, %add3A_29 : vector<16xi32>
    %gather3A_31 = tpu.vector_load_idx %arg5[%add3A_30] : memref<1536xf32, #tpu.memory_space<vmem>>[vector<16xi32>], vector<16xf32>,
    %mul3A_32 = arith.constant 6 : i32
    %mul3A_33 = vector.broadcast %mul3A_32 : i32 to vector<16xi32>
    %mul3A_34 = arith.muli %broadcast_in_dim3A, %mul3A_33 : vector<16xi32>
    %add3A_35 = arith.constant 5 : i32
    %add3A_36 = vector.broadcast %add3A_35 : i32 to vector<16xi32>
    %add3A_37 = arith.addi %mul3A_34, %add3A_36 : vector<16xi32>
    %gather3A_38 = tpu.vector_load_idx %arg5[%add3A_37] : memref<1536xf32, #tpu.memory_space<vmem>>[vector<16xi32>], vector<16xf32>,
    %add3A_39 = arith.addf %gather3A_17, %gather3A_31 : vector<16xf32>
    %div3A = arith.constant 2.000000e+00 : f32
    %div3A_40 = vector.broadcast %div3A : f32 to vector<16xf32>
    %div3A_41 = arith.divf %add3A_39, %div3A_40 : vector<16xf32>
    %add3A_42 = arith.addf %gather3A_24, %gather3A_38 : vector<16xf32>
    %div3A_43 = arith.constant 2.000000e+00 : f32
    %div3A_44 = vector.broadcast %div3A_43 : f32 to vector<16xf32>
    %div3A_45 = arith.divf %add3A_42, %div3A_44 : vector<16xf32>
    %sub3A = arith.subf %gather3A_31, %gather3A_17 : vector<16xf32>
    %sub3A_46 = arith.subf %gather3A_38, %gather3A_24 : vector<16xf32>
    %div3A_47 = arith.constant 8.000000e+00 : f32
    %div3A_48 = vector.broadcast %div3A_47 : f32 to vector<16xf32>
    %div3A_49 = arith.divf %div3A_41, %div3A_48 : vector<16xf32>
    %convert_element_type3A = arith.fptosi %div3A_49 : vector<16xf32> to vector<16xi32>
    %jit3A = arith.constant 0 : i32
    %jit3A_50 = arith.constant 79 : i32
    %max3A = vector.broadcast %jit3A : i32 to vector<16xi32>
    %max3A_51 = arith.maxsi %max3A, %convert_element_type3A : vector<16xi32>
    %min3A = vector.broadcast %jit3A_50 : i32 to vector<16xi32>
    %min3A_52 = arith.minsi %min3A, %max3A_51 : vector<16xi32>
    %div3A_53 = arith.constant 8.000000e+00 : f32
    %div3A_54 = vector.broadcast %div3A_53 : f32 to vector<16xf32>
    %div3A_55 = arith.divf %div3A_45, %div3A_54 : vector<16xf32>
    %convert_element_type3A_56 = arith.fptosi %div3A_55 : vector<16xf32> to vector<16xi32>
    %jit3A_57 = arith.constant 0 : i32
    %jit3A_58 = arith.constant 79 : i32
    %max3A_59 = vector.broadcast %jit3A_57 : i32 to vector<16xi32>
    %max3A_60 = arith.maxsi %max3A_59, %convert_element_type3A_56 : vector<16xi32>
    %min3A_61 = vector.broadcast %jit3A_58 : i32 to vector<16xi32>
    %min3A_62 = arith.minsi %min3A_61, %max3A_60 : vector<16xi32>
    %convert_element_type3A_63 = arith.fptosi %gather3A : vector<16xf32> to vector<16xi32>
    %jit3A_64 = arith.constant 0 : i32
    %jit3A_65 = arith.constant 15 : i32
    %max3A_66 = vector.broadcast %jit3A_64 : i32 to vector<16xi32>
    %max3A_67 = arith.maxsi %max3A_66, %convert_element_type3A_63 : vector<16xi32>
    %min3A_68 = vector.broadcast %jit3A_65 : i32 to vector<16xi32>
    %min3A_69 = arith.minsi %min3A_68, %max3A_67 : vector<16xi32>
    %div3A_70 = arith.constant 8.000000e+00 : f32
    %div3A_71 = vector.broadcast %div3A_70 : f32 to vector<16xf32>
    %div3A_72 = arith.divf %sub3A, %div3A_71 : vector<16xf32>
    %div3A_73 = arith.constant 8.000000e+00 : f32
    %div3A_74 = vector.broadcast %div3A_73 : f32 to vector<16xf32>
    %div3A_75 = arith.divf %sub3A_46, %div3A_74 : vector<16xf32>
    %div3A_76 = arith.constant 1.250000e+00 : f32
    %div3A_77 = vector.broadcast %div3A_76 : f32 to vector<16xf32>
    %div3A_78 = arith.divf %div3A_72, %div3A_77 : vector<16xf32>
    %div3A_79 = arith.constant 1.625000e+00 : f32
    %div3A_80 = vector.broadcast %div3A_79 : f32 to vector<16xf32>
    %div3A_81 = arith.divf %div3A_75, %div3A_80 : vector<16xf32>
    %div3A_82 = arith.constant 1.000000e+00 : f32
    %div3A_83 = vector.broadcast %div3A_82 : f32 to vector<16xf32>
    %div3A_84 = arith.divf %div3A_83, %div3A_78 : vector<16xf32>
    %max3A_85 = arith.maximumf %div3A_78, %div3A_84 : vector<16xf32>
    %div3A_86 = arith.constant 1.000000e+00 : f32
    %div3A_87 = vector.broadcast %div3A_86 : f32 to vector<16xf32>
    %div3A_88 = arith.divf %div3A_87, %div3A_81 : vector<16xf32>
    %max3A_89 = arith.maximumf %div3A_81, %div3A_88 : vector<16xf32>
    %max3A_90 = arith.maximumf %max3A_85, %max3A_89 : vector<16xf32>
    %div3A_91 = arith.constant 2.000000e+00 : f32
    %div3A_92 = vector.broadcast %div3A_91 : f32 to vector<16xf32>
    %div3A_93 = arith.divf %div3A_72, %div3A_92 : vector<16xf32>
    %div3A_94 = arith.constant 3.750000e+00 : f32
    %div3A_95 = vector.broadcast %div3A_94 : f32 to vector<16xf32>
    %div3A_96 = arith.divf %div3A_75, %div3A_95 : vector<16xf32>
    %div3A_97 = arith.constant 1.000000e+00 : f32
    %div3A_98 = vector.broadcast %div3A_97 : f32 to vector<16xf32>
    %div3A_99 = arith.divf %div3A_98, %div3A_93 : vector<16xf32>
    %max3A_100 = arith.maximumf %div3A_93, %div3A_99 : vector<16xf32>
    %div3A_101 = arith.constant 1.000000e+00 : f32
    %div3A_102 = vector.broadcast %div3A_101 : f32 to vector<16xf32>
    %div3A_103 = arith.divf %div3A_102, %div3A_96 : vector<16xf32>
    %max3A_104 = arith.maximumf %div3A_96, %div3A_103 : vector<16xf32>
    %max3A_105 = arith.maximumf %max3A_100, %max3A_104 : vector<16xf32>
    %div3A_106 = arith.constant 4.125000e+00 : f32
    %div3A_107 = vector.broadcast %div3A_106 : f32 to vector<16xf32>
    %div3A_108 = arith.divf %div3A_72, %div3A_107 : vector<16xf32>
    %div3A_109 = arith.constant 2.875000e+00 : f32
    %div3A_110 = vector.broadcast %div3A_109 : f32 to vector<16xf32>
    %div3A_111 = arith.divf %div3A_75, %div3A_110 : vector<16xf32>
    %div3A_112 = arith.constant 1.000000e+00 : f32
    %div3A_113 = vector.broadcast %div3A_112 : f32 to vector<16xf32>
    %div3A_114 = arith.divf %div3A_113, %div3A_108 : vector<16xf32>
    %max3A_115 = arith.maximumf %div3A_108, %div3A_114 : vector<16xf32>
    %div3A_116 = arith.constant 1.000000e+00 : f32
    %div3A_117 = vector.broadcast %div3A_116 : f32 to vector<16xf32>
    %div3A_118 = arith.divf %div3A_117, %div3A_111 : vector<16xf32>
    %max3A_119 = arith.maximumf %div3A_111, %div3A_118 : vector<16xf32>
    %max3A_120 = arith.maximumf %max3A_115, %max3A_119 : vector<16xf32>
    %lt3A = arith.cmpf olt, %max3A_105, %max3A_90 : vector<16xf32>
    %jit3A_121 = arith.constant 1 : i32
    %jit3A_122 = arith.constant 0 : i32
    %broadcast_in_dim3A_123 = vector.broadcast %jit3A_121 : i32 to vector<16xi32>
    %broadcast_in_dim3A_124 = vector.broadcast %jit3A_122 : i32 to vector<16xi32>
    %select_n3A = arith.select %lt3A, %broadcast_in_dim3A_123, %broadcast_in_dim3A_124 : vector<16xi1>, vector<16xi32>
    %min3A_125 = arith.minimumf %max3A_90, %max3A_105 : vector<16xf32>
    %lt3A_126 = arith.cmpf olt, %max3A_120, %min3A_125 : vector<16xf32>
    %jit3A_127 = arith.constant 2 : i32
    %broadcast_in_dim3A_128 = vector.broadcast %jit3A_127 : i32 to vector<16xi32>
    %select_n3A_129 = arith.select %lt3A_126, %broadcast_in_dim3A_128, %select_n3A : vector<16xi1>, vector<16xi32>
    %swap3A = arith.constant 0 : i32
    %swap3A_130 = arith.index_cast %swap3A : i32 to index
    %swap3A_131 = arith.constant 0 : index
    %swap3A_132 = tpu.vector_load %arg6[%swap3A_130, %swap3A_131] {strides = array<i32>} : memref<24x16xi32, #tpu.memory_space<vmem>>, vector<16xi32>,
    tpu.vector_store %arg6[%swap3A_130, %swap3A_131], %min3A_69 {strides = array<i32>} : memref<24x16xi32, #tpu.memory_space<vmem>>, vector<16xi32>,
    %swap3A_133 = arith.constant 1 : i32
    %swap3A_134 = arith.index_cast %swap3A_133 : i32 to index
    %swap3A_135 = arith.constant 0 : index
    %swap3A_136 = tpu.vector_load %arg6[%swap3A_134, %swap3A_135] {strides = array<i32>} : memref<24x16xi32, #tpu.memory_space<vmem>>, vector<16xi32>,
    tpu.vector_store %arg6[%swap3A_134, %swap3A_135], %min3A_62 {strides = array<i32>} : memref<24x16xi32, #tpu.memory_space<vmem>>, vector<16xi32>,
    %swap3A_137 = arith.constant 2 : i32
    %swap3A_138 = arith.index_cast %swap3A_137 : i32 to index
    %swap3A_139 = arith.constant 0 : index
    %swap3A_140 = tpu.vector_load %arg6[%swap3A_138, %swap3A_139] {strides = array<i32>} : memref<24x16xi32, #tpu.memory_space<vmem>>, vector<16xi32>,
    tpu.vector_store %arg6[%swap3A_138, %swap3A_139], %min3A_52 {strides = array<i32>} : memref<24x16xi32, #tpu.memory_space<vmem>>, vector<16xi32>,
    %mul3A_141 = arith.constant 85 : i32
    %mul3A_142 = vector.broadcast %mul3A_141 : i32 to vector<16xi32>
    %mul3A_143 = arith.muli %select_n3A_129, %mul3A_142 : vector<16xi32>
    %mul3A_144 = arith.constant 8 : i32
    %mul3A_145 = arith.muli %add3A, %mul3A_144 : i32
    %add3A_146 = arith.constant 1 : i32
    %add3A_147 = arith.addi %mul3A_145, %add3A_146 : i32
    %broadcast_in_dim3A_148 = vector.broadcast %add3A_147 : i32 to vector<16xi32>
    %mul3A_149 = arith.constant 6 : i32
    %mul3A_150 = vector.broadcast %mul3A_149 : i32 to vector<16xi32>
    %mul3A_151 = arith.muli %broadcast_in_dim3A_148, %mul3A_150 : vector<16xi32>
    %add3A_152 = arith.constant 0 : i32
    %add3A_153 = vector.broadcast %add3A_152 : i32 to vector<16xi32>
    %add3A_154 = arith.addi %mul3A_151, %add3A_153 : vector<16xi32>
    %gather3A_155 = tpu.vector_load_idx %arg5[%add3A_154] : memref<1536xf32, #tpu.memory_space<vmem>>[vector<16xi32>], vector<16xf32>,
    %mul3A_156 = arith.constant 6 : i32
    %mul3A_157 = vector.broadcast %mul3A_156 : i32 to vector<16xi32>
    %mul3A_158 = arith.muli %broadcast_in_dim3A_148, %mul3A_157 : vector<16xi32>
    %add3A_159 = arith.constant 2 : i32
    %add3A_160 = vector.broadcast %add3A_159 : i32 to vector<16xi32>
    %add3A_161 = arith.addi %mul3A_158, %add3A_160 : vector<16xi32>
    %gather3A_162 = tpu.vector_load_idx %arg5[%add3A_161] : memref<1536xf32, #tpu.memory_space<vmem>>[vector<16xi32>], vector<16xf32>,
    %mul3A_163 = arith.constant 6 : i32
    %mul3A_164 = vector.broadcast %mul3A_163 : i32 to vector<16xi32>
    %mul3A_165 = arith.muli %broadcast_in_dim3A_148, %mul3A_164 : vector<16xi32>
    %add3A_166 = arith.constant 3 : i32
    %add3A_167 = vector.broadcast %add3A_166 : i32 to vector<16xi32>
    %add3A_168 = arith.addi %mul3A_165, %add3A_167 : vector<16xi32>
    %gather3A_169 = tpu.vector_load_idx %arg5[%add3A_168] : memref<1536xf32, #tpu.memory_space<vmem>>[vector<16xi32>], vector<16xf32>,
    %mul3A_170 = arith.constant 6 : i32
    %mul3A_171 = vector.broadcast %mul3A_170 : i32 to vector<16xi32>
    %mul3A_172 = arith.muli %broadcast_in_dim3A_148, %mul3A_171 : vector<16xi32>
    %add3A_173 = arith.constant 4 : i32
    %add3A_174 = vector.broadcast %add3A_173 : i32 to vector<16xi32>
    %add3A_175 = arith.addi %mul3A_172, %add3A_174 : vector<16xi32>
    %gather3A_176 = tpu.vector_load_idx %arg5[%add3A_175] : memref<1536xf32, #tpu.memory_space<vmem>>[vector<16xi32>], vector<16xf32>,
    %mul3A_177 = arith.constant 6 : i32
    %mul3A_178 = vector.broadcast %mul3A_177 : i32 to vector<16xi32>
    %mul3A_179 = arith.muli %broadcast_in_dim3A_148, %mul3A_178 : vector<16xi32>
    %add3A_180 = arith.constant 5 : i32
    %add3A_181 = vector.broadcast %add3A_180 : i32 to vector<16xi32>
    %add3A_182 = arith.addi %mul3A_179, %add3A_181 : vector<16xi32>
    %gather3A_183 = tpu.vector_load_idx %arg5[%add3A_182] : memref<1536xf32, #tpu.memory_space<vmem>>[vector<16xi32>], vector<16xf32>,
    %add3A_184 = arith.addf %gather3A_162, %gather3A_176 : vector<16xf32>
    %div3A_185 = arith.constant 2.000000e+00 : f32
    %div3A_186 = vector.broadcast %div3A_185 : f32 to vector<16xf32>
    %div3A_187 = arith.divf %add3A_184, %div3A_186 : vector<16xf32>
    %add3A_188 = arith.addf %gather3A_169, %gather3A_183 : vector<16xf32>
    %div3A_189 = arith.constant 2.000000e+00 : f32
    %div3A_190 = vector.broadcast %div3A_189 : f32 to vector<16xf32>
    %div3A_191 = arith.divf %add3A_188, %div3A_190 : vector<16xf32>
    %sub3A_192 = arith.subf %gather3A_176, %gather3A_162 : vector<16xf32>
    %sub3A_193 = arith.subf %gather3A_183, %gather3A_169 : vector<16xf32>
    %div3A_194 = arith.constant 8.000000e+00 : f32
    %div3A_195 = vector.broadcast %div3A_194 : f32 to vector<16xf32>
    %div3A_196 = arith.divf %div3A_187, %div3A_195 : vector<16xf32>
    %convert_element_type3A_197 = arith.fptosi %div3A_196 : vector<16xf32> to vector<16xi32>
    %jit3A_198 = arith.constant 0 : i32
    %jit3A_199 = arith.constant 79 : i32
    %max3A_200 = vector.broadcast %jit3A_198 : i32 to vector<16xi32>
    %max3A_201 = arith.maxsi %max3A_200, %convert_element_type3A_197 : vector<16xi32>
    %min3A_202 = vector.broadcast %jit3A_199 : i32 to vector<16xi32>
    %min3A_203 = arith.minsi %min3A_202, %max3A_201 : vector<16xi32>
    %div3A_204 = arith.constant 8.000000e+00 : f32
    %div3A_205 = vector.broadcast %div3A_204 : f32 to vector<16xf32>
    %div3A_206 = arith.divf %div3A_191, %div3A_205 : vector<16xf32>
    %convert_element_type3A_207 = arith.fptosi %div3A_206 : vector<16xf32> to vector<16xi32>
    %jit3A_208 = arith.constant 0 : i32
    %jit3A_209 = arith.constant 79 : i32
    %max3A_210 = vector.broadcast %jit3A_208 : i32 to vector<16xi32>
    %max3A_211 = arith.maxsi %max3A_210, %convert_element_type3A_207 : vector<16xi32>
    %min3A_212 = vector.broadcast %jit3A_209 : i32 to vector<16xi32>
    %min3A_213 = arith.minsi %min3A_212, %max3A_211 : vector<16xi32>
    %convert_element_type3A_214 = arith.fptosi %gather3A_155 : vector<16xf32> to vector<16xi32>
    %jit3A_215 = arith.constant 0 : i32
    %jit3A_216 = arith.constant 15 : i32
    %max3A_217 = vector.broadcast %jit3A_215 : i32 to vector<16xi32>
    %max3A_218 = arith.maxsi %max3A_217, %convert_element_type3A_214 : vector<16xi32>
    %min3A_219 = vector.broadcast %jit3A_216 : i32 to vector<16xi32>
    %min3A_220 = arith.minsi %min3A_219, %max3A_218 : vector<16xi32>
    %div3A_221 = arith.constant 8.000000e+00 : f32
    %div3A_222 = vector.broadcast %div3A_221 : f32 to vector<16xf32>
    %div3A_223 = arith.divf %sub3A_192, %div3A_222 : vector<16xf32>
    %div3A_224 = arith.constant 8.000000e+00 : f32
    %div3A_225 = vector.broadcast %div3A_224 : f32 to vector<16xf32>
    %div3A_226 = arith.divf %sub3A_193, %div3A_225 : vector<16xf32>
    %div3A_227 = arith.constant 1.250000e+00 : f32
    %div3A_228 = vector.broadcast %div3A_227 : f32 to vector<16xf32>
    %div3A_229 = arith.divf %div3A_223, %div3A_228 : vector<16xf32>
    %div3A_230 = arith.constant 1.625000e+00 : f32
    %div3A_231 = vector.broadcast %div3A_230 : f32 to vector<16xf32>
    %div3A_232 = arith.divf %div3A_226, %div3A_231 : vector<16xf32>
    %div3A_233 = arith.constant 1.000000e+00 : f32
    %div3A_234 = vector.broadcast %div3A_233 : f32 to vector<16xf32>
    %div3A_235 = arith.divf %div3A_234, %div3A_229 : vector<16xf32>
    %max3A_236 = arith.maximumf %div3A_229, %div3A_235 : vector<16xf32>
    %div3A_237 = arith.constant 1.000000e+00 : f32
    %div3A_238 = vector.broadcast %div3A_237 : f32 to vector<16xf32>
    %div3A_239 = arith.divf %div3A_238, %div3A_232 : vector<16xf32>
    %max3A_240 = arith.maximumf %div3A_232, %div3A_239 : vector<16xf32>
    %max3A_241 = arith.maximumf %max3A_236, %max3A_240 : vector<16xf32>
    %div3A_242 = arith.constant 2.000000e+00 : f32
    %div3A_243 = vector.broadcast %div3A_242 : f32 to vector<16xf32>
    %div3A_244 = arith.divf %div3A_223, %div3A_243 : vector<16xf32>
    %div3A_245 = arith.constant 3.750000e+00 : f32
    %div3A_246 = vector.broadcast %div3A_245 : f32 to vector<16xf32>
    %div3A_247 = arith.divf %div3A_226, %div3A_246 : vector<16xf32>
    %div3A_248 = arith.constant 1.000000e+00 : f32
    %div3A_249 = vector.broadcast %div3A_248 : f32 to vector<16xf32>
    %div3A_250 = arith.divf %div3A_249, %div3A_244 : vector<16xf32>
    %max3A_251 = arith.maximumf %div3A_244, %div3A_250 : vector<16xf32>
    %div3A_252 = arith.constant 1.000000e+00 : f32
    %div3A_253 = vector.broadcast %div3A_252 : f32 to vector<16xf32>
    %div3A_254 = arith.divf %div3A_253, %div3A_247 : vector<16xf32>
    %max3A_255 = arith.maximumf %div3A_247, %div3A_254 : vector<16xf32>
    %max3A_256 = arith.maximumf %max3A_251, %max3A_255 : vector<16xf32>
    %div3A_257 = arith.constant 4.125000e+00 : f32
    %div3A_258 = vector.broadcast %div3A_257 : f32 to vector<16xf32>
    %div3A_259 = arith.divf %div3A_223, %div3A_258 : vector<16xf32>
    %div3A_260 = arith.constant 2.875000e+00 : f32
    %div3A_261 = vector.broadcast %div3A_260 : f32 to vector<16xf32>
    %div3A_262 = arith.divf %div3A_226, %div3A_261 : vector<16xf32>
    %div3A_263 = arith.constant 1.000000e+00 : f32
    %div3A_264 = vector.broadcast %div3A_263 : f32 to vector<16xf32>
    %div3A_265 = arith.divf %div3A_264, %div3A_259 : vector<16xf32>
    %max3A_266 = arith.maximumf %div3A_259, %div3A_265 : vector<16xf32>
    %div3A_267 = arith.constant 1.000000e+00 : f32
    %div3A_268 = vector.broadcast %div3A_267 : f32 to vector<16xf32>
    %div3A_269 = arith.divf %div3A_268, %div3A_262 : vector<16xf32>
    %max3A_270 = arith.maximumf %div3A_262, %div3A_269 : vector<16xf32>
    %max3A_271 = arith.maximumf %max3A_266, %max3A_270 : vector<16xf32>
    %lt3A_272 = arith.cmpf olt, %max3A_256, %max3A_241 : vector<16xf32>
    %jit3A_273 = arith.constant 1 : i32
    %jit3A_274 = arith.constant 0 : i32
    %broadcast_in_dim3A_275 = vector.broadcast %jit3A_273 : i32 to vector<16xi32>
    %broadcast_in_dim3A_276 = vector.broadcast %jit3A_274 : i32 to vector<16xi32>
    %select_n3A_277 = arith.select %lt3A_272, %broadcast_in_dim3A_275, %broadcast_in_dim3A_276 : vector<16xi1>, vector<16xi32>
    %min3A_278 = arith.minimumf %max3A_241, %max3A_256 : vector<16xf32>
    %lt3A_279 = arith.cmpf olt, %max3A_271, %min3A_278 : vector<16xf32>
    %jit3A_280 = arith.constant 2 : i32
    %broadcast_in_dim3A_281 = vector.broadcast %jit3A_280 : i32 to vector<16xi32>
    %select_n3A_282 = arith.select %lt3A_279, %broadcast_in_dim3A_281, %select_n3A_277 : vector<16xi1>, vector<16xi32>
    %swap3A_283 = arith.constant 3 : i32
    %swap3A_284 = arith.index_cast %swap3A_283 : i32 to index
    %swap3A_285 = arith.constant 0 : index
    %swap3A_286 = tpu.vector_load %arg6[%swap3A_284, %swap3A_285] {strides = array<i32>} : memref<24x16xi32, #tpu.memory_space<vmem>>, vector<16xi32>,
    tpu.vector_store %arg6[%swap3A_284, %swap3A_285], %min3A_220 {strides = array<i32>} : memref<24x16xi32, #tpu.memory_space<vmem>>, vector<16xi32>,
    %swap3A_287 = arith.constant 4 : i32
    %swap3A_288 = arith.index_cast %swap3A_287 : i32 to index
    %swap3A_289 = arith.constant 0 : index
    %swap3A_290 = tpu.vector_load %arg6[%swap3A_288, %swap3A_289] {strides = array<i32>} : memref<24x16xi32, #tpu.memory_space<vmem>>, vector<16xi32>,
    tpu.vector_store %arg6[%swap3A_288, %swap3A_289], %min3A_213 {strides = array<i32>} : memref<24x16xi32, #tpu.memory_space<vmem>>, vector<16xi32>,
    %swap3A_291 = arith.constant 5 : i32
    %swap3A_292 = arith.index_cast %swap3A_291 : i32 to index
    %swap3A_293 = arith.constant 0 : index
    %swap3A_294 = tpu.vector_load %arg6[%swap3A_292, %swap3A_293] {strides = array<i32>} : memref<24x16xi32, #tpu.memory_space<vmem>>, vector<16xi32>,
    tpu.vector_store %arg6[%swap3A_292, %swap3A_293], %min3A_203 {strides = array<i32>} : memref<24x16xi32, #tpu.memory_space<vmem>>, vector<16xi32>,
    %mul3A_295 = arith.constant 85 : i32
    %mul3A_296 = vector.broadcast %mul3A_295 : i32 to vector<16xi32>
    %mul3A_297 = arith.muli %select_n3A_282, %mul3A_296 : vector<16xi32>
    %mul3A_298 = arith.constant 8 : i32
    %mul3A_299 = arith.muli %add3A, %mul3A_298 : i32
    %add3A_300 = arith.constant 2 : i32
    %add3A_301 = arith.addi %mul3A_299, %add3A_300 : i32
    %broadcast_in_dim3A_302 = vector.broadcast %add3A_301 : i32 to vector<16xi32>
    %mul3A_303 = arith.constant 6 : i32
    %mul3A_304 = vector.broadcast %mul3A_303 : i32 to vector<16xi32>
    %mul3A_305 = arith.muli %broadcast_in_dim3A_302, %mul3A_304 : vector<16xi32>
    %add3A_306 = arith.constant 0 : i32
    %add3A_307 = vector.broadcast %add3A_306 : i32 to vector<16xi32>
    %add3A_308 = arith.addi %mul3A_305, %add3A_307 : vector<16xi32>
    %gather3A_309 = tpu.vector_load_idx %arg5[%add3A_308] : memref<1536xf32, #tpu.memory_space<vmem>>[vector<16xi32>], vector<16xf32>,
    %mul3A_310 = arith.constant 6 : i32
    %mul3A_311 = vector.broadcast %mul3A_310 : i32 to vector<16xi32>
    %mul3A_312 = arith.muli %broadcast_in_dim3A_302, %mul3A_311 : vector<16xi32>
    %add3A_313 = arith.constant 2 : i32
    %add3A_314 = vector.broadcast %add3A_313 : i32 to vector<16xi32>
    %add3A_315 = arith.addi %mul3A_312, %add3A_314 : vector<16xi32>
    %gather3A_316 = tpu.vector_load_idx %arg5[%add3A_315] : memref<1536xf32, #tpu.memory_space<vmem>>[vector<16xi32>], vector<16xf32>,
    %mul3A_317 = arith.constant 6 : i32
    %mul3A_318 = vector.broadcast %mul3A_317 : i32 to vector<16xi32>
    %mul3A_319 = arith.muli %broadcast_in_dim3A_302, %mul3A_318 : vector<16xi32>
    %add3A_320 = arith.constant 3 : i32
    %add3A_321 = vector.broadcast %add3A_320 : i32 to vector<16xi32>
    %add3A_322 = arith.addi %mul3A_319, %add3A_321 : vector<16xi32>
    %gather3A_323 = tpu.vector_load_idx %arg5[%add3A_322] : memref<1536xf32, #tpu.memory_space<vmem>>[vector<16xi32>], vector<16xf32>,
    %mul3A_324 = arith.constant 6 : i32
    %mul3A_325 = vector.broadcast %mul3A_324 : i32 to vector<16xi32>
    %mul3A_326 = arith.muli %broadcast_in_dim3A_302, %mul3A_325 : vector<16xi32>
    %add3A_327 = arith.constant 4 : i32
    %add3A_328 = vector.broadcast %add3A_327 : i32 to vector<16xi32>
    %add3A_329 = arith.addi %mul3A_326, %add3A_328 : vector<16xi32>
    %gather3A_330 = tpu.vector_load_idx %arg5[%add3A_329] : memref<1536xf32, #tpu.memory_space<vmem>>[vector<16xi32>], vector<16xf32>,
    %mul3A_331 = arith.constant 6 : i32
    %mul3A_332 = vector.broadcast %mul3A_331 : i32 to vector<16xi32>
    %mul3A_333 = arith.muli %broadcast_in_dim3A_302, %mul3A_332 : vector<16xi32>
    %add3A_334 = arith.constant 5 : i32
    %add3A_335 = vector.broadcast %add3A_334 : i32 to vector<16xi32>
    %add3A_336 = arith.addi %mul3A_333, %add3A_335 : vector<16xi32>
    %gather3A_337 = tpu.vector_load_idx %arg5[%add3A_336] : memref<1536xf32, #tpu.memory_space<vmem>>[vector<16xi32>], vector<16xf32>,
    %add3A_338 = arith.addf %gather3A_316, %gather3A_330 : vector<16xf32>
    %div3A_339 = arith.constant 2.000000e+00 : f32
    %div3A_340 = vector.broadcast %div3A_339 : f32 to vector<16xf32>
    %div3A_341 = arith.divf %add3A_338, %div3A_340 : vector<16xf32>
    %add3A_342 = arith.addf %gather3A_323, %gather3A_337 : vector<16xf32>
    %div3A_343 = arith.constant 2.000000e+00 : f32
    %div3A_344 = vector.broadcast %div3A_343 : f32 to vector<16xf32>
    %div3A_345 = arith.divf %add3A_342, %div3A_344 : vector<16xf32>
    %sub3A_346 = arith.subf %gather3A_330, %gather3A_316 : vector<16xf32>
    %sub3A_347 = arith.subf %gather3A_337, %gather3A_323 : vector<16xf32>
    %div3A_348 = arith.constant 8.000000e+00 : f32
    %div3A_349 = vector.broadcast %div3A_348 : f32 to vector<16xf32>
    %div3A_350 = arith.divf %div3A_341, %div3A_349 : vector<16xf32>
    %convert_element_type3A_351 = arith.fptosi %div3A_350 : vector<16xf32> to vector<16xi32>
    %jit3A_352 = arith.constant 0 : i32
    %jit3A_353 = arith.constant 79 : i32
    %max3A_354 = vector.broadcast %jit3A_352 : i32 to vector<16xi32>
    %max3A_355 = arith.maxsi %max3A_354, %convert_element_type3A_351 : vector<16xi32>
    %min3A_356 = vector.broadcast %jit3A_353 : i32 to vector<16xi32>
    %min3A_357 = arith.minsi %min3A_356, %max3A_355 : vector<16xi32>
    %div3A_358 = arith.constant 8.000000e+00 : f32
    %div3A_359 = vector.broadcast %div3A_358 : f32 to vector<16xf32>
    %div3A_360 = arith.divf %div3A_345, %div3A_359 : vector<16xf32>
    %convert_element_type3A_361 = arith.fptosi %div3A_360 : vector<16xf32> to vector<16xi32>
    %jit3A_362 = arith.constant 0 : i32
    %jit3A_363 = arith.constant 79 : i32
    %max3A_364 = vector.broadcast %jit3A_362 : i32 to vector<16xi32>
    %max3A_365 = arith.maxsi %max3A_364, %convert_element_type3A_361 : vector<16xi32>
    %min3A_366 = vector.broadcast %jit3A_363 : i32 to vector<16xi32>
    %min3A_367 = arith.minsi %min3A_366, %max3A_365 : vector<16xi32>
    %convert_element_type3A_368 = arith.fptosi %gather3A_309 : vector<16xf32> to vector<16xi32>
    %jit3A_369 = arith.constant 0 : i32
    %jit3A_370 = arith.constant 15 : i32
    %max3A_371 = vector.broadcast %jit3A_369 : i32 to vector<16xi32>
    %max3A_372 = arith.maxsi %max3A_371, %convert_element_type3A_368 : vector<16xi32>
    %min3A_373 = vector.broadcast %jit3A_370 : i32 to vector<16xi32>
    %min3A_374 = arith.minsi %min3A_373, %max3A_372 : vector<16xi32>
    %div3A_375 = arith.constant 8.000000e+00 : f32
    %div3A_376 = vector.broadcast %div3A_375 : f32 to vector<16xf32>
    %div3A_377 = arith.divf %sub3A_346, %div3A_376 : vector<16xf32>
    %div3A_378 = arith.constant 8.000000e+00 : f32
    %div3A_379 = vector.broadcast %div3A_378 : f32 to vector<16xf32>
    %div3A_380 = arith.divf %sub3A_347, %div3A_379 : vector<16xf32>
    %div3A_381 = arith.constant 1.250000e+00 : f32
    %div3A_382 = vector.broadcast %div3A_381 : f32 to vector<16xf32>
    %div3A_383 = arith.divf %div3A_377, %div3A_382 : vector<16xf32>
    %div3A_384 = arith.constant 1.625000e+00 : f32
    %div3A_385 = vector.broadcast %div3A_384 : f32 to vector<16xf32>
    %div3A_386 = arith.divf %div3A_380, %div3A_385 : vector<16xf32>
    %div3A_387 = arith.constant 1.000000e+00 : f32
    %div3A_388 = vector.broadcast %div3A_387 : f32 to vector<16xf32>
    %div3A_389 = arith.divf %div3A_388, %div3A_383 : vector<16xf32>
    %max3A_390 = arith.maximumf %div3A_383, %div3A_389 : vector<16xf32>
    %div3A_391 = arith.constant 1.000000e+00 : f32
    %div3A_392 = vector.broadcast %div3A_391 : f32 to vector<16xf32>
    %div3A_393 = arith.divf %div3A_392, %div3A_386 : vector<16xf32>
    %max3A_394 = arith.maximumf %div3A_386, %div3A_393 : vector<16xf32>
    %max3A_395 = arith.maximumf %max3A_390, %max3A_394 : vector<16xf32>
    %div3A_396 = arith.constant 2.000000e+00 : f32
    %div3A_397 = vector.broadcast %div3A_396 : f32 to vector<16xf32>
    %div3A_398 = arith.divf %div3A_377, %div3A_397 : vector<16xf32>
    %div3A_399 = arith.constant 3.750000e+00 : f32
    %div3A_400 = vector.broadcast %div3A_399 : f32 to vector<16xf32>
    %div3A_401 = arith.divf %div3A_380, %div3A_400 : vector<16xf32>
    %div3A_402 = arith.constant 1.000000e+00 : f32
    %div3A_403 = vector.broadcast %div3A_402 : f32 to vector<16xf32>
    %div3A_404 = arith.divf %div3A_403, %div3A_398 : vector<16xf32>
    %max3A_405 = arith.maximumf %div3A_398, %div3A_404 : vector<16xf32>
    %div3A_406 = arith.constant 1.000000e+00 : f32
    %div3A_407 = vector.broadcast %div3A_406 : f32 to vector<16xf32>
    %div3A_408 = arith.divf %div3A_407, %div3A_401 : vector<16xf32>
    %max3A_409 = arith.maximumf %div3A_401, %div3A_408 : vector<16xf32>
    %max3A_410 = arith.maximumf %max3A_405, %max3A_409 : vector<16xf32>
    %div3A_411 = arith.constant 4.125000e+00 : f32
    %div3A_412 = vector.broadcast %div3A_411 : f32 to vector<16xf32>
    %div3A_413 = arith.divf %div3A_377, %div3A_412 : vector<16xf32>
    %div3A_414 = arith.constant 2.875000e+00 : f32
    %div3A_415 = vector.broadcast %div3A_414 : f32 to vector<16xf32>
    %div3A_416 = arith.divf %div3A_380, %div3A_415 : vector<16xf32>
    %div3A_417 = arith.constant 1.000000e+00 : f32
    %div3A_418 = vector.broadcast %div3A_417 : f32 to vector<16xf32>
    %div3A_419 = arith.divf %div3A_418, %div3A_413 : vector<16xf32>
    %max3A_420 = arith.maximumf %div3A_413, %div3A_419 : vector<16xf32>
    %div3A_421 = arith.constant 1.000000e+00 : f32
    %div3A_422 = vector.broadcast %div3A_421 : f32 to vector<16xf32>
    %div3A_423 = arith.divf %div3A_422, %div3A_416 : vector<16xf32>
    %max3A_424 = arith.maximumf %div3A_416, %div3A_423 : vector<16xf32>
    %max3A_425 = arith.maximumf %max3A_420, %max3A_424 : vector<16xf32>
    %lt3A_426 = arith.cmpf olt, %max3A_410, %max3A_395 : vector<16xf32>
    %jit3A_427 = arith.constant 1 : i32
    %jit3A_428 = arith.constant 0 : i32
    %broadcast_in_dim3A_429 = vector.broadcast %jit3A_427 : i32 to vector<16xi32>
    %broadcast_in_dim3A_430 = vector.broadcast %jit3A_428 : i32 to vector<16xi32>
    %select_n3A_431 = arith.select %lt3A_426, %broadcast_in_dim3A_429, %broadcast_in_dim3A_430 : vector<16xi1>, vector<16xi32>
    %min3A_432 = arith.minimumf %max3A_395, %max3A_410 : vector<16xf32>
    %lt3A_433 = arith.cmpf olt, %max3A_425, %min3A_432 : vector<16xf32>
    %jit3A_434 = arith.constant 2 : i32
    %broadcast_in_dim3A_435 = vector.broadcast %jit3A_434 : i32 to vector<16xi32>
    %select_n3A_436 = arith.select %lt3A_433, %broadcast_in_dim3A_435, %select_n3A_431 : vector<16xi1>, vector<16xi32>
    %swap3A_437 = arith.constant 6 : i32
    %swap3A_438 = arith.index_cast %swap3A_437 : i32 to index
    %swap3A_439 = arith.constant 0 : index
    %swap3A_440 = tpu.vector_load %arg6[%swap3A_438, %swap3A_439] {strides = array<i32>} : memref<24x16xi32, #tpu.memory_space<vmem>>, vector<16xi32>,
    tpu.vector_store %arg6[%swap3A_438, %swap3A_439], %min3A_374 {strides = array<i32>} : memref<24x16xi32, #tpu.memory_space<vmem>>, vector<16xi32>,
    %swap3A_441 = arith.constant 7 : i32
    %swap3A_442 = arith.index_cast %swap3A_441 : i32 to index
    %swap3A_443 = arith.constant 0 : index
    %swap3A_444 = tpu.vector_load %arg6[%swap3A_442, %swap3A_443] {strides = array<i32>} : memref<24x16xi32, #tpu.memory_space<vmem>>, vector<16xi32>,
    tpu.vector_store %arg6[%swap3A_442, %swap3A_443], %min3A_367 {strides = array<i32>} : memref<24x16xi32, #tpu.memory_space<vmem>>, vector<16xi32>,
    %swap3A_445 = arith.constant 8 : i32
    %swap3A_446 = arith.index_cast %swap3A_445 : i32 to index
    %swap3A_447 = arith.constant 0 : index
    %swap3A_448 = tpu.vector_load %arg6[%swap3A_446, %swap3A_447] {strides = array<i32>} : memref<24x16xi32, #tpu.memory_space<vmem>>, vector<16xi32>,
    tpu.vector_store %arg6[%swap3A_446, %swap3A_447], %min3A_357 {strides = array<i32>} : memref<24x16xi32, #tpu.memory_space<vmem>>, vector<16xi32>,
    %mul3A_449 = arith.constant 85 : i32
    %mul3A_450 = vector.broadcast %mul3A_449 : i32 to vector<16xi32>
    %mul3A_451 = arith.muli %select_n3A_436, %mul3A_450 : vector<16xi32>
    %mul3A_452 = arith.constant 8 : i32
    %mul3A_453 = arith.muli %add3A, %mul3A_452 : i32
    %add3A_454 = arith.constant 3 : i32
    %add3A_455 = arith.addi %mul3A_453, %add3A_454 : i32
    %broadcast_in_dim3A_456 = vector.broadcast %add3A_455 : i32 to vector<16xi32>
    %mul3A_457 = arith.constant 6 : i32
    %mul3A_458 = vector.broadcast %mul3A_457 : i32 to vector<16xi32>
    %mul3A_459 = arith.muli %broadcast_in_dim3A_456, %mul3A_458 : vector<16xi32>
    %add3A_460 = arith.constant 0 : i32
    %add3A_461 = vector.broadcast %add3A_460 : i32 to vector<16xi32>
    %add3A_462 = arith.addi %mul3A_459, %add3A_461 : vector<16xi32>
    %gather3A_463 = tpu.vector_load_idx %arg5[%add3A_462] : memref<1536xf32, #tpu.memory_space<vmem>>[vector<16xi32>], vector<16xf32>,
    %mul3A_464 = arith.constant 6 : i32
    %mul3A_465 = vector.broadcast %mul3A_464 : i32 to vector<16xi32>
    %mul3A_466 = arith.muli %broadcast_in_dim3A_456, %mul3A_465 : vector<16xi32>
    %add3A_467 = arith.constant 2 : i32
    %add3A_468 = vector.broadcast %add3A_467 : i32 to vector<16xi32>
    %add3A_469 = arith.addi %mul3A_466, %add3A_468 : vector<16xi32>
    %gather3A_470 = tpu.vector_load_idx %arg5[%add3A_469] : memref<1536xf32, #tpu.memory_space<vmem>>[vector<16xi32>], vector<16xf32>,
    %mul3A_471 = arith.constant 6 : i32
    %mul3A_472 = vector.broadcast %mul3A_471 : i32 to vector<16xi32>
    %mul3A_473 = arith.muli %broadcast_in_dim3A_456, %mul3A_472 : vector<16xi32>
    %add3A_474 = arith.constant 3 : i32
    %add3A_475 = vector.broadcast %add3A_474 : i32 to vector<16xi32>
    %add3A_476 = arith.addi %mul3A_473, %add3A_475 : vector<16xi32>
    %gather3A_477 = tpu.vector_load_idx %arg5[%add3A_476] : memref<1536xf32, #tpu.memory_space<vmem>>[vector<16xi32>], vector<16xf32>,
    %mul3A_478 = arith.constant 6 : i32
    %mul3A_479 = vector.broadcast %mul3A_478 : i32 to vector<16xi32>
    %mul3A_480 = arith.muli %broadcast_in_dim3A_456, %mul3A_479 : vector<16xi32>
    %add3A_481 = arith.constant 4 : i32
    %add3A_482 = vector.broadcast %add3A_481 : i32 to vector<16xi32>
    %add3A_483 = arith.addi %mul3A_480, %add3A_482 : vector<16xi32>
    %gather3A_484 = tpu.vector_load_idx %arg5[%add3A_483] : memref<1536xf32, #tpu.memory_space<vmem>>[vector<16xi32>], vector<16xf32>,
    %mul3A_485 = arith.constant 6 : i32
    %mul3A_486 = vector.broadcast %mul3A_485 : i32 to vector<16xi32>
    %mul3A_487 = arith.muli %broadcast_in_dim3A_456, %mul3A_486 : vector<16xi32>
    %add3A_488 = arith.constant 5 : i32
    %add3A_489 = vector.broadcast %add3A_488 : i32 to vector<16xi32>
    %add3A_490 = arith.addi %mul3A_487, %add3A_489 : vector<16xi32>
    %gather3A_491 = tpu.vector_load_idx %arg5[%add3A_490] : memref<1536xf32, #tpu.memory_space<vmem>>[vector<16xi32>], vector<16xf32>,
    %add3A_492 = arith.addf %gather3A_470, %gather3A_484 : vector<16xf32>
    %div3A_493 = arith.constant 2.000000e+00 : f32
    %div3A_494 = vector.broadcast %div3A_493 : f32 to vector<16xf32>
    %div3A_495 = arith.divf %add3A_492, %div3A_494 : vector<16xf32>
    %add3A_496 = arith.addf %gather3A_477, %gather3A_491 : vector<16xf32>
    %div3A_497 = arith.constant 2.000000e+00 : f32
    %div3A_498 = vector.broadcast %div3A_497 : f32 to vector<16xf32>
    %div3A_499 = arith.divf %add3A_496, %div3A_498 : vector<16xf32>
    %sub3A_500 = arith.subf %gather3A_484, %gather3A_470 : vector<16xf32>
    %sub3A_501 = arith.subf %gather3A_491, %gather3A_477 : vector<16xf32>
    %div3A_502 = arith.constant 8.000000e+00 : f32
    %div3A_503 = vector.broadcast %div3A_502 : f32 to vector<16xf32>
    %div3A_504 = arith.divf %div3A_495, %div3A_503 : vector<16xf32>
    %convert_element_type3A_505 = arith.fptosi %div3A_504 : vector<16xf32> to vector<16xi32>
    %jit3A_506 = arith.constant 0 : i32
    %jit3A_507 = arith.constant 79 : i32
    %max3A_508 = vector.broadcast %jit3A_506 : i32 to vector<16xi32>
    %max3A_509 = arith.maxsi %max3A_508, %convert_element_type3A_505 : vector<16xi32>
    %min3A_510 = vector.broadcast %jit3A_507 : i32 to vector<16xi32>
    %min3A_511 = arith.minsi %min3A_510, %max3A_509 : vector<16xi32>
    %div3A_512 = arith.constant 8.000000e+00 : f32
    %div3A_513 = vector.broadcast %div3A_512 : f32 to vector<16xf32>
    %div3A_514 = arith.divf %div3A_499, %div3A_513 : vector<16xf32>
    %convert_element_type3A_515 = arith.fptosi %div3A_514 : vector<16xf32> to vector<16xi32>
    %jit3A_516 = arith.constant 0 : i32
    %jit3A_517 = arith.constant 79 : i32
    %max3A_518 = vector.broadcast %jit3A_516 : i32 to vector<16xi32>
    %max3A_519 = arith.maxsi %max3A_518, %convert_element_type3A_515 : vector<16xi32>
    %min3A_520 = vector.broadcast %jit3A_517 : i32 to vector<16xi32>
    %min3A_521 = arith.minsi %min3A_520, %max3A_519 : vector<16xi32>
    %convert_element_type3A_522 = arith.fptosi %gather3A_463 : vector<16xf32> to vector<16xi32>
    %jit3A_523 = arith.constant 0 : i32
    %jit3A_524 = arith.constant 15 : i32
    %max3A_525 = vector.broadcast %jit3A_523 : i32 to vector<16xi32>
    %max3A_526 = arith.maxsi %max3A_525, %convert_element_type3A_522 : vector<16xi32>
    %min3A_527 = vector.broadcast %jit3A_524 : i32 to vector<16xi32>
    %min3A_528 = arith.minsi %min3A_527, %max3A_526 : vector<16xi32>
    %div3A_529 = arith.constant 8.000000e+00 : f32
    %div3A_530 = vector.broadcast %div3A_529 : f32 to vector<16xf32>
    %div3A_531 = arith.divf %sub3A_500, %div3A_530 : vector<16xf32>
    %div3A_532 = arith.constant 8.000000e+00 : f32
    %div3A_533 = vector.broadcast %div3A_532 : f32 to vector<16xf32>
    %div3A_534 = arith.divf %sub3A_501, %div3A_533 : vector<16xf32>
    %div3A_535 = arith.constant 1.250000e+00 : f32
    %div3A_536 = vector.broadcast %div3A_535 : f32 to vector<16xf32>
    %div3A_537 = arith.divf %div3A_531, %div3A_536 : vector<16xf32>
    %div3A_538 = arith.constant 1.625000e+00 : f32
    %div3A_539 = vector.broadcast %div3A_538 : f32 to vector<16xf32>
    %div3A_540 = arith.divf %div3A_534, %div3A_539 : vector<16xf32>
    %div3A_541 = arith.constant 1.000000e+00 : f32
    %div3A_542 = vector.broadcast %div3A_541 : f32 to vector<16xf32>
    %div3A_543 = arith.divf %div3A_542, %div3A_537 : vector<16xf32>
    %max3A_544 = arith.maximumf %div3A_537, %div3A_543 : vector<16xf32>
    %div3A_545 = arith.constant 1.000000e+00 : f32
    %div3A_546 = vector.broadcast %div3A_545 : f32 to vector<16xf32>
    %div3A_547 = arith.divf %div3A_546, %div3A_540 : vector<16xf32>
    %max3A_548 = arith.maximumf %div3A_540, %div3A_547 : vector<16xf32>
    %max3A_549 = arith.maximumf %max3A_544, %max3A_548 : vector<16xf32>
    %div3A_550 = arith.constant 2.000000e+00 : f32
    %div3A_551 = vector.broadcast %div3A_550 : f32 to vector<16xf32>
    %div3A_552 = arith.divf %div3A_531, %div3A_551 : vector<16xf32>
    %div3A_553 = arith.constant 3.750000e+00 : f32
    %div3A_554 = vector.broadcast %div3A_553 : f32 to vector<16xf32>
    %div3A_555 = arith.divf %div3A_534, %div3A_554 : vector<16xf32>
    %div3A_556 = arith.constant 1.000000e+00 : f32
    %div3A_557 = vector.broadcast %div3A_556 : f32 to vector<16xf32>
    %div3A_558 = arith.divf %div3A_557, %div3A_552 : vector<16xf32>
    %max3A_559 = arith.maximumf %div3A_552, %div3A_558 : vector<16xf32>
    %div3A_560 = arith.constant 1.000000e+00 : f32
    %div3A_561 = vector.broadcast %div3A_560 : f32 to vector<16xf32>
    %div3A_562 = arith.divf %div3A_561, %div3A_555 : vector<16xf32>
    %max3A_563 = arith.maximumf %div3A_555, %div3A_562 : vector<16xf32>
    %max3A_564 = arith.maximumf %max3A_559, %max3A_563 : vector<16xf32>
    %div3A_565 = arith.constant 4.125000e+00 : f32
    %div3A_566 = vector.broadcast %div3A_565 : f32 to vector<16xf32>
    %div3A_567 = arith.divf %div3A_531, %div3A_566 : vector<16xf32>
    %div3A_568 = arith.constant 2.875000e+00 : f32
    %div3A_569 = vector.broadcast %div3A_568 : f32 to vector<16xf32>
    %div3A_570 = arith.divf %div3A_534, %div3A_569 : vector<16xf32>
    %div3A_571 = arith.constant 1.000000e+00 : f32
    %div3A_572 = vector.broadcast %div3A_571 : f32 to vector<16xf32>
    %div3A_573 = arith.divf %div3A_572, %div3A_567 : vector<16xf32>
    %max3A_574 = arith.maximumf %div3A_567, %div3A_573 : vector<16xf32>
    %div3A_575 = arith.constant 1.000000e+00 : f32
    %div3A_576 = vector.broadcast %div3A_575 : f32 to vector<16xf32>
    %div3A_577 = arith.divf %div3A_576, %div3A_570 : vector<16xf32>
    %max3A_578 = arith.maximumf %div3A_570, %div3A_577 : vector<16xf32>
    %max3A_579 = arith.maximumf %max3A_574, %max3A_578 : vector<16xf32>
    %lt3A_580 = arith.cmpf olt, %max3A_564, %max3A_549 : vector<16xf32>
    %jit3A_581 = arith.constant 1 : i32
    %jit3A_582 = arith.constant 0 : i32
    %broadcast_in_dim3A_583 = vector.broadcast %jit3A_581 : i32 to vector<16xi32>
    %broadcast_in_dim3A_584 = vector.broadcast %jit3A_582 : i32 to vector<16xi32>
    %select_n3A_585 = arith.select %lt3A_580, %broadcast_in_dim3A_583, %broadcast_in_dim3A_584 : vector<16xi1>, vector<16xi32>
    %min3A_586 = arith.minimumf %max3A_549, %max3A_564 : vector<16xf32>
    %lt3A_587 = arith.cmpf olt, %max3A_579, %min3A_586 : vector<16xf32>
    %jit3A_588 = arith.constant 2 : i32
    %broadcast_in_dim3A_589 = vector.broadcast %jit3A_588 : i32 to vector<16xi32>
    %select_n3A_590 = arith.select %lt3A_587, %broadcast_in_dim3A_589, %select_n3A_585 : vector<16xi1>, vector<16xi32>
    %swap3A_591 = arith.constant 9 : i32
    %swap3A_592 = arith.index_cast %swap3A_591 : i32 to index
    %swap3A_593 = arith.constant 0 : index
    %swap3A_594 = tpu.vector_load %arg6[%swap3A_592, %swap3A_593] {strides = array<i32>} : memref<24x16xi32, #tpu.memory_space<vmem>>, vector<16xi32>,
    tpu.vector_store %arg6[%swap3A_592, %swap3A_593], %min3A_528 {strides = array<i32>} : memref<24x16xi32, #tpu.memory_space<vmem>>, vector<16xi32>,
    %swap3A_595 = arith.constant 10 : i32
    %swap3A_596 = arith.index_cast %swap3A_595 : i32 to index
    %swap3A_597 = arith.constant 0 : index
    %swap3A_598 = tpu.vector_load %arg6[%swap3A_596, %swap3A_597] {strides = array<i32>} : memref<24x16xi32, #tpu.memory_space<vmem>>, vector<16xi32>,
    tpu.vector_store %arg6[%swap3A_596, %swap3A_597], %min3A_521 {strides = array<i32>} : memref<24x16xi32, #tpu.memory_space<vmem>>, vector<16xi32>,
    %swap3A_599 = arith.constant 11 : i32
    %swap3A_600 = arith.index_cast %swap3A_599 : i32 to index
    %swap3A_601 = arith.constant 0 : index
    %swap3A_602 = tpu.vector_load %arg6[%swap3A_600, %swap3A_601] {strides = array<i32>} : memref<24x16xi32, #tpu.memory_space<vmem>>, vector<16xi32>,
    tpu.vector_store %arg6[%swap3A_600, %swap3A_601], %min3A_511 {strides = array<i32>} : memref<24x16xi32, #tpu.memory_space<vmem>>, vector<16xi32>,
    %mul3A_603 = arith.constant 85 : i32
    %mul3A_604 = vector.broadcast %mul3A_603 : i32 to vector<16xi32>
    %mul3A_605 = arith.muli %select_n3A_590, %mul3A_604 : vector<16xi32>
    %mul3A_606 = arith.constant 8 : i32
    %mul3A_607 = arith.muli %add3A, %mul3A_606 : i32
    %add3A_608 = arith.constant 4 : i32
    %add3A_609 = arith.addi %mul3A_607, %add3A_608 : i32
    %broadcast_in_dim3A_610 = vector.broadcast %add3A_609 : i32 to vector<16xi32>
    %mul3A_611 = arith.constant 6 : i32
    %mul3A_612 = vector.broadcast %mul3A_611 : i32 to vector<16xi32>
    %mul3A_613 = arith.muli %broadcast_in_dim3A_610, %mul3A_612 : vector<16xi32>
    %add3A_614 = arith.constant 0 : i32
    %add3A_615 = vector.broadcast %add3A_614 : i32 to vector<16xi32>
    %add3A_616 = arith.addi %mul3A_613, %add3A_615 : vector<16xi32>
    %gather3A_617 = tpu.vector_load_idx %arg5[%add3A_616] : memref<1536xf32, #tpu.memory_space<vmem>>[vector<16xi32>], vector<16xf32>,
    %mul3A_618 = arith.constant 6 : i32
    %mul3A_619 = vector.broadcast %mul3A_618 : i32 to vector<16xi32>
    %mul3A_620 = arith.muli %broadcast_in_dim3A_610, %mul3A_619 : vector<16xi32>
    %add3A_621 = arith.constant 2 : i32
    %add3A_622 = vector.broadcast %add3A_621 : i32 to vector<16xi32>
    %add3A_623 = arith.addi %mul3A_620, %add3A_622 : vector<16xi32>
    %gather3A_624 = tpu.vector_load_idx %arg5[%add3A_623] : memref<1536xf32, #tpu.memory_space<vmem>>[vector<16xi32>], vector<16xf32>,
    %mul3A_625 = arith.constant 6 : i32
    %mul3A_626 = vector.broadcast %mul3A_625 : i32 to vector<16xi32>
    %mul3A_627 = arith.muli %broadcast_in_dim3A_610, %mul3A_626 : vector<16xi32>
    %add3A_628 = arith.constant 3 : i32
    %add3A_629 = vector.broadcast %add3A_628 : i32 to vector<16xi32>
    %add3A_630 = arith.addi %mul3A_627, %add3A_629 : vector<16xi32>
    %gather3A_631 = tpu.vector_load_idx %arg5[%add3A_630] : memref<1536xf32, #tpu.memory_space<vmem>>[vector<16xi32>], vector<16xf32>,
    %mul3A_632 = arith.constant 6 : i32
    %mul3A_633 = vector.broadcast %mul3A_632 : i32 to vector<16xi32>
    %mul3A_634 = arith.muli %broadcast_in_dim3A_610, %mul3A_633 : vector<16xi32>
    %add3A_635 = arith.constant 4 : i32
    %add3A_636 = vector.broadcast %add3A_635 : i32 to vector<16xi32>
    %add3A_637 = arith.addi %mul3A_634, %add3A_636 : vector<16xi32>
    %gather3A_638 = tpu.vector_load_idx %arg5[%add3A_637] : memref<1536xf32, #tpu.memory_space<vmem>>[vector<16xi32>], vector<16xf32>,
    %mul3A_639 = arith.constant 6 : i32
    %mul3A_640 = vector.broadcast %mul3A_639 : i32 to vector<16xi32>
    %mul3A_641 = arith.muli %broadcast_in_dim3A_610, %mul3A_640 : vector<16xi32>
    %add3A_642 = arith.constant 5 : i32
    %add3A_643 = vector.broadcast %add3A_642 : i32 to vector<16xi32>
    %add3A_644 = arith.addi %mul3A_641, %add3A_643 : vector<16xi32>
    %gather3A_645 = tpu.vector_load_idx %arg5[%add3A_644] : memref<1536xf32, #tpu.memory_space<vmem>>[vector<16xi32>], vector<16xf32>,
    %add3A_646 = arith.addf %gather3A_624, %gather3A_638 : vector<16xf32>
    %div3A_647 = arith.constant 2.000000e+00 : f32
    %div3A_648 = vector.broadcast %div3A_647 : f32 to vector<16xf32>
    %div3A_649 = arith.divf %add3A_646, %div3A_648 : vector<16xf32>
    %add3A_650 = arith.addf %gather3A_631, %gather3A_645 : vector<16xf32>
    %div3A_651 = arith.constant 2.000000e+00 : f32
    %div3A_652 = vector.broadcast %div3A_651 : f32 to vector<16xf32>
    %div3A_653 = arith.divf %add3A_650, %div3A_652 : vector<16xf32>
    %sub3A_654 = arith.subf %gather3A_638, %gather3A_624 : vector<16xf32>
    %sub3A_655 = arith.subf %gather3A_645, %gather3A_631 : vector<16xf32>
    %div3A_656 = arith.constant 8.000000e+00 : f32
    %div3A_657 = vector.broadcast %div3A_656 : f32 to vector<16xf32>
    %div3A_658 = arith.divf %div3A_649, %div3A_657 : vector<16xf32>
    %convert_element_type3A_659 = arith.fptosi %div3A_658 : vector<16xf32> to vector<16xi32>
    %jit3A_660 = arith.constant 0 : i32
    %jit3A_661 = arith.constant 79 : i32
    %max3A_662 = vector.broadcast %jit3A_660 : i32 to vector<16xi32>
    %max3A_663 = arith.maxsi %max3A_662, %convert_element_type3A_659 : vector<16xi32>
    %min3A_664 = vector.broadcast %jit3A_661 : i32 to vector<16xi32>
    %min3A_665 = arith.minsi %min3A_664, %max3A_663 : vector<16xi32>
    %div3A_666 = arith.constant 8.000000e+00 : f32
    %div3A_667 = vector.broadcast %div3A_666 : f32 to vector<16xf32>
    %div3A_668 = arith.divf %div3A_653, %div3A_667 : vector<16xf32>
    %convert_element_type3A_669 = arith.fptosi %div3A_668 : vector<16xf32> to vector<16xi32>
    %jit3A_670 = arith.constant 0 : i32
    %jit3A_671 = arith.constant 79 : i32
    %max3A_672 = vector.broadcast %jit3A_670 : i32 to vector<16xi32>
    %max3A_673 = arith.maxsi %max3A_672, %convert_element_type3A_669 : vector<16xi32>
    %min3A_674 = vector.broadcast %jit3A_671 : i32 to vector<16xi32>
    %min3A_675 = arith.minsi %min3A_674, %max3A_673 : vector<16xi32>
    %convert_element_type3A_676 = arith.fptosi %gather3A_617 : vector<16xf32> to vector<16xi32>
    %jit3A_677 = arith.constant 0 : i32
    %jit3A_678 = arith.constant 15 : i32
    %max3A_679 = vector.broadcast %jit3A_677 : i32 to vector<16xi32>
    %max3A_680 = arith.maxsi %max3A_679, %convert_element_type3A_676 : vector<16xi32>
    %min3A_681 = vector.broadcast %jit3A_678 : i32 to vector<16xi32>
    %min3A_682 = arith.minsi %min3A_681, %max3A_680 : vector<16xi32>
    %div3A_683 = arith.constant 8.000000e+00 : f32
    %div3A_684 = vector.broadcast %div3A_683 : f32 to vector<16xf32>
    %div3A_685 = arith.divf %sub3A_654, %div3A_684 : vector<16xf32>
    %div3A_686 = arith.constant 8.000000e+00 : f32
    %div3A_687 = vector.broadcast %div3A_686 : f32 to vector<16xf32>
    %div3A_688 = arith.divf %sub3A_655, %div3A_687 : vector<16xf32>
    %div3A_689 = arith.constant 1.250000e+00 : f32
    %div3A_690 = vector.broadcast %div3A_689 : f32 to vector<16xf32>
    %div3A_691 = arith.divf %div3A_685, %div3A_690 : vector<16xf32>
    %div3A_692 = arith.constant 1.625000e+00 : f32
    %div3A_693 = vector.broadcast %div3A_692 : f32 to vector<16xf32>
    %div3A_694 = arith.divf %div3A_688, %div3A_693 : vector<16xf32>
    %div3A_695 = arith.constant 1.000000e+00 : f32
    %div3A_696 = vector.broadcast %div3A_695 : f32 to vector<16xf32>
    %div3A_697 = arith.divf %div3A_696, %div3A_691 : vector<16xf32>
    %max3A_698 = arith.maximumf %div3A_691, %div3A_697 : vector<16xf32>
    %div3A_699 = arith.constant 1.000000e+00 : f32
    %div3A_700 = vector.broadcast %div3A_699 : f32 to vector<16xf32>
    %div3A_701 = arith.divf %div3A_700, %div3A_694 : vector<16xf32>
    %max3A_702 = arith.maximumf %div3A_694, %div3A_701 : vector<16xf32>
    %max3A_703 = arith.maximumf %max3A_698, %max3A_702 : vector<16xf32>
    %div3A_704 = arith.constant 2.000000e+00 : f32
    %div3A_705 = vector.broadcast %div3A_704 : f32 to vector<16xf32>
    %div3A_706 = arith.divf %div3A_685, %div3A_705 : vector<16xf32>
    %div3A_707 = arith.constant 3.750000e+00 : f32
    %div3A_708 = vector.broadcast %div3A_707 : f32 to vector<16xf32>
    %div3A_709 = arith.divf %div3A_688, %div3A_708 : vector<16xf32>
    %div3A_710 = arith.constant 1.000000e+00 : f32
    %div3A_711 = vector.broadcast %div3A_710 : f32 to vector<16xf32>
    %div3A_712 = arith.divf %div3A_711, %div3A_706 : vector<16xf32>
    %max3A_713 = arith.maximumf %div3A_706, %div3A_712 : vector<16xf32>
    %div3A_714 = arith.constant 1.000000e+00 : f32
    %div3A_715 = vector.broadcast %div3A_714 : f32 to vector<16xf32>
    %div3A_716 = arith.divf %div3A_715, %div3A_709 : vector<16xf32>
    %max3A_717 = arith.maximumf %div3A_709, %div3A_716 : vector<16xf32>
    %max3A_718 = arith.maximumf %max3A_713, %max3A_717 : vector<16xf32>
    %div3A_719 = arith.constant 4.125000e+00 : f32
    %div3A_720 = vector.broadcast %div3A_719 : f32 to vector<16xf32>
    %div3A_721 = arith.divf %div3A_685, %div3A_720 : vector<16xf32>
    %div3A_722 = arith.constant 2.875000e+00 : f32
    %div3A_723 = vector.broadcast %div3A_722 : f32 to vector<16xf32>
    %div3A_724 = arith.divf %div3A_688, %div3A_723 : vector<16xf32>
    %div3A_725 = arith.constant 1.000000e+00 : f32
    %div3A_726 = vector.broadcast %div3A_725 : f32 to vector<16xf32>
    %div3A_727 = arith.divf %div3A_726, %div3A_721 : vector<16xf32>
    %max3A_728 = arith.maximumf %div3A_721, %div3A_727 : vector<16xf32>
    %div3A_729 = arith.constant 1.000000e+00 : f32
    %div3A_730 = vector.broadcast %div3A_729 : f32 to vector<16xf32>
    %div3A_731 = arith.divf %div3A_730, %div3A_724 : vector<16xf32>
    %max3A_732 = arith.maximumf %div3A_724, %div3A_731 : vector<16xf32>
    %max3A_733 = arith.maximumf %max3A_728, %max3A_732 : vector<16xf32>
    %lt3A_734 = arith.cmpf olt, %max3A_718, %max3A_703 : vector<16xf32>
    %jit3A_735 = arith.constant 1 : i32
    %jit3A_736 = arith.constant 0 : i32
    %broadcast_in_dim3A_737 = vector.broadcast %jit3A_735 : i32 to vector<16xi32>
    %broadcast_in_dim3A_738 = vector.broadcast %jit3A_736 : i32 to vector<16xi32>
    %select_n3A_739 = arith.select %lt3A_734, %broadcast_in_dim3A_737, %broadcast_in_dim3A_738 : vector<16xi1>, vector<16xi32>
    %min3A_740 = arith.minimumf %max3A_703, %max3A_718 : vector<16xf32>
    %lt3A_741 = arith.cmpf olt, %max3A_733, %min3A_740 : vector<16xf32>
    %jit3A_742 = arith.constant 2 : i32
    %broadcast_in_dim3A_743 = vector.broadcast %jit3A_742 : i32 to vector<16xi32>
    %select_n3A_744 = arith.select %lt3A_741, %broadcast_in_dim3A_743, %select_n3A_739 : vector<16xi1>, vector<16xi32>
    %swap3A_745 = arith.constant 12 : i32
    %swap3A_746 = arith.index_cast %swap3A_745 : i32 to index
    %swap3A_747 = arith.constant 0 : index
    %swap3A_748 = tpu.vector_load %arg6[%swap3A_746, %swap3A_747] {strides = array<i32>} : memref<24x16xi32, #tpu.memory_space<vmem>>, vector<16xi32>,
    tpu.vector_store %arg6[%swap3A_746, %swap3A_747], %min3A_682 {strides = array<i32>} : memref<24x16xi32, #tpu.memory_space<vmem>>, vector<16xi32>,
    %swap3A_749 = arith.constant 13 : i32
    %swap3A_750 = arith.index_cast %swap3A_749 : i32 to index
    %swap3A_751 = arith.constant 0 : index
    %swap3A_752 = tpu.vector_load %arg6[%swap3A_750, %swap3A_751] {strides = array<i32>} : memref<24x16xi32, #tpu.memory_space<vmem>>, vector<16xi32>,
    tpu.vector_store %arg6[%swap3A_750, %swap3A_751], %min3A_675 {strides = array<i32>} : memref<24x16xi32, #tpu.memory_space<vmem>>, vector<16xi32>,
    %swap3A_753 = arith.constant 14 : i32
    %swap3A_754 = arith.index_cast %swap3A_753 : i32 to index
    %swap3A_755 = arith.constant 0 : index
    %swap3A_756 = tpu.vector_load %arg6[%swap3A_754, %swap3A_755] {strides = array<i32>} : memref<24x16xi32, #tpu.memory_space<vmem>>, vector<16xi32>,
    tpu.vector_store %arg6[%swap3A_754, %swap3A_755], %min3A_665 {strides = array<i32>} : memref<24x16xi32, #tpu.memory_space<vmem>>, vector<16xi32>,
    %mul3A_757 = arith.constant 85 : i32
    %mul3A_758 = vector.broadcast %mul3A_757 : i32 to vector<16xi32>
    %mul3A_759 = arith.muli %select_n3A_744, %mul3A_758 : vector<16xi32>
    %mul3A_760 = arith.constant 8 : i32
    %mul3A_761 = arith.muli %add3A, %mul3A_760 : i32
    %add3A_762 = arith.constant 5 : i32
    %add3A_763 = arith.addi %mul3A_761, %add3A_762 : i32
    %broadcast_in_dim3A_764 = vector.broadcast %add3A_763 : i32 to vector<16xi32>
    %mul3A_765 = arith.constant 6 : i32
    %mul3A_766 = vector.broadcast %mul3A_765 : i32 to vector<16xi32>
    %mul3A_767 = arith.muli %broadcast_in_dim3A_764, %mul3A_766 : vector<16xi32>
    %add3A_768 = arith.constant 0 : i32
    %add3A_769 = vector.broadcast %add3A_768 : i32 to vector<16xi32>
    %add3A_770 = arith.addi %mul3A_767, %add3A_769 : vector<16xi32>
    %gather3A_771 = tpu.vector_load_idx %arg5[%add3A_770] : memref<1536xf32, #tpu.memory_space<vmem>>[vector<16xi32>], vector<16xf32>,
    %mul3A_772 = arith.constant 6 : i32
    %mul3A_773 = vector.broadcast %mul3A_772 : i32 to vector<16xi32>
    %mul3A_774 = arith.muli %broadcast_in_dim3A_764, %mul3A_773 : vector<16xi32>
    %add3A_775 = arith.constant 2 : i32
    %add3A_776 = vector.broadcast %add3A_775 : i32 to vector<16xi32>
    %add3A_777 = arith.addi %mul3A_774, %add3A_776 : vector<16xi32>
    %gather3A_778 = tpu.vector_load_idx %arg5[%add3A_777] : memref<1536xf32, #tpu.memory_space<vmem>>[vector<16xi32>], vector<16xf32>,
    %mul3A_779 = arith.constant 6 : i32
    %mul3A_780 = vector.broadcast %mul3A_779 : i32 to vector<16xi32>
    %mul3A_781 = arith.muli %broadcast_in_dim3A_764, %mul3A_780 : vector<16xi32>
    %add3A_782 = arith.constant 3 : i32
    %add3A_783 = vector.broadcast %add3A_782 : i32 to vector<16xi32>
    %add3A_784 = arith.addi %mul3A_781, %add3A_783 : vector<16xi32>
    %gather3A_785 = tpu.vector_load_idx %arg5[%add3A_784] : memref<1536xf32, #tpu.memory_space<vmem>>[vector<16xi32>], vector<16xf32>,
    %mul3A_786 = arith.constant 6 : i32
    %mul3A_787 = vector.broadcast %mul3A_786 : i32 to vector<16xi32>
    %mul3A_788 = arith.muli %broadcast_in_dim3A_764, %mul3A_787 : vector<16xi32>
    %add3A_789 = arith.constant 4 : i32
    %add3A_790 = vector.broadcast %add3A_789 : i32 to vector<16xi32>
    %add3A_791 = arith.addi %mul3A_788, %add3A_790 : vector<16xi32>
    %gather3A_792 = tpu.vector_load_idx %arg5[%add3A_791] : memref<1536xf32, #tpu.memory_space<vmem>>[vector<16xi32>], vector<16xf32>,
    %mul3A_793 = arith.constant 6 : i32
    %mul3A_794 = vector.broadcast %mul3A_793 : i32 to vector<16xi32>
    %mul3A_795 = arith.muli %broadcast_in_dim3A_764, %mul3A_794 : vector<16xi32>
    %add3A_796 = arith.constant 5 : i32
    %add3A_797 = vector.broadcast %add3A_796 : i32 to vector<16xi32>
    %add3A_798 = arith.addi %mul3A_795, %add3A_797 : vector<16xi32>
    %gather3A_799 = tpu.vector_load_idx %arg5[%add3A_798] : memref<1536xf32, #tpu.memory_space<vmem>>[vector<16xi32>], vector<16xf32>,
    %add3A_800 = arith.addf %gather3A_778, %gather3A_792 : vector<16xf32>
    %div3A_801 = arith.constant 2.000000e+00 : f32
    %div3A_802 = vector.broadcast %div3A_801 : f32 to vector<16xf32>
    %div3A_803 = arith.divf %add3A_800, %div3A_802 : vector<16xf32>
    %add3A_804 = arith.addf %gather3A_785, %gather3A_799 : vector<16xf32>
    %div3A_805 = arith.constant 2.000000e+00 : f32
    %div3A_806 = vector.broadcast %div3A_805 : f32 to vector<16xf32>
    %div3A_807 = arith.divf %add3A_804, %div3A_806 : vector<16xf32>
    %sub3A_808 = arith.subf %gather3A_792, %gather3A_778 : vector<16xf32>
    %sub3A_809 = arith.subf %gather3A_799, %gather3A_785 : vector<16xf32>
    %div3A_810 = arith.constant 8.000000e+00 : f32
    %div3A_811 = vector.broadcast %div3A_810 : f32 to vector<16xf32>
    %div3A_812 = arith.divf %div3A_803, %div3A_811 : vector<16xf32>
    %convert_element_type3A_813 = arith.fptosi %div3A_812 : vector<16xf32> to vector<16xi32>
    %jit3A_814 = arith.constant 0 : i32
    %jit3A_815 = arith.constant 79 : i32
    %max3A_816 = vector.broadcast %jit3A_814 : i32 to vector<16xi32>
    %max3A_817 = arith.maxsi %max3A_816, %convert_element_type3A_813 : vector<16xi32>
    %min3A_818 = vector.broadcast %jit3A_815 : i32 to vector<16xi32>
    %min3A_819 = arith.minsi %min3A_818, %max3A_817 : vector<16xi32>
    %div3A_820 = arith.constant 8.000000e+00 : f32
    %div3A_821 = vector.broadcast %div3A_820 : f32 to vector<16xf32>
    %div3A_822 = arith.divf %div3A_807, %div3A_821 : vector<16xf32>
    %convert_element_type3A_823 = arith.fptosi %div3A_822 : vector<16xf32> to vector<16xi32>
    %jit3A_824 = arith.constant 0 : i32
    %jit3A_825 = arith.constant 79 : i32
    %max3A_826 = vector.broadcast %jit3A_824 : i32 to vector<16xi32>
    %max3A_827 = arith.maxsi %max3A_826, %convert_element_type3A_823 : vector<16xi32>
    %min3A_828 = vector.broadcast %jit3A_825 : i32 to vector<16xi32>
    %min3A_829 = arith.minsi %min3A_828, %max3A_827 : vector<16xi32>
    %convert_element_type3A_830 = arith.fptosi %gather3A_771 : vector<16xf32> to vector<16xi32>
    %jit3A_831 = arith.constant 0 : i32
    %jit3A_832 = arith.constant 15 : i32
    %max3A_833 = vector.broadcast %jit3A_831 : i32 to vector<16xi32>
    %max3A_834 = arith.maxsi %max3A_833, %convert_element_type3A_830 : vector<16xi32>
    %min3A_835 = vector.broadcast %jit3A_832 : i32 to vector<16xi32>
    %min3A_836 = arith.minsi %min3A_835, %max3A_834 : vector<16xi32>
    %div3A_837 = arith.constant 8.000000e+00 : f32
    %div3A_838 = vector.broadcast %div3A_837 : f32 to vector<16xf32>
    %div3A_839 = arith.divf %sub3A_808, %div3A_838 : vector<16xf32>
    %div3A_840 = arith.constant 8.000000e+00 : f32
    %div3A_841 = vector.broadcast %div3A_840 : f32 to vector<16xf32>
    %div3A_842 = arith.divf %sub3A_809, %div3A_841 : vector<16xf32>
    %div3A_843 = arith.constant 1.250000e+00 : f32
    %div3A_844 = vector.broadcast %div3A_843 : f32 to vector<16xf32>
    %div3A_845 = arith.divf %div3A_839, %div3A_844 : vector<16xf32>
    %div3A_846 = arith.constant 1.625000e+00 : f32
    %div3A_847 = vector.broadcast %div3A_846 : f32 to vector<16xf32>
    %div3A_848 = arith.divf %div3A_842, %div3A_847 : vector<16xf32>
    %div3A_849 = arith.constant 1.000000e+00 : f32
    %div3A_850 = vector.broadcast %div3A_849 : f32 to vector<16xf32>
    %div3A_851 = arith.divf %div3A_850, %div3A_845 : vector<16xf32>
    %max3A_852 = arith.maximumf %div3A_845, %div3A_851 : vector<16xf32>
    %div3A_853 = arith.constant 1.000000e+00 : f32
    %div3A_854 = vector.broadcast %div3A_853 : f32 to vector<16xf32>
    %div3A_855 = arith.divf %div3A_854, %div3A_848 : vector<16xf32>
    %max3A_856 = arith.maximumf %div3A_848, %div3A_855 : vector<16xf32>
    %max3A_857 = arith.maximumf %max3A_852, %max3A_856 : vector<16xf32>
    %div3A_858 = arith.constant 2.000000e+00 : f32
    %div3A_859 = vector.broadcast %div3A_858 : f32 to vector<16xf32>
    %div3A_860 = arith.divf %div3A_839, %div3A_859 : vector<16xf32>
    %div3A_861 = arith.constant 3.750000e+00 : f32
    %div3A_862 = vector.broadcast %div3A_861 : f32 to vector<16xf32>
    %div3A_863 = arith.divf %div3A_842, %div3A_862 : vector<16xf32>
    %div3A_864 = arith.constant 1.000000e+00 : f32
    %div3A_865 = vector.broadcast %div3A_864 : f32 to vector<16xf32>
    %div3A_866 = arith.divf %div3A_865, %div3A_860 : vector<16xf32>
    %max3A_867 = arith.maximumf %div3A_860, %div3A_866 : vector<16xf32>
    %div3A_868 = arith.constant 1.000000e+00 : f32
    %div3A_869 = vector.broadcast %div3A_868 : f32 to vector<16xf32>
    %div3A_870 = arith.divf %div3A_869, %div3A_863 : vector<16xf32>
    %max3A_871 = arith.maximumf %div3A_863, %div3A_870 : vector<16xf32>
    %max3A_872 = arith.maximumf %max3A_867, %max3A_871 : vector<16xf32>
    %div3A_873 = arith.constant 4.125000e+00 : f32
    %div3A_874 = vector.broadcast %div3A_873 : f32 to vector<16xf32>
    %div3A_875 = arith.divf %div3A_839, %div3A_874 : vector<16xf32>
    %div3A_876 = arith.constant 2.875000e+00 : f32
    %div3A_877 = vector.broadcast %div3A_876 : f32 to vector<16xf32>
    %div3A_878 = arith.divf %div3A_842, %div3A_877 : vector<16xf32>
    %div3A_879 = arith.constant 1.000000e+00 : f32
    %div3A_880 = vector.broadcast %div3A_879 : f32 to vector<16xf32>
    %div3A_881 = arith.divf %div3A_880, %div3A_875 : vector<16xf32>
    %max3A_882 = arith.maximumf %div3A_875, %div3A_881 : vector<16xf32>
    %div3A_883 = arith.constant 1.000000e+00 : f32
    %div3A_884 = vector.broadcast %div3A_883 : f32 to vector<16xf32>
    %div3A_885 = arith.divf %div3A_884, %div3A_878 : vector<16xf32>
    %max3A_886 = arith.maximumf %div3A_878, %div3A_885 : vector<16xf32>
    %max3A_887 = arith.maximumf %max3A_882, %max3A_886 : vector<16xf32>
    %lt3A_888 = arith.cmpf olt, %max3A_872, %max3A_857 : vector<16xf32>
    %jit3A_889 = arith.constant 1 : i32
    %jit3A_890 = arith.constant 0 : i32
    %broadcast_in_dim3A_891 = vector.broadcast %jit3A_889 : i32 to vector<16xi32>
    %broadcast_in_dim3A_892 = vector.broadcast %jit3A_890 : i32 to vector<16xi32>
    %select_n3A_893 = arith.select %lt3A_888, %broadcast_in_dim3A_891, %broadcast_in_dim3A_892 : vector<16xi1>, vector<16xi32>
    %min3A_894 = arith.minimumf %max3A_857, %max3A_872 : vector<16xf32>
    %lt3A_895 = arith.cmpf olt, %max3A_887, %min3A_894 : vector<16xf32>
    %jit3A_896 = arith.constant 2 : i32
    %broadcast_in_dim3A_897 = vector.broadcast %jit3A_896 : i32 to vector<16xi32>
    %select_n3A_898 = arith.select %lt3A_895, %broadcast_in_dim3A_897, %select_n3A_893 : vector<16xi1>, vector<16xi32>
    %swap3A_899 = arith.constant 15 : i32
    %swap3A_900 = arith.index_cast %swap3A_899 : i32 to index
    %swap3A_901 = arith.constant 0 : index
    %swap3A_902 = tpu.vector_load %arg6[%swap3A_900, %swap3A_901] {strides = array<i32>} : memref<24x16xi32, #tpu.memory_space<vmem>>, vector<16xi32>,
    tpu.vector_store %arg6[%swap3A_900, %swap3A_901], %min3A_836 {strides = array<i32>} : memref<24x16xi32, #tpu.memory_space<vmem>>, vector<16xi32>,
    %swap3A_903 = arith.constant 16 : i32
    %swap3A_904 = arith.index_cast %swap3A_903 : i32 to index
    %swap3A_905 = arith.constant 0 : index
    %swap3A_906 = tpu.vector_load %arg6[%swap3A_904, %swap3A_905] {strides = array<i32>} : memref<24x16xi32, #tpu.memory_space<vmem>>, vector<16xi32>,
    tpu.vector_store %arg6[%swap3A_904, %swap3A_905], %min3A_829 {strides = array<i32>} : memref<24x16xi32, #tpu.memory_space<vmem>>, vector<16xi32>,
    %swap3A_907 = arith.constant 17 : i32
    %swap3A_908 = arith.index_cast %swap3A_907 : i32 to index
    %swap3A_909 = arith.constant 0 : index
    %swap3A_910 = tpu.vector_load %arg6[%swap3A_908, %swap3A_909] {strides = array<i32>} : memref<24x16xi32, #tpu.memory_space<vmem>>, vector<16xi32>,
    tpu.vector_store %arg6[%swap3A_908, %swap3A_909], %min3A_819 {strides = array<i32>} : memref<24x16xi32, #tpu.memory_space<vmem>>, vector<16xi32>,
    %mul3A_911 = arith.constant 85 : i32
    %mul3A_912 = vector.broadcast %mul3A_911 : i32 to vector<16xi32>
    %mul3A_913 = arith.muli %select_n3A_898, %mul3A_912 : vector<16xi32>
    %mul3A_914 = arith.constant 8 : i32
    %mul3A_915 = arith.muli %add3A, %mul3A_914 : i32
    %add3A_916 = arith.constant 6 : i32
    %add3A_917 = arith.addi %mul3A_915, %add3A_916 : i32
    %broadcast_in_dim3A_918 = vector.broadcast %add3A_917 : i32 to vector<16xi32>
    %mul3A_919 = arith.constant 6 : i32
    %mul3A_920 = vector.broadcast %mul3A_919 : i32 to vector<16xi32>
    %mul3A_921 = arith.muli %broadcast_in_dim3A_918, %mul3A_920 : vector<16xi32>
    %add3A_922 = arith.constant 0 : i32
    %add3A_923 = vector.broadcast %add3A_922 : i32 to vector<16xi32>
    %add3A_924 = arith.addi %mul3A_921, %add3A_923 : vector<16xi32>
    %gather3A_925 = tpu.vector_load_idx %arg5[%add3A_924] : memref<1536xf32, #tpu.memory_space<vmem>>[vector<16xi32>], vector<16xf32>,
    %mul3A_926 = arith.constant 6 : i32
    %mul3A_927 = vector.broadcast %mul3A_926 : i32 to vector<16xi32>
    %mul3A_928 = arith.muli %broadcast_in_dim3A_918, %mul3A_927 : vector<16xi32>
    %add3A_929 = arith.constant 2 : i32
    %add3A_930 = vector.broadcast %add3A_929 : i32 to vector<16xi32>
    %add3A_931 = arith.addi %mul3A_928, %add3A_930 : vector<16xi32>
    %gather3A_932 = tpu.vector_load_idx %arg5[%add3A_931] : memref<1536xf32, #tpu.memory_space<vmem>>[vector<16xi32>], vector<16xf32>,
    %mul3A_933 = arith.constant 6 : i32
    %mul3A_934 = vector.broadcast %mul3A_933 : i32 to vector<16xi32>
    %mul3A_935 = arith.muli %broadcast_in_dim3A_918, %mul3A_934 : vector<16xi32>
    %add3A_936 = arith.constant 3 : i32
    %add3A_937 = vector.broadcast %add3A_936 : i32 to vector<16xi32>
    %add3A_938 = arith.addi %mul3A_935, %add3A_937 : vector<16xi32>
    %gather3A_939 = tpu.vector_load_idx %arg5[%add3A_938] : memref<1536xf32, #tpu.memory_space<vmem>>[vector<16xi32>], vector<16xf32>,
    %mul3A_940 = arith.constant 6 : i32
    %mul3A_941 = vector.broadcast %mul3A_940 : i32 to vector<16xi32>
    %mul3A_942 = arith.muli %broadcast_in_dim3A_918, %mul3A_941 : vector<16xi32>
    %add3A_943 = arith.constant 4 : i32
    %add3A_944 = vector.broadcast %add3A_943 : i32 to vector<16xi32>
    %add3A_945 = arith.addi %mul3A_942, %add3A_944 : vector<16xi32>
    %gather3A_946 = tpu.vector_load_idx %arg5[%add3A_945] : memref<1536xf32, #tpu.memory_space<vmem>>[vector<16xi32>], vector<16xf32>,
    %mul3A_947 = arith.constant 6 : i32
    %mul3A_948 = vector.broadcast %mul3A_947 : i32 to vector<16xi32>
    %mul3A_949 = arith.muli %broadcast_in_dim3A_918, %mul3A_948 : vector<16xi32>
    %add3A_950 = arith.constant 5 : i32
    %add3A_951 = vector.broadcast %add3A_950 : i32 to vector<16xi32>
    %add3A_952 = arith.addi %mul3A_949, %add3A_951 : vector<16xi32>
    %gather3A_953 = tpu.vector_load_idx %arg5[%add3A_952] : memref<1536xf32, #tpu.memory_space<vmem>>[vector<16xi32>], vector<16xf32>,
    %add3A_954 = arith.addf %gather3A_932, %gather3A_946 : vector<16xf32>
    %div3A_955 = arith.constant 2.000000e+00 : f32
    %div3A_956 = vector.broadcast %div3A_955 : f32 to vector<16xf32>
    %div3A_957 = arith.divf %add3A_954, %div3A_956 : vector<16xf32>
    %add3A_958 = arith.addf %gather3A_939, %gather3A_953 : vector<16xf32>
    %div3A_959 = arith.constant 2.000000e+00 : f32
    %div3A_960 = vector.broadcast %div3A_959 : f32 to vector<16xf32>
    %div3A_961 = arith.divf %add3A_958, %div3A_960 : vector<16xf32>
    %sub3A_962 = arith.subf %gather3A_946, %gather3A_932 : vector<16xf32>
    %sub3A_963 = arith.subf %gather3A_953, %gather3A_939 : vector<16xf32>
    %div3A_964 = arith.constant 8.000000e+00 : f32
    %div3A_965 = vector.broadcast %div3A_964 : f32 to vector<16xf32>
    %div3A_966 = arith.divf %div3A_957, %div3A_965 : vector<16xf32>
    %convert_element_type3A_967 = arith.fptosi %div3A_966 : vector<16xf32> to vector<16xi32>
    %jit3A_968 = arith.constant 0 : i32
    %jit3A_969 = arith.constant 79 : i32
    %max3A_970 = vector.broadcast %jit3A_968 : i32 to vector<16xi32>
    %max3A_971 = arith.maxsi %max3A_970, %convert_element_type3A_967 : vector<16xi32>
    %min3A_972 = vector.broadcast %jit3A_969 : i32 to vector<16xi32>
    %min3A_973 = arith.minsi %min3A_972, %max3A_971 : vector<16xi32>
    %div3A_974 = arith.constant 8.000000e+00 : f32
    %div3A_975 = vector.broadcast %div3A_974 : f32 to vector<16xf32>
    %div3A_976 = arith.divf %div3A_961, %div3A_975 : vector<16xf32>
    %convert_element_type3A_977 = arith.fptosi %div3A_976 : vector<16xf32> to vector<16xi32>
    %jit3A_978 = arith.constant 0 : i32
    %jit3A_979 = arith.constant 79 : i32
    %max3A_980 = vector.broadcast %jit3A_978 : i32 to vector<16xi32>
    %max3A_981 = arith.maxsi %max3A_980, %convert_element_type3A_977 : vector<16xi32>
    %min3A_982 = vector.broadcast %jit3A_979 : i32 to vector<16xi32>
    %min3A_983 = arith.minsi %min3A_982, %max3A_981 : vector<16xi32>
    %convert_element_type3A_984 = arith.fptosi %gather3A_925 : vector<16xf32> to vector<16xi32>
    %jit3A_985 = arith.constant 0 : i32
    %jit3A_986 = arith.constant 15 : i32
    %max3A_987 = vector.broadcast %jit3A_985 : i32 to vector<16xi32>
    %max3A_988 = arith.maxsi %max3A_987, %convert_element_type3A_984 : vector<16xi32>
    %min3A_989 = vector.broadcast %jit3A_986 : i32 to vector<16xi32>
    %min3A_990 = arith.minsi %min3A_989, %max3A_988 : vector<16xi32>
    %div3A_991 = arith.constant 8.000000e+00 : f32
    %div3A_992 = vector.broadcast %div3A_991 : f32 to vector<16xf32>
    %div3A_993 = arith.divf %sub3A_962, %div3A_992 : vector<16xf32>
    %div3A_994 = arith.constant 8.000000e+00 : f32
    %div3A_995 = vector.broadcast %div3A_994 : f32 to vector<16xf32>
    %div3A_996 = arith.divf %sub3A_963, %div3A_995 : vector<16xf32>
    %div3A_997 = arith.constant 1.250000e+00 : f32
    %div3A_998 = vector.broadcast %div3A_997 : f32 to vector<16xf32>
    %div3A_999 = arith.divf %div3A_993, %div3A_998 : vector<16xf32>
    %div3A_1000 = arith.constant 1.625000e+00 : f32
    %div3A_1001 = vector.broadcast %div3A_1000 : f32 to vector<16xf32>
    %div3A_1002 = arith.divf %div3A_996, %div3A_1001 : vector<16xf32>
    %div3A_1003 = arith.constant 1.000000e+00 : f32
    %div3A_1004 = vector.broadcast %div3A_1003 : f32 to vector<16xf32>
    %div3A_1005 = arith.divf %div3A_1004, %div3A_999 : vector<16xf32>
    %max3A_1006 = arith.maximumf %div3A_999, %div3A_1005 : vector<16xf32>
    %div3A_1007 = arith.constant 1.000000e+00 : f32
    %div3A_1008 = vector.broadcast %div3A_1007 : f32 to vector<16xf32>
    %div3A_1009 = arith.divf %div3A_1008, %div3A_1002 : vector<16xf32>
    %max3A_1010 = arith.maximumf %div3A_1002, %div3A_1009 : vector<16xf32>
    %max3A_1011 = arith.maximumf %max3A_1006, %max3A_1010 : vector<16xf32>
    %div3A_1012 = arith.constant 2.000000e+00 : f32
    %div3A_1013 = vector.broadcast %div3A_1012 : f32 to vector<16xf32>
    %div3A_1014 = arith.divf %div3A_993, %div3A_1013 : vector<16xf32>
    %div3A_1015 = arith.constant 3.750000e+00 : f32
    %div3A_1016 = vector.broadcast %div3A_1015 : f32 to vector<16xf32>
    %div3A_1017 = arith.divf %div3A_996, %div3A_1016 : vector<16xf32>
    %div3A_1018 = arith.constant 1.000000e+00 : f32
    %div3A_1019 = vector.broadcast %div3A_1018 : f32 to vector<16xf32>
    %div3A_1020 = arith.divf %div3A_1019, %div3A_1014 : vector<16xf32>
    %max3A_1021 = arith.maximumf %div3A_1014, %div3A_1020 : vector<16xf32>
    %div3A_1022 = arith.constant 1.000000e+00 : f32
    %div3A_1023 = vector.broadcast %div3A_1022 : f32 to vector<16xf32>
    %div3A_1024 = arith.divf %div3A_1023, %div3A_1017 : vector<16xf32>
    %max3A_1025 = arith.maximumf %div3A_1017, %div3A_1024 : vector<16xf32>
    %max3A_1026 = arith.maximumf %max3A_1021, %max3A_1025 : vector<16xf32>
    %div3A_1027 = arith.constant 4.125000e+00 : f32
    %div3A_1028 = vector.broadcast %div3A_1027 : f32 to vector<16xf32>
    %div3A_1029 = arith.divf %div3A_993, %div3A_1028 : vector<16xf32>
    %div3A_1030 = arith.constant 2.875000e+00 : f32
    %div3A_1031 = vector.broadcast %div3A_1030 : f32 to vector<16xf32>
    %div3A_1032 = arith.divf %div3A_996, %div3A_1031 : vector<16xf32>
    %div3A_1033 = arith.constant 1.000000e+00 : f32
    %div3A_1034 = vector.broadcast %div3A_1033 : f32 to vector<16xf32>
    %div3A_1035 = arith.divf %div3A_1034, %div3A_1029 : vector<16xf32>
    %max3A_1036 = arith.maximumf %div3A_1029, %div3A_1035 : vector<16xf32>
    %div3A_1037 = arith.constant 1.000000e+00 : f32
    %div3A_1038 = vector.broadcast %div3A_1037 : f32 to vector<16xf32>
    %div3A_1039 = arith.divf %div3A_1038, %div3A_1032 : vector<16xf32>
    %max3A_1040 = arith.maximumf %div3A_1032, %div3A_1039 : vector<16xf32>
    %max3A_1041 = arith.maximumf %max3A_1036, %max3A_1040 : vector<16xf32>
    %lt3A_1042 = arith.cmpf olt, %max3A_1026, %max3A_1011 : vector<16xf32>
    %jit3A_1043 = arith.constant 1 : i32
    %jit3A_1044 = arith.constant 0 : i32
    %broadcast_in_dim3A_1045 = vector.broadcast %jit3A_1043 : i32 to vector<16xi32>
    %broadcast_in_dim3A_1046 = vector.broadcast %jit3A_1044 : i32 to vector<16xi32>
    %select_n3A_1047 = arith.select %lt3A_1042, %broadcast_in_dim3A_1045, %broadcast_in_dim3A_1046 : vector<16xi1>, vector<16xi32>
    %min3A_1048 = arith.minimumf %max3A_1011, %max3A_1026 : vector<16xf32>
    %lt3A_1049 = arith.cmpf olt, %max3A_1041, %min3A_1048 : vector<16xf32>
    %jit3A_1050 = arith.constant 2 : i32
    %broadcast_in_dim3A_1051 = vector.broadcast %jit3A_1050 : i32 to vector<16xi32>
    %select_n3A_1052 = arith.select %lt3A_1049, %broadcast_in_dim3A_1051, %select_n3A_1047 : vector<16xi1>, vector<16xi32>
    %swap3A_1053 = arith.constant 18 : i32
    %swap3A_1054 = arith.index_cast %swap3A_1053 : i32 to index
    %swap3A_1055 = arith.constant 0 : index
    %swap3A_1056 = tpu.vector_load %arg6[%swap3A_1054, %swap3A_1055] {strides = array<i32>} : memref<24x16xi32, #tpu.memory_space<vmem>>, vector<16xi32>,
    tpu.vector_store %arg6[%swap3A_1054, %swap3A_1055], %min3A_990 {strides = array<i32>} : memref<24x16xi32, #tpu.memory_space<vmem>>, vector<16xi32>,
    %swap3A_1057 = arith.constant 19 : i32
    %swap3A_1058 = arith.index_cast %swap3A_1057 : i32 to index
    %swap3A_1059 = arith.constant 0 : index
    %swap3A_1060 = tpu.vector_load %arg6[%swap3A_1058, %swap3A_1059] {strides = array<i32>} : memref<24x16xi32, #tpu.memory_space<vmem>>, vector<16xi32>,
    tpu.vector_store %arg6[%swap3A_1058, %swap3A_1059], %min3A_983 {strides = array<i32>} : memref<24x16xi32, #tpu.memory_space<vmem>>, vector<16xi32>,
    %swap3A_1061 = arith.constant 20 : i32
    %swap3A_1062 = arith.index_cast %swap3A_1061 : i32 to index
    %swap3A_1063 = arith.constant 0 : index
    %swap3A_1064 = tpu.vector_load %arg6[%swap3A_1062, %swap3A_1063] {strides = array<i32>} : memref<24x16xi32, #tpu.memory_space<vmem>>, vector<16xi32>,
    tpu.vector_store %arg6[%swap3A_1062, %swap3A_1063], %min3A_973 {strides = array<i32>} : memref<24x16xi32, #tpu.memory_space<vmem>>, vector<16xi32>,
    %mul3A_1065 = arith.constant 85 : i32
    %mul3A_1066 = vector.broadcast %mul3A_1065 : i32 to vector<16xi32>
    %mul3A_1067 = arith.muli %select_n3A_1052, %mul3A_1066 : vector<16xi32>
    %mul3A_1068 = arith.constant 8 : i32
    %mul3A_1069 = arith.muli %add3A, %mul3A_1068 : i32
    %add3A_1070 = arith.constant 7 : i32
    %add3A_1071 = arith.addi %mul3A_1069, %add3A_1070 : i32
    %broadcast_in_dim3A_1072 = vector.broadcast %add3A_1071 : i32 to vector<16xi32>
    %mul3A_1073 = arith.constant 6 : i32
    %mul3A_1074 = vector.broadcast %mul3A_1073 : i32 to vector<16xi32>
    %mul3A_1075 = arith.muli %broadcast_in_dim3A_1072, %mul3A_1074 : vector<16xi32>
    %add3A_1076 = arith.constant 0 : i32
    %add3A_1077 = vector.broadcast %add3A_1076 : i32 to vector<16xi32>
    %add3A_1078 = arith.addi %mul3A_1075, %add3A_1077 : vector<16xi32>
    %gather3A_1079 = tpu.vector_load_idx %arg5[%add3A_1078] : memref<1536xf32, #tpu.memory_space<vmem>>[vector<16xi32>], vector<16xf32>,
    %mul3A_1080 = arith.constant 6 : i32
    %mul3A_1081 = vector.broadcast %mul3A_1080 : i32 to vector<16xi32>
    %mul3A_1082 = arith.muli %broadcast_in_dim3A_1072, %mul3A_1081 : vector<16xi32>
    %add3A_1083 = arith.constant 2 : i32
    %add3A_1084 = vector.broadcast %add3A_1083 : i32 to vector<16xi32>
    %add3A_1085 = arith.addi %mul3A_1082, %add3A_1084 : vector<16xi32>
    %gather3A_1086 = tpu.vector_load_idx %arg5[%add3A_1085] : memref<1536xf32, #tpu.memory_space<vmem>>[vector<16xi32>], vector<16xf32>,
    %mul3A_1087 = arith.constant 6 : i32
    %mul3A_1088 = vector.broadcast %mul3A_1087 : i32 to vector<16xi32>
    %mul3A_1089 = arith.muli %broadcast_in_dim3A_1072, %mul3A_1088 : vector<16xi32>
    %add3A_1090 = arith.constant 3 : i32
    %add3A_1091 = vector.broadcast %add3A_1090 : i32 to vector<16xi32>
    %add3A_1092 = arith.addi %mul3A_1089, %add3A_1091 : vector<16xi32>
    %gather3A_1093 = tpu.vector_load_idx %arg5[%add3A_1092] : memref<1536xf32, #tpu.memory_space<vmem>>[vector<16xi32>], vector<16xf32>,
    %mul3A_1094 = arith.constant 6 : i32
    %mul3A_1095 = vector.broadcast %mul3A_1094 : i32 to vector<16xi32>
    %mul3A_1096 = arith.muli %broadcast_in_dim3A_1072, %mul3A_1095 : vector<16xi32>
    %add3A_1097 = arith.constant 4 : i32
    %add3A_1098 = vector.broadcast %add3A_1097 : i32 to vector<16xi32>
    %add3A_1099 = arith.addi %mul3A_1096, %add3A_1098 : vector<16xi32>
    %gather3A_1100 = tpu.vector_load_idx %arg5[%add3A_1099] : memref<1536xf32, #tpu.memory_space<vmem>>[vector<16xi32>], vector<16xf32>,
    %mul3A_1101 = arith.constant 6 : i32
    %mul3A_1102 = vector.broadcast %mul3A_1101 : i32 to vector<16xi32>
    %mul3A_1103 = arith.muli %broadcast_in_dim3A_1072, %mul3A_1102 : vector<16xi32>
    %add3A_1104 = arith.constant 5 : i32
    %add3A_1105 = vector.broadcast %add3A_1104 : i32 to vector<16xi32>
    %add3A_1106 = arith.addi %mul3A_1103, %add3A_1105 : vector<16xi32>
    %gather3A_1107 = tpu.vector_load_idx %arg5[%add3A_1106] : memref<1536xf32, #tpu.memory_space<vmem>>[vector<16xi32>], vector<16xf32>,
    %add3A_1108 = arith.addf %gather3A_1086, %gather3A_1100 : vector<16xf32>
    %div3A_1109 = arith.constant 2.000000e+00 : f32
    %div3A_1110 = vector.broadcast %div3A_1109 : f32 to vector<16xf32>
    %div3A_1111 = arith.divf %add3A_1108, %div3A_1110 : vector<16xf32>
    %add3A_1112 = arith.addf %gather3A_1093, %gather3A_1107 : vector<16xf32>
    %div3A_1113 = arith.constant 2.000000e+00 : f32
    %div3A_1114 = vector.broadcast %div3A_1113 : f32 to vector<16xf32>
    %div3A_1115 = arith.divf %add3A_1112, %div3A_1114 : vector<16xf32>
    %sub3A_1116 = arith.subf %gather3A_1100, %gather3A_1086 : vector<16xf32>
    %sub3A_1117 = arith.subf %gather3A_1107, %gather3A_1093 : vector<16xf32>
    %div3A_1118 = arith.constant 8.000000e+00 : f32
    %div3A_1119 = vector.broadcast %div3A_1118 : f32 to vector<16xf32>
    %div3A_1120 = arith.divf %div3A_1111, %div3A_1119 : vector<16xf32>
    %convert_element_type3A_1121 = arith.fptosi %div3A_1120 : vector<16xf32> to vector<16xi32>
    %jit3A_1122 = arith.constant 0 : i32
    %jit3A_1123 = arith.constant 79 : i32
    %max3A_1124 = vector.broadcast %jit3A_1122 : i32 to vector<16xi32>
    %max3A_1125 = arith.maxsi %max3A_1124, %convert_element_type3A_1121 : vector<16xi32>
    %min3A_1126 = vector.broadcast %jit3A_1123 : i32 to vector<16xi32>
    %min3A_1127 = arith.minsi %min3A_1126, %max3A_1125 : vector<16xi32>
    %div3A_1128 = arith.constant 8.000000e+00 : f32
    %div3A_1129 = vector.broadcast %div3A_1128 : f32 to vector<16xf32>
    %div3A_1130 = arith.divf %div3A_1115, %div3A_1129 : vector<16xf32>
    %convert_element_type3A_1131 = arith.fptosi %div3A_1130 : vector<16xf32> to vector<16xi32>
    %jit3A_1132 = arith.constant 0 : i32
    %jit3A_1133 = arith.constant 79 : i32
    %max3A_1134 = vector.broadcast %jit3A_1132 : i32 to vector<16xi32>
    %max3A_1135 = arith.maxsi %max3A_1134, %convert_element_type3A_1131 : vector<16xi32>
    %min3A_1136 = vector.broadcast %jit3A_1133 : i32 to vector<16xi32>
    %min3A_1137 = arith.minsi %min3A_1136, %max3A_1135 : vector<16xi32>
    %convert_element_type3A_1138 = arith.fptosi %gather3A_1079 : vector<16xf32> to vector<16xi32>
    %jit3A_1139 = arith.constant 0 : i32
    %jit3A_1140 = arith.constant 15 : i32
    %max3A_1141 = vector.broadcast %jit3A_1139 : i32 to vector<16xi32>
    %max3A_1142 = arith.maxsi %max3A_1141, %convert_element_type3A_1138 : vector<16xi32>
    %min3A_1143 = vector.broadcast %jit3A_1140 : i32 to vector<16xi32>
    %min3A_1144 = arith.minsi %min3A_1143, %max3A_1142 : vector<16xi32>
    %div3A_1145 = arith.constant 8.000000e+00 : f32
    %div3A_1146 = vector.broadcast %div3A_1145 : f32 to vector<16xf32>
    %div3A_1147 = arith.divf %sub3A_1116, %div3A_1146 : vector<16xf32>
    %div3A_1148 = arith.constant 8.000000e+00 : f32
    %div3A_1149 = vector.broadcast %div3A_1148 : f32 to vector<16xf32>
    %div3A_1150 = arith.divf %sub3A_1117, %div3A_1149 : vector<16xf32>
    %div3A_1151 = arith.constant 1.250000e+00 : f32
    %div3A_1152 = vector.broadcast %div3A_1151 : f32 to vector<16xf32>
    %div3A_1153 = arith.divf %div3A_1147, %div3A_1152 : vector<16xf32>
    %div3A_1154 = arith.constant 1.625000e+00 : f32
    %div3A_1155 = vector.broadcast %div3A_1154 : f32 to vector<16xf32>
    %div3A_1156 = arith.divf %div3A_1150, %div3A_1155 : vector<16xf32>
    %div3A_1157 = arith.constant 1.000000e+00 : f32
    %div3A_1158 = vector.broadcast %div3A_1157 : f32 to vector<16xf32>
    %div3A_1159 = arith.divf %div3A_1158, %div3A_1153 : vector<16xf32>
    %max3A_1160 = arith.maximumf %div3A_1153, %div3A_1159 : vector<16xf32>
    %div3A_1161 = arith.constant 1.000000e+00 : f32
    %div3A_1162 = vector.broadcast %div3A_1161 : f32 to vector<16xf32>
    %div3A_1163 = arith.divf %div3A_1162, %div3A_1156 : vector<16xf32>
    %max3A_1164 = arith.maximumf %div3A_1156, %div3A_1163 : vector<16xf32>
    %max3A_1165 = arith.maximumf %max3A_1160, %max3A_1164 : vector<16xf32>
    %div3A_1166 = arith.constant 2.000000e+00 : f32
    %div3A_1167 = vector.broadcast %div3A_1166 : f32 to vector<16xf32>
    %div3A_1168 = arith.divf %div3A_1147, %div3A_1167 : vector<16xf32>
    %div3A_1169 = arith.constant 3.750000e+00 : f32
    %div3A_1170 = vector.broadcast %div3A_1169 : f32 to vector<16xf32>
    %div3A_1171 = arith.divf %div3A_1150, %div3A_1170 : vector<16xf32>
    %div3A_1172 = arith.constant 1.000000e+00 : f32
    %div3A_1173 = vector.broadcast %div3A_1172 : f32 to vector<16xf32>
    %div3A_1174 = arith.divf %div3A_1173, %div3A_1168 : vector<16xf32>
    %max3A_1175 = arith.maximumf %div3A_1168, %div3A_1174 : vector<16xf32>
    %div3A_1176 = arith.constant 1.000000e+00 : f32
    %div3A_1177 = vector.broadcast %div3A_1176 : f32 to vector<16xf32>
    %div3A_1178 = arith.divf %div3A_1177, %div3A_1171 : vector<16xf32>
    %max3A_1179 = arith.maximumf %div3A_1171, %div3A_1178 : vector<16xf32>
    %max3A_1180 = arith.maximumf %max3A_1175, %max3A_1179 : vector<16xf32>
    %div3A_1181 = arith.constant 4.125000e+00 : f32
    %div3A_1182 = vector.broadcast %div3A_1181 : f32 to vector<16xf32>
    %div3A_1183 = arith.divf %div3A_1147, %div3A_1182 : vector<16xf32>
    %div3A_1184 = arith.constant 2.875000e+00 : f32
    %div3A_1185 = vector.broadcast %div3A_1184 : f32 to vector<16xf32>
    %div3A_1186 = arith.divf %div3A_1150, %div3A_1185 : vector<16xf32>
    %div3A_1187 = arith.constant 1.000000e+00 : f32
    %div3A_1188 = vector.broadcast %div3A_1187 : f32 to vector<16xf32>
    %div3A_1189 = arith.divf %div3A_1188, %div3A_1183 : vector<16xf32>
    %max3A_1190 = arith.maximumf %div3A_1183, %div3A_1189 : vector<16xf32>
    %div3A_1191 = arith.constant 1.000000e+00 : f32
    %div3A_1192 = vector.broadcast %div3A_1191 : f32 to vector<16xf32>
    %div3A_1193 = arith.divf %div3A_1192, %div3A_1186 : vector<16xf32>
    %max3A_1194 = arith.maximumf %div3A_1186, %div3A_1193 : vector<16xf32>
    %max3A_1195 = arith.maximumf %max3A_1190, %max3A_1194 : vector<16xf32>
    %lt3A_1196 = arith.cmpf olt, %max3A_1180, %max3A_1165 : vector<16xf32>
    %jit3A_1197 = arith.constant 1 : i32
    %jit3A_1198 = arith.constant 0 : i32
    %broadcast_in_dim3A_1199 = vector.broadcast %jit3A_1197 : i32 to vector<16xi32>
    %broadcast_in_dim3A_1200 = vector.broadcast %jit3A_1198 : i32 to vector<16xi32>
    %select_n3A_1201 = arith.select %lt3A_1196, %broadcast_in_dim3A_1199, %broadcast_in_dim3A_1200 : vector<16xi1>, vector<16xi32>
    %min3A_1202 = arith.minimumf %max3A_1165, %max3A_1180 : vector<16xf32>
    %lt3A_1203 = arith.cmpf olt, %max3A_1195, %min3A_1202 : vector<16xf32>
    %jit3A_1204 = arith.constant 2 : i32
    %broadcast_in_dim3A_1205 = vector.broadcast %jit3A_1204 : i32 to vector<16xi32>
    %select_n3A_1206 = arith.select %lt3A_1203, %broadcast_in_dim3A_1205, %select_n3A_1201 : vector<16xi1>, vector<16xi32>
    %swap3A_1207 = arith.constant 21 : i32
    %swap3A_1208 = arith.index_cast %swap3A_1207 : i32 to index
    %swap3A_1209 = arith.constant 0 : index
    %swap3A_1210 = tpu.vector_load %arg6[%swap3A_1208, %swap3A_1209] {strides = array<i32>} : memref<24x16xi32, #tpu.memory_space<vmem>>, vector<16xi32>,
    tpu.vector_store %arg6[%swap3A_1208, %swap3A_1209], %min3A_1144 {strides = array<i32>} : memref<24x16xi32, #tpu.memory_space<vmem>>, vector<16xi32>,
    %swap3A_1211 = arith.constant 22 : i32
    %swap3A_1212 = arith.index_cast %swap3A_1211 : i32 to index
    %swap3A_1213 = arith.constant 0 : index
    %swap3A_1214 = tpu.vector_load %arg6[%swap3A_1212, %swap3A_1213] {strides = array<i32>} : memref<24x16xi32, #tpu.memory_space<vmem>>, vector<16xi32>,
    tpu.vector_store %arg6[%swap3A_1212, %swap3A_1213], %min3A_1137 {strides = array<i32>} : memref<24x16xi32, #tpu.memory_space<vmem>>, vector<16xi32>,
    %swap3A_1215 = arith.constant 23 : i32
    %swap3A_1216 = arith.index_cast %swap3A_1215 : i32 to index
    %swap3A_1217 = arith.constant 0 : index
    %swap3A_1218 = tpu.vector_load %arg6[%swap3A_1216, %swap3A_1217] {strides = array<i32>} : memref<24x16xi32, #tpu.memory_space<vmem>>, vector<16xi32>,
    tpu.vector_store %arg6[%swap3A_1216, %swap3A_1217], %min3A_1127 {strides = array<i32>} : memref<24x16xi32, #tpu.memory_space<vmem>>, vector<16xi32>,
    %mul3A_1219 = arith.constant 85 : i32
    %mul3A_1220 = vector.broadcast %mul3A_1219 : i32 to vector<16xi32>
    %mul3A_1221 = arith.muli %select_n3A_1206, %mul3A_1220 : vector<16xi32>
    %get3A = arith.constant 0 : i32
    %get3A_1222 = arith.index_cast %get3A : i32 to index
    %get3A_1223 = arith.constant 0 : index
    %get3A_1224 = tpu.vector_load %arg6[%get3A_1222, %get3A_1223] {strides = array<i32>} : memref<24x16xi32, #tpu.memory_space<vmem>>, vector<16xi32>,
    %slice3A = vector.extract_strided_slice %get3A_1224 {offsets = [0], sizes = [1], strides = [1]} : vector<16xi32> to vector<1xi32>
    %squeeze3A = vector.extract %slice3A[0] : i32 from vector<1xi32>
    %get3A_1225 = arith.constant 1 : i32
    %get3A_1226 = arith.index_cast %get3A_1225 : i32 to index
    %get3A_1227 = arith.constant 0 : index
    %get3A_1228 = tpu.vector_load %arg6[%get3A_1226, %get3A_1227] {strides = array<i32>} : memref<24x16xi32, #tpu.memory_space<vmem>>, vector<16xi32>,
    %slice3A_1229 = vector.extract_strided_slice %get3A_1228 {offsets = [0], sizes = [1], strides = [1]} : vector<16xi32> to vector<1xi32>
    %squeeze3A_1230 = vector.extract %slice3A_1229[0] : i32 from vector<1xi32>
    %get3A_1231 = arith.constant 2 : i32
    %get3A_1232 = arith.index_cast %get3A_1231 : i32 to index
    %get3A_1233 = arith.constant 0 : index
    %get3A_1234 = tpu.vector_load %arg6[%get3A_1232, %get3A_1233] {strides = array<i32>} : memref<24x16xi32, #tpu.memory_space<vmem>>, vector<16xi32>,
    %slice3A_1235 = vector.extract_strided_slice %get3A_1234 {offsets = [0], sizes = [1], strides = [1]} : vector<16xi32> to vector<1xi32>
    %squeeze3A_1236 = vector.extract %slice3A_1235[0] : i32 from vector<1xi32>
    %dma_start3A = arith.constant 0 : i32
    %dma_start3A_1237 = arith.constant 0 : i32
    %dma_start3A_1238 = arith.constant 0 : i32
    %dma_start3A_1239 = arith.constant 0 : i32
    %dma_start3A_1240 = arith.constant 0 : i32
    %dma_start3A_1241 = tpu.memref_slice %arg7[%dma_start3A, %dma_start3A_1237, %dma_start3A_1238, %dma_start3A_1239, %dma_start3A_1240] : memref<8x1x1x1x255xf32, #tpu.memory_space<vmem>> -> memref<1x1x1x1x255xf32, #tpu.memory_space<vmem>>
    %dma_start3A_1242 = tpu.memref_squeeze %dma_start3A_1241 : memref<1x1x1x1x255xf32, #tpu.memory_space<vmem>> -> memref<1x1x1x255xf32, #tpu.memory_space<vmem>>
    %dma_start3A_1243 = arith.constant 0 : i32
    %dma_start3A_1244 = tpu.memref_slice %arg2[%squeeze3A, %squeeze3A_1230, %squeeze3A_1236, %dma_start3A_1243] : memref<16x80x80x255xf32, #tpu.memory_space<hbm>> -> memref<1x1x1x255xf32, #tpu.memory_space<hbm>>
    %dma_start3A_1245 = arith.constant 0 : i32
    %dma_start3A_1246 = arith.constant 0 : i32
    %dma_start3A_1247 = arith.constant 0 : i32
    %dma_start3A_1248 = arith.constant 0 : i32
    %dma_start3A_1249 = tpu.memref_slice %arg7[%dma_start3A, %dma_start3A_1245, %dma_start3A_1246, %dma_start3A_1247, %dma_start3A_1248] : memref<8x1x1x1x255xf32, #tpu.memory_space<vmem>> -> memref<1x1x1x1x255xf32, #tpu.memory_space<vmem>>
    %dma_start3A_1250 = tpu.memref_squeeze %dma_start3A_1249 : memref<1x1x1x1x255xf32, #tpu.memory_space<vmem>> -> memref<1x1x1x255xf32, #tpu.memory_space<vmem>>
    %dma_start3A_1251 = arith.constant 0 : i32
    %dma_start3A_1252 = tpu.memref_slice %arg2[%squeeze3A, %squeeze3A_1230, %squeeze3A_1236, %dma_start3A_1251] : memref<16x80x80x255xf32, #tpu.memory_space<hbm>> -> memref<1x1x1x255xf32, #tpu.memory_space<hbm>>
    tpu.enqueue_dma source(%dma_start3A_1252 : memref<1x1x1x255xf32, #tpu.memory_space<hbm>>) target(%dma_start3A_1250 : memref<1x1x1x255xf32, #tpu.memory_space<vmem>>) target_semaphore(%arg9 : memref<!tpu.dma_semaphore, #tpu.memory_space<semaphore_mem>>)
    %get3A_1253 = arith.constant 3 : i32
    %get3A_1254 = arith.index_cast %get3A_1253 : i32 to index
    %get3A_1255 = arith.constant 0 : index
    %get3A_1256 = tpu.vector_load %arg6[%get3A_1254, %get3A_1255] {strides = array<i32>} : memref<24x16xi32, #tpu.memory_space<vmem>>, vector<16xi32>,
    %slice3A_1257 = vector.extract_strided_slice %get3A_1256 {offsets = [0], sizes = [1], strides = [1]} : vector<16xi32> to vector<1xi32>
    %squeeze3A_1258 = vector.extract %slice3A_1257[0] : i32 from vector<1xi32>
    %get3A_1259 = arith.constant 4 : i32
    %get3A_1260 = arith.index_cast %get3A_1259 : i32 to index
    %get3A_1261 = arith.constant 0 : index
    %get3A_1262 = tpu.vector_load %arg6[%get3A_1260, %get3A_1261] {strides = array<i32>} : memref<24x16xi32, #tpu.memory_space<vmem>>, vector<16xi32>,
    %slice3A_1263 = vector.extract_strided_slice %get3A_1262 {offsets = [0], sizes = [1], strides = [1]} : vector<16xi32> to vector<1xi32>
    %squeeze3A_1264 = vector.extract %slice3A_1263[0] : i32 from vector<1xi32>
    %get3A_1265 = arith.constant 5 : i32
    %get3A_1266 = arith.index_cast %get3A_1265 : i32 to index
    %get3A_1267 = arith.constant 0 : index
    %get3A_1268 = tpu.vector_load %arg6[%get3A_1266, %get3A_1267] {strides = array<i32>} : memref<24x16xi32, #tpu.memory_space<vmem>>, vector<16xi32>,
    %slice3A_1269 = vector.extract_strided_slice %get3A_1268 {offsets = [0], sizes = [1], strides = [1]} : vector<16xi32> to vector<1xi32>
    %squeeze3A_1270 = vector.extract %slice3A_1269[0] : i32 from vector<1xi32>
    %dma_start3A_1271 = arith.constant 1 : i32
    %dma_start3A_1272 = arith.constant 0 : i32
    %dma_start3A_1273 = arith.constant 0 : i32
    %dma_start3A_1274 = arith.constant 0 : i32
    %dma_start3A_1275 = arith.constant 0 : i32
    %dma_start3A_1276 = tpu.memref_slice %arg7[%dma_start3A_1271, %dma_start3A_1272, %dma_start3A_1273, %dma_start3A_1274, %dma_start3A_1275] : memref<8x1x1x1x255xf32, #tpu.memory_space<vmem>> -> memref<1x1x1x1x255xf32, #tpu.memory_space<vmem>>
    %dma_start3A_1277 = tpu.memref_squeeze %dma_start3A_1276 : memref<1x1x1x1x255xf32, #tpu.memory_space<vmem>> -> memref<1x1x1x255xf32, #tpu.memory_space<vmem>>
    %dma_start3A_1278 = arith.constant 0 : i32
    %dma_start3A_1279 = tpu.memref_slice %arg2[%squeeze3A_1258, %squeeze3A_1264, %squeeze3A_1270, %dma_start3A_1278] : memref<16x80x80x255xf32, #tpu.memory_space<hbm>> -> memref<1x1x1x255xf32, #tpu.memory_space<hbm>>
    %dma_start3A_1280 = arith.constant 0 : i32
    %dma_start3A_1281 = arith.constant 0 : i32
    %dma_start3A_1282 = arith.constant 0 : i32
    %dma_start3A_1283 = arith.constant 0 : i32
    %dma_start3A_1284 = tpu.memref_slice %arg7[%dma_start3A_1271, %dma_start3A_1280, %dma_start3A_1281, %dma_start3A_1282, %dma_start3A_1283] : memref<8x1x1x1x255xf32, #tpu.memory_space<vmem>> -> memref<1x1x1x1x255xf32, #tpu.memory_space<vmem>>
    %dma_start3A_1285 = tpu.memref_squeeze %dma_start3A_1284 : memref<1x1x1x1x255xf32, #tpu.memory_space<vmem>> -> memref<1x1x1x255xf32, #tpu.memory_space<vmem>>
    %dma_start3A_1286 = arith.constant 0 : i32
    %dma_start3A_1287 = tpu.memref_slice %arg2[%squeeze3A_1258, %squeeze3A_1264, %squeeze3A_1270, %dma_start3A_1286] : memref<16x80x80x255xf32, #tpu.memory_space<hbm>> -> memref<1x1x1x255xf32, #tpu.memory_space<hbm>>
    tpu.enqueue_dma source(%dma_start3A_1287 : memref<1x1x1x255xf32, #tpu.memory_space<hbm>>) target(%dma_start3A_1285 : memref<1x1x1x255xf32, #tpu.memory_space<vmem>>) target_semaphore(%arg9 : memref<!tpu.dma_semaphore, #tpu.memory_space<semaphore_mem>>)
    %get3A_1288 = arith.constant 6 : i32
    %get3A_1289 = arith.index_cast %get3A_1288 : i32 to index
    %get3A_1290 = arith.constant 0 : index
    %get3A_1291 = tpu.vector_load %arg6[%get3A_1289, %get3A_1290] {strides = array<i32>} : memref<24x16xi32, #tpu.memory_space<vmem>>, vector<16xi32>,
    %slice3A_1292 = vector.extract_strided_slice %get3A_1291 {offsets = [0], sizes = [1], strides = [1]} : vector<16xi32> to vector<1xi32>
    %squeeze3A_1293 = vector.extract %slice3A_1292[0] : i32 from vector<1xi32>
    %get3A_1294 = arith.constant 7 : i32
    %get3A_1295 = arith.index_cast %get3A_1294 : i32 to index
    %get3A_1296 = arith.constant 0 : index
    %get3A_1297 = tpu.vector_load %arg6[%get3A_1295, %get3A_1296] {strides = array<i32>} : memref<24x16xi32, #tpu.memory_space<vmem>>, vector<16xi32>,
    %slice3A_1298 = vector.extract_strided_slice %get3A_1297 {offsets = [0], sizes = [1], strides = [1]} : vector<16xi32> to vector<1xi32>
    %squeeze3A_1299 = vector.extract %slice3A_1298[0] : i32 from vector<1xi32>
    %get3A_1300 = arith.constant 8 : i32
    %get3A_1301 = arith.index_cast %get3A_1300 : i32 to index
    %get3A_1302 = arith.constant 0 : index
    %get3A_1303 = tpu.vector_load %arg6[%get3A_1301, %get3A_1302] {strides = array<i32>} : memref<24x16xi32, #tpu.memory_space<vmem>>, vector<16xi32>,
    %slice3A_1304 = vector.extract_strided_slice %get3A_1303 {offsets = [0], sizes = [1], strides = [1]} : vector<16xi32> to vector<1xi32>
    %squeeze3A_1305 = vector.extract %slice3A_1304[0] : i32 from vector<1xi32>
    %dma_start3A_1306 = arith.constant 2 : i32
    %dma_start3A_1307 = arith.constant 0 : i32
    %dma_start3A_1308 = arith.constant 0 : i32
    %dma_start3A_1309 = arith.constant 0 : i32
    %dma_start3A_1310 = arith.constant 0 : i32
    %dma_start3A_1311 = tpu.memref_slice %arg7[%dma_start3A_1306, %dma_start3A_1307, %dma_start3A_1308, %dma_start3A_1309, %dma_start3A_1310] : memref<8x1x1x1x255xf32, #tpu.memory_space<vmem>> -> memref<1x1x1x1x255xf32, #tpu.memory_space<vmem>>
    %dma_start3A_1312 = tpu.memref_squeeze %dma_start3A_1311 : memref<1x1x1x1x255xf32, #tpu.memory_space<vmem>> -> memref<1x1x1x255xf32, #tpu.memory_space<vmem>>
    %dma_start3A_1313 = arith.constant 0 : i32
    %dma_start3A_1314 = tpu.memref_slice %arg2[%squeeze3A_1293, %squeeze3A_1299, %squeeze3A_1305, %dma_start3A_1313] : memref<16x80x80x255xf32, #tpu.memory_space<hbm>> -> memref<1x1x1x255xf32, #tpu.memory_space<hbm>>
    %dma_start3A_1315 = arith.constant 0 : i32
    %dma_start3A_1316 = arith.constant 0 : i32
    %dma_start3A_1317 = arith.constant 0 : i32
    %dma_start3A_1318 = arith.constant 0 : i32
    %dma_start3A_1319 = tpu.memref_slice %arg7[%dma_start3A_1306, %dma_start3A_1315, %dma_start3A_1316, %dma_start3A_1317, %dma_start3A_1318] : memref<8x1x1x1x255xf32, #tpu.memory_space<vmem>> -> memref<1x1x1x1x255xf32, #tpu.memory_space<vmem>>
    %dma_start3A_1320 = tpu.memref_squeeze %dma_start3A_1319 : memref<1x1x1x1x255xf32, #tpu.memory_space<vmem>> -> memref<1x1x1x255xf32, #tpu.memory_space<vmem>>
    %dma_start3A_1321 = arith.constant 0 : i32
    %dma_start3A_1322 = tpu.memref_slice %arg2[%squeeze3A_1293, %squeeze3A_1299, %squeeze3A_1305, %dma_start3A_1321] : memref<16x80x80x255xf32, #tpu.memory_space<hbm>> -> memref<1x1x1x255xf32, #tpu.memory_space<hbm>>
    tpu.enqueue_dma source(%dma_start3A_1322 : memref<1x1x1x255xf32, #tpu.memory_space<hbm>>) target(%dma_start3A_1320 : memref<1x1x1x255xf32, #tpu.memory_space<vmem>>) target_semaphore(%arg9 : memref<!tpu.dma_semaphore, #tpu.memory_space<semaphore_mem>>)
    %get3A_1323 = arith.constant 9 : i32
    %get3A_1324 = arith.index_cast %get3A_1323 : i32 to index
    %get3A_1325 = arith.constant 0 : index
    %get3A_1326 = tpu.vector_load %arg6[%get3A_1324, %get3A_1325] {strides = array<i32>} : memref<24x16xi32, #tpu.memory_space<vmem>>, vector<16xi32>,
    %slice3A_1327 = vector.extract_strided_slice %get3A_1326 {offsets = [0], sizes = [1], strides = [1]} : vector<16xi32> to vector<1xi32>
    %squeeze3A_1328 = vector.extract %slice3A_1327[0] : i32 from vector<1xi32>
    %get3A_1329 = arith.constant 10 : i32
    %get3A_1330 = arith.index_cast %get3A_1329 : i32 to index
    %get3A_1331 = arith.constant 0 : index
    %get3A_1332 = tpu.vector_load %arg6[%get3A_1330, %get3A_1331] {strides = array<i32>} : memref<24x16xi32, #tpu.memory_space<vmem>>, vector<16xi32>,
    %slice3A_1333 = vector.extract_strided_slice %get3A_1332 {offsets = [0], sizes = [1], strides = [1]} : vector<16xi32> to vector<1xi32>
    %squeeze3A_1334 = vector.extract %slice3A_1333[0] : i32 from vector<1xi32>
    %get3A_1335 = arith.constant 11 : i32
    %get3A_1336 = arith.index_cast %get3A_1335 : i32 to index
    %get3A_1337 = arith.constant 0 : index
    %get3A_1338 = tpu.vector_load %arg6[%get3A_1336, %get3A_1337] {strides = array<i32>} : memref<24x16xi32, #tpu.memory_space<vmem>>, vector<16xi32>,
    %slice3A_1339 = vector.extract_strided_slice %get3A_1338 {offsets = [0], sizes = [1], strides = [1]} : vector<16xi32> to vector<1xi32>
    %squeeze3A_1340 = vector.extract %slice3A_1339[0] : i32 from vector<1xi32>
    %dma_start3A_1341 = arith.constant 3 : i32
    %dma_start3A_1342 = arith.constant 0 : i32
    %dma_start3A_1343 = arith.constant 0 : i32
    %dma_start3A_1344 = arith.constant 0 : i32
    %dma_start3A_1345 = arith.constant 0 : i32
    %dma_start3A_1346 = tpu.memref_slice %arg7[%dma_start3A_1341, %dma_start3A_1342, %dma_start3A_1343, %dma_start3A_1344, %dma_start3A_1345] : memref<8x1x1x1x255xf32, #tpu.memory_space<vmem>> -> memref<1x1x1x1x255xf32, #tpu.memory_space<vmem>>
    %dma_start3A_1347 = tpu.memref_squeeze %dma_start3A_1346 : memref<1x1x1x1x255xf32, #tpu.memory_space<vmem>> -> memref<1x1x1x255xf32, #tpu.memory_space<vmem>>
    %dma_start3A_1348 = arith.constant 0 : i32
    %dma_start3A_1349 = tpu.memref_slice %arg2[%squeeze3A_1328, %squeeze3A_1334, %squeeze3A_1340, %dma_start3A_1348] : memref<16x80x80x255xf32, #tpu.memory_space<hbm>> -> memref<1x1x1x255xf32, #tpu.memory_space<hbm>>
    %dma_start3A_1350 = arith.constant 0 : i32
    %dma_start3A_1351 = arith.constant 0 : i32
    %dma_start3A_1352 = arith.constant 0 : i32
    %dma_start3A_1353 = arith.constant 0 : i32
    %dma_start3A_1354 = tpu.memref_slice %arg7[%dma_start3A_1341, %dma_start3A_1350, %dma_start3A_1351, %dma_start3A_1352, %dma_start3A_1353] : memref<8x1x1x1x255xf32, #tpu.memory_space<vmem>> -> memref<1x1x1x1x255xf32, #tpu.memory_space<vmem>>
    %dma_start3A_1355 = tpu.memref_squeeze %dma_start3A_1354 : memref<1x1x1x1x255xf32, #tpu.memory_space<vmem>> -> memref<1x1x1x255xf32, #tpu.memory_space<vmem>>
    %dma_start3A_1356 = arith.constant 0 : i32
    %dma_start3A_1357 = tpu.memref_slice %arg2[%squeeze3A_1328, %squeeze3A_1334, %squeeze3A_1340, %dma_start3A_1356] : memref<16x80x80x255xf32, #tpu.memory_space<hbm>> -> memref<1x1x1x255xf32, #tpu.memory_space<hbm>>
    tpu.enqueue_dma source(%dma_start3A_1357 : memref<1x1x1x255xf32, #tpu.memory_space<hbm>>) target(%dma_start3A_1355 : memref<1x1x1x255xf32, #tpu.memory_space<vmem>>) target_semaphore(%arg9 : memref<!tpu.dma_semaphore, #tpu.memory_space<semaphore_mem>>)
    %get3A_1358 = arith.constant 12 : i32
    %get3A_1359 = arith.index_cast %get3A_1358 : i32 to index
    %get3A_1360 = arith.constant 0 : index
    %get3A_1361 = tpu.vector_load %arg6[%get3A_1359, %get3A_1360] {strides = array<i32>} : memref<24x16xi32, #tpu.memory_space<vmem>>, vector<16xi32>,
    %slice3A_1362 = vector.extract_strided_slice %get3A_1361 {offsets = [0], sizes = [1], strides = [1]} : vector<16xi32> to vector<1xi32>
    %squeeze3A_1363 = vector.extract %slice3A_1362[0] : i32 from vector<1xi32>
    %get3A_1364 = arith.constant 13 : i32
    %get3A_1365 = arith.index_cast %get3A_1364 : i32 to index
    %get3A_1366 = arith.constant 0 : index
    %get3A_1367 = tpu.vector_load %arg6[%get3A_1365, %get3A_1366] {strides = array<i32>} : memref<24x16xi32, #tpu.memory_space<vmem>>, vector<16xi32>,
    %slice3A_1368 = vector.extract_strided_slice %get3A_1367 {offsets = [0], sizes = [1], strides = [1]} : vector<16xi32> to vector<1xi32>
    %squeeze3A_1369 = vector.extract %slice3A_1368[0] : i32 from vector<1xi32>
    %get3A_1370 = arith.constant 14 : i32
    %get3A_1371 = arith.index_cast %get3A_1370 : i32 to index
    %get3A_1372 = arith.constant 0 : index
    %get3A_1373 = tpu.vector_load %arg6[%get3A_1371, %get3A_1372] {strides = array<i32>} : memref<24x16xi32, #tpu.memory_space<vmem>>, vector<16xi32>,
    %slice3A_1374 = vector.extract_strided_slice %get3A_1373 {offsets = [0], sizes = [1], strides = [1]} : vector<16xi32> to vector<1xi32>
    %squeeze3A_1375 = vector.extract %slice3A_1374[0] : i32 from vector<1xi32>
    %dma_start3A_1376 = arith.constant 4 : i32
    %dma_start3A_1377 = arith.constant 0 : i32
    %dma_start3A_1378 = arith.constant 0 : i32
    %dma_start3A_1379 = arith.constant 0 : i32
    %dma_start3A_1380 = arith.constant 0 : i32
    %dma_start3A_1381 = tpu.memref_slice %arg7[%dma_start3A_1376, %dma_start3A_1377, %dma_start3A_1378, %dma_start3A_1379, %dma_start3A_1380] : memref<8x1x1x1x255xf32, #tpu.memory_space<vmem>> -> memref<1x1x1x1x255xf32, #tpu.memory_space<vmem>>
    %dma_start3A_1382 = tpu.memref_squeeze %dma_start3A_1381 : memref<1x1x1x1x255xf32, #tpu.memory_space<vmem>> -> memref<1x1x1x255xf32, #tpu.memory_space<vmem>>
    %dma_start3A_1383 = arith.constant 0 : i32
    %dma_start3A_1384 = tpu.memref_slice %arg2[%squeeze3A_1363, %squeeze3A_1369, %squeeze3A_1375, %dma_start3A_1383] : memref<16x80x80x255xf32, #tpu.memory_space<hbm>> -> memref<1x1x1x255xf32, #tpu.memory_space<hbm>>
    %dma_start3A_1385 = arith.constant 0 : i32
    %dma_start3A_1386 = arith.constant 0 : i32
    %dma_start3A_1387 = arith.constant 0 : i32
    %dma_start3A_1388 = arith.constant 0 : i32
    %dma_start3A_1389 = tpu.memref_slice %arg7[%dma_start3A_1376, %dma_start3A_1385, %dma_start3A_1386, %dma_start3A_1387, %dma_start3A_1388] : memref<8x1x1x1x255xf32, #tpu.memory_space<vmem>> -> memref<1x1x1x1x255xf32, #tpu.memory_space<vmem>>
    %dma_start3A_1390 = tpu.memref_squeeze %dma_start3A_1389 : memref<1x1x1x1x255xf32, #tpu.memory_space<vmem>> -> memref<1x1x1x255xf32, #tpu.memory_space<vmem>>
    %dma_start3A_1391 = arith.constant 0 : i32
    %dma_start3A_1392 = tpu.memref_slice %arg2[%squeeze3A_1363, %squeeze3A_1369, %squeeze3A_1375, %dma_start3A_1391] : memref<16x80x80x255xf32, #tpu.memory_space<hbm>> -> memref<1x1x1x255xf32, #tpu.memory_space<hbm>>
    tpu.enqueue_dma source(%dma_start3A_1392 : memref<1x1x1x255xf32, #tpu.memory_space<hbm>>) target(%dma_start3A_1390 : memref<1x1x1x255xf32, #tpu.memory_space<vmem>>) target_semaphore(%arg9 : memref<!tpu.dma_semaphore, #tpu.memory_space<semaphore_mem>>)
    %get3A_1393 = arith.constant 15 : i32
    %get3A_1394 = arith.index_cast %get3A_1393 : i32 to index
    %get3A_1395 = arith.constant 0 : index
    %get3A_1396 = tpu.vector_load %arg6[%get3A_1394, %get3A_1395] {strides = array<i32>} : memref<24x16xi32, #tpu.memory_space<vmem>>, vector<16xi32>,
    %slice3A_1397 = vector.extract_strided_slice %get3A_1396 {offsets = [0], sizes = [1], strides = [1]} : vector<16xi32> to vector<1xi32>
    %squeeze3A_1398 = vector.extract %slice3A_1397[0] : i32 from vector<1xi32>
    %get3A_1399 = arith.constant 16 : i32
    %get3A_1400 = arith.index_cast %get3A_1399 : i32 to index
    %get3A_1401 = arith.constant 0 : index
    %get3A_1402 = tpu.vector_load %arg6[%get3A_1400, %get3A_1401] {strides = array<i32>} : memref<24x16xi32, #tpu.memory_space<vmem>>, vector<16xi32>,
    %slice3A_1403 = vector.extract_strided_slice %get3A_1402 {offsets = [0], sizes = [1], strides = [1]} : vector<16xi32> to vector<1xi32>
    %squeeze3A_1404 = vector.extract %slice3A_1403[0] : i32 from vector<1xi32>
    %get3A_1405 = arith.constant 17 : i32
    %get3A_1406 = arith.index_cast %get3A_1405 : i32 to index
    %get3A_1407 = arith.constant 0 : index
    %get3A_1408 = tpu.vector_load %arg6[%get3A_1406, %get3A_1407] {strides = array<i32>} : memref<24x16xi32, #tpu.memory_space<vmem>>, vector<16xi32>,
    %slice3A_1409 = vector.extract_strided_slice %get3A_1408 {offsets = [0], sizes = [1], strides = [1]} : vector<16xi32> to vector<1xi32>
    %squeeze3A_1410 = vector.extract %slice3A_1409[0] : i32 from vector<1xi32>
    %dma_start3A_1411 = arith.constant 5 : i32
    %dma_start3A_1412 = arith.constant 0 : i32
    %dma_start3A_1413 = arith.constant 0 : i32
    %dma_start3A_1414 = arith.constant 0 : i32
    %dma_start3A_1415 = arith.constant 0 : i32
    %dma_start3A_1416 = tpu.memref_slice %arg7[%dma_start3A_1411, %dma_start3A_1412, %dma_start3A_1413, %dma_start3A_1414, %dma_start3A_1415] : memref<8x1x1x1x255xf32, #tpu.memory_space<vmem>> -> memref<1x1x1x1x255xf32, #tpu.memory_space<vmem>>
    %dma_start3A_1417 = tpu.memref_squeeze %dma_start3A_1416 : memref<1x1x1x1x255xf32, #tpu.memory_space<vmem>> -> memref<1x1x1x255xf32, #tpu.memory_space<vmem>>
    %dma_start3A_1418 = arith.constant 0 : i32
    %dma_start3A_1419 = tpu.memref_slice %arg2[%squeeze3A_1398, %squeeze3A_1404, %squeeze3A_1410, %dma_start3A_1418] : memref<16x80x80x255xf32, #tpu.memory_space<hbm>> -> memref<1x1x1x255xf32, #tpu.memory_space<hbm>>
    %dma_start3A_1420 = arith.constant 0 : i32
    %dma_start3A_1421 = arith.constant 0 : i32
    %dma_start3A_1422 = arith.constant 0 : i32
    %dma_start3A_1423 = arith.constant 0 : i32
    %dma_start3A_1424 = tpu.memref_slice %arg7[%dma_start3A_1411, %dma_start3A_1420, %dma_start3A_1421, %dma_start3A_1422, %dma_start3A_1423] : memref<8x1x1x1x255xf32, #tpu.memory_space<vmem>> -> memref<1x1x1x1x255xf32, #tpu.memory_space<vmem>>
    %dma_start3A_1425 = tpu.memref_squeeze %dma_start3A_1424 : memref<1x1x1x1x255xf32, #tpu.memory_space<vmem>> -> memref<1x1x1x255xf32, #tpu.memory_space<vmem>>
    %dma_start3A_1426 = arith.constant 0 : i32
    %dma_start3A_1427 = tpu.memref_slice %arg2[%squeeze3A_1398, %squeeze3A_1404, %squeeze3A_1410, %dma_start3A_1426] : memref<16x80x80x255xf32, #tpu.memory_space<hbm>> -> memref<1x1x1x255xf32, #tpu.memory_space<hbm>>
    tpu.enqueue_dma source(%dma_start3A_1427 : memref<1x1x1x255xf32, #tpu.memory_space<hbm>>) target(%dma_start3A_1425 : memref<1x1x1x255xf32, #tpu.memory_space<vmem>>) target_semaphore(%arg9 : memref<!tpu.dma_semaphore, #tpu.memory_space<semaphore_mem>>)
    %get3A_1428 = arith.constant 18 : i32
    %get3A_1429 = arith.index_cast %get3A_1428 : i32 to index
    %get3A_1430 = arith.constant 0 : index
    %get3A_1431 = tpu.vector_load %arg6[%get3A_1429, %get3A_1430] {strides = array<i32>} : memref<24x16xi32, #tpu.memory_space<vmem>>, vector<16xi32>,
    %slice3A_1432 = vector.extract_strided_slice %get3A_1431 {offsets = [0], sizes = [1], strides = [1]} : vector<16xi32> to vector<1xi32>
    %squeeze3A_1433 = vector.extract %slice3A_1432[0] : i32 from vector<1xi32>
    %get3A_1434 = arith.constant 19 : i32
    %get3A_1435 = arith.index_cast %get3A_1434 : i32 to index
    %get3A_1436 = arith.constant 0 : index
    %get3A_1437 = tpu.vector_load %arg6[%get3A_1435, %get3A_1436] {strides = array<i32>} : memref<24x16xi32, #tpu.memory_space<vmem>>, vector<16xi32>,
    %slice3A_1438 = vector.extract_strided_slice %get3A_1437 {offsets = [0], sizes = [1], strides = [1]} : vector<16xi32> to vector<1xi32>
    %squeeze3A_1439 = vector.extract %slice3A_1438[0] : i32 from vector<1xi32>
    %get3A_1440 = arith.constant 20 : i32
    %get3A_1441 = arith.index_cast %get3A_1440 : i32 to index
    %get3A_1442 = arith.constant 0 : index
    %get3A_1443 = tpu.vector_load %arg6[%get3A_1441, %get3A_1442] {strides = array<i32>} : memref<24x16xi32, #tpu.memory_space<vmem>>, vector<16xi32>,
    %slice3A_1444 = vector.extract_strided_slice %get3A_1443 {offsets = [0], sizes = [1], strides = [1]} : vector<16xi32> to vector<1xi32>
    %squeeze3A_1445 = vector.extract %slice3A_1444[0] : i32 from vector<1xi32>
    %dma_start3A_1446 = arith.constant 6 : i32
    %dma_start3A_1447 = arith.constant 0 : i32
    %dma_start3A_1448 = arith.constant 0 : i32
    %dma_start3A_1449 = arith.constant 0 : i32
    %dma_start3A_1450 = arith.constant 0 : i32
    %dma_start3A_1451 = tpu.memref_slice %arg7[%dma_start3A_1446, %dma_start3A_1447, %dma_start3A_1448, %dma_start3A_1449, %dma_start3A_1450] : memref<8x1x1x1x255xf32, #tpu.memory_space<vmem>> -> memref<1x1x1x1x255xf32, #tpu.memory_space<vmem>>
    %dma_start3A_1452 = tpu.memref_squeeze %dma_start3A_1451 : memref<1x1x1x1x255xf32, #tpu.memory_space<vmem>> -> memref<1x1x1x255xf32, #tpu.memory_space<vmem>>
    %dma_start3A_1453 = arith.constant 0 : i32
    %dma_start3A_1454 = tpu.memref_slice %arg2[%squeeze3A_1433, %squeeze3A_1439, %squeeze3A_1445, %dma_start3A_1453] : memref<16x80x80x255xf32, #tpu.memory_space<hbm>> -> memref<1x1x1x255xf32, #tpu.memory_space<hbm>>
    %dma_start3A_1455 = arith.constant 0 : i32
    %dma_start3A_1456 = arith.constant 0 : i32
    %dma_start3A_1457 = arith.constant 0 : i32
    %dma_start3A_1458 = arith.constant 0 : i32
    %dma_start3A_1459 = tpu.memref_slice %arg7[%dma_start3A_1446, %dma_start3A_1455, %dma_start3A_1456, %dma_start3A_1457, %dma_start3A_1458] : memref<8x1x1x1x255xf32, #tpu.memory_space<vmem>> -> memref<1x1x1x1x255xf32, #tpu.memory_space<vmem>>
    %dma_start3A_1460 = tpu.memref_squeeze %dma_start3A_1459 : memref<1x1x1x1x255xf32, #tpu.memory_space<vmem>> -> memref<1x1x1x255xf32, #tpu.memory_space<vmem>>
    %dma_start3A_1461 = arith.constant 0 : i32
    %dma_start3A_1462 = tpu.memref_slice %arg2[%squeeze3A_1433, %squeeze3A_1439, %squeeze3A_1445, %dma_start3A_1461] : memref<16x80x80x255xf32, #tpu.memory_space<hbm>> -> memref<1x1x1x255xf32, #tpu.memory_space<hbm>>
    tpu.enqueue_dma source(%dma_start3A_1462 : memref<1x1x1x255xf32, #tpu.memory_space<hbm>>) target(%dma_start3A_1460 : memref<1x1x1x255xf32, #tpu.memory_space<vmem>>) target_semaphore(%arg9 : memref<!tpu.dma_semaphore, #tpu.memory_space<semaphore_mem>>)
    %get3A_1463 = arith.constant 21 : i32
    %get3A_1464 = arith.index_cast %get3A_1463 : i32 to index
    %get3A_1465 = arith.constant 0 : index
    %get3A_1466 = tpu.vector_load %arg6[%get3A_1464, %get3A_1465] {strides = array<i32>} : memref<24x16xi32, #tpu.memory_space<vmem>>, vector<16xi32>,
    %slice3A_1467 = vector.extract_strided_slice %get3A_1466 {offsets = [0], sizes = [1], strides = [1]} : vector<16xi32> to vector<1xi32>
    %squeeze3A_1468 = vector.extract %slice3A_1467[0] : i32 from vector<1xi32>
    %get3A_1469 = arith.constant 22 : i32
    %get3A_1470 = arith.index_cast %get3A_1469 : i32 to index
    %get3A_1471 = arith.constant 0 : index
    %get3A_1472 = tpu.vector_load %arg6[%get3A_1470, %get3A_1471] {strides = array<i32>} : memref<24x16xi32, #tpu.memory_space<vmem>>, vector<16xi32>,
    %slice3A_1473 = vector.extract_strided_slice %get3A_1472 {offsets = [0], sizes = [1], strides = [1]} : vector<16xi32> to vector<1xi32>
    %squeeze3A_1474 = vector.extract %slice3A_1473[0] : i32 from vector<1xi32>
    %get3A_1475 = arith.constant 23 : i32
    %get3A_1476 = arith.index_cast %get3A_1475 : i32 to index
    %get3A_1477 = arith.constant 0 : index
    %get3A_1478 = tpu.vector_load %arg6[%get3A_1476, %get3A_1477] {strides = array<i32>} : memref<24x16xi32, #tpu.memory_space<vmem>>, vector<16xi32>,
    %slice3A_1479 = vector.extract_strided_slice %get3A_1478 {offsets = [0], sizes = [1], strides = [1]} : vector<16xi32> to vector<1xi32>
    %squeeze3A_1480 = vector.extract %slice3A_1479[0] : i32 from vector<1xi32>
    %dma_start3A_1481 = arith.constant 7 : i32
    %dma_start3A_1482 = arith.constant 0 : i32
    %dma_start3A_1483 = arith.constant 0 : i32
    %dma_start3A_1484 = arith.constant 0 : i32
    %dma_start3A_1485 = arith.constant 0 : i32
    %dma_start3A_1486 = tpu.memref_slice %arg7[%dma_start3A_1481, %dma_start3A_1482, %dma_start3A_1483, %dma_start3A_1484, %dma_start3A_1485] : memref<8x1x1x1x255xf32, #tpu.memory_space<vmem>> -> memref<1x1x1x1x255xf32, #tpu.memory_space<vmem>>
    %dma_start3A_1487 = tpu.memref_squeeze %dma_start3A_1486 : memref<1x1x1x1x255xf32, #tpu.memory_space<vmem>> -> memref<1x1x1x255xf32, #tpu.memory_space<vmem>>
    %dma_start3A_1488 = arith.constant 0 : i32
    %dma_start3A_1489 = tpu.memref_slice %arg2[%squeeze3A_1468, %squeeze3A_1474, %squeeze3A_1480, %dma_start3A_1488] : memref<16x80x80x255xf32, #tpu.memory_space<hbm>> -> memref<1x1x1x255xf32, #tpu.memory_space<hbm>>
    %dma_start3A_1490 = arith.constant 0 : i32
    %dma_start3A_1491 = arith.constant 0 : i32
    %dma_start3A_1492 = arith.constant 0 : i32
    %dma_start3A_1493 = arith.constant 0 : i32
    %dma_start3A_1494 = tpu.memref_slice %arg7[%dma_start3A_1481, %dma_start3A_1490, %dma_start3A_1491, %dma_start3A_1492, %dma_start3A_1493] : memref<8x1x1x1x255xf32, #tpu.memory_space<vmem>> -> memref<1x1x1x1x255xf32, #tpu.memory_space<vmem>>
    %dma_start3A_1495 = tpu.memref_squeeze %dma_start3A_1494 : memref<1x1x1x1x255xf32, #tpu.memory_space<vmem>> -> memref<1x1x1x255xf32, #tpu.memory_space<vmem>>
    %dma_start3A_1496 = arith.constant 0 : i32
    %dma_start3A_1497 = tpu.memref_slice %arg2[%squeeze3A_1468, %squeeze3A_1474, %squeeze3A_1480, %dma_start3A_1496] : memref<16x80x80x255xf32, #tpu.memory_space<hbm>> -> memref<1x1x1x255xf32, #tpu.memory_space<hbm>>
    tpu.enqueue_dma source(%dma_start3A_1497 : memref<1x1x1x255xf32, #tpu.memory_space<hbm>>) target(%dma_start3A_1495 : memref<1x1x1x255xf32, #tpu.memory_space<vmem>>) target_semaphore(%arg9 : memref<!tpu.dma_semaphore, #tpu.memory_space<semaphore_mem>>)
    %dma_wait3A = arith.constant 0 : i32
    %dma_wait3A_1498 = arith.constant 0 : i32
    %dma_wait3A_1499 = arith.constant 0 : i32
    %dma_wait3A_1500 = arith.constant 0 : i32
    %dma_wait3A_1501 = arith.constant 0 : i32
    %dma_wait3A_1502 = tpu.memref_slice %arg7[%dma_wait3A, %dma_wait3A_1498, %dma_wait3A_1499, %dma_wait3A_1500, %dma_wait3A_1501] : memref<8x1x1x1x255xf32, #tpu.memory_space<vmem>> -> memref<1x1x1x1x255xf32, #tpu.memory_space<vmem>>
    %dma_wait3A_1503 = tpu.memref_squeeze %dma_wait3A_1502 : memref<1x1x1x1x255xf32, #tpu.memory_space<vmem>> -> memref<1x1x1x255xf32, #tpu.memory_space<vmem>>
    %dma_wait3A_1504 = arith.constant 0 : i32
    %dma_wait3A_1505 = tpu.memref_slice %arg2[%squeeze3A, %squeeze3A_1230, %squeeze3A_1236, %dma_wait3A_1504] : memref<16x80x80x255xf32, #tpu.memory_space<hbm>> -> memref<1x1x1x255xf32, #tpu.memory_space<hbm>>
    %dma_wait3A_1506 = arith.constant 0 : i32
    %dma_wait3A_1507 = arith.constant 0 : i32
    %dma_wait3A_1508 = arith.constant 0 : i32
    %dma_wait3A_1509 = arith.constant 0 : i32
    %dma_wait3A_1510 = tpu.memref_slice %arg7[%dma_wait3A, %dma_wait3A_1506, %dma_wait3A_1507, %dma_wait3A_1508, %dma_wait3A_1509] : memref<8x1x1x1x255xf32, #tpu.memory_space<vmem>> -> memref<1x1x1x1x255xf32, #tpu.memory_space<vmem>>
    %dma_wait3A_1511 = tpu.memref_squeeze %dma_wait3A_1510 : memref<1x1x1x1x255xf32, #tpu.memory_space<vmem>> -> memref<1x1x1x255xf32, #tpu.memory_space<vmem>>
    %dma_wait3A_1512 = arith.constant 0 : i32
    %dma_wait3A_1513 = tpu.memref_slice %arg2[%squeeze3A, %squeeze3A_1230, %squeeze3A_1236, %dma_wait3A_1512] : memref<16x80x80x255xf32, #tpu.memory_space<hbm>> -> memref<1x1x1x255xf32, #tpu.memory_space<hbm>>
    tpu.wait_dma2 semaphore(%arg9 : memref<!tpu.dma_semaphore, #tpu.memory_space<semaphore_mem>>) src(%dma_wait3A_1513 : memref<1x1x1x255xf32, #tpu.memory_space<hbm>>) dst(%dma_wait3A_1511 : memref<1x1x1x255xf32, #tpu.memory_space<vmem>>)
    %dma_wait3A_1514 = arith.constant 1 : i32
    %dma_wait3A_1515 = arith.constant 0 : i32
    %dma_wait3A_1516 = arith.constant 0 : i32
    %dma_wait3A_1517 = arith.constant 0 : i32
    %dma_wait3A_1518 = arith.constant 0 : i32
    %dma_wait3A_1519 = tpu.memref_slice %arg7[%dma_wait3A_1514, %dma_wait3A_1515, %dma_wait3A_1516, %dma_wait3A_1517, %dma_wait3A_1518] : memref<8x1x1x1x255xf32, #tpu.memory_space<vmem>> -> memref<1x1x1x1x255xf32, #tpu.memory_space<vmem>>
    %dma_wait3A_1520 = tpu.memref_squeeze %dma_wait3A_1519 : memref<1x1x1x1x255xf32, #tpu.memory_space<vmem>> -> memref<1x1x1x255xf32, #tpu.memory_space<vmem>>
    %dma_wait3A_1521 = arith.constant 0 : i32
    %dma_wait3A_1522 = tpu.memref_slice %arg2[%squeeze3A_1258, %squeeze3A_1264, %squeeze3A_1270, %dma_wait3A_1521] : memref<16x80x80x255xf32, #tpu.memory_space<hbm>> -> memref<1x1x1x255xf32, #tpu.memory_space<hbm>>
    %dma_wait3A_1523 = arith.constant 0 : i32
    %dma_wait3A_1524 = arith.constant 0 : i32
    %dma_wait3A_1525 = arith.constant 0 : i32
    %dma_wait3A_1526 = arith.constant 0 : i32
    %dma_wait3A_1527 = tpu.memref_slice %arg7[%dma_wait3A_1514, %dma_wait3A_1523, %dma_wait3A_1524, %dma_wait3A_1525, %dma_wait3A_1526] : memref<8x1x1x1x255xf32, #tpu.memory_space<vmem>> -> memref<1x1x1x1x255xf32, #tpu.memory_space<vmem>>
    %dma_wait3A_1528 = tpu.memref_squeeze %dma_wait3A_1527 : memref<1x1x1x1x255xf32, #tpu.memory_space<vmem>> -> memref<1x1x1x255xf32, #tpu.memory_space<vmem>>
    %dma_wait3A_1529 = arith.constant 0 : i32
    %dma_wait3A_1530 = tpu.memref_slice %arg2[%squeeze3A_1258, %squeeze3A_1264, %squeeze3A_1270, %dma_wait3A_1529] : memref<16x80x80x255xf32, #tpu.memory_space<hbm>> -> memref<1x1x1x255xf32, #tpu.memory_space<hbm>>
    tpu.wait_dma2 semaphore(%arg9 : memref<!tpu.dma_semaphore, #tpu.memory_space<semaphore_mem>>) src(%dma_wait3A_1530 : memref<1x1x1x255xf32, #tpu.memory_space<hbm>>) dst(%dma_wait3A_1528 : memref<1x1x1x255xf32, #tpu.memory_space<vmem>>)
    %dma_wait3A_1531 = arith.constant 2 : i32
    %dma_wait3A_1532 = arith.constant 0 : i32
    %dma_wait3A_1533 = arith.constant 0 : i32
    %dma_wait3A_1534 = arith.constant 0 : i32
    %dma_wait3A_1535 = arith.constant 0 : i32
    %dma_wait3A_1536 = tpu.memref_slice %arg7[%dma_wait3A_1531, %dma_wait3A_1532, %dma_wait3A_1533, %dma_wait3A_1534, %dma_wait3A_1535] : memref<8x1x1x1x255xf32, #tpu.memory_space<vmem>> -> memref<1x1x1x1x255xf32, #tpu.memory_space<vmem>>
    %dma_wait3A_1537 = tpu.memref_squeeze %dma_wait3A_1536 : memref<1x1x1x1x255xf32, #tpu.memory_space<vmem>> -> memref<1x1x1x255xf32, #tpu.memory_space<vmem>>
    %dma_wait3A_1538 = arith.constant 0 : i32
    %dma_wait3A_1539 = tpu.memref_slice %arg2[%squeeze3A_1293, %squeeze3A_1299, %squeeze3A_1305, %dma_wait3A_1538] : memref<16x80x80x255xf32, #tpu.memory_space<hbm>> -> memref<1x1x1x255xf32, #tpu.memory_space<hbm>>
    %dma_wait3A_1540 = arith.constant 0 : i32
    %dma_wait3A_1541 = arith.constant 0 : i32
    %dma_wait3A_1542 = arith.constant 0 : i32
    %dma_wait3A_1543 = arith.constant 0 : i32
    %dma_wait3A_1544 = tpu.memref_slice %arg7[%dma_wait3A_1531, %dma_wait3A_1540, %dma_wait3A_1541, %dma_wait3A_1542, %dma_wait3A_1543] : memref<8x1x1x1x255xf32, #tpu.memory_space<vmem>> -> memref<1x1x1x1x255xf32, #tpu.memory_space<vmem>>
    %dma_wait3A_1545 = tpu.memref_squeeze %dma_wait3A_1544 : memref<1x1x1x1x255xf32, #tpu.memory_space<vmem>> -> memref<1x1x1x255xf32, #tpu.memory_space<vmem>>
    %dma_wait3A_1546 = arith.constant 0 : i32
    %dma_wait3A_1547 = tpu.memref_slice %arg2[%squeeze3A_1293, %squeeze3A_1299, %squeeze3A_1305, %dma_wait3A_1546] : memref<16x80x80x255xf32, #tpu.memory_space<hbm>> -> memref<1x1x1x255xf32, #tpu.memory_space<hbm>>
    tpu.wait_dma2 semaphore(%arg9 : memref<!tpu.dma_semaphore, #tpu.memory_space<semaphore_mem>>) src(%dma_wait3A_1547 : memref<1x1x1x255xf32, #tpu.memory_space<hbm>>) dst(%dma_wait3A_1545 : memref<1x1x1x255xf32, #tpu.memory_space<vmem>>)
    %dma_wait3A_1548 = arith.constant 3 : i32
    %dma_wait3A_1549 = arith.constant 0 : i32
    %dma_wait3A_1550 = arith.constant 0 : i32
    %dma_wait3A_1551 = arith.constant 0 : i32
    %dma_wait3A_1552 = arith.constant 0 : i32
    %dma_wait3A_1553 = tpu.memref_slice %arg7[%dma_wait3A_1548, %dma_wait3A_1549, %dma_wait3A_1550, %dma_wait3A_1551, %dma_wait3A_1552] : memref<8x1x1x1x255xf32, #tpu.memory_space<vmem>> -> memref<1x1x1x1x255xf32, #tpu.memory_space<vmem>>
    %dma_wait3A_1554 = tpu.memref_squeeze %dma_wait3A_1553 : memref<1x1x1x1x255xf32, #tpu.memory_space<vmem>> -> memref<1x1x1x255xf32, #tpu.memory_space<vmem>>
    %dma_wait3A_1555 = arith.constant 0 : i32
    %dma_wait3A_1556 = tpu.memref_slice %arg2[%squeeze3A_1328, %squeeze3A_1334, %squeeze3A_1340, %dma_wait3A_1555] : memref<16x80x80x255xf32, #tpu.memory_space<hbm>> -> memref<1x1x1x255xf32, #tpu.memory_space<hbm>>
    %dma_wait3A_1557 = arith.constant 0 : i32
    %dma_wait3A_1558 = arith.constant 0 : i32
    %dma_wait3A_1559 = arith.constant 0 : i32
    %dma_wait3A_1560 = arith.constant 0 : i32
    %dma_wait3A_1561 = tpu.memref_slice %arg7[%dma_wait3A_1548, %dma_wait3A_1557, %dma_wait3A_1558, %dma_wait3A_1559, %dma_wait3A_1560] : memref<8x1x1x1x255xf32, #tpu.memory_space<vmem>> -> memref<1x1x1x1x255xf32, #tpu.memory_space<vmem>>
    %dma_wait3A_1562 = tpu.memref_squeeze %dma_wait3A_1561 : memref<1x1x1x1x255xf32, #tpu.memory_space<vmem>> -> memref<1x1x1x255xf32, #tpu.memory_space<vmem>>
    %dma_wait3A_1563 = arith.constant 0 : i32
    %dma_wait3A_1564 = tpu.memref_slice %arg2[%squeeze3A_1328, %squeeze3A_1334, %squeeze3A_1340, %dma_wait3A_1563] : memref<16x80x80x255xf32, #tpu.memory_space<hbm>> -> memref<1x1x1x255xf32, #tpu.memory_space<hbm>>
    tpu.wait_dma2 semaphore(%arg9 : memref<!tpu.dma_semaphore, #tpu.memory_space<semaphore_mem>>) src(%dma_wait3A_1564 : memref<1x1x1x255xf32, #tpu.memory_space<hbm>>) dst(%dma_wait3A_1562 : memref<1x1x1x255xf32, #tpu.memory_space<vmem>>)
    %dma_wait3A_1565 = arith.constant 4 : i32
    %dma_wait3A_1566 = arith.constant 0 : i32
    %dma_wait3A_1567 = arith.constant 0 : i32
    %dma_wait3A_1568 = arith.constant 0 : i32
    %dma_wait3A_1569 = arith.constant 0 : i32
    %dma_wait3A_1570 = tpu.memref_slice %arg7[%dma_wait3A_1565, %dma_wait3A_1566, %dma_wait3A_1567, %dma_wait3A_1568, %dma_wait3A_1569] : memref<8x1x1x1x255xf32, #tpu.memory_space<vmem>> -> memref<1x1x1x1x255xf32, #tpu.memory_space<vmem>>
    %dma_wait3A_1571 = tpu.memref_squeeze %dma_wait3A_1570 : memref<1x1x1x1x255xf32, #tpu.memory_space<vmem>> -> memref<1x1x1x255xf32, #tpu.memory_space<vmem>>
    %dma_wait3A_1572 = arith.constant 0 : i32
    %dma_wait3A_1573 = tpu.memref_slice %arg2[%squeeze3A_1363, %squeeze3A_1369, %squeeze3A_1375, %dma_wait3A_1572] : memref<16x80x80x255xf32, #tpu.memory_space<hbm>> -> memref<1x1x1x255xf32, #tpu.memory_space<hbm>>
    %dma_wait3A_1574 = arith.constant 0 : i32
    %dma_wait3A_1575 = arith.constant 0 : i32
    %dma_wait3A_1576 = arith.constant 0 : i32
    %dma_wait3A_1577 = arith.constant 0 : i32
    %dma_wait3A_1578 = tpu.memref_slice %arg7[%dma_wait3A_1565, %dma_wait3A_1574, %dma_wait3A_1575, %dma_wait3A_1576, %dma_wait3A_1577] : memref<8x1x1x1x255xf32, #tpu.memory_space<vmem>> -> memref<1x1x1x1x255xf32, #tpu.memory_space<vmem>>
    %dma_wait3A_1579 = tpu.memref_squeeze %dma_wait3A_1578 : memref<1x1x1x1x255xf32, #tpu.memory_space<vmem>> -> memref<1x1x1x255xf32, #tpu.memory_space<vmem>>
    %dma_wait3A_1580 = arith.constant 0 : i32
    %dma_wait3A_1581 = tpu.memref_slice %arg2[%squeeze3A_1363, %squeeze3A_1369, %squeeze3A_1375, %dma_wait3A_1580] : memref<16x80x80x255xf32, #tpu.memory_space<hbm>> -> memref<1x1x1x255xf32, #tpu.memory_space<hbm>>
    tpu.wait_dma2 semaphore(%arg9 : memref<!tpu.dma_semaphore, #tpu.memory_space<semaphore_mem>>) src(%dma_wait3A_1581 : memref<1x1x1x255xf32, #tpu.memory_space<hbm>>) dst(%dma_wait3A_1579 : memref<1x1x1x255xf32, #tpu.memory_space<vmem>>)
    %dma_wait3A_1582 = arith.constant 5 : i32
    %dma_wait3A_1583 = arith.constant 0 : i32
    %dma_wait3A_1584 = arith.constant 0 : i32
    %dma_wait3A_1585 = arith.constant 0 : i32
    %dma_wait3A_1586 = arith.constant 0 : i32
    %dma_wait3A_1587 = tpu.memref_slice %arg7[%dma_wait3A_1582, %dma_wait3A_1583, %dma_wait3A_1584, %dma_wait3A_1585, %dma_wait3A_1586] : memref<8x1x1x1x255xf32, #tpu.memory_space<vmem>> -> memref<1x1x1x1x255xf32, #tpu.memory_space<vmem>>
    %dma_wait3A_1588 = tpu.memref_squeeze %dma_wait3A_1587 : memref<1x1x1x1x255xf32, #tpu.memory_space<vmem>> -> memref<1x1x1x255xf32, #tpu.memory_space<vmem>>
    %dma_wait3A_1589 = arith.constant 0 : i32
    %dma_wait3A_1590 = tpu.memref_slice %arg2[%squeeze3A_1398, %squeeze3A_1404, %squeeze3A_1410, %dma_wait3A_1589] : memref<16x80x80x255xf32, #tpu.memory_space<hbm>> -> memref<1x1x1x255xf32, #tpu.memory_space<hbm>>
    %dma_wait3A_1591 = arith.constant 0 : i32
    %dma_wait3A_1592 = arith.constant 0 : i32
    %dma_wait3A_1593 = arith.constant 0 : i32
    %dma_wait3A_1594 = arith.constant 0 : i32
    %dma_wait3A_1595 = tpu.memref_slice %arg7[%dma_wait3A_1582, %dma_wait3A_1591, %dma_wait3A_1592, %dma_wait3A_1593, %dma_wait3A_1594] : memref<8x1x1x1x255xf32, #tpu.memory_space<vmem>> -> memref<1x1x1x1x255xf32, #tpu.memory_space<vmem>>
    %dma_wait3A_1596 = tpu.memref_squeeze %dma_wait3A_1595 : memref<1x1x1x1x255xf32, #tpu.memory_space<vmem>> -> memref<1x1x1x255xf32, #tpu.memory_space<vmem>>
    %dma_wait3A_1597 = arith.constant 0 : i32
    %dma_wait3A_1598 = tpu.memref_slice %arg2[%squeeze3A_1398, %squeeze3A_1404, %squeeze3A_1410, %dma_wait3A_1597] : memref<16x80x80x255xf32, #tpu.memory_space<hbm>> -> memref<1x1x1x255xf32, #tpu.memory_space<hbm>>
    tpu.wait_dma2 semaphore(%arg9 : memref<!tpu.dma_semaphore, #tpu.memory_space<semaphore_mem>>) src(%dma_wait3A_1598 : memref<1x1x1x255xf32, #tpu.memory_space<hbm>>) dst(%dma_wait3A_1596 : memref<1x1x1x255xf32, #tpu.memory_space<vmem>>)
    %dma_wait3A_1599 = arith.constant 6 : i32
    %dma_wait3A_1600 = arith.constant 0 : i32
    %dma_wait3A_1601 = arith.constant 0 : i32
    %dma_wait3A_1602 = arith.constant 0 : i32
    %dma_wait3A_1603 = arith.constant 0 : i32
    %dma_wait3A_1604 = tpu.memref_slice %arg7[%dma_wait3A_1599, %dma_wait3A_1600, %dma_wait3A_1601, %dma_wait3A_1602, %dma_wait3A_1603] : memref<8x1x1x1x255xf32, #tpu.memory_space<vmem>> -> memref<1x1x1x1x255xf32, #tpu.memory_space<vmem>>
    %dma_wait3A_1605 = tpu.memref_squeeze %dma_wait3A_1604 : memref<1x1x1x1x255xf32, #tpu.memory_space<vmem>> -> memref<1x1x1x255xf32, #tpu.memory_space<vmem>>
    %dma_wait3A_1606 = arith.constant 0 : i32
    %dma_wait3A_1607 = tpu.memref_slice %arg2[%squeeze3A_1433, %squeeze3A_1439, %squeeze3A_1445, %dma_wait3A_1606] : memref<16x80x80x255xf32, #tpu.memory_space<hbm>> -> memref<1x1x1x255xf32, #tpu.memory_space<hbm>>
    %dma_wait3A_1608 = arith.constant 0 : i32
    %dma_wait3A_1609 = arith.constant 0 : i32
    %dma_wait3A_1610 = arith.constant 0 : i32
    %dma_wait3A_1611 = arith.constant 0 : i32
    %dma_wait3A_1612 = tpu.memref_slice %arg7[%dma_wait3A_1599, %dma_wait3A_1608, %dma_wait3A_1609, %dma_wait3A_1610, %dma_wait3A_1611] : memref<8x1x1x1x255xf32, #tpu.memory_space<vmem>> -> memref<1x1x1x1x255xf32, #tpu.memory_space<vmem>>
    %dma_wait3A_1613 = tpu.memref_squeeze %dma_wait3A_1612 : memref<1x1x1x1x255xf32, #tpu.memory_space<vmem>> -> memref<1x1x1x255xf32, #tpu.memory_space<vmem>>
    %dma_wait3A_1614 = arith.constant 0 : i32
    %dma_wait3A_1615 = tpu.memref_slice %arg2[%squeeze3A_1433, %squeeze3A_1439, %squeeze3A_1445, %dma_wait3A_1614] : memref<16x80x80x255xf32, #tpu.memory_space<hbm>> -> memref<1x1x1x255xf32, #tpu.memory_space<hbm>>
    tpu.wait_dma2 semaphore(%arg9 : memref<!tpu.dma_semaphore, #tpu.memory_space<semaphore_mem>>) src(%dma_wait3A_1615 : memref<1x1x1x255xf32, #tpu.memory_space<hbm>>) dst(%dma_wait3A_1613 : memref<1x1x1x255xf32, #tpu.memory_space<vmem>>)
    %dma_wait3A_1616 = arith.constant 7 : i32
    %dma_wait3A_1617 = arith.constant 0 : i32
    %dma_wait3A_1618 = arith.constant 0 : i32
    %dma_wait3A_1619 = arith.constant 0 : i32
    %dma_wait3A_1620 = arith.constant 0 : i32
    %dma_wait3A_1621 = tpu.memref_slice %arg7[%dma_wait3A_1616, %dma_wait3A_1617, %dma_wait3A_1618, %dma_wait3A_1619, %dma_wait3A_1620] : memref<8x1x1x1x255xf32, #tpu.memory_space<vmem>> -> memref<1x1x1x1x255xf32, #tpu.memory_space<vmem>>
    %dma_wait3A_1622 = tpu.memref_squeeze %dma_wait3A_1621 : memref<1x1x1x1x255xf32, #tpu.memory_space<vmem>> -> memref<1x1x1x255xf32, #tpu.memory_space<vmem>>
    %dma_wait3A_1623 = arith.constant 0 : i32
    %dma_wait3A_1624 = tpu.memref_slice %arg2[%squeeze3A_1468, %squeeze3A_1474, %squeeze3A_1480, %dma_wait3A_1623] : memref<16x80x80x255xf32, #tpu.memory_space<hbm>> -> memref<1x1x1x255xf32, #tpu.memory_space<hbm>>
    %dma_wait3A_1625 = arith.constant 0 : i32
    %dma_wait3A_1626 = arith.constant 0 : i32
    %dma_wait3A_1627 = arith.constant 0 : i32
    %dma_wait3A_1628 = arith.constant 0 : i32
    %dma_wait3A_1629 = tpu.memref_slice %arg7[%dma_wait3A_1616, %dma_wait3A_1625, %dma_wait3A_1626, %dma_wait3A_1627, %dma_wait3A_1628] : memref<8x1x1x1x255xf32, #tpu.memory_space<vmem>> -> memref<1x1x1x1x255xf32, #tpu.memory_space<vmem>>
    %dma_wait3A_1630 = tpu.memref_squeeze %dma_wait3A_1629 : memref<1x1x1x1x255xf32, #tpu.memory_space<vmem>> -> memref<1x1x1x255xf32, #tpu.memory_space<vmem>>
    %dma_wait3A_1631 = arith.constant 0 : i32
    %dma_wait3A_1632 = tpu.memref_slice %arg2[%squeeze3A_1468, %squeeze3A_1474, %squeeze3A_1480, %dma_wait3A_1631] : memref<16x80x80x255xf32, #tpu.memory_space<hbm>> -> memref<1x1x1x255xf32, #tpu.memory_space<hbm>>
    tpu.wait_dma2 semaphore(%arg9 : memref<!tpu.dma_semaphore, #tpu.memory_space<semaphore_mem>>) src(%dma_wait3A_1632 : memref<1x1x1x255xf32, #tpu.memory_space<hbm>>) dst(%dma_wait3A_1630 : memref<1x1x1x255xf32, #tpu.memory_space<vmem>>)
    %iota3A = tpu.iota {dimensions = array<i32: 0>} : vector<16xi32>
    %broadcast_in_dim3A_1633 = arith.constant 0 : i32
    %broadcast_in_dim3A_1634 = vector.broadcast %broadcast_in_dim3A_1633 : i32 to vector<16xi32>
    %broadcast_in_dim3A_1635 = arith.constant 0 : i32
    %broadcast_in_dim3A_1636 = vector.broadcast %broadcast_in_dim3A_1635 : i32 to vector<16xi32>
    %add3A_1637 = arith.constant 0 : i32
    %add3A_1638 = vector.broadcast %add3A_1637 : i32 to vector<16xi32>
    %add3A_1639 = arith.addi %add3A_1638, %iota3A : vector<16xi32>
    %min3A_1640 = arith.constant 84 : i32
    %min3A_1641 = vector.broadcast %min3A_1640 : i32 to vector<16xi32>
    %min3A_1642 = arith.minsi %add3A_1639, %min3A_1641 : vector<16xi32>
    %add3A_1643 = arith.addi %mul3A_143, %min3A_1642 : vector<16xi32>
    %gather3A_1644 = tpu.vector_load_idx %arg7[%broadcast_in_dim3A_1636, %broadcast_in_dim3A_1634, %broadcast_in_dim3A_1634, %broadcast_in_dim3A_1634, %add3A_1643] : memref<8x1x1x1x255xf32, #tpu.memory_space<vmem>>[vector<16xi32>, vector<16xi32>, vector<16xi32>, vector<16xi32>, vector<16xi32>], vector<16xf32>,
    %swap3A_1645 = arith.constant 0 : i32
    %swap3A_1646 = arith.index_cast %swap3A_1645 : i32 to index
    %swap3A_1647 = arith.constant 0 : index
    %swap3A_1648 = tpu.vector_load %arg8[%swap3A_1646, %swap3A_1647] {strides = array<i32>} : memref<8x96xf32, #tpu.memory_space<vmem>>, vector<16xf32>,
    tpu.vector_store %arg8[%swap3A_1646, %swap3A_1647], %gather3A_1644 {strides = array<i32>} : memref<8x96xf32, #tpu.memory_space<vmem>>, vector<16xf32>,
    %add3A_1649 = arith.constant 16 : i32
    %add3A_1650 = vector.broadcast %add3A_1649 : i32 to vector<16xi32>
    %add3A_1651 = arith.addi %add3A_1650, %iota3A : vector<16xi32>
    %min3A_1652 = arith.constant 84 : i32
    %min3A_1653 = vector.broadcast %min3A_1652 : i32 to vector<16xi32>
    %min3A_1654 = arith.minsi %add3A_1651, %min3A_1653 : vector<16xi32>
    %add3A_1655 = arith.addi %mul3A_143, %min3A_1654 : vector<16xi32>
    %gather3A_1656 = tpu.vector_load_idx %arg7[%broadcast_in_dim3A_1636, %broadcast_in_dim3A_1634, %broadcast_in_dim3A_1634, %broadcast_in_dim3A_1634, %add3A_1655] : memref<8x1x1x1x255xf32, #tpu.memory_space<vmem>>[vector<16xi32>, vector<16xi32>, vector<16xi32>, vector<16xi32>, vector<16xi32>], vector<16xf32>,
    %swap3A_1657 = arith.constant 0 : i32
    %swap3A_1658 = arith.index_cast %swap3A_1657 : i32 to index
    %swap3A_1659 = arith.constant 16 : index
    %swap3A_1660 = tpu.vector_load %arg8[%swap3A_1658, %swap3A_1659] {strides = array<i32>} : memref<8x96xf32, #tpu.memory_space<vmem>>, vector<16xf32>,
    tpu.vector_store %arg8[%swap3A_1658, %swap3A_1659], %gather3A_1656 {strides = array<i32>} : memref<8x96xf32, #tpu.memory_space<vmem>>, vector<16xf32>,
    %add3A_1661 = arith.constant 32 : i32
    %add3A_1662 = vector.broadcast %add3A_1661 : i32 to vector<16xi32>
    %add3A_1663 = arith.addi %add3A_1662, %iota3A : vector<16xi32>
    %min3A_1664 = arith.constant 84 : i32
    %min3A_1665 = vector.broadcast %min3A_1664 : i32 to vector<16xi32>
    %min3A_1666 = arith.minsi %add3A_1663, %min3A_1665 : vector<16xi32>
    %add3A_1667 = arith.addi %mul3A_143, %min3A_1666 : vector<16xi32>
    %gather3A_1668 = tpu.vector_load_idx %arg7[%broadcast_in_dim3A_1636, %broadcast_in_dim3A_1634, %broadcast_in_dim3A_1634, %broadcast_in_dim3A_1634, %add3A_1667] : memref<8x1x1x1x255xf32, #tpu.memory_space<vmem>>[vector<16xi32>, vector<16xi32>, vector<16xi32>, vector<16xi32>, vector<16xi32>], vector<16xf32>,
    %swap3A_1669 = arith.constant 0 : i32
    %swap3A_1670 = arith.index_cast %swap3A_1669 : i32 to index
    %swap3A_1671 = arith.constant 32 : index
    %swap3A_1672 = tpu.vector_load %arg8[%swap3A_1670, %swap3A_1671] {strides = array<i32>} : memref<8x96xf32, #tpu.memory_space<vmem>>, vector<16xf32>,
    tpu.vector_store %arg8[%swap3A_1670, %swap3A_1671], %gather3A_1668 {strides = array<i32>} : memref<8x96xf32, #tpu.memory_space<vmem>>, vector<16xf32>,
    %add3A_1673 = arith.constant 48 : i32
    %add3A_1674 = vector.broadcast %add3A_1673 : i32 to vector<16xi32>
    %add3A_1675 = arith.addi %add3A_1674, %iota3A : vector<16xi32>
    %min3A_1676 = arith.constant 84 : i32
    %min3A_1677 = vector.broadcast %min3A_1676 : i32 to vector<16xi32>
    %min3A_1678 = arith.minsi %add3A_1675, %min3A_1677 : vector<16xi32>
    %add3A_1679 = arith.addi %mul3A_143, %min3A_1678 : vector<16xi32>
    %gather3A_1680 = tpu.vector_load_idx %arg7[%broadcast_in_dim3A_1636, %broadcast_in_dim3A_1634, %broadcast_in_dim3A_1634, %broadcast_in_dim3A_1634, %add3A_1679] : memref<8x1x1x1x255xf32, #tpu.memory_space<vmem>>[vector<16xi32>, vector<16xi32>, vector<16xi32>, vector<16xi32>, vector<16xi32>], vector<16xf32>,
    %swap3A_1681 = arith.constant 0 : i32
    %swap3A_1682 = arith.index_cast %swap3A_1681 : i32 to index
    %swap3A_1683 = arith.constant 48 : index
    %swap3A_1684 = tpu.vector_load %arg8[%swap3A_1682, %swap3A_1683] {strides = array<i32>} : memref<8x96xf32, #tpu.memory_space<vmem>>, vector<16xf32>,
    tpu.vector_store %arg8[%swap3A_1682, %swap3A_1683], %gather3A_1680 {strides = array<i32>} : memref<8x96xf32, #tpu.memory_space<vmem>>, vector<16xf32>,
    %add3A_1685 = arith.constant 64 : i32
    %add3A_1686 = vector.broadcast %add3A_1685 : i32 to vector<16xi32>
    %add3A_1687 = arith.addi %add3A_1686, %iota3A : vector<16xi32>
    %min3A_1688 = arith.constant 84 : i32
    %min3A_1689 = vector.broadcast %min3A_1688 : i32 to vector<16xi32>
    %min3A_1690 = arith.minsi %add3A_1687, %min3A_1689 : vector<16xi32>
    %add3A_1691 = arith.addi %mul3A_143, %min3A_1690 : vector<16xi32>
    %gather3A_1692 = tpu.vector_load_idx %arg7[%broadcast_in_dim3A_1636, %broadcast_in_dim3A_1634, %broadcast_in_dim3A_1634, %broadcast_in_dim3A_1634, %add3A_1691] : memref<8x1x1x1x255xf32, #tpu.memory_space<vmem>>[vector<16xi32>, vector<16xi32>, vector<16xi32>, vector<16xi32>, vector<16xi32>], vector<16xf32>,
    %swap3A_1693 = arith.constant 0 : i32
    %swap3A_1694 = arith.index_cast %swap3A_1693 : i32 to index
    %swap3A_1695 = arith.constant 64 : index
    %swap3A_1696 = tpu.vector_load %arg8[%swap3A_1694, %swap3A_1695] {strides = array<i32>} : memref<8x96xf32, #tpu.memory_space<vmem>>, vector<16xf32>,
    tpu.vector_store %arg8[%swap3A_1694, %swap3A_1695], %gather3A_1692 {strides = array<i32>} : memref<8x96xf32, #tpu.memory_space<vmem>>, vector<16xf32>,
    %add3A_1697 = arith.constant 80 : i32
    %add3A_1698 = vector.broadcast %add3A_1697 : i32 to vector<16xi32>
    %add3A_1699 = arith.addi %add3A_1698, %iota3A : vector<16xi32>
    %min3A_1700 = arith.constant 84 : i32
    %min3A_1701 = vector.broadcast %min3A_1700 : i32 to vector<16xi32>
    %min3A_1702 = arith.minsi %add3A_1699, %min3A_1701 : vector<16xi32>
    %add3A_1703 = arith.addi %mul3A_143, %min3A_1702 : vector<16xi32>
    %gather3A_1704 = tpu.vector_load_idx %arg7[%broadcast_in_dim3A_1636, %broadcast_in_dim3A_1634, %broadcast_in_dim3A_1634, %broadcast_in_dim3A_1634, %add3A_1703] : memref<8x1x1x1x255xf32, #tpu.memory_space<vmem>>[vector<16xi32>, vector<16xi32>, vector<16xi32>, vector<16xi32>, vector<16xi32>], vector<16xf32>,
    %swap3A_1705 = arith.constant 0 : i32
    %swap3A_1706 = arith.index_cast %swap3A_1705 : i32 to index
    %swap3A_1707 = arith.constant 80 : index
    %swap3A_1708 = tpu.vector_load %arg8[%swap3A_1706, %swap3A_1707] {strides = array<i32>} : memref<8x96xf32, #tpu.memory_space<vmem>>, vector<16xf32>,
    tpu.vector_store %arg8[%swap3A_1706, %swap3A_1707], %gather3A_1704 {strides = array<i32>} : memref<8x96xf32, #tpu.memory_space<vmem>>, vector<16xf32>,
    %broadcast_in_dim3A_1709 = arith.constant 1 : i32
    %broadcast_in_dim3A_1710 = vector.broadcast %broadcast_in_dim3A_1709 : i32 to vector<16xi32>
    %add3A_1711 = arith.constant 0 : i32
    %add3A_1712 = vector.broadcast %add3A_1711 : i32 to vector<16xi32>
    %add3A_1713 = arith.addi %add3A_1712, %iota3A : vector<16xi32>
    %min3A_1714 = arith.constant 84 : i32
    %min3A_1715 = vector.broadcast %min3A_1714 : i32 to vector<16xi32>
    %min3A_1716 = arith.minsi %add3A_1713, %min3A_1715 : vector<16xi32>
    %add3A_1717 = arith.addi %mul3A_297, %min3A_1716 : vector<16xi32>
    %gather3A_1718 = tpu.vector_load_idx %arg7[%broadcast_in_dim3A_1710, %broadcast_in_dim3A_1634, %broadcast_in_dim3A_1634, %broadcast_in_dim3A_1634, %add3A_1717] : memref<8x1x1x1x255xf32, #tpu.memory_space<vmem>>[vector<16xi32>, vector<16xi32>, vector<16xi32>, vector<16xi32>, vector<16xi32>], vector<16xf32>,
    %swap3A_1719 = arith.constant 1 : i32
    %swap3A_1720 = arith.index_cast %swap3A_1719 : i32 to index
    %swap3A_1721 = arith.constant 0 : index
    %swap3A_1722 = tpu.vector_load %arg8[%swap3A_1720, %swap3A_1721] {strides = array<i32>} : memref<8x96xf32, #tpu.memory_space<vmem>>, vector<16xf32>,
    tpu.vector_store %arg8[%swap3A_1720, %swap3A_1721], %gather3A_1718 {strides = array<i32>} : memref<8x96xf32, #tpu.memory_space<vmem>>, vector<16xf32>,
    %add3A_1723 = arith.constant 16 : i32
    %add3A_1724 = vector.broadcast %add3A_1723 : i32 to vector<16xi32>
    %add3A_1725 = arith.addi %add3A_1724, %iota3A : vector<16xi32>
    %min3A_1726 = arith.constant 84 : i32
    %min3A_1727 = vector.broadcast %min3A_1726 : i32 to vector<16xi32>
    %min3A_1728 = arith.minsi %add3A_1725, %min3A_1727 : vector<16xi32>
    %add3A_1729 = arith.addi %mul3A_297, %min3A_1728 : vector<16xi32>
    %gather3A_1730 = tpu.vector_load_idx %arg7[%broadcast_in_dim3A_1710, %broadcast_in_dim3A_1634, %broadcast_in_dim3A_1634, %broadcast_in_dim3A_1634, %add3A_1729] : memref<8x1x1x1x255xf32, #tpu.memory_space<vmem>>[vector<16xi32>, vector<16xi32>, vector<16xi32>, vector<16xi32>, vector<16xi32>], vector<16xf32>,
    %swap3A_1731 = arith.constant 1 : i32
    %swap3A_1732 = arith.index_cast %swap3A_1731 : i32 to index
    %swap3A_1733 = arith.constant 16 : index
    %swap3A_1734 = tpu.vector_load %arg8[%swap3A_1732, %swap3A_1733] {strides = array<i32>} : memref<8x96xf32, #tpu.memory_space<vmem>>, vector<16xf32>,
    tpu.vector_store %arg8[%swap3A_1732, %swap3A_1733], %gather3A_1730 {strides = array<i32>} : memref<8x96xf32, #tpu.memory_space<vmem>>, vector<16xf32>,
    %add3A_1735 = arith.constant 32 : i32
    %add3A_1736 = vector.broadcast %add3A_1735 : i32 to vector<16xi32>
    %add3A_1737 = arith.addi %add3A_1736, %iota3A : vector<16xi32>
    %min3A_1738 = arith.constant 84 : i32
    %min3A_1739 = vector.broadcast %min3A_1738 : i32 to vector<16xi32>
    %min3A_1740 = arith.minsi %add3A_1737, %min3A_1739 : vector<16xi32>
    %add3A_1741 = arith.addi %mul3A_297, %min3A_1740 : vector<16xi32>
    %gather3A_1742 = tpu.vector_load_idx %arg7[%broadcast_in_dim3A_1710, %broadcast_in_dim3A_1634, %broadcast_in_dim3A_1634, %broadcast_in_dim3A_1634, %add3A_1741] : memref<8x1x1x1x255xf32, #tpu.memory_space<vmem>>[vector<16xi32>, vector<16xi32>, vector<16xi32>, vector<16xi32>, vector<16xi32>], vector<16xf32>,
    %swap3A_1743 = arith.constant 1 : i32
    %swap3A_1744 = arith.index_cast %swap3A_1743 : i32 to index
    %swap3A_1745 = arith.constant 32 : index
    %swap3A_1746 = tpu.vector_load %arg8[%swap3A_1744, %swap3A_1745] {strides = array<i32>} : memref<8x96xf32, #tpu.memory_space<vmem>>, vector<16xf32>,
    tpu.vector_store %arg8[%swap3A_1744, %swap3A_1745], %gather3A_1742 {strides = array<i32>} : memref<8x96xf32, #tpu.memory_space<vmem>>, vector<16xf32>,
    %add3A_1747 = arith.constant 48 : i32
    %add3A_1748 = vector.broadcast %add3A_1747 : i32 to vector<16xi32>
    %add3A_1749 = arith.addi %add3A_1748, %iota3A : vector<16xi32>
    %min3A_1750 = arith.constant 84 : i32
    %min3A_1751 = vector.broadcast %min3A_1750 : i32 to vector<16xi32>
    %min3A_1752 = arith.minsi %add3A_1749, %min3A_1751 : vector<16xi32>
    %add3A_1753 = arith.addi %mul3A_297, %min3A_1752 : vector<16xi32>
    %gather3A_1754 = tpu.vector_load_idx %arg7[%broadcast_in_dim3A_1710, %broadcast_in_dim3A_1634, %broadcast_in_dim3A_1634, %broadcast_in_dim3A_1634, %add3A_1753] : memref<8x1x1x1x255xf32, #tpu.memory_space<vmem>>[vector<16xi32>, vector<16xi32>, vector<16xi32>, vector<16xi32>, vector<16xi32>], vector<16xf32>,
    %swap3A_1755 = arith.constant 1 : i32
    %swap3A_1756 = arith.index_cast %swap3A_1755 : i32 to index
    %swap3A_1757 = arith.constant 48 : index
    %swap3A_1758 = tpu.vector_load %arg8[%swap3A_1756, %swap3A_1757] {strides = array<i32>} : memref<8x96xf32, #tpu.memory_space<vmem>>, vector<16xf32>,
    tpu.vector_store %arg8[%swap3A_1756, %swap3A_1757], %gather3A_1754 {strides = array<i32>} : memref<8x96xf32, #tpu.memory_space<vmem>>, vector<16xf32>,
    %add3A_1759 = arith.constant 64 : i32
    %add3A_1760 = vector.broadcast %add3A_1759 : i32 to vector<16xi32>
    %add3A_1761 = arith.addi %add3A_1760, %iota3A : vector<16xi32>
    %min3A_1762 = arith.constant 84 : i32
    %min3A_1763 = vector.broadcast %min3A_1762 : i32 to vector<16xi32>
    %min3A_1764 = arith.minsi %add3A_1761, %min3A_1763 : vector<16xi32>
    %add3A_1765 = arith.addi %mul3A_297, %min3A_1764 : vector<16xi32>
    %gather3A_1766 = tpu.vector_load_idx %arg7[%broadcast_in_dim3A_1710, %broadcast_in_dim3A_1634, %broadcast_in_dim3A_1634, %broadcast_in_dim3A_1634, %add3A_1765] : memref<8x1x1x1x255xf32, #tpu.memory_space<vmem>>[vector<16xi32>, vector<16xi32>, vector<16xi32>, vector<16xi32>, vector<16xi32>], vector<16xf32>,
    %swap3A_1767 = arith.constant 1 : i32
    %swap3A_1768 = arith.index_cast %swap3A_1767 : i32 to index
    %swap3A_1769 = arith.constant 64 : index
    %swap3A_1770 = tpu.vector_load %arg8[%swap3A_1768, %swap3A_1769] {strides = array<i32>} : memref<8x96xf32, #tpu.memory_space<vmem>>, vector<16xf32>,
    tpu.vector_store %arg8[%swap3A_1768, %swap3A_1769], %gather3A_1766 {strides = array<i32>} : memref<8x96xf32, #tpu.memory_space<vmem>>, vector<16xf32>,
    %add3A_1771 = arith.constant 80 : i32
    %add3A_1772 = vector.broadcast %add3A_1771 : i32 to vector<16xi32>
    %add3A_1773 = arith.addi %add3A_1772, %iota3A : vector<16xi32>
    %min3A_1774 = arith.constant 84 : i32
    %min3A_1775 = vector.broadcast %min3A_1774 : i32 to vector<16xi32>
    %min3A_1776 = arith.minsi %add3A_1773, %min3A_1775 : vector<16xi32>
    %add3A_1777 = arith.addi %mul3A_297, %min3A_1776 : vector<16xi32>
    %gather3A_1778 = tpu.vector_load_idx %arg7[%broadcast_in_dim3A_1710, %broadcast_in_dim3A_1634, %broadcast_in_dim3A_1634, %broadcast_in_dim3A_1634, %add3A_1777] : memref<8x1x1x1x255xf32, #tpu.memory_space<vmem>>[vector<16xi32>, vector<16xi32>, vector<16xi32>, vector<16xi32>, vector<16xi32>], vector<16xf32>,
    %swap3A_1779 = arith.constant 1 : i32
    %swap3A_1780 = arith.index_cast %swap3A_1779 : i32 to index
    %swap3A_1781 = arith.constant 80 : index
    %swap3A_1782 = tpu.vector_load %arg8[%swap3A_1780, %swap3A_1781] {strides = array<i32>} : memref<8x96xf32, #tpu.memory_space<vmem>>, vector<16xf32>,
    tpu.vector_store %arg8[%swap3A_1780, %swap3A_1781], %gather3A_1778 {strides = array<i32>} : memref<8x96xf32, #tpu.memory_space<vmem>>, vector<16xf32>,
    %broadcast_in_dim3A_1783 = arith.constant 2 : i32
    %broadcast_in_dim3A_1784 = vector.broadcast %broadcast_in_dim3A_1783 : i32 to vector<16xi32>
    %add3A_1785 = arith.constant 0 : i32
    %add3A_1786 = vector.broadcast %add3A_1785 : i32 to vector<16xi32>
    %add3A_1787 = arith.addi %add3A_1786, %iota3A : vector<16xi32>
    %min3A_1788 = arith.constant 84 : i32
    %min3A_1789 = vector.broadcast %min3A_1788 : i32 to vector<16xi32>
    %min3A_1790 = arith.minsi %add3A_1787, %min3A_1789 : vector<16xi32>
    %add3A_1791 = arith.addi %mul3A_451, %min3A_1790 : vector<16xi32>
    %gather3A_1792 = tpu.vector_load_idx %arg7[%broadcast_in_dim3A_1784, %broadcast_in_dim3A_1634, %broadcast_in_dim3A_1634, %broadcast_in_dim3A_1634, %add3A_1791] : memref<8x1x1x1x255xf32, #tpu.memory_space<vmem>>[vector<16xi32>, vector<16xi32>, vector<16xi32>, vector<16xi32>, vector<16xi32>], vector<16xf32>,
    %swap3A_1793 = arith.constant 2 : i32
    %swap3A_1794 = arith.index_cast %swap3A_1793 : i32 to index
    %swap3A_1795 = arith.constant 0 : index
    %swap3A_1796 = tpu.vector_load %arg8[%swap3A_1794, %swap3A_1795] {strides = array<i32>} : memref<8x96xf32, #tpu.memory_space<vmem>>, vector<16xf32>,
    tpu.vector_store %arg8[%swap3A_1794, %swap3A_1795], %gather3A_1792 {strides = array<i32>} : memref<8x96xf32, #tpu.memory_space<vmem>>, vector<16xf32>,
    %add3A_1797 = arith.constant 16 : i32
    %add3A_1798 = vector.broadcast %add3A_1797 : i32 to vector<16xi32>
    %add3A_1799 = arith.addi %add3A_1798, %iota3A : vector<16xi32>
    %min3A_1800 = arith.constant 84 : i32
    %min3A_1801 = vector.broadcast %min3A_1800 : i32 to vector<16xi32>
    %min3A_1802 = arith.minsi %add3A_1799, %min3A_1801 : vector<16xi32>
    %add3A_1803 = arith.addi %mul3A_451, %min3A_1802 : vector<16xi32>
    %gather3A_1804 = tpu.vector_load_idx %arg7[%broadcast_in_dim3A_1784, %broadcast_in_dim3A_1634, %broadcast_in_dim3A_1634, %broadcast_in_dim3A_1634, %add3A_1803] : memref<8x1x1x1x255xf32, #tpu.memory_space<vmem>>[vector<16xi32>, vector<16xi32>, vector<16xi32>, vector<16xi32>, vector<16xi32>], vector<16xf32>,
    %swap3A_1805 = arith.constant 2 : i32
    %swap3A_1806 = arith.index_cast %swap3A_1805 : i32 to index
    %swap3A_1807 = arith.constant 16 : index
    %swap3A_1808 = tpu.vector_load %arg8[%swap3A_1806, %swap3A_1807] {strides = array<i32>} : memref<8x96xf32, #tpu.memory_space<vmem>>, vector<16xf32>,
    tpu.vector_store %arg8[%swap3A_1806, %swap3A_1807], %gather3A_1804 {strides = array<i32>} : memref<8x96xf32, #tpu.memory_space<vmem>>, vector<16xf32>,
    %add3A_1809 = arith.constant 32 : i32
    %add3A_1810 = vector.broadcast %add3A_1809 : i32 to vector<16xi32>
    %add3A_1811 = arith.addi %add3A_1810, %iota3A : vector<16xi32>
    %min3A_1812 = arith.constant 84 : i32
    %min3A_1813 = vector.broadcast %min3A_1812 : i32 to vector<16xi32>
    %min3A_1814 = arith.minsi %add3A_1811, %min3A_1813 : vector<16xi32>
    %add3A_1815 = arith.addi %mul3A_451, %min3A_1814 : vector<16xi32>
    %gather3A_1816 = tpu.vector_load_idx %arg7[%broadcast_in_dim3A_1784, %broadcast_in_dim3A_1634, %broadcast_in_dim3A_1634, %broadcast_in_dim3A_1634, %add3A_1815] : memref<8x1x1x1x255xf32, #tpu.memory_space<vmem>>[vector<16xi32>, vector<16xi32>, vector<16xi32>, vector<16xi32>, vector<16xi32>], vector<16xf32>,
    %swap3A_1817 = arith.constant 2 : i32
    %swap3A_1818 = arith.index_cast %swap3A_1817 : i32 to index
    %swap3A_1819 = arith.constant 32 : index
    %swap3A_1820 = tpu.vector_load %arg8[%swap3A_1818, %swap3A_1819] {strides = array<i32>} : memref<8x96xf32, #tpu.memory_space<vmem>>, vector<16xf32>,
    tpu.vector_store %arg8[%swap3A_1818, %swap3A_1819], %gather3A_1816 {strides = array<i32>} : memref<8x96xf32, #tpu.memory_space<vmem>>, vector<16xf32>,
    %add3A_1821 = arith.constant 48 : i32
    %add3A_1822 = vector.broadcast %add3A_1821 : i32 to vector<16xi32>
    %add3A_1823 = arith.addi %add3A_1822, %iota3A : vector<16xi32>
    %min3A_1824 = arith.constant 84 : i32
    %min3A_1825 = vector.broadcast %min3A_1824 : i32 to vector<16xi32>
    %min3A_1826 = arith.minsi %add3A_1823, %min3A_1825 : vector<16xi32>
    %add3A_1827 = arith.addi %mul3A_451, %min3A_1826 : vector<16xi32>
    %gather3A_1828 = tpu.vector_load_idx %arg7[%broadcast_in_dim3A_1784, %broadcast_in_dim3A_1634, %broadcast_in_dim3A_1634, %broadcast_in_dim3A_1634, %add3A_1827] : memref<8x1x1x1x255xf32, #tpu.memory_space<vmem>>[vector<16xi32>, vector<16xi32>, vector<16xi32>, vector<16xi32>, vector<16xi32>], vector<16xf32>,
    %swap3A_1829 = arith.constant 2 : i32
    %swap3A_1830 = arith.index_cast %swap3A_1829 : i32 to index
    %swap3A_1831 = arith.constant 48 : index
    %swap3A_1832 = tpu.vector_load %arg8[%swap3A_1830, %swap3A_1831] {strides = array<i32>} : memref<8x96xf32, #tpu.memory_space<vmem>>, vector<16xf32>,
    tpu.vector_store %arg8[%swap3A_1830, %swap3A_1831], %gather3A_1828 {strides = array<i32>} : memref<8x96xf32, #tpu.memory_space<vmem>>, vector<16xf32>,
    %add3A_1833 = arith.constant 64 : i32
    %add3A_1834 = vector.broadcast %add3A_1833 : i32 to vector<16xi32>
    %add3A_1835 = arith.addi %add3A_1834, %iota3A : vector<16xi32>
    %min3A_1836 = arith.constant 84 : i32
    %min3A_1837 = vector.broadcast %min3A_1836 : i32 to vector<16xi32>
    %min3A_1838 = arith.minsi %add3A_1835, %min3A_1837 : vector<16xi32>
    %add3A_1839 = arith.addi %mul3A_451, %min3A_1838 : vector<16xi32>
    %gather3A_1840 = tpu.vector_load_idx %arg7[%broadcast_in_dim3A_1784, %broadcast_in_dim3A_1634, %broadcast_in_dim3A_1634, %broadcast_in_dim3A_1634, %add3A_1839] : memref<8x1x1x1x255xf32, #tpu.memory_space<vmem>>[vector<16xi32>, vector<16xi32>, vector<16xi32>, vector<16xi32>, vector<16xi32>], vector<16xf32>,
    %swap3A_1841 = arith.constant 2 : i32
    %swap3A_1842 = arith.index_cast %swap3A_1841 : i32 to index
    %swap3A_1843 = arith.constant 64 : index
    %swap3A_1844 = tpu.vector_load %arg8[%swap3A_1842, %swap3A_1843] {strides = array<i32>} : memref<8x96xf32, #tpu.memory_space<vmem>>, vector<16xf32>,
    tpu.vector_store %arg8[%swap3A_1842, %swap3A_1843], %gather3A_1840 {strides = array<i32>} : memref<8x96xf32, #tpu.memory_space<vmem>>, vector<16xf32>,
    %add3A_1845 = arith.constant 80 : i32
    %add3A_1846 = vector.broadcast %add3A_1845 : i32 to vector<16xi32>
    %add3A_1847 = arith.addi %add3A_1846, %iota3A : vector<16xi32>
    %min3A_1848 = arith.constant 84 : i32
    %min3A_1849 = vector.broadcast %min3A_1848 : i32 to vector<16xi32>
    %min3A_1850 = arith.minsi %add3A_1847, %min3A_1849 : vector<16xi32>
    %add3A_1851 = arith.addi %mul3A_451, %min3A_1850 : vector<16xi32>
    %gather3A_1852 = tpu.vector_load_idx %arg7[%broadcast_in_dim3A_1784, %broadcast_in_dim3A_1634, %broadcast_in_dim3A_1634, %broadcast_in_dim3A_1634, %add3A_1851] : memref<8x1x1x1x255xf32, #tpu.memory_space<vmem>>[vector<16xi32>, vector<16xi32>, vector<16xi32>, vector<16xi32>, vector<16xi32>], vector<16xf32>,
    %swap3A_1853 = arith.constant 2 : i32
    %swap3A_1854 = arith.index_cast %swap3A_1853 : i32 to index
    %swap3A_1855 = arith.constant 80 : index
    %swap3A_1856 = tpu.vector_load %arg8[%swap3A_1854, %swap3A_1855] {strides = array<i32>} : memref<8x96xf32, #tpu.memory_space<vmem>>, vector<16xf32>,
    tpu.vector_store %arg8[%swap3A_1854, %swap3A_1855], %gather3A_1852 {strides = array<i32>} : memref<8x96xf32, #tpu.memory_space<vmem>>, vector<16xf32>,
    %broadcast_in_dim3A_1857 = arith.constant 3 : i32
    %broadcast_in_dim3A_1858 = vector.broadcast %broadcast_in_dim3A_1857 : i32 to vector<16xi32>
    %add3A_1859 = arith.constant 0 : i32
    %add3A_1860 = vector.broadcast %add3A_1859 : i32 to vector<16xi32>
    %add3A_1861 = arith.addi %add3A_1860, %iota3A : vector<16xi32>
    %min3A_1862 = arith.constant 84 : i32
    %min3A_1863 = vector.broadcast %min3A_1862 : i32 to vector<16xi32>
    %min3A_1864 = arith.minsi %add3A_1861, %min3A_1863 : vector<16xi32>
    %add3A_1865 = arith.addi %mul3A_605, %min3A_1864 : vector<16xi32>
    %gather3A_1866 = tpu.vector_load_idx %arg7[%broadcast_in_dim3A_1858, %broadcast_in_dim3A_1634, %broadcast_in_dim3A_1634, %broadcast_in_dim3A_1634, %add3A_1865] : memref<8x1x1x1x255xf32, #tpu.memory_space<vmem>>[vector<16xi32>, vector<16xi32>, vector<16xi32>, vector<16xi32>, vector<16xi32>], vector<16xf32>,
    %swap3A_1867 = arith.constant 3 : i32
    %swap3A_1868 = arith.index_cast %swap3A_1867 : i32 to index
    %swap3A_1869 = arith.constant 0 : index
    %swap3A_1870 = tpu.vector_load %arg8[%swap3A_1868, %swap3A_1869] {strides = array<i32>} : memref<8x96xf32, #tpu.memory_space<vmem>>, vector<16xf32>,
    tpu.vector_store %arg8[%swap3A_1868, %swap3A_1869], %gather3A_1866 {strides = array<i32>} : memref<8x96xf32, #tpu.memory_space<vmem>>, vector<16xf32>,
    %add3A_1871 = arith.constant 16 : i32
    %add3A_1872 = vector.broadcast %add3A_1871 : i32 to vector<16xi32>
    %add3A_1873 = arith.addi %add3A_1872, %iota3A : vector<16xi32>
    %min3A_1874 = arith.constant 84 : i32
    %min3A_1875 = vector.broadcast %min3A_1874 : i32 to vector<16xi32>
    %min3A_1876 = arith.minsi %add3A_1873, %min3A_1875 : vector<16xi32>
    %add3A_1877 = arith.addi %mul3A_605, %min3A_1876 : vector<16xi32>
    %gather3A_1878 = tpu.vector_load_idx %arg7[%broadcast_in_dim3A_1858, %broadcast_in_dim3A_1634, %broadcast_in_dim3A_1634, %broadcast_in_dim3A_1634, %add3A_1877] : memref<8x1x1x1x255xf32, #tpu.memory_space<vmem>>[vector<16xi32>, vector<16xi32>, vector<16xi32>, vector<16xi32>, vector<16xi32>], vector<16xf32>,
    %swap3A_1879 = arith.constant 3 : i32
    %swap3A_1880 = arith.index_cast %swap3A_1879 : i32 to index
    %swap3A_1881 = arith.constant 16 : index
    %swap3A_1882 = tpu.vector_load %arg8[%swap3A_1880, %swap3A_1881] {strides = array<i32>} : memref<8x96xf32, #tpu.memory_space<vmem>>, vector<16xf32>,
    tpu.vector_store %arg8[%swap3A_1880, %swap3A_1881], %gather3A_1878 {strides = array<i32>} : memref<8x96xf32, #tpu.memory_space<vmem>>, vector<16xf32>,
    %add3A_1883 = arith.constant 32 : i32
    %add3A_1884 = vector.broadcast %add3A_1883 : i32 to vector<16xi32>
    %add3A_1885 = arith.addi %add3A_1884, %iota3A : vector<16xi32>
    %min3A_1886 = arith.constant 84 : i32
    %min3A_1887 = vector.broadcast %min3A_1886 : i32 to vector<16xi32>
    %min3A_1888 = arith.minsi %add3A_1885, %min3A_1887 : vector<16xi32>
    %add3A_1889 = arith.addi %mul3A_605, %min3A_1888 : vector<16xi32>
    %gather3A_1890 = tpu.vector_load_idx %arg7[%broadcast_in_dim3A_1858, %broadcast_in_dim3A_1634, %broadcast_in_dim3A_1634, %broadcast_in_dim3A_1634, %add3A_1889] : memref<8x1x1x1x255xf32, #tpu.memory_space<vmem>>[vector<16xi32>, vector<16xi32>, vector<16xi32>, vector<16xi32>, vector<16xi32>], vector<16xf32>,
    %swap3A_1891 = arith.constant 3 : i32
    %swap3A_1892 = arith.index_cast %swap3A_1891 : i32 to index
    %swap3A_1893 = arith.constant 32 : index
    %swap3A_1894 = tpu.vector_load %arg8[%swap3A_1892, %swap3A_1893] {strides = array<i32>} : memref<8x96xf32, #tpu.memory_space<vmem>>, vector<16xf32>,
    tpu.vector_store %arg8[%swap3A_1892, %swap3A_1893], %gather3A_1890 {strides = array<i32>} : memref<8x96xf32, #tpu.memory_space<vmem>>, vector<16xf32>,
    %add3A_1895 = arith.constant 48 : i32
    %add3A_1896 = vector.broadcast %add3A_1895 : i32 to vector<16xi32>
    %add3A_1897 = arith.addi %add3A_1896, %iota3A : vector<16xi32>
    %min3A_1898 = arith.constant 84 : i32
    %min3A_1899 = vector.broadcast %min3A_1898 : i32 to vector<16xi32>
    %min3A_1900 = arith.minsi %add3A_1897, %min3A_1899 : vector<16xi32>
    %add3A_1901 = arith.addi %mul3A_605, %min3A_1900 : vector<16xi32>
    %gather3A_1902 = tpu.vector_load_idx %arg7[%broadcast_in_dim3A_1858, %broadcast_in_dim3A_1634, %broadcast_in_dim3A_1634, %broadcast_in_dim3A_1634, %add3A_1901] : memref<8x1x1x1x255xf32, #tpu.memory_space<vmem>>[vector<16xi32>, vector<16xi32>, vector<16xi32>, vector<16xi32>, vector<16xi32>], vector<16xf32>,
    %swap3A_1903 = arith.constant 3 : i32
    %swap3A_1904 = arith.index_cast %swap3A_1903 : i32 to index
    %swap3A_1905 = arith.constant 48 : index
    %swap3A_1906 = tpu.vector_load %arg8[%swap3A_1904, %swap3A_1905] {strides = array<i32>} : memref<8x96xf32, #tpu.memory_space<vmem>>, vector<16xf32>,
    tpu.vector_store %arg8[%swap3A_1904, %swap3A_1905], %gather3A_1902 {strides = array<i32>} : memref<8x96xf32, #tpu.memory_space<vmem>>, vector<16xf32>,
    %add3A_1907 = arith.constant 64 : i32
    %add3A_1908 = vector.broadcast %add3A_1907 : i32 to vector<16xi32>
    %add3A_1909 = arith.addi %add3A_1908, %iota3A : vector<16xi32>
    %min3A_1910 = arith.constant 84 : i32
    %min3A_1911 = vector.broadcast %min3A_1910 : i32 to vector<16xi32>
    %min3A_1912 = arith.minsi %add3A_1909, %min3A_1911 : vector<16xi32>
    %add3A_1913 = arith.addi %mul3A_605, %min3A_1912 : vector<16xi32>
    %gather3A_1914 = tpu.vector_load_idx %arg7[%broadcast_in_dim3A_1858, %broadcast_in_dim3A_1634, %broadcast_in_dim3A_1634, %broadcast_in_dim3A_1634, %add3A_1913] : memref<8x1x1x1x255xf32, #tpu.memory_space<vmem>>[vector<16xi32>, vector<16xi32>, vector<16xi32>, vector<16xi32>, vector<16xi32>], vector<16xf32>,
    %swap3A_1915 = arith.constant 3 : i32
    %swap3A_1916 = arith.index_cast %swap3A_1915 : i32 to index
    %swap3A_1917 = arith.constant 64 : index
    %swap3A_1918 = tpu.vector_load %arg8[%swap3A_1916, %swap3A_1917] {strides = array<i32>} : memref<8x96xf32, #tpu.memory_space<vmem>>, vector<16xf32>,
    tpu.vector_store %arg8[%swap3A_1916, %swap3A_1917], %gather3A_1914 {strides = array<i32>} : memref<8x96xf32, #tpu.memory_space<vmem>>, vector<16xf32>,
    %add3A_1919 = arith.constant 80 : i32
    %add3A_1920 = vector.broadcast %add3A_1919 : i32 to vector<16xi32>
    %add3A_1921 = arith.addi %add3A_1920, %iota3A : vector<16xi32>
    %min3A_1922 = arith.constant 84 : i32
    %min3A_1923 = vector.broadcast %min3A_1922 : i32 to vector<16xi32>
    %min3A_1924 = arith.minsi %add3A_1921, %min3A_1923 : vector<16xi32>
    %add3A_1925 = arith.addi %mul3A_605, %min3A_1924 : vector<16xi32>
    %gather3A_1926 = tpu.vector_load_idx %arg7[%broadcast_in_dim3A_1858, %broadcast_in_dim3A_1634, %broadcast_in_dim3A_1634, %broadcast_in_dim3A_1634, %add3A_1925] : memref<8x1x1x1x255xf32, #tpu.memory_space<vmem>>[vector<16xi32>, vector<16xi32>, vector<16xi32>, vector<16xi32>, vector<16xi32>], vector<16xf32>,
    %swap3A_1927 = arith.constant 3 : i32
    %swap3A_1928 = arith.index_cast %swap3A_1927 : i32 to index
    %swap3A_1929 = arith.constant 80 : index
    %swap3A_1930 = tpu.vector_load %arg8[%swap3A_1928, %swap3A_1929] {strides = array<i32>} : memref<8x96xf32, #tpu.memory_space<vmem>>, vector<16xf32>,
    tpu.vector_store %arg8[%swap3A_1928, %swap3A_1929], %gather3A_1926 {strides = array<i32>} : memref<8x96xf32, #tpu.memory_space<vmem>>, vector<16xf32>,
    %broadcast_in_dim3A_1931 = arith.constant 4 : i32
    %broadcast_in_dim3A_1932 = vector.broadcast %broadcast_in_dim3A_1931 : i32 to vector<16xi32>
    %add3A_1933 = arith.constant 0 : i32
    %add3A_1934 = vector.broadcast %add3A_1933 : i32 to vector<16xi32>
    %add3A_1935 = arith.addi %add3A_1934, %iota3A : vector<16xi32>
    %min3A_1936 = arith.constant 84 : i32
    %min3A_1937 = vector.broadcast %min3A_1936 : i32 to vector<16xi32>
    %min3A_1938 = arith.minsi %add3A_1935, %min3A_1937 : vector<16xi32>
    %add3A_1939 = arith.addi %mul3A_759, %min3A_1938 : vector<16xi32>
    %gather3A_1940 = tpu.vector_load_idx %arg7[%broadcast_in_dim3A_1932, %broadcast_in_dim3A_1634, %broadcast_in_dim3A_1634, %broadcast_in_dim3A_1634, %add3A_1939] : memref<8x1x1x1x255xf32, #tpu.memory_space<vmem>>[vector<16xi32>, vector<16xi32>, vector<16xi32>, vector<16xi32>, vector<16xi32>], vector<16xf32>,
    %swap3A_1941 = arith.constant 4 : i32
    %swap3A_1942 = arith.index_cast %swap3A_1941 : i32 to index
    %swap3A_1943 = arith.constant 0 : index
    %swap3A_1944 = tpu.vector_load %arg8[%swap3A_1942, %swap3A_1943] {strides = array<i32>} : memref<8x96xf32, #tpu.memory_space<vmem>>, vector<16xf32>,
    tpu.vector_store %arg8[%swap3A_1942, %swap3A_1943], %gather3A_1940 {strides = array<i32>} : memref<8x96xf32, #tpu.memory_space<vmem>>, vector<16xf32>,
    %add3A_1945 = arith.constant 16 : i32
    %add3A_1946 = vector.broadcast %add3A_1945 : i32 to vector<16xi32>
    %add3A_1947 = arith.addi %add3A_1946, %iota3A : vector<16xi32>
    %min3A_1948 = arith.constant 84 : i32
    %min3A_1949 = vector.broadcast %min3A_1948 : i32 to vector<16xi32>
    %min3A_1950 = arith.minsi %add3A_1947, %min3A_1949 : vector<16xi32>
    %add3A_1951 = arith.addi %mul3A_759, %min3A_1950 : vector<16xi32>
    %gather3A_1952 = tpu.vector_load_idx %arg7[%broadcast_in_dim3A_1932, %broadcast_in_dim3A_1634, %broadcast_in_dim3A_1634, %broadcast_in_dim3A_1634, %add3A_1951] : memref<8x1x1x1x255xf32, #tpu.memory_space<vmem>>[vector<16xi32>, vector<16xi32>, vector<16xi32>, vector<16xi32>, vector<16xi32>], vector<16xf32>,
    %swap3A_1953 = arith.constant 4 : i32
    %swap3A_1954 = arith.index_cast %swap3A_1953 : i32 to index
    %swap3A_1955 = arith.constant 16 : index
    %swap3A_1956 = tpu.vector_load %arg8[%swap3A_1954, %swap3A_1955] {strides = array<i32>} : memref<8x96xf32, #tpu.memory_space<vmem>>, vector<16xf32>,
    tpu.vector_store %arg8[%swap3A_1954, %swap3A_1955], %gather3A_1952 {strides = array<i32>} : memref<8x96xf32, #tpu.memory_space<vmem>>, vector<16xf32>,
    %add3A_1957 = arith.constant 32 : i32
    %add3A_1958 = vector.broadcast %add3A_1957 : i32 to vector<16xi32>
    %add3A_1959 = arith.addi %add3A_1958, %iota3A : vector<16xi32>
    %min3A_1960 = arith.constant 84 : i32
    %min3A_1961 = vector.broadcast %min3A_1960 : i32 to vector<16xi32>
    %min3A_1962 = arith.minsi %add3A_1959, %min3A_1961 : vector<16xi32>
    %add3A_1963 = arith.addi %mul3A_759, %min3A_1962 : vector<16xi32>
    %gather3A_1964 = tpu.vector_load_idx %arg7[%broadcast_in_dim3A_1932, %broadcast_in_dim3A_1634, %broadcast_in_dim3A_1634, %broadcast_in_dim3A_1634, %add3A_1963] : memref<8x1x1x1x255xf32, #tpu.memory_space<vmem>>[vector<16xi32>, vector<16xi32>, vector<16xi32>, vector<16xi32>, vector<16xi32>], vector<16xf32>,
    %swap3A_1965 = arith.constant 4 : i32
    %swap3A_1966 = arith.index_cast %swap3A_1965 : i32 to index
    %swap3A_1967 = arith.constant 32 : index
    %swap3A_1968 = tpu.vector_load %arg8[%swap3A_1966, %swap3A_1967] {strides = array<i32>} : memref<8x96xf32, #tpu.memory_space<vmem>>, vector<16xf32>,
    tpu.vector_store %arg8[%swap3A_1966, %swap3A_1967], %gather3A_1964 {strides = array<i32>} : memref<8x96xf32, #tpu.memory_space<vmem>>, vector<16xf32>,
    %add3A_1969 = arith.constant 48 : i32
    %add3A_1970 = vector.broadcast %add3A_1969 : i32 to vector<16xi32>
    %add3A_1971 = arith.addi %add3A_1970, %iota3A : vector<16xi32>
    %min3A_1972 = arith.constant 84 : i32
    %min3A_1973 = vector.broadcast %min3A_1972 : i32 to vector<16xi32>
    %min3A_1974 = arith.minsi %add3A_1971, %min3A_1973 : vector<16xi32>
    %add3A_1975 = arith.addi %mul3A_759, %min3A_1974 : vector<16xi32>
    %gather3A_1976 = tpu.vector_load_idx %arg7[%broadcast_in_dim3A_1932, %broadcast_in_dim3A_1634, %broadcast_in_dim3A_1634, %broadcast_in_dim3A_1634, %add3A_1975] : memref<8x1x1x1x255xf32, #tpu.memory_space<vmem>>[vector<16xi32>, vector<16xi32>, vector<16xi32>, vector<16xi32>, vector<16xi32>], vector<16xf32>,
    %swap3A_1977 = arith.constant 4 : i32
    %swap3A_1978 = arith.index_cast %swap3A_1977 : i32 to index
    %swap3A_1979 = arith.constant 48 : index
    %swap3A_1980 = tpu.vector_load %arg8[%swap3A_1978, %swap3A_1979] {strides = array<i32>} : memref<8x96xf32, #tpu.memory_space<vmem>>, vector<16xf32>,
    tpu.vector_store %arg8[%swap3A_1978, %swap3A_1979], %gather3A_1976 {strides = array<i32>} : memref<8x96xf32, #tpu.memory_space<vmem>>, vector<16xf32>,
    %add3A_1981 = arith.constant 64 : i32
    %add3A_1982 = vector.broadcast %add3A_1981 : i32 to vector<16xi32>
    %add3A_1983 = arith.addi %add3A_1982, %iota3A : vector<16xi32>
    %min3A_1984 = arith.constant 84 : i32
    %min3A_1985 = vector.broadcast %min3A_1984 : i32 to vector<16xi32>
    %min3A_1986 = arith.minsi %add3A_1983, %min3A_1985 : vector<16xi32>
    %add3A_1987 = arith.addi %mul3A_759, %min3A_1986 : vector<16xi32>
    %gather3A_1988 = tpu.vector_load_idx %arg7[%broadcast_in_dim3A_1932, %broadcast_in_dim3A_1634, %broadcast_in_dim3A_1634, %broadcast_in_dim3A_1634, %add3A_1987] : memref<8x1x1x1x255xf32, #tpu.memory_space<vmem>>[vector<16xi32>, vector<16xi32>, vector<16xi32>, vector<16xi32>, vector<16xi32>], vector<16xf32>,
    %swap3A_1989 = arith.constant 4 : i32
    %swap3A_1990 = arith.index_cast %swap3A_1989 : i32 to index
    %swap3A_1991 = arith.constant 64 : index
    %swap3A_1992 = tpu.vector_load %arg8[%swap3A_1990, %swap3A_1991] {strides = array<i32>} : memref<8x96xf32, #tpu.memory_space<vmem>>, vector<16xf32>,
    tpu.vector_store %arg8[%swap3A_1990, %swap3A_1991], %gather3A_1988 {strides = array<i32>} : memref<8x96xf32, #tpu.memory_space<vmem>>, vector<16xf32>,
    %add3A_1993 = arith.constant 80 : i32
    %add3A_1994 = vector.broadcast %add3A_1993 : i32 to vector<16xi32>
    %add3A_1995 = arith.addi %add3A_1994, %iota3A : vector<16xi32>
    %min3A_1996 = arith.constant 84 : i32
    %min3A_1997 = vector.broadcast %min3A_1996 : i32 to vector<16xi32>
    %min3A_1998 = arith.minsi %add3A_1995, %min3A_1997 : vector<16xi32>
    %add3A_1999 = arith.addi %mul3A_759, %min3A_1998 : vector<16xi32>
    %gather3A_2000 = tpu.vector_load_idx %arg7[%broadcast_in_dim3A_1932, %broadcast_in_dim3A_1634, %broadcast_in_dim3A_1634, %broadcast_in_dim3A_1634, %add3A_1999] : memref<8x1x1x1x255xf32, #tpu.memory_space<vmem>>[vector<16xi32>, vector<16xi32>, vector<16xi32>, vector<16xi32>, vector<16xi32>], vector<16xf32>,
    %swap3A_2001 = arith.constant 4 : i32
    %swap3A_2002 = arith.index_cast %swap3A_2001 : i32 to index
    %swap3A_2003 = arith.constant 80 : index
    %swap3A_2004 = tpu.vector_load %arg8[%swap3A_2002, %swap3A_2003] {strides = array<i32>} : memref<8x96xf32, #tpu.memory_space<vmem>>, vector<16xf32>,
    tpu.vector_store %arg8[%swap3A_2002, %swap3A_2003], %gather3A_2000 {strides = array<i32>} : memref<8x96xf32, #tpu.memory_space<vmem>>, vector<16xf32>,
    %broadcast_in_dim3A_2005 = arith.constant 5 : i32
    %broadcast_in_dim3A_2006 = vector.broadcast %broadcast_in_dim3A_2005 : i32 to vector<16xi32>
    %add3A_2007 = arith.constant 0 : i32
    %add3A_2008 = vector.broadcast %add3A_2007 : i32 to vector<16xi32>
    %add3A_2009 = arith.addi %add3A_2008, %iota3A : vector<16xi32>
    %min3A_2010 = arith.constant 84 : i32
    %min3A_2011 = vector.broadcast %min3A_2010 : i32 to vector<16xi32>
    %min3A_2012 = arith.minsi %add3A_2009, %min3A_2011 : vector<16xi32>
    %add3A_2013 = arith.addi %mul3A_913, %min3A_2012 : vector<16xi32>
    %gather3A_2014 = tpu.vector_load_idx %arg7[%broadcast_in_dim3A_2006, %broadcast_in_dim3A_1634, %broadcast_in_dim3A_1634, %broadcast_in_dim3A_1634, %add3A_2013] : memref<8x1x1x1x255xf32, #tpu.memory_space<vmem>>[vector<16xi32>, vector<16xi32>, vector<16xi32>, vector<16xi32>, vector<16xi32>], vector<16xf32>,
    %swap3A_2015 = arith.constant 5 : i32
    %swap3A_2016 = arith.index_cast %swap3A_2015 : i32 to index
    %swap3A_2017 = arith.constant 0 : index
    %swap3A_2018 = tpu.vector_load %arg8[%swap3A_2016, %swap3A_2017] {strides = array<i32>} : memref<8x96xf32, #tpu.memory_space<vmem>>, vector<16xf32>,
    tpu.vector_store %arg8[%swap3A_2016, %swap3A_2017], %gather3A_2014 {strides = array<i32>} : memref<8x96xf32, #tpu.memory_space<vmem>>, vector<16xf32>,
    %add3A_2019 = arith.constant 16 : i32
    %add3A_2020 = vector.broadcast %add3A_2019 : i32 to vector<16xi32>
    %add3A_2021 = arith.addi %add3A_2020, %iota3A : vector<16xi32>
    %min3A_2022 = arith.constant 84 : i32
    %min3A_2023 = vector.broadcast %min3A_2022 : i32 to vector<16xi32>
    %min3A_2024 = arith.minsi %add3A_2021, %min3A_2023 : vector<16xi32>
    %add3A_2025 = arith.addi %mul3A_913, %min3A_2024 : vector<16xi32>
    %gather3A_2026 = tpu.vector_load_idx %arg7[%broadcast_in_dim3A_2006, %broadcast_in_dim3A_1634, %broadcast_in_dim3A_1634, %broadcast_in_dim3A_1634, %add3A_2025] : memref<8x1x1x1x255xf32, #tpu.memory_space<vmem>>[vector<16xi32>, vector<16xi32>, vector<16xi32>, vector<16xi32>, vector<16xi32>], vector<16xf32>,
    %swap3A_2027 = arith.constant 5 : i32
    %swap3A_2028 = arith.index_cast %swap3A_2027 : i32 to index
    %swap3A_2029 = arith.constant 16 : index
    %swap3A_2030 = tpu.vector_load %arg8[%swap3A_2028, %swap3A_2029] {strides = array<i32>} : memref<8x96xf32, #tpu.memory_space<vmem>>, vector<16xf32>,
    tpu.vector_store %arg8[%swap3A_2028, %swap3A_2029], %gather3A_2026 {strides = array<i32>} : memref<8x96xf32, #tpu.memory_space<vmem>>, vector<16xf32>,
    %add3A_2031 = arith.constant 32 : i32
    %add3A_2032 = vector.broadcast %add3A_2031 : i32 to vector<16xi32>
    %add3A_2033 = arith.addi %add3A_2032, %iota3A : vector<16xi32>
    %min3A_2034 = arith.constant 84 : i32
    %min3A_2035 = vector.broadcast %min3A_2034 : i32 to vector<16xi32>
    %min3A_2036 = arith.minsi %add3A_2033, %min3A_2035 : vector<16xi32>
    %add3A_2037 = arith.addi %mul3A_913, %min3A_2036 : vector<16xi32>
    %gather3A_2038 = tpu.vector_load_idx %arg7[%broadcast_in_dim3A_2006, %broadcast_in_dim3A_1634, %broadcast_in_dim3A_1634, %broadcast_in_dim3A_1634, %add3A_2037] : memref<8x1x1x1x255xf32, #tpu.memory_space<vmem>>[vector<16xi32>, vector<16xi32>, vector<16xi32>, vector<16xi32>, vector<16xi32>], vector<16xf32>,
    %swap3A_2039 = arith.constant 5 : i32
    %swap3A_2040 = arith.index_cast %swap3A_2039 : i32 to index
    %swap3A_2041 = arith.constant 32 : index
    %swap3A_2042 = tpu.vector_load %arg8[%swap3A_2040, %swap3A_2041] {strides = array<i32>} : memref<8x96xf32, #tpu.memory_space<vmem>>, vector<16xf32>,
    tpu.vector_store %arg8[%swap3A_2040, %swap3A_2041], %gather3A_2038 {strides = array<i32>} : memref<8x96xf32, #tpu.memory_space<vmem>>, vector<16xf32>,
    %add3A_2043 = arith.constant 48 : i32
    %add3A_2044 = vector.broadcast %add3A_2043 : i32 to vector<16xi32>
    %add3A_2045 = arith.addi %add3A_2044, %iota3A : vector<16xi32>
    %min3A_2046 = arith.constant 84 : i32
    %min3A_2047 = vector.broadcast %min3A_2046 : i32 to vector<16xi32>
    %min3A_2048 = arith.minsi %add3A_2045, %min3A_2047 : vector<16xi32>
    %add3A_2049 = arith.addi %mul3A_913, %min3A_2048 : vector<16xi32>
    %gather3A_2050 = tpu.vector_load_idx %arg7[%broadcast_in_dim3A_2006, %broadcast_in_dim3A_1634, %broadcast_in_dim3A_1634, %broadcast_in_dim3A_1634, %add3A_2049] : memref<8x1x1x1x255xf32, #tpu.memory_space<vmem>>[vector<16xi32>, vector<16xi32>, vector<16xi32>, vector<16xi32>, vector<16xi32>], vector<16xf32>,
    %swap3A_2051 = arith.constant 5 : i32
    %swap3A_2052 = arith.index_cast %swap3A_2051 : i32 to index
    %swap3A_2053 = arith.constant 48 : index
    %swap3A_2054 = tpu.vector_load %arg8[%swap3A_2052, %swap3A_2053] {strides = array<i32>} : memref<8x96xf32, #tpu.memory_space<vmem>>, vector<16xf32>,
    tpu.vector_store %arg8[%swap3A_2052, %swap3A_2053], %gather3A_2050 {strides = array<i32>} : memref<8x96xf32, #tpu.memory_space<vmem>>, vector<16xf32>,
    %add3A_2055 = arith.constant 64 : i32
    %add3A_2056 = vector.broadcast %add3A_2055 : i32 to vector<16xi32>
    %add3A_2057 = arith.addi %add3A_2056, %iota3A : vector<16xi32>
    %min3A_2058 = arith.constant 84 : i32
    %min3A_2059 = vector.broadcast %min3A_2058 : i32 to vector<16xi32>
    %min3A_2060 = arith.minsi %add3A_2057, %min3A_2059 : vector<16xi32>
    %add3A_2061 = arith.addi %mul3A_913, %min3A_2060 : vector<16xi32>
    %gather3A_2062 = tpu.vector_load_idx %arg7[%broadcast_in_dim3A_2006, %broadcast_in_dim3A_1634, %broadcast_in_dim3A_1634, %broadcast_in_dim3A_1634, %add3A_2061] : memref<8x1x1x1x255xf32, #tpu.memory_space<vmem>>[vector<16xi32>, vector<16xi32>, vector<16xi32>, vector<16xi32>, vector<16xi32>], vector<16xf32>,
    %swap3A_2063 = arith.constant 5 : i32
    %swap3A_2064 = arith.index_cast %swap3A_2063 : i32 to index
    %swap3A_2065 = arith.constant 64 : index
    %swap3A_2066 = tpu.vector_load %arg8[%swap3A_2064, %swap3A_2065] {strides = array<i32>} : memref<8x96xf32, #tpu.memory_space<vmem>>, vector<16xf32>,
    tpu.vector_store %arg8[%swap3A_2064, %swap3A_2065], %gather3A_2062 {strides = array<i32>} : memref<8x96xf32, #tpu.memory_space<vmem>>, vector<16xf32>,
    %add3A_2067 = arith.constant 80 : i32
    %add3A_2068 = vector.broadcast %add3A_2067 : i32 to vector<16xi32>
    %add3A_2069 = arith.addi %add3A_2068, %iota3A : vector<16xi32>
    %min3A_2070 = arith.constant 84 : i32
    %min3A_2071 = vector.broadcast %min3A_2070 : i32 to vector<16xi32>
    %min3A_2072 = arith.minsi %add3A_2069, %min3A_2071 : vector<16xi32>
    %add3A_2073 = arith.addi %mul3A_913, %min3A_2072 : vector<16xi32>
    %gather3A_2074 = tpu.vector_load_idx %arg7[%broadcast_in_dim3A_2006, %broadcast_in_dim3A_1634, %broadcast_in_dim3A_1634, %broadcast_in_dim3A_1634, %add3A_2073] : memref<8x1x1x1x255xf32, #tpu.memory_space<vmem>>[vector<16xi32>, vector<16xi32>, vector<16xi32>, vector<16xi32>, vector<16xi32>], vector<16xf32>,
    %swap3A_2075 = arith.constant 5 : i32
    %swap3A_2076 = arith.index_cast %swap3A_2075 : i32 to index
    %swap3A_2077 = arith.constant 80 : index
    %swap3A_2078 = tpu.vector_load %arg8[%swap3A_2076, %swap3A_2077] {strides = array<i32>} : memref<8x96xf32, #tpu.memory_space<vmem>>, vector<16xf32>,
    tpu.vector_store %arg8[%swap3A_2076, %swap3A_2077], %gather3A_2074 {strides = array<i32>} : memref<8x96xf32, #tpu.memory_space<vmem>>, vector<16xf32>,
    %broadcast_in_dim3A_2079 = arith.constant 6 : i32
    %broadcast_in_dim3A_2080 = vector.broadcast %broadcast_in_dim3A_2079 : i32 to vector<16xi32>
    %add3A_2081 = arith.constant 0 : i32
    %add3A_2082 = vector.broadcast %add3A_2081 : i32 to vector<16xi32>
    %add3A_2083 = arith.addi %add3A_2082, %iota3A : vector<16xi32>
    %min3A_2084 = arith.constant 84 : i32
    %min3A_2085 = vector.broadcast %min3A_2084 : i32 to vector<16xi32>
    %min3A_2086 = arith.minsi %add3A_2083, %min3A_2085 : vector<16xi32>
    %add3A_2087 = arith.addi %mul3A_1067, %min3A_2086 : vector<16xi32>
    %gather3A_2088 = tpu.vector_load_idx %arg7[%broadcast_in_dim3A_2080, %broadcast_in_dim3A_1634, %broadcast_in_dim3A_1634, %broadcast_in_dim3A_1634, %add3A_2087] : memref<8x1x1x1x255xf32, #tpu.memory_space<vmem>>[vector<16xi32>, vector<16xi32>, vector<16xi32>, vector<16xi32>, vector<16xi32>], vector<16xf32>,
    %swap3A_2089 = arith.constant 6 : i32
    %swap3A_2090 = arith.index_cast %swap3A_2089 : i32 to index
    %swap3A_2091 = arith.constant 0 : index
    %swap3A_2092 = tpu.vector_load %arg8[%swap3A_2090, %swap3A_2091] {strides = array<i32>} : memref<8x96xf32, #tpu.memory_space<vmem>>, vector<16xf32>,
    tpu.vector_store %arg8[%swap3A_2090, %swap3A_2091], %gather3A_2088 {strides = array<i32>} : memref<8x96xf32, #tpu.memory_space<vmem>>, vector<16xf32>,
    %add3A_2093 = arith.constant 16 : i32
    %add3A_2094 = vector.broadcast %add3A_2093 : i32 to vector<16xi32>
    %add3A_2095 = arith.addi %add3A_2094, %iota3A : vector<16xi32>
    %min3A_2096 = arith.constant 84 : i32
    %min3A_2097 = vector.broadcast %min3A_2096 : i32 to vector<16xi32>
    %min3A_2098 = arith.minsi %add3A_2095, %min3A_2097 : vector<16xi32>
    %add3A_2099 = arith.addi %mul3A_1067, %min3A_2098 : vector<16xi32>
    %gather3A_2100 = tpu.vector_load_idx %arg7[%broadcast_in_dim3A_2080, %broadcast_in_dim3A_1634, %broadcast_in_dim3A_1634, %broadcast_in_dim3A_1634, %add3A_2099] : memref<8x1x1x1x255xf32, #tpu.memory_space<vmem>>[vector<16xi32>, vector<16xi32>, vector<16xi32>, vector<16xi32>, vector<16xi32>], vector<16xf32>,
    %swap3A_2101 = arith.constant 6 : i32
    %swap3A_2102 = arith.index_cast %swap3A_2101 : i32 to index
    %swap3A_2103 = arith.constant 16 : index
    %swap3A_2104 = tpu.vector_load %arg8[%swap3A_2102, %swap3A_2103] {strides = array<i32>} : memref<8x96xf32, #tpu.memory_space<vmem>>, vector<16xf32>,
    tpu.vector_store %arg8[%swap3A_2102, %swap3A_2103], %gather3A_2100 {strides = array<i32>} : memref<8x96xf32, #tpu.memory_space<vmem>>, vector<16xf32>,
    %add3A_2105 = arith.constant 32 : i32
    %add3A_2106 = vector.broadcast %add3A_2105 : i32 to vector<16xi32>
    %add3A_2107 = arith.addi %add3A_2106, %iota3A : vector<16xi32>
    %min3A_2108 = arith.constant 84 : i32
    %min3A_2109 = vector.broadcast %min3A_2108 : i32 to vector<16xi32>
    %min3A_2110 = arith.minsi %add3A_2107, %min3A_2109 : vector<16xi32>
    %add3A_2111 = arith.addi %mul3A_1067, %min3A_2110 : vector<16xi32>
    %gather3A_2112 = tpu.vector_load_idx %arg7[%broadcast_in_dim3A_2080, %broadcast_in_dim3A_1634, %broadcast_in_dim3A_1634, %broadcast_in_dim3A_1634, %add3A_2111] : memref<8x1x1x1x255xf32, #tpu.memory_space<vmem>>[vector<16xi32>, vector<16xi32>, vector<16xi32>, vector<16xi32>, vector<16xi32>], vector<16xf32>,
    %swap3A_2113 = arith.constant 6 : i32
    %swap3A_2114 = arith.index_cast %swap3A_2113 : i32 to index
    %swap3A_2115 = arith.constant 32 : index
    %swap3A_2116 = tpu.vector_load %arg8[%swap3A_2114, %swap3A_2115] {strides = array<i32>} : memref<8x96xf32, #tpu.memory_space<vmem>>, vector<16xf32>,
    tpu.vector_store %arg8[%swap3A_2114, %swap3A_2115], %gather3A_2112 {strides = array<i32>} : memref<8x96xf32, #tpu.memory_space<vmem>>, vector<16xf32>,
    %add3A_2117 = arith.constant 48 : i32
    %add3A_2118 = vector.broadcast %add3A_2117 : i32 to vector<16xi32>
    %add3A_2119 = arith.addi %add3A_2118, %iota3A : vector<16xi32>
    %min3A_2120 = arith.constant 84 : i32
    %min3A_2121 = vector.broadcast %min3A_2120 : i32 to vector<16xi32>
    %min3A_2122 = arith.minsi %add3A_2119, %min3A_2121 : vector<16xi32>
    %add3A_2123 = arith.addi %mul3A_1067, %min3A_2122 : vector<16xi32>
    %gather3A_2124 = tpu.vector_load_idx %arg7[%broadcast_in_dim3A_2080, %broadcast_in_dim3A_1634, %broadcast_in_dim3A_1634, %broadcast_in_dim3A_1634, %add3A_2123] : memref<8x1x1x1x255xf32, #tpu.memory_space<vmem>>[vector<16xi32>, vector<16xi32>, vector<16xi32>, vector<16xi32>, vector<16xi32>], vector<16xf32>,
    %swap3A_2125 = arith.constant 6 : i32
    %swap3A_2126 = arith.index_cast %swap3A_2125 : i32 to index
    %swap3A_2127 = arith.constant 48 : index
    %swap3A_2128 = tpu.vector_load %arg8[%swap3A_2126, %swap3A_2127] {strides = array<i32>} : memref<8x96xf32, #tpu.memory_space<vmem>>, vector<16xf32>,
    tpu.vector_store %arg8[%swap3A_2126, %swap3A_2127], %gather3A_2124 {strides = array<i32>} : memref<8x96xf32, #tpu.memory_space<vmem>>, vector<16xf32>,
    %add3A_2129 = arith.constant 64 : i32
    %add3A_2130 = vector.broadcast %add3A_2129 : i32 to vector<16xi32>
    %add3A_2131 = arith.addi %add3A_2130, %iota3A : vector<16xi32>
    %min3A_2132 = arith.constant 84 : i32
    %min3A_2133 = vector.broadcast %min3A_2132 : i32 to vector<16xi32>
    %min3A_2134 = arith.minsi %add3A_2131, %min3A_2133 : vector<16xi32>
    %add3A_2135 = arith.addi %mul3A_1067, %min3A_2134 : vector<16xi32>
    %gather3A_2136 = tpu.vector_load_idx %arg7[%broadcast_in_dim3A_2080, %broadcast_in_dim3A_1634, %broadcast_in_dim3A_1634, %broadcast_in_dim3A_1634, %add3A_2135] : memref<8x1x1x1x255xf32, #tpu.memory_space<vmem>>[vector<16xi32>, vector<16xi32>, vector<16xi32>, vector<16xi32>, vector<16xi32>], vector<16xf32>,
    %swap3A_2137 = arith.constant 6 : i32
    %swap3A_2138 = arith.index_cast %swap3A_2137 : i32 to index
    %swap3A_2139 = arith.constant 64 : index
    %swap3A_2140 = tpu.vector_load %arg8[%swap3A_2138, %swap3A_2139] {strides = array<i32>} : memref<8x96xf32, #tpu.memory_space<vmem>>, vector<16xf32>,
    tpu.vector_store %arg8[%swap3A_2138, %swap3A_2139], %gather3A_2136 {strides = array<i32>} : memref<8x96xf32, #tpu.memory_space<vmem>>, vector<16xf32>,
    %add3A_2141 = arith.constant 80 : i32
    %add3A_2142 = vector.broadcast %add3A_2141 : i32 to vector<16xi32>
    %add3A_2143 = arith.addi %add3A_2142, %iota3A : vector<16xi32>
    %min3A_2144 = arith.constant 84 : i32
    %min3A_2145 = vector.broadcast %min3A_2144 : i32 to vector<16xi32>
    %min3A_2146 = arith.minsi %add3A_2143, %min3A_2145 : vector<16xi32>
    %add3A_2147 = arith.addi %mul3A_1067, %min3A_2146 : vector<16xi32>
    %gather3A_2148 = tpu.vector_load_idx %arg7[%broadcast_in_dim3A_2080, %broadcast_in_dim3A_1634, %broadcast_in_dim3A_1634, %broadcast_in_dim3A_1634, %add3A_2147] : memref<8x1x1x1x255xf32, #tpu.memory_space<vmem>>[vector<16xi32>, vector<16xi32>, vector<16xi32>, vector<16xi32>, vector<16xi32>], vector<16xf32>,
    %swap3A_2149 = arith.constant 6 : i32
    %swap3A_2150 = arith.index_cast %swap3A_2149 : i32 to index
    %swap3A_2151 = arith.constant 80 : index
    %swap3A_2152 = tpu.vector_load %arg8[%swap3A_2150, %swap3A_2151] {strides = array<i32>} : memref<8x96xf32, #tpu.memory_space<vmem>>, vector<16xf32>,
    tpu.vector_store %arg8[%swap3A_2150, %swap3A_2151], %gather3A_2148 {strides = array<i32>} : memref<8x96xf32, #tpu.memory_space<vmem>>, vector<16xf32>,
    %broadcast_in_dim3A_2153 = arith.constant 7 : i32
    %broadcast_in_dim3A_2154 = vector.broadcast %broadcast_in_dim3A_2153 : i32 to vector<16xi32>
    %add3A_2155 = arith.constant 0 : i32
    %add3A_2156 = vector.broadcast %add3A_2155 : i32 to vector<16xi32>
    %add3A_2157 = arith.addi %add3A_2156, %iota3A : vector<16xi32>
    %min3A_2158 = arith.constant 84 : i32
    %min3A_2159 = vector.broadcast %min3A_2158 : i32 to vector<16xi32>
    %min3A_2160 = arith.minsi %add3A_2157, %min3A_2159 : vector<16xi32>
    %add3A_2161 = arith.addi %mul3A_1221, %min3A_2160 : vector<16xi32>
    %gather3A_2162 = tpu.vector_load_idx %arg7[%broadcast_in_dim3A_2154, %broadcast_in_dim3A_1634, %broadcast_in_dim3A_1634, %broadcast_in_dim3A_1634, %add3A_2161] : memref<8x1x1x1x255xf32, #tpu.memory_space<vmem>>[vector<16xi32>, vector<16xi32>, vector<16xi32>, vector<16xi32>, vector<16xi32>], vector<16xf32>,
    %swap3A_2163 = arith.constant 7 : i32
    %swap3A_2164 = arith.index_cast %swap3A_2163 : i32 to index
    %swap3A_2165 = arith.constant 0 : index
    %swap3A_2166 = tpu.vector_load %arg8[%swap3A_2164, %swap3A_2165] {strides = array<i32>} : memref<8x96xf32, #tpu.memory_space<vmem>>, vector<16xf32>,
    tpu.vector_store %arg8[%swap3A_2164, %swap3A_2165], %gather3A_2162 {strides = array<i32>} : memref<8x96xf32, #tpu.memory_space<vmem>>, vector<16xf32>,
    %add3A_2167 = arith.constant 16 : i32
    %add3A_2168 = vector.broadcast %add3A_2167 : i32 to vector<16xi32>
    %add3A_2169 = arith.addi %add3A_2168, %iota3A : vector<16xi32>
    %min3A_2170 = arith.constant 84 : i32
    %min3A_2171 = vector.broadcast %min3A_2170 : i32 to vector<16xi32>
    %min3A_2172 = arith.minsi %add3A_2169, %min3A_2171 : vector<16xi32>
    %add3A_2173 = arith.addi %mul3A_1221, %min3A_2172 : vector<16xi32>
    %gather3A_2174 = tpu.vector_load_idx %arg7[%broadcast_in_dim3A_2154, %broadcast_in_dim3A_1634, %broadcast_in_dim3A_1634, %broadcast_in_dim3A_1634, %add3A_2173] : memref<8x1x1x1x255xf32, #tpu.memory_space<vmem>>[vector<16xi32>, vector<16xi32>, vector<16xi32>, vector<16xi32>, vector<16xi32>], vector<16xf32>,
    %swap3A_2175 = arith.constant 7 : i32
    %swap3A_2176 = arith.index_cast %swap3A_2175 : i32 to index
    %swap3A_2177 = arith.constant 16 : index
    %swap3A_2178 = tpu.vector_load %arg8[%swap3A_2176, %swap3A_2177] {strides = array<i32>} : memref<8x96xf32, #tpu.memory_space<vmem>>, vector<16xf32>,
    tpu.vector_store %arg8[%swap3A_2176, %swap3A_2177], %gather3A_2174 {strides = array<i32>} : memref<8x96xf32, #tpu.memory_space<vmem>>, vector<16xf32>,
    %add3A_2179 = arith.constant 32 : i32
    %add3A_2180 = vector.broadcast %add3A_2179 : i32 to vector<16xi32>
    %add3A_2181 = arith.addi %add3A_2180, %iota3A : vector<16xi32>
    %min3A_2182 = arith.constant 84 : i32
    %min3A_2183 = vector.broadcast %min3A_2182 : i32 to vector<16xi32>
    %min3A_2184 = arith.minsi %add3A_2181, %min3A_2183 : vector<16xi32>
    %add3A_2185 = arith.addi %mul3A_1221, %min3A_2184 : vector<16xi32>
    %gather3A_2186 = tpu.vector_load_idx %arg7[%broadcast_in_dim3A_2154, %broadcast_in_dim3A_1634, %broadcast_in_dim3A_1634, %broadcast_in_dim3A_1634, %add3A_2185] : memref<8x1x1x1x255xf32, #tpu.memory_space<vmem>>[vector<16xi32>, vector<16xi32>, vector<16xi32>, vector<16xi32>, vector<16xi32>], vector<16xf32>,
    %swap3A_2187 = arith.constant 7 : i32
    %swap3A_2188 = arith.index_cast %swap3A_2187 : i32 to index
    %swap3A_2189 = arith.constant 32 : index
    %swap3A_2190 = tpu.vector_load %arg8[%swap3A_2188, %swap3A_2189] {strides = array<i32>} : memref<8x96xf32, #tpu.memory_space<vmem>>, vector<16xf32>,
    tpu.vector_store %arg8[%swap3A_2188, %swap3A_2189], %gather3A_2186 {strides = array<i32>} : memref<8x96xf32, #tpu.memory_space<vmem>>, vector<16xf32>,
    %add3A_2191 = arith.constant 48 : i32
    %add3A_2192 = vector.broadcast %add3A_2191 : i32 to vector<16xi32>
    %add3A_2193 = arith.addi %add3A_2192, %iota3A : vector<16xi32>
    %min3A_2194 = arith.constant 84 : i32
    %min3A_2195 = vector.broadcast %min3A_2194 : i32 to vector<16xi32>
    %min3A_2196 = arith.minsi %add3A_2193, %min3A_2195 : vector<16xi32>
    %add3A_2197 = arith.addi %mul3A_1221, %min3A_2196 : vector<16xi32>
    %gather3A_2198 = tpu.vector_load_idx %arg7[%broadcast_in_dim3A_2154, %broadcast_in_dim3A_1634, %broadcast_in_dim3A_1634, %broadcast_in_dim3A_1634, %add3A_2197] : memref<8x1x1x1x255xf32, #tpu.memory_space<vmem>>[vector<16xi32>, vector<16xi32>, vector<16xi32>, vector<16xi32>, vector<16xi32>], vector<16xf32>,
    %swap3A_2199 = arith.constant 7 : i32
    %swap3A_2200 = arith.index_cast %swap3A_2199 : i32 to index
    %swap3A_2201 = arith.constant 48 : index
    %swap3A_2202 = tpu.vector_load %arg8[%swap3A_2200, %swap3A_2201] {strides = array<i32>} : memref<8x96xf32, #tpu.memory_space<vmem>>, vector<16xf32>,
    tpu.vector_store %arg8[%swap3A_2200, %swap3A_2201], %gather3A_2198 {strides = array<i32>} : memref<8x96xf32, #tpu.memory_space<vmem>>, vector<16xf32>,
    %add3A_2203 = arith.constant 64 : i32
    %add3A_2204 = vector.broadcast %add3A_2203 : i32 to vector<16xi32>
    %add3A_2205 = arith.addi %add3A_2204, %iota3A : vector<16xi32>
    %min3A_2206 = arith.constant 84 : i32
    %min3A_2207 = vector.broadcast %min3A_2206 : i32 to vector<16xi32>
    %min3A_2208 = arith.minsi %add3A_2205, %min3A_2207 : vector<16xi32>
    %add3A_2209 = arith.addi %mul3A_1221, %min3A_2208 : vector<16xi32>
    %gather3A_2210 = tpu.vector_load_idx %arg7[%broadcast_in_dim3A_2154, %broadcast_in_dim3A_1634, %broadcast_in_dim3A_1634, %broadcast_in_dim3A_1634, %add3A_2209] : memref<8x1x1x1x255xf32, #tpu.memory_space<vmem>>[vector<16xi32>, vector<16xi32>, vector<16xi32>, vector<16xi32>, vector<16xi32>], vector<16xf32>,
    %swap3A_2211 = arith.constant 7 : i32
    %swap3A_2212 = arith.index_cast %swap3A_2211 : i32 to index
    %swap3A_2213 = arith.constant 64 : index
    %swap3A_2214 = tpu.vector_load %arg8[%swap3A_2212, %swap3A_2213] {strides = array<i32>} : memref<8x96xf32, #tpu.memory_space<vmem>>, vector<16xf32>,
    tpu.vector_store %arg8[%swap3A_2212, %swap3A_2213], %gather3A_2210 {strides = array<i32>} : memref<8x96xf32, #tpu.memory_space<vmem>>, vector<16xf32>,
    %add3A_2215 = arith.constant 80 : i32
    %add3A_2216 = vector.broadcast %add3A_2215 : i32 to vector<16xi32>
    %add3A_2217 = arith.addi %add3A_2216, %iota3A : vector<16xi32>
    %min3A_2218 = arith.constant 84 : i32
    %min3A_2219 = vector.broadcast %min3A_2218 : i32 to vector<16xi32>
    %min3A_2220 = arith.minsi %add3A_2217, %min3A_2219 : vector<16xi32>
    %add3A_2221 = arith.addi %mul3A_1221, %min3A_2220 : vector<16xi32>
    %gather3A_2222 = tpu.vector_load_idx %arg7[%broadcast_in_dim3A_2154, %broadcast_in_dim3A_1634, %broadcast_in_dim3A_1634, %broadcast_in_dim3A_1634, %add3A_2221] : memref<8x1x1x1x255xf32, #tpu.memory_space<vmem>>[vector<16xi32>, vector<16xi32>, vector<16xi32>, vector<16xi32>, vector<16xi32>], vector<16xf32>,
    %swap3A_2223 = arith.constant 7 : i32
    %swap3A_2224 = arith.index_cast %swap3A_2223 : i32 to index
    %swap3A_2225 = arith.constant 80 : index
    %swap3A_2226 = tpu.vector_load %arg8[%swap3A_2224, %swap3A_2225] {strides = array<i32>} : memref<8x96xf32, #tpu.memory_space<vmem>>, vector<16xf32>,
    tpu.vector_store %arg8[%swap3A_2224, %swap3A_2225], %gather3A_2222 {strides = array<i32>} : memref<8x96xf32, #tpu.memory_space<vmem>>, vector<16xf32>,
    %mul3A_2227 = arith.constant 8 : i32
    %mul3A_2228 = arith.muli %add3A, %mul3A_2227 : i32
    "tpu.region"() ({
      %run_scoped3A = tpu.sem_alloc : memref<!tpu.dma_semaphore, #tpu.memory_space<semaphore_mem>>
      %dma_start3A_2229 = arith.constant 0 : i32
      %dma_start3A_2230 = tpu.memref_slice %arg4[%mul3A_2228, %dma_start3A_2229] : memref<256x96xf32, #tpu.memory_space<hbm>> -> memref<8x96xf32, #tpu.memory_space<hbm>>
      %dma_start3A_2231 = arith.constant 0 : i32
      %dma_start3A_2232 = tpu.memref_slice %arg4[%mul3A_2228, %dma_start3A_2231] : memref<256x96xf32, #tpu.memory_space<hbm>> -> memref<8x96xf32, #tpu.memory_space<hbm>>
      tpu.enqueue_dma source(%arg8 : memref<8x96xf32, #tpu.memory_space<vmem>>) target(%dma_start3A_2232 : memref<8x96xf32, #tpu.memory_space<hbm>>) target_semaphore(%run_scoped3A : memref<!tpu.dma_semaphore, #tpu.memory_space<semaphore_mem>>)
      %dma_wait3A_2233 = arith.constant 0 : i32
      %dma_wait3A_2234 = tpu.memref_slice %arg4[%mul3A_2228, %dma_wait3A_2233] : memref<256x96xf32, #tpu.memory_space<hbm>> -> memref<8x96xf32, #tpu.memory_space<hbm>>
      %dma_wait3A_2235 = arith.constant 0 : i32
      %dma_wait3A_2236 = tpu.memref_slice %arg4[%mul3A_2228, %dma_wait3A_2235] : memref<256x96xf32, #tpu.memory_space<hbm>> -> memref<8x96xf32, #tpu.memory_space<hbm>>
      tpu.wait_dma2 semaphore(%run_scoped3A : memref<!tpu.dma_semaphore, #tpu.memory_space<semaphore_mem>>) src(%arg8 : memref<8x96xf32, #tpu.memory_space<vmem>>) dst(%dma_wait3A_2236 : memref<8x96xf32, #tpu.memory_space<hbm>>)
      tpu.yield
    }) : () -> ()
    return
  }
}

module attributes {stable_mosaic.version = 14 : i64} {
  func.func @_obj_body(%arg0: i32, %arg1: memref<2x80x80x255xf32, #tpu.memory_space<vmem>>, %arg2: memref<1x1xf32, #tpu.memory_space<vmem>>) attributes {dimension_semantics = [#tpu.dimension_semantics<arbitrary>], iteration_bounds = array<i64: 8>, scalar_prefetch = 0 : i64, scratch_operands = 0 : i64, tpu.core_type = #tpu.core_type<tc>, window_params = [{transform_indices = @transform_0, window_bounds = array<i64: 2, 80, 80, 255>}, {pipeline_mode = #tpu.pipeline_mode<synchronous>, transform_indices = @transform_1, window_bounds = array<i64: 1, 1>}]} {
    %get3A = arith.constant 0 : index
    %get3A_0 = arith.constant 0 : index
    %get3A_1 = arith.constant 0 : index
    %get3A_2 = arith.constant 0 : index
    %get3A_3 = vector.load %arg1[%get3A, %get3A_0, %get3A_1, %get3A_2] : memref<2x80x80x255xf32, #tpu.memory_space<vmem>>, vector<2x80x80x255xf32>
    %reshape3A = vector.shape_cast %get3A_3 : vector<2x80x80x255xf32> to vector<12800x255xf32>
    %iota3A = tpu.iota {dimensions = array<i32: 0>} : vector<255x8xi32>
    %iota3A_4 = tpu.iota {dimensions = array<i32: 1>} : vector<255x8xi32>
    %eq3A = arith.constant 4 : i32
    %eq3A_5 = vector.broadcast %eq3A : i32 to vector<255x8xi32>
    %eq3A_6 = arith.cmpi eq, %iota3A, %eq3A_5 : vector<255x8xi32>
    %eq3A_7 = arith.constant 0 : i32
    %eq3A_8 = vector.broadcast %eq3A_7 : i32 to vector<255x8xi32>
    %eq3A_9 = arith.cmpi eq, %iota3A_4, %eq3A_8 : vector<255x8xi32>
    %and3A = arith.andi %eq3A_6, %eq3A_9 : vector<255x8xi1>
    %eq3A_10 = arith.constant 89 : i32
    %eq3A_11 = vector.broadcast %eq3A_10 : i32 to vector<255x8xi32>
    %eq3A_12 = arith.cmpi eq, %iota3A, %eq3A_11 : vector<255x8xi32>
    %eq3A_13 = arith.constant 1 : i32
    %eq3A_14 = vector.broadcast %eq3A_13 : i32 to vector<255x8xi32>
    %eq3A_15 = arith.cmpi eq, %iota3A_4, %eq3A_14 : vector<255x8xi32>
    %and3A_16 = arith.andi %eq3A_12, %eq3A_15 : vector<255x8xi1>
    %or3A = arith.ori %and3A, %and3A_16 : vector<255x8xi1>
    %eq3A_17 = arith.constant 174 : i32
    %eq3A_18 = vector.broadcast %eq3A_17 : i32 to vector<255x8xi32>
    %eq3A_19 = arith.cmpi eq, %iota3A, %eq3A_18 : vector<255x8xi32>
    %eq3A_20 = arith.constant 2 : i32
    %eq3A_21 = vector.broadcast %eq3A_20 : i32 to vector<255x8xi32>
    %eq3A_22 = arith.cmpi eq, %iota3A_4, %eq3A_21 : vector<255x8xi32>
    %and3A_23 = arith.andi %eq3A_19, %eq3A_22 : vector<255x8xi1>
    %or3A_24 = arith.ori %or3A, %and3A_23 : vector<255x8xi1>
    %convert_element_type3A = arith.extui %or3A_24 : vector<255x8xi1> to vector<255x8xi32>
    %convert_element_type3A_25 = arith.sitofp %convert_element_type3A : vector<255x8xi32> to vector<255x8xf32>
    %dot_general3A = arith.constant dense<0.000000e+00> : vector<12800x8xf32>
    %dot_general3A_26 = tpu.matmul %reshape3A, %convert_element_type3A_25, %dot_general3A {dimension_numbers = #tpu.dot_dimension_numbers<[1], [0], [0], [1], [0, 0, 1, 1], [], []>, transpose_lhs_hint = false} : vector<12800x255xf32>, vector<255x8xf32>, vector<12800x8xf32> -> vector<12800x8xf32>
    %iota3A_27 = tpu.iota {dimensions = array<i32: 1>} : vector<12800x8xi32>
    %lt3A = arith.constant 3 : i32
    %lt3A_28 = vector.broadcast %lt3A : i32 to vector<12800x8xi32>
    %lt3A_29 = arith.cmpi slt, %iota3A_27, %lt3A_28 : vector<12800x8xi32>
    %max3A = arith.constant 0.000000e+00 : f32
    %max3A_30 = vector.broadcast %max3A : f32 to vector<12800x8xf32>
    %max3A_31 = arith.maximumf %dot_general3A_26, %max3A_30 : vector<12800x8xf32>
    %abs3A = math.absf %dot_general3A_26 : vector<12800x8xf32>
    %neg3A = arith.constant 0.000000e+00 : f32
    %neg3A_32 = vector.broadcast %neg3A : f32 to vector<12800x8xf32>
    %neg3A_33 = arith.subf %neg3A_32, %abs3A : vector<12800x8xf32>
    %exp3A = math.exp %neg3A_33 : vector<12800x8xf32>
    %add3A = arith.constant 1.000000e+00 : f32
    %add3A_34 = vector.broadcast %add3A : f32 to vector<12800x8xf32>
    %add3A_35 = arith.addf %add3A_34, %exp3A : vector<12800x8xf32>
    %log3A = math.log %add3A_35 : vector<12800x8xf32>
    %add3A_36 = arith.addf %max3A_31, %log3A : vector<12800x8xf32>
    %jit3A = arith.constant 0.000000e+00 : f32
    %broadcast_in_dim3A = vector.broadcast %jit3A : f32 to vector<12800x8xf32>
    %select_n3A = arith.select %lt3A_29, %add3A_36, %broadcast_in_dim3A : vector<12800x8xi1>, vector<12800x8xf32>
    %reduce_sum3A = vector.shape_cast %select_n3A : vector<12800x8xf32> to vector<1x12800x8xf32>
    %reduce_sum3A_37 = arith.constant dense<0.000000e+00> : vector<1xf32>
    %reduce_sum3A_38 = vector.multi_reduction <add>, %reduce_sum3A, %reduce_sum3A_37 [1, 2] : vector<1x12800x8xf32> to vector<1xf32>
    %reduce_sum3A_39 = vector.shape_cast %reduce_sum3A_38 : vector<1xf32> to vector<1x1x1xf32>
    %reduce_sum3A_40 = vector.extract %reduce_sum3A_39[0, 0, 0] : f32 from vector<1x1x1xf32>
    %eq3A_41 = arith.constant 0 : i32
    %eq3A_42 = arith.cmpi eq, %arg0, %eq3A_41 : i32
    %convert_element_type3A_43 = arith.extui %eq3A_42 : i1 to i32
    %cond3A = arith.constant 0 : i32
    %cond3A_44 = arith.cmpi ne, %convert_element_type3A_43, %cond3A : i32
    scf.if %cond3A_44 {
      %broadcast_in_dim3A_52 = arith.constant 0.000000e+00 : f32
      %broadcast_in_dim3A_53 = vector.broadcast %broadcast_in_dim3A_52 : f32 to vector<1x1xf32>
      %swap3A_54 = arith.constant 0 : index
      %swap3A_55 = arith.constant 0 : index
      %swap3A_56 = vector.load %arg2[%swap3A_54, %swap3A_55] : memref<1x1xf32, #tpu.memory_space<vmem>>, vector<1x1xf32>
      tpu.vector_store %arg2[%swap3A_54, %swap3A_55], %broadcast_in_dim3A_53 {strides = array<i32>} : memref<1x1xf32, #tpu.memory_space<vmem>>, vector<1x1xf32>,
    } else {
    }
    %get3A_45 = arith.constant 0 : index
    %get3A_46 = arith.constant 0 : index
    %get3A_47 = vector.load %arg2[%get3A_45, %get3A_46] : memref<1x1xf32, #tpu.memory_space<vmem>>, vector<1x1xf32>
    %add3A_48 = vector.broadcast %reduce_sum3A_40 : f32 to vector<1x1xf32>
    %add3A_49 = arith.addf %get3A_47, %add3A_48 : vector<1x1xf32>
    %swap3A = arith.constant 0 : index
    %swap3A_50 = arith.constant 0 : index
    %swap3A_51 = vector.load %arg2[%swap3A, %swap3A_50] : memref<1x1xf32, #tpu.memory_space<vmem>>, vector<1x1xf32>
    tpu.vector_store %arg2[%swap3A, %swap3A_50], %add3A_49 {strides = array<i32>} : memref<1x1xf32, #tpu.memory_space<vmem>>, vector<1x1xf32>,
    return
  }
  func.func @transform_0(%arg0: i32) -> (i32, i32, i32, i32) {
    %c0_i32 = arith.constant 0 : i32
    %c0_i32_0 = arith.constant 0 : i32
    %c0_i32_1 = arith.constant 0 : i32
    %c0_i32_2 = arith.constant 0 : i32
    return %arg0, %c0_i32, %c0_i32_0, %c0_i32_1 : i32, i32, i32, i32
  }
  func.func @transform_1(%arg0: i32) -> (i32, i32) {
    %c0_i32 = arith.constant 0 : i32
    %c0_i32_0 = arith.constant 0 : i32
    %c0_i32_1 = arith.constant 0 : i32
    return %c0_i32, %c0_i32_0 : i32, i32
  }
}

module attributes {stable_mosaic.version = 14 : i64} {
  func.func @_combine_body(%arg0: memref<256x96xf32, #tpu.memory_space<vmem>>, %arg1: memref<256x6xf32, #tpu.memory_space<vmem>>, %arg2: memref<6x256xf32, #tpu.memory_space<vmem>>, %arg3: memref<1x1xf32, #tpu.memory_space<vmem>>, %arg4: memref<1x4xf32, #tpu.memory_space<vmem>>) attributes {dimension_semantics = [], scalar_prefetch = 0 : i64, scratch_operands = 0 : i64, tpu.core_type = #tpu.core_type<tc>} {
    %get3A = arith.constant 0 : index
    %get3A_0 = arith.constant 0 : index
    %get3A_1 = vector.load %arg1[%get3A, %get3A_0] : memref<256x6xf32, #tpu.memory_space<vmem>>, vector<256x6xf32>
    %get3A_2 = arith.constant 0 : index
    %get3A_3 = arith.constant 0 : index
    %get3A_4 = vector.load %arg2[%get3A_2, %get3A_3] : memref<6x256xf32, #tpu.memory_space<vmem>>, vector<6x256xf32>
    %slice3A = vector.extract_strided_slice %get3A_1 {offsets = [0, 0], sizes = [256, 1], strides = [1, 1]} : vector<256x6xf32> to vector<256x1xf32>
    %ge3A = arith.constant 0.000000e+00 : f32
    %ge3A_5 = vector.broadcast %ge3A : f32 to vector<256x1xf32>
    %ge3A_6 = arith.cmpf oge, %slice3A, %ge3A_5 : vector<256x1xf32>
    %convert_element_type3A = arith.extui %ge3A_6 : vector<256x1xi1> to vector<256x1xi32>
    %convert_element_type3A_7 = arith.sitofp %convert_element_type3A : vector<256x1xi32> to vector<256x1xf32>
    %slice3A_8 = vector.extract_strided_slice %get3A_1 {offsets = [0, 0], sizes = [256, 1], strides = [1, 1]} : vector<256x6xf32> to vector<256x1xf32>
    %convert_element_type3A_9 = arith.fptosi %slice3A_8 : vector<256x1xf32> to vector<256x1xi32>
    %jit3A = arith.constant 0 : i32
    %jit3A_10 = arith.constant 15 : i32
    %max3A = vector.broadcast %jit3A : i32 to vector<256x1xi32>
    %max3A_11 = arith.maxsi %max3A, %convert_element_type3A_9 : vector<256x1xi32>
    %min3A = vector.broadcast %jit3A_10 : i32 to vector<256x1xi32>
    %min3A_12 = arith.minsi %min3A, %max3A_11 : vector<256x1xi32>
    %slice3A_13 = vector.extract_strided_slice %get3A_1 {offsets = [0, 1], sizes = [256, 1], strides = [1, 1]} : vector<256x6xf32> to vector<256x1xf32>
    %convert_element_type3A_14 = arith.fptosi %slice3A_13 : vector<256x1xf32> to vector<256x1xi32>
    %slice3A_15 = vector.extract_strided_slice %get3A_1 {offsets = [0, 2], sizes = [256, 1], strides = [1, 1]} : vector<256x6xf32> to vector<256x1xf32>
    %slice3A_16 = vector.extract_strided_slice %get3A_1 {offsets = [0, 3], sizes = [256, 1], strides = [1, 1]} : vector<256x6xf32> to vector<256x1xf32>
    %slice3A_17 = vector.extract_strided_slice %get3A_1 {offsets = [0, 4], sizes = [256, 1], strides = [1, 1]} : vector<256x6xf32> to vector<256x1xf32>
    %slice3A_18 = vector.extract_strided_slice %get3A_1 {offsets = [0, 5], sizes = [256, 1], strides = [1, 1]} : vector<256x6xf32> to vector<256x1xf32>
    %add3A = arith.addf %slice3A_15, %slice3A_17 : vector<256x1xf32>
    %div3A = arith.constant 2.000000e+00 : f32
    %div3A_19 = vector.broadcast %div3A : f32 to vector<256x1xf32>
    %div3A_20 = arith.divf %add3A, %div3A_19 : vector<256x1xf32>
    %add3A_21 = arith.addf %slice3A_16, %slice3A_18 : vector<256x1xf32>
    %div3A_22 = arith.constant 2.000000e+00 : f32
    %div3A_23 = vector.broadcast %div3A_22 : f32 to vector<256x1xf32>
    %div3A_24 = arith.divf %add3A_21, %div3A_23 : vector<256x1xf32>
    %sub3A = arith.subf %slice3A_17, %slice3A_15 : vector<256x1xf32>
    %sub3A_25 = arith.subf %slice3A_18, %slice3A_16 : vector<256x1xf32>
    %div3A_26 = arith.constant 8.000000e+00 : f32
    %div3A_27 = vector.broadcast %div3A_26 : f32 to vector<256x1xf32>
    %div3A_28 = arith.divf %div3A_20, %div3A_27 : vector<256x1xf32>
    %convert_element_type3A_29 = arith.fptosi %div3A_28 : vector<256x1xf32> to vector<256x1xi32>
    %jit3A_30 = arith.constant 0 : i32
    %jit3A_31 = arith.constant 79 : i32
    %max3A_32 = vector.broadcast %jit3A_30 : i32 to vector<256x1xi32>
    %max3A_33 = arith.maxsi %max3A_32, %convert_element_type3A_29 : vector<256x1xi32>
    %min3A_34 = vector.broadcast %jit3A_31 : i32 to vector<256x1xi32>
    %min3A_35 = arith.minsi %min3A_34, %max3A_33 : vector<256x1xi32>
    %div3A_36 = arith.constant 8.000000e+00 : f32
    %div3A_37 = vector.broadcast %div3A_36 : f32 to vector<256x1xf32>
    %div3A_38 = arith.divf %div3A_24, %div3A_37 : vector<256x1xf32>
    %convert_element_type3A_39 = arith.fptosi %div3A_38 : vector<256x1xf32> to vector<256x1xi32>
    %jit3A_40 = arith.constant 0 : i32
    %jit3A_41 = arith.constant 79 : i32
    %max3A_42 = vector.broadcast %jit3A_40 : i32 to vector<256x1xi32>
    %max3A_43 = arith.maxsi %max3A_42, %convert_element_type3A_39 : vector<256x1xi32>
    %min3A_44 = vector.broadcast %jit3A_41 : i32 to vector<256x1xi32>
    %min3A_45 = arith.minsi %min3A_44, %max3A_43 : vector<256x1xi32>
    %div3A_46 = arith.constant 8.000000e+00 : f32
    %div3A_47 = vector.broadcast %div3A_46 : f32 to vector<256x1xf32>
    %div3A_48 = arith.divf %sub3A, %div3A_47 : vector<256x1xf32>
    %div3A_49 = arith.constant 8.000000e+00 : f32
    %div3A_50 = vector.broadcast %div3A_49 : f32 to vector<256x1xf32>
    %div3A_51 = arith.divf %sub3A_25, %div3A_50 : vector<256x1xf32>
    %div3A_52 = arith.constant 1.250000e+00 : f32
    %div3A_53 = vector.broadcast %div3A_52 : f32 to vector<256x1xf32>
    %div3A_54 = arith.divf %div3A_48, %div3A_53 : vector<256x1xf32>
    %div3A_55 = arith.constant 1.625000e+00 : f32
    %div3A_56 = vector.broadcast %div3A_55 : f32 to vector<256x1xf32>
    %div3A_57 = arith.divf %div3A_51, %div3A_56 : vector<256x1xf32>
    %div3A_58 = arith.constant 1.000000e+00 : f32
    %div3A_59 = vector.broadcast %div3A_58 : f32 to vector<256x1xf32>
    %div3A_60 = arith.divf %div3A_59, %div3A_54 : vector<256x1xf32>
    %max3A_61 = arith.maximumf %div3A_54, %div3A_60 : vector<256x1xf32>
    %div3A_62 = arith.constant 1.000000e+00 : f32
    %div3A_63 = vector.broadcast %div3A_62 : f32 to vector<256x1xf32>
    %div3A_64 = arith.divf %div3A_63, %div3A_57 : vector<256x1xf32>
    %max3A_65 = arith.maximumf %div3A_57, %div3A_64 : vector<256x1xf32>
    %max3A_66 = arith.maximumf %max3A_61, %max3A_65 : vector<256x1xf32>
    %div3A_67 = arith.constant 2.000000e+00 : f32
    %div3A_68 = vector.broadcast %div3A_67 : f32 to vector<256x1xf32>
    %div3A_69 = arith.divf %div3A_48, %div3A_68 : vector<256x1xf32>
    %div3A_70 = arith.constant 3.750000e+00 : f32
    %div3A_71 = vector.broadcast %div3A_70 : f32 to vector<256x1xf32>
    %div3A_72 = arith.divf %div3A_51, %div3A_71 : vector<256x1xf32>
    %div3A_73 = arith.constant 1.000000e+00 : f32
    %div3A_74 = vector.broadcast %div3A_73 : f32 to vector<256x1xf32>
    %div3A_75 = arith.divf %div3A_74, %div3A_69 : vector<256x1xf32>
    %max3A_76 = arith.maximumf %div3A_69, %div3A_75 : vector<256x1xf32>
    %div3A_77 = arith.constant 1.000000e+00 : f32
    %div3A_78 = vector.broadcast %div3A_77 : f32 to vector<256x1xf32>
    %div3A_79 = arith.divf %div3A_78, %div3A_72 : vector<256x1xf32>
    %max3A_80 = arith.maximumf %div3A_72, %div3A_79 : vector<256x1xf32>
    %max3A_81 = arith.maximumf %max3A_76, %max3A_80 : vector<256x1xf32>
    %div3A_82 = arith.constant 4.125000e+00 : f32
    %div3A_83 = vector.broadcast %div3A_82 : f32 to vector<256x1xf32>
    %div3A_84 = arith.divf %div3A_48, %div3A_83 : vector<256x1xf32>
    %div3A_85 = arith.constant 2.875000e+00 : f32
    %div3A_86 = vector.broadcast %div3A_85 : f32 to vector<256x1xf32>
    %div3A_87 = arith.divf %div3A_51, %div3A_86 : vector<256x1xf32>
    %div3A_88 = arith.constant 1.000000e+00 : f32
    %div3A_89 = vector.broadcast %div3A_88 : f32 to vector<256x1xf32>
    %div3A_90 = arith.divf %div3A_89, %div3A_84 : vector<256x1xf32>
    %max3A_91 = arith.maximumf %div3A_84, %div3A_90 : vector<256x1xf32>
    %div3A_92 = arith.constant 1.000000e+00 : f32
    %div3A_93 = vector.broadcast %div3A_92 : f32 to vector<256x1xf32>
    %div3A_94 = arith.divf %div3A_93, %div3A_87 : vector<256x1xf32>
    %max3A_95 = arith.maximumf %div3A_87, %div3A_94 : vector<256x1xf32>
    %max3A_96 = arith.maximumf %max3A_91, %max3A_95 : vector<256x1xf32>
    %lt3A = arith.cmpf olt, %max3A_81, %max3A_66 : vector<256x1xf32>
    %jit3A_97 = arith.constant 1 : i32
    %jit3A_98 = arith.constant 0 : i32
    %broadcast_in_dim3A = vector.broadcast %jit3A_97 : i32 to vector<256x1xi32>
    %broadcast_in_dim3A_99 = vector.broadcast %jit3A_98 : i32 to vector<256x1xi32>
    %select_n3A = arith.select %lt3A, %broadcast_in_dim3A, %broadcast_in_dim3A_99 : vector<256x1xi1>, vector<256x1xi32>
    %min3A_100 = arith.minimumf %max3A_66, %max3A_81 : vector<256x1xf32>
    %lt3A_101 = arith.cmpf olt, %max3A_96, %min3A_100 : vector<256x1xf32>
    %jit3A_102 = arith.constant 2 : i32
    %broadcast_in_dim3A_103 = vector.broadcast %jit3A_102 : i32 to vector<256x1xi32>
    %select_n3A_104 = arith.select %lt3A_101, %broadcast_in_dim3A_103, %select_n3A : vector<256x1xi1>, vector<256x1xi32>
    %mul3A = arith.constant 3 : i32
    %mul3A_105 = vector.broadcast %mul3A : i32 to vector<256x1xi32>
    %mul3A_106 = arith.muli %min3A_12, %mul3A_105 : vector<256x1xi32>
    %add3A_107 = arith.addi %mul3A_106, %select_n3A_104 : vector<256x1xi32>
    %mul3A_108 = arith.constant 80 : i32
    %mul3A_109 = vector.broadcast %mul3A_108 : i32 to vector<256x1xi32>
    %mul3A_110 = arith.muli %add3A_107, %mul3A_109 : vector<256x1xi32>
    %add3A_111 = arith.addi %mul3A_110, %min3A_45 : vector<256x1xi32>
    %mul3A_112 = arith.constant 80 : i32
    %mul3A_113 = vector.broadcast %mul3A_112 : i32 to vector<256x1xi32>
    %mul3A_114 = arith.muli %add3A_111, %mul3A_113 : vector<256x1xi32>
    %add3A_115 = arith.addi %mul3A_114, %min3A_35 : vector<256x1xi32>
    %slice3A_116 = vector.extract_strided_slice %get3A_4 {offsets = [0, 0], sizes = [1, 256], strides = [1, 1]} : vector<6x256xf32> to vector<1x256xf32>
    %ge3A_117 = arith.constant 0.000000e+00 : f32
    %ge3A_118 = vector.broadcast %ge3A_117 : f32 to vector<1x256xf32>
    %ge3A_119 = arith.cmpf oge, %slice3A_116, %ge3A_118 : vector<1x256xf32>
    %slice3A_120 = vector.extract_strided_slice %get3A_4 {offsets = [0, 0], sizes = [1, 256], strides = [1, 1]} : vector<6x256xf32> to vector<1x256xf32>
    %convert_element_type3A_121 = arith.fptosi %slice3A_120 : vector<1x256xf32> to vector<1x256xi32>
    %jit3A_122 = arith.constant 0 : i32
    %jit3A_123 = arith.constant 15 : i32
    %max3A_124 = vector.broadcast %jit3A_122 : i32 to vector<1x256xi32>
    %max3A_125 = arith.maxsi %max3A_124, %convert_element_type3A_121 : vector<1x256xi32>
    %min3A_126 = vector.broadcast %jit3A_123 : i32 to vector<1x256xi32>
    %min3A_127 = arith.minsi %min3A_126, %max3A_125 : vector<1x256xi32>
    %slice3A_128 = vector.extract_strided_slice %get3A_4 {offsets = [2, 0], sizes = [1, 256], strides = [1, 1]} : vector<6x256xf32> to vector<1x256xf32>
    %slice3A_129 = vector.extract_strided_slice %get3A_4 {offsets = [3, 0], sizes = [1, 256], strides = [1, 1]} : vector<6x256xf32> to vector<1x256xf32>
    %slice3A_130 = vector.extract_strided_slice %get3A_4 {offsets = [4, 0], sizes = [1, 256], strides = [1, 1]} : vector<6x256xf32> to vector<1x256xf32>
    %slice3A_131 = vector.extract_strided_slice %get3A_4 {offsets = [5, 0], sizes = [1, 256], strides = [1, 1]} : vector<6x256xf32> to vector<1x256xf32>
    %add3A_132 = arith.addf %slice3A_128, %slice3A_130 : vector<1x256xf32>
    %div3A_133 = arith.constant 2.000000e+00 : f32
    %div3A_134 = vector.broadcast %div3A_133 : f32 to vector<1x256xf32>
    %div3A_135 = arith.divf %add3A_132, %div3A_134 : vector<1x256xf32>
    %add3A_136 = arith.addf %slice3A_129, %slice3A_131 : vector<1x256xf32>
    %div3A_137 = arith.constant 2.000000e+00 : f32
    %div3A_138 = vector.broadcast %div3A_137 : f32 to vector<1x256xf32>
    %div3A_139 = arith.divf %add3A_136, %div3A_138 : vector<1x256xf32>
    %sub3A_140 = arith.subf %slice3A_130, %slice3A_128 : vector<1x256xf32>
    %sub3A_141 = arith.subf %slice3A_131, %slice3A_129 : vector<1x256xf32>
    %div3A_142 = arith.constant 8.000000e+00 : f32
    %div3A_143 = vector.broadcast %div3A_142 : f32 to vector<1x256xf32>
    %div3A_144 = arith.divf %div3A_135, %div3A_143 : vector<1x256xf32>
    %convert_element_type3A_145 = arith.fptosi %div3A_144 : vector<1x256xf32> to vector<1x256xi32>
    %jit3A_146 = arith.constant 0 : i32
    %jit3A_147 = arith.constant 79 : i32
    %max3A_148 = vector.broadcast %jit3A_146 : i32 to vector<1x256xi32>
    %max3A_149 = arith.maxsi %max3A_148, %convert_element_type3A_145 : vector<1x256xi32>
    %min3A_150 = vector.broadcast %jit3A_147 : i32 to vector<1x256xi32>
    %min3A_151 = arith.minsi %min3A_150, %max3A_149 : vector<1x256xi32>
    %div3A_152 = arith.constant 8.000000e+00 : f32
    %div3A_153 = vector.broadcast %div3A_152 : f32 to vector<1x256xf32>
    %div3A_154 = arith.divf %div3A_139, %div3A_153 : vector<1x256xf32>
    %convert_element_type3A_155 = arith.fptosi %div3A_154 : vector<1x256xf32> to vector<1x256xi32>
    %jit3A_156 = arith.constant 0 : i32
    %jit3A_157 = arith.constant 79 : i32
    %max3A_158 = vector.broadcast %jit3A_156 : i32 to vector<1x256xi32>
    %max3A_159 = arith.maxsi %max3A_158, %convert_element_type3A_155 : vector<1x256xi32>
    %min3A_160 = vector.broadcast %jit3A_157 : i32 to vector<1x256xi32>
    %min3A_161 = arith.minsi %min3A_160, %max3A_159 : vector<1x256xi32>
    %div3A_162 = arith.constant 8.000000e+00 : f32
    %div3A_163 = vector.broadcast %div3A_162 : f32 to vector<1x256xf32>
    %div3A_164 = arith.divf %sub3A_140, %div3A_163 : vector<1x256xf32>
    %div3A_165 = arith.constant 8.000000e+00 : f32
    %div3A_166 = vector.broadcast %div3A_165 : f32 to vector<1x256xf32>
    %div3A_167 = arith.divf %sub3A_141, %div3A_166 : vector<1x256xf32>
    %div3A_168 = arith.constant 1.250000e+00 : f32
    %div3A_169 = vector.broadcast %div3A_168 : f32 to vector<1x256xf32>
    %div3A_170 = arith.divf %div3A_164, %div3A_169 : vector<1x256xf32>
    %div3A_171 = arith.constant 1.625000e+00 : f32
    %div3A_172 = vector.broadcast %div3A_171 : f32 to vector<1x256xf32>
    %div3A_173 = arith.divf %div3A_167, %div3A_172 : vector<1x256xf32>
    %div3A_174 = arith.constant 1.000000e+00 : f32
    %div3A_175 = vector.broadcast %div3A_174 : f32 to vector<1x256xf32>
    %div3A_176 = arith.divf %div3A_175, %div3A_170 : vector<1x256xf32>
    %max3A_177 = arith.maximumf %div3A_170, %div3A_176 : vector<1x256xf32>
    %div3A_178 = arith.constant 1.000000e+00 : f32
    %div3A_179 = vector.broadcast %div3A_178 : f32 to vector<1x256xf32>
    %div3A_180 = arith.divf %div3A_179, %div3A_173 : vector<1x256xf32>
    %max3A_181 = arith.maximumf %div3A_173, %div3A_180 : vector<1x256xf32>
    %max3A_182 = arith.maximumf %max3A_177, %max3A_181 : vector<1x256xf32>
    %div3A_183 = arith.constant 2.000000e+00 : f32
    %div3A_184 = vector.broadcast %div3A_183 : f32 to vector<1x256xf32>
    %div3A_185 = arith.divf %div3A_164, %div3A_184 : vector<1x256xf32>
    %div3A_186 = arith.constant 3.750000e+00 : f32
    %div3A_187 = vector.broadcast %div3A_186 : f32 to vector<1x256xf32>
    %div3A_188 = arith.divf %div3A_167, %div3A_187 : vector<1x256xf32>
    %div3A_189 = arith.constant 1.000000e+00 : f32
    %div3A_190 = vector.broadcast %div3A_189 : f32 to vector<1x256xf32>
    %div3A_191 = arith.divf %div3A_190, %div3A_185 : vector<1x256xf32>
    %max3A_192 = arith.maximumf %div3A_185, %div3A_191 : vector<1x256xf32>
    %div3A_193 = arith.constant 1.000000e+00 : f32
    %div3A_194 = vector.broadcast %div3A_193 : f32 to vector<1x256xf32>
    %div3A_195 = arith.divf %div3A_194, %div3A_188 : vector<1x256xf32>
    %max3A_196 = arith.maximumf %div3A_188, %div3A_195 : vector<1x256xf32>
    %max3A_197 = arith.maximumf %max3A_192, %max3A_196 : vector<1x256xf32>
    %div3A_198 = arith.constant 4.125000e+00 : f32
    %div3A_199 = vector.broadcast %div3A_198 : f32 to vector<1x256xf32>
    %div3A_200 = arith.divf %div3A_164, %div3A_199 : vector<1x256xf32>
    %div3A_201 = arith.constant 2.875000e+00 : f32
    %div3A_202 = vector.broadcast %div3A_201 : f32 to vector<1x256xf32>
    %div3A_203 = arith.divf %div3A_167, %div3A_202 : vector<1x256xf32>
    %div3A_204 = arith.constant 1.000000e+00 : f32
    %div3A_205 = vector.broadcast %div3A_204 : f32 to vector<1x256xf32>
    %div3A_206 = arith.divf %div3A_205, %div3A_200 : vector<1x256xf32>
    %max3A_207 = arith.maximumf %div3A_200, %div3A_206 : vector<1x256xf32>
    %div3A_208 = arith.constant 1.000000e+00 : f32
    %div3A_209 = vector.broadcast %div3A_208 : f32 to vector<1x256xf32>
    %div3A_210 = arith.divf %div3A_209, %div3A_203 : vector<1x256xf32>
    %max3A_211 = arith.maximumf %div3A_203, %div3A_210 : vector<1x256xf32>
    %max3A_212 = arith.maximumf %max3A_207, %max3A_211 : vector<1x256xf32>
    %lt3A_213 = arith.cmpf olt, %max3A_197, %max3A_182 : vector<1x256xf32>
    %jit3A_214 = arith.constant 1 : i32
    %jit3A_215 = arith.constant 0 : i32
    %broadcast_in_dim3A_216 = vector.broadcast %jit3A_214 : i32 to vector<1x256xi32>
    %broadcast_in_dim3A_217 = vector.broadcast %jit3A_215 : i32 to vector<1x256xi32>
    %select_n3A_218 = arith.select %lt3A_213, %broadcast_in_dim3A_216, %broadcast_in_dim3A_217 : vector<1x256xi1>, vector<1x256xi32>
    %min3A_219 = arith.minimumf %max3A_182, %max3A_197 : vector<1x256xf32>
    %lt3A_220 = arith.cmpf olt, %max3A_212, %min3A_219 : vector<1x256xf32>
    %jit3A_221 = arith.constant 2 : i32
    %broadcast_in_dim3A_222 = vector.broadcast %jit3A_221 : i32 to vector<1x256xi32>
    %select_n3A_223 = arith.select %lt3A_220, %broadcast_in_dim3A_222, %select_n3A_218 : vector<1x256xi1>, vector<1x256xi32>
    %mul3A_224 = arith.constant 3 : i32
    %mul3A_225 = vector.broadcast %mul3A_224 : i32 to vector<1x256xi32>
    %mul3A_226 = arith.muli %min3A_127, %mul3A_225 : vector<1x256xi32>
    %add3A_227 = arith.addi %mul3A_226, %select_n3A_223 : vector<1x256xi32>
    %mul3A_228 = arith.constant 80 : i32
    %mul3A_229 = vector.broadcast %mul3A_228 : i32 to vector<1x256xi32>
    %mul3A_230 = arith.muli %add3A_227, %mul3A_229 : vector<1x256xi32>
    %add3A_231 = arith.addi %mul3A_230, %min3A_161 : vector<1x256xi32>
    %mul3A_232 = arith.constant 80 : i32
    %mul3A_233 = vector.broadcast %mul3A_232 : i32 to vector<1x256xi32>
    %mul3A_234 = arith.muli %add3A_231, %mul3A_233 : vector<1x256xi32>
    %add3A_235 = arith.addi %mul3A_234, %min3A_151 : vector<1x256xi32>
    %iota3A = tpu.iota {dimensions = array<i32: 0>} : vector<256x256xi32>
    %iota3A_236 = tpu.iota {dimensions = array<i32: 1>} : vector<256x256xi32>
    %eq3A = vector.broadcast %add3A_115 : vector<256x1xi32> to vector<256x256xi32>
    %eq3A_237 = vector.broadcast %add3A_235 : vector<1x256xi32> to vector<256x256xi32>
    %eq3A_238 = arith.cmpi eq, %eq3A, %eq3A_237 : vector<256x256xi32>
    %lt3A_239 = arith.cmpi slt, %iota3A_236, %iota3A : vector<256x256xi32>
    %and3A = arith.andi %eq3A_238, %lt3A_239 : vector<256x256xi1>
    %and3A_240 = vector.broadcast %ge3A_119 : vector<1x256xi1> to vector<256x256xi1>
    %and3A_241 = arith.andi %and3A, %and3A_240 : vector<256x256xi1>
    %convert_element_type3A_242 = arith.extui %and3A_241 : vector<256x256xi1> to vector<256x256xi32>
    %convert_element_type3A_243 = arith.sitofp %convert_element_type3A_242 : vector<256x256xi32> to vector<256x256xf32>
    %reduce_max3A = arith.constant dense<0xFF800000> : vector<256xf32>
    %reduce_max3A_244 = vector.multi_reduction <maximumf>, %convert_element_type3A_243, %reduce_max3A [1] : vector<256x256xf32> to vector<256xf32>
    %broadcast_in_dim3A_245 = vector.shape_cast %reduce_max3A_244 : vector<256xf32> to vector<256x1xf32>
    %sub3A_246 = arith.constant 1.000000e+00 : f32
    %sub3A_247 = vector.broadcast %sub3A_246 : f32 to vector<256x1xf32>
    %sub3A_248 = arith.subf %sub3A_247, %broadcast_in_dim3A_245 : vector<256x1xf32>
    %mul3A_249 = arith.mulf %convert_element_type3A_7, %sub3A_248 : vector<256x1xf32>
    %get3A_250 = arith.constant 0 : index
    %get3A_251 = arith.constant 4 : index
    %get3A_252 = vector.load %arg0[%get3A_250, %get3A_251] : memref<256x96xf32, #tpu.memory_space<vmem>>, vector<256x1xf32>
    %mul3A_253 = arith.mulf %mul3A_249, %get3A_252 : vector<256x1xf32>
    %reduce_sum3A = vector.shape_cast %mul3A_253 : vector<256x1xf32> to vector<1x256x1xf32>
    %reduce_sum3A_254 = arith.constant dense<0.000000e+00> : vector<1xf32>
    %reduce_sum3A_255 = vector.multi_reduction <add>, %reduce_sum3A, %reduce_sum3A_254 [1, 2] : vector<1x256x1xf32> to vector<1xf32>
    %reduce_sum3A_256 = vector.shape_cast %reduce_sum3A_255 : vector<1xf32> to vector<1x1x1xf32>
    %reduce_sum3A_257 = vector.extract %reduce_sum3A_256[0, 0, 0] : f32 from vector<1x1x1xf32>
    %get3A_258 = arith.constant 0 : index
    %get3A_259 = arith.constant 5 : index
    %get3A_260 = vector.load %arg0[%get3A_258, %get3A_259] : memref<256x96xf32, #tpu.memory_space<vmem>>, vector<256x80xf32>
    %iota3A_261 = tpu.iota {dimensions = array<i32: 1>} : vector<256x80xi32>
    %max3A_262 = arith.constant 0.000000e+00 : f32
    %max3A_263 = vector.broadcast %max3A_262 : f32 to vector<256x80xf32>
    %max3A_264 = arith.maximumf %get3A_260, %max3A_263 : vector<256x80xf32>
    %abs3A = math.absf %get3A_260 : vector<256x80xf32>
    %neg3A = arith.constant 0.000000e+00 : f32
    %neg3A_265 = vector.broadcast %neg3A : f32 to vector<256x80xf32>
    %neg3A_266 = arith.subf %neg3A_265, %abs3A : vector<256x80xf32>
    %exp3A = math.exp %neg3A_266 : vector<256x80xf32>
    %add3A_267 = arith.constant 1.000000e+00 : f32
    %add3A_268 = vector.broadcast %add3A_267 : f32 to vector<256x80xf32>
    %add3A_269 = arith.addf %add3A_268, %exp3A : vector<256x80xf32>
    %log3A = math.log %add3A_269 : vector<256x80xf32>
    %add3A_270 = arith.addf %max3A_264, %log3A : vector<256x80xf32>
    %reduce_sum3A_271 = arith.constant dense<0.000000e+00> : vector<256xf32>
    %reduce_sum3A_272 = vector.multi_reduction <add>, %add3A_270, %reduce_sum3A_271 [1] : vector<256x80xf32> to vector<256xf32>
    %broadcast_in_dim3A_273 = vector.shape_cast %reduce_sum3A_272 : vector<256xf32> to vector<256x1xf32>
    %eq3A_274 = vector.broadcast %convert_element_type3A_14 : vector<256x1xi32> to vector<256x80xi32>
    %eq3A_275 = arith.cmpi eq, %iota3A_261, %eq3A_274 : vector<256x80xi32>
    %jit3A_276 = arith.constant 0.000000e+00 : f32
    %broadcast_in_dim3A_277 = vector.broadcast %jit3A_276 : f32 to vector<256x80xf32>
    %select_n3A_278 = arith.select %eq3A_275, %get3A_260, %broadcast_in_dim3A_277 : vector<256x80xi1>, vector<256x80xf32>
    %reduce_sum3A_279 = arith.constant dense<0.000000e+00> : vector<256xf32>
    %reduce_sum3A_280 = vector.multi_reduction <add>, %select_n3A_278, %reduce_sum3A_279 [1] : vector<256x80xf32> to vector<256xf32>
    %broadcast_in_dim3A_281 = vector.shape_cast %reduce_sum3A_280 : vector<256xf32> to vector<256x1xf32>
    %lt3A_282 = arith.constant 80 : i32
    %lt3A_283 = vector.broadcast %lt3A_282 : i32 to vector<256x1xi32>
    %lt3A_284 = arith.cmpi slt, %convert_element_type3A_14, %lt3A_283 : vector<256x1xi32>
    %convert_element_type3A_285 = arith.extui %lt3A_284 : vector<256x1xi1> to vector<256x1xi32>
    %convert_element_type3A_286 = arith.sitofp %convert_element_type3A_285 : vector<256x1xi32> to vector<256x1xf32>
    %mul3A_287 = arith.mulf %convert_element_type3A_286, %convert_element_type3A_7 : vector<256x1xf32>
    %sub3A_288 = arith.subf %broadcast_in_dim3A_273, %broadcast_in_dim3A_281 : vector<256x1xf32>
    %mul3A_289 = arith.mulf %sub3A_288, %mul3A_287 : vector<256x1xf32>
    %reduce_sum3A_290 = vector.shape_cast %mul3A_289 : vector<256x1xf32> to vector<1x256x1xf32>
    %reduce_sum3A_291 = arith.constant dense<0.000000e+00> : vector<1xf32>
    %reduce_sum3A_292 = vector.multi_reduction <add>, %reduce_sum3A_290, %reduce_sum3A_291 [1, 2] : vector<1x256x1xf32> to vector<1xf32>
    %reduce_sum3A_293 = vector.shape_cast %reduce_sum3A_292 : vector<1xf32> to vector<1x1x1xf32>
    %reduce_sum3A_294 = vector.extract %reduce_sum3A_293[0, 0, 0] : f32 from vector<1x1x1xf32>
    %convert_element_type3A_295 = arith.sitofp %min3A_35 : vector<256x1xi32> to vector<256x1xf32>
    %convert_element_type3A_296 = arith.sitofp %min3A_45 : vector<256x1xi32> to vector<256x1xf32>
    %get3A_297 = arith.constant 0 : index
    %get3A_298 = arith.constant 0 : index
    %get3A_299 = vector.load %arg0[%get3A_297, %get3A_298] : memref<256x96xf32, #tpu.memory_space<vmem>>, vector<256x1xf32>
    %neg3A_300 = arith.constant 0.000000e+00 : f32
    %neg3A_301 = vector.broadcast %neg3A_300 : f32 to vector<256x1xf32>
    %neg3A_302 = arith.subf %neg3A_301, %get3A_299 : vector<256x1xf32>
    %exp3A_303 = math.exp %neg3A_302 : vector<256x1xf32>
    %add3A_304 = arith.constant 1.000000e+00 : f32
    %add3A_305 = vector.broadcast %add3A_304 : f32 to vector<256x1xf32>
    %add3A_306 = arith.addf %add3A_305, %exp3A_303 : vector<256x1xf32>
    %div3A_307 = arith.constant 1.000000e+00 : f32
    %div3A_308 = vector.broadcast %div3A_307 : f32 to vector<256x1xf32>
    %div3A_309 = arith.divf %div3A_308, %add3A_306 : vector<256x1xf32>
    %add3A_310 = arith.addf %div3A_309, %convert_element_type3A_295 : vector<256x1xf32>
    %mul3A_311 = arith.constant 8.000000e+00 : f32
    %mul3A_312 = vector.broadcast %mul3A_311 : f32 to vector<256x1xf32>
    %mul3A_313 = arith.mulf %add3A_310, %mul3A_312 : vector<256x1xf32>
    %get3A_314 = arith.constant 0 : index
    %get3A_315 = arith.constant 1 : index
    %get3A_316 = vector.load %arg0[%get3A_314, %get3A_315] : memref<256x96xf32, #tpu.memory_space<vmem>>, vector<256x1xf32>
    %neg3A_317 = arith.constant 0.000000e+00 : f32
    %neg3A_318 = vector.broadcast %neg3A_317 : f32 to vector<256x1xf32>
    %neg3A_319 = arith.subf %neg3A_318, %get3A_316 : vector<256x1xf32>
    %exp3A_320 = math.exp %neg3A_319 : vector<256x1xf32>
    %add3A_321 = arith.constant 1.000000e+00 : f32
    %add3A_322 = vector.broadcast %add3A_321 : f32 to vector<256x1xf32>
    %add3A_323 = arith.addf %add3A_322, %exp3A_320 : vector<256x1xf32>
    %div3A_324 = arith.constant 1.000000e+00 : f32
    %div3A_325 = vector.broadcast %div3A_324 : f32 to vector<256x1xf32>
    %div3A_326 = arith.divf %div3A_325, %add3A_323 : vector<256x1xf32>
    %add3A_327 = arith.addf %div3A_326, %convert_element_type3A_296 : vector<256x1xf32>
    %mul3A_328 = arith.constant 8.000000e+00 : f32
    %mul3A_329 = vector.broadcast %mul3A_328 : f32 to vector<256x1xf32>
    %mul3A_330 = arith.mulf %add3A_327, %mul3A_329 : vector<256x1xf32>
    %eq3A_331 = arith.constant 0 : i32
    %eq3A_332 = vector.broadcast %eq3A_331 : i32 to vector<256x1xi32>
    %eq3A_333 = arith.cmpi eq, %select_n3A_104, %eq3A_332 : vector<256x1xi32>
    %eq3A_334 = arith.constant 1 : i32
    %eq3A_335 = vector.broadcast %eq3A_334 : i32 to vector<256x1xi32>
    %eq3A_336 = arith.cmpi eq, %select_n3A_104, %eq3A_335 : vector<256x1xi32>
    %jit3A_337 = arith.constant 1.600000e+01 : f32
    %jit3A_338 = arith.constant 3.300000e+01 : f32
    %broadcast_in_dim3A_339 = vector.broadcast %jit3A_337 : f32 to vector<256x1xf32>
    %broadcast_in_dim3A_340 = vector.broadcast %jit3A_338 : f32 to vector<256x1xf32>
    %select_n3A_341 = arith.select %eq3A_336, %broadcast_in_dim3A_339, %broadcast_in_dim3A_340 : vector<256x1xi1>, vector<256x1xf32>
    %jit3A_342 = arith.constant 1.000000e+01 : f32
    %broadcast_in_dim3A_343 = vector.broadcast %jit3A_342 : f32 to vector<256x1xf32>
    %select_n3A_344 = arith.select %eq3A_333, %broadcast_in_dim3A_343, %select_n3A_341 : vector<256x1xi1>, vector<256x1xf32>
    %eq3A_345 = arith.constant 0 : i32
    %eq3A_346 = vector.broadcast %eq3A_345 : i32 to vector<256x1xi32>
    %eq3A_347 = arith.cmpi eq, %select_n3A_104, %eq3A_346 : vector<256x1xi32>
    %eq3A_348 = arith.constant 1 : i32
    %eq3A_349 = vector.broadcast %eq3A_348 : i32 to vector<256x1xi32>
    %eq3A_350 = arith.cmpi eq, %select_n3A_104, %eq3A_349 : vector<256x1xi32>
    %jit3A_351 = arith.constant 3.000000e+01 : f32
    %jit3A_352 = arith.constant 2.300000e+01 : f32
    %broadcast_in_dim3A_353 = vector.broadcast %jit3A_351 : f32 to vector<256x1xf32>
    %broadcast_in_dim3A_354 = vector.broadcast %jit3A_352 : f32 to vector<256x1xf32>
    %select_n3A_355 = arith.select %eq3A_350, %broadcast_in_dim3A_353, %broadcast_in_dim3A_354 : vector<256x1xi1>, vector<256x1xf32>
    %jit3A_356 = arith.constant 1.300000e+01 : f32
    %broadcast_in_dim3A_357 = vector.broadcast %jit3A_356 : f32 to vector<256x1xf32>
    %select_n3A_358 = arith.select %eq3A_347, %broadcast_in_dim3A_357, %select_n3A_355 : vector<256x1xi1>, vector<256x1xf32>
    %get3A_359 = arith.constant 0 : index
    %get3A_360 = arith.constant 2 : index
    %get3A_361 = vector.load %arg0[%get3A_359, %get3A_360] : memref<256x96xf32, #tpu.memory_space<vmem>>, vector<256x1xf32>
    %exp3A_362 = math.exp %get3A_361 : vector<256x1xf32>
    %mul3A_363 = arith.mulf %exp3A_362, %select_n3A_344 : vector<256x1xf32>
    %mul3A_364 = arith.constant 8.000000e+00 : f32
    %mul3A_365 = vector.broadcast %mul3A_364 : f32 to vector<256x1xf32>
    %mul3A_366 = arith.mulf %mul3A_363, %mul3A_365 : vector<256x1xf32>
    %get3A_367 = arith.constant 0 : index
    %get3A_368 = arith.constant 3 : index
    %get3A_369 = vector.load %arg0[%get3A_367, %get3A_368] : memref<256x96xf32, #tpu.memory_space<vmem>>, vector<256x1xf32>
    %exp3A_370 = math.exp %get3A_369 : vector<256x1xf32>
    %mul3A_371 = arith.mulf %exp3A_370, %select_n3A_358 : vector<256x1xf32>
    %mul3A_372 = arith.constant 8.000000e+00 : f32
    %mul3A_373 = vector.broadcast %mul3A_372 : f32 to vector<256x1xf32>
    %mul3A_374 = arith.mulf %mul3A_371, %mul3A_373 : vector<256x1xf32>
    %div3A_375 = arith.constant 2.000000e+00 : f32
    %div3A_376 = vector.broadcast %div3A_375 : f32 to vector<256x1xf32>
    %div3A_377 = arith.divf %mul3A_366, %div3A_376 : vector<256x1xf32>
    %sub3A_378 = arith.subf %mul3A_313, %div3A_377 : vector<256x1xf32>
    %div3A_379 = arith.constant 2.000000e+00 : f32
    %div3A_380 = vector.broadcast %div3A_379 : f32 to vector<256x1xf32>
    %div3A_381 = arith.divf %mul3A_374, %div3A_380 : vector<256x1xf32>
    %sub3A_382 = arith.subf %mul3A_330, %div3A_381 : vector<256x1xf32>
    %div3A_383 = arith.constant 2.000000e+00 : f32
    %div3A_384 = vector.broadcast %div3A_383 : f32 to vector<256x1xf32>
    %div3A_385 = arith.divf %mul3A_366, %div3A_384 : vector<256x1xf32>
    %add3A_386 = arith.addf %mul3A_313, %div3A_385 : vector<256x1xf32>
    %div3A_387 = arith.constant 2.000000e+00 : f32
    %div3A_388 = vector.broadcast %div3A_387 : f32 to vector<256x1xf32>
    %div3A_389 = arith.divf %mul3A_374, %div3A_388 : vector<256x1xf32>
    %add3A_390 = arith.addf %mul3A_330, %div3A_389 : vector<256x1xf32>
    %div3A_391 = arith.constant 2.000000e+00 : f32
    %div3A_392 = vector.broadcast %div3A_391 : f32 to vector<256x1xf32>
    %div3A_393 = arith.divf %sub3A, %div3A_392 : vector<256x1xf32>
    %sub3A_394 = arith.subf %div3A_20, %div3A_393 : vector<256x1xf32>
    %div3A_395 = arith.constant 2.000000e+00 : f32
    %div3A_396 = vector.broadcast %div3A_395 : f32 to vector<256x1xf32>
    %div3A_397 = arith.divf %sub3A_25, %div3A_396 : vector<256x1xf32>
    %sub3A_398 = arith.subf %div3A_24, %div3A_397 : vector<256x1xf32>
    %div3A_399 = arith.constant 2.000000e+00 : f32
    %div3A_400 = vector.broadcast %div3A_399 : f32 to vector<256x1xf32>
    %div3A_401 = arith.divf %sub3A, %div3A_400 : vector<256x1xf32>
    %add3A_402 = arith.addf %div3A_20, %div3A_401 : vector<256x1xf32>
    %div3A_403 = arith.constant 2.000000e+00 : f32
    %div3A_404 = vector.broadcast %div3A_403 : f32 to vector<256x1xf32>
    %div3A_405 = arith.divf %sub3A_25, %div3A_404 : vector<256x1xf32>
    %add3A_406 = arith.addf %div3A_24, %div3A_405 : vector<256x1xf32>
    %min3A_407 = arith.minimumf %add3A_386, %add3A_402 : vector<256x1xf32>
    %max3A_408 = arith.maximumf %sub3A_378, %sub3A_394 : vector<256x1xf32>
    %sub3A_409 = arith.subf %min3A_407, %max3A_408 : vector<256x1xf32>
    %max3A_410 = arith.constant 0.000000e+00 : f32
    %max3A_411 = vector.broadcast %max3A_410 : f32 to vector<256x1xf32>
    %max3A_412 = arith.maximumf %sub3A_409, %max3A_411 : vector<256x1xf32>
    %min3A_413 = arith.minimumf %add3A_390, %add3A_406 : vector<256x1xf32>
    %max3A_414 = arith.maximumf %sub3A_382, %sub3A_398 : vector<256x1xf32>
    %sub3A_415 = arith.subf %min3A_413, %max3A_414 : vector<256x1xf32>
    %max3A_416 = arith.constant 0.000000e+00 : f32
    %max3A_417 = vector.broadcast %max3A_416 : f32 to vector<256x1xf32>
    %max3A_418 = arith.maximumf %sub3A_415, %max3A_417 : vector<256x1xf32>
    %mul3A_419 = arith.mulf %max3A_412, %max3A_418 : vector<256x1xf32>
    %sub3A_420 = arith.subf %add3A_386, %sub3A_378 : vector<256x1xf32>
    %sub3A_421 = arith.subf %add3A_390, %sub3A_382 : vector<256x1xf32>
    %mul3A_422 = arith.mulf %sub3A_420, %sub3A_421 : vector<256x1xf32>
    %sub3A_423 = arith.subf %add3A_402, %sub3A_394 : vector<256x1xf32>
    %sub3A_424 = arith.subf %add3A_406, %sub3A_398 : vector<256x1xf32>
    %mul3A_425 = arith.mulf %sub3A_423, %sub3A_424 : vector<256x1xf32>
    %add3A_426 = arith.addf %mul3A_422, %mul3A_425 : vector<256x1xf32>
    %sub3A_427 = arith.subf %add3A_426, %mul3A_419 : vector<256x1xf32>
    %add3A_428 = arith.constant 1.000000e-10 : f32
    %add3A_429 = vector.broadcast %add3A_428 : f32 to vector<256x1xf32>
    %add3A_430 = arith.addf %sub3A_427, %add3A_429 : vector<256x1xf32>
    %div3A_431 = arith.divf %mul3A_419, %add3A_430 : vector<256x1xf32>
    %sub3A_432 = arith.subf %mul3A_313, %div3A_20 : vector<256x1xf32>
    %integer_pow3A = arith.mulf %sub3A_432, %sub3A_432 : vector<256x1xf32>
    %sub3A_433 = arith.subf %mul3A_330, %div3A_24 : vector<256x1xf32>
    %integer_pow3A_434 = arith.mulf %sub3A_433, %sub3A_433 : vector<256x1xf32>
    %add3A_435 = arith.addf %integer_pow3A, %integer_pow3A_434 : vector<256x1xf32>
    %max3A_436 = arith.maximumf %add3A_386, %add3A_402 : vector<256x1xf32>
    %min3A_437 = arith.minimumf %sub3A_378, %sub3A_394 : vector<256x1xf32>
    %sub3A_438 = arith.subf %max3A_436, %min3A_437 : vector<256x1xf32>
    %max3A_439 = arith.maximumf %add3A_390, %add3A_406 : vector<256x1xf32>
    %min3A_440 = arith.minimumf %sub3A_382, %sub3A_398 : vector<256x1xf32>
    %sub3A_441 = arith.subf %max3A_439, %min3A_440 : vector<256x1xf32>
    %integer_pow3A_442 = arith.mulf %sub3A_438, %sub3A_438 : vector<256x1xf32>
    %integer_pow3A_443 = arith.mulf %sub3A_441, %sub3A_441 : vector<256x1xf32>
    %add3A_444 = arith.addf %integer_pow3A_442, %integer_pow3A_443 : vector<256x1xf32>
    %add3A_445 = arith.constant 1.000000e-10 : f32
    %add3A_446 = vector.broadcast %add3A_445 : f32 to vector<256x1xf32>
    %add3A_447 = arith.addf %add3A_444, %add3A_446 : vector<256x1xf32>
    %add3A_448 = arith.constant 1.000000e-10 : f32
    %add3A_449 = vector.broadcast %add3A_448 : f32 to vector<256x1xf32>
    %add3A_450 = arith.addf %sub3A_25, %add3A_449 : vector<256x1xf32>
    %div3A_451 = arith.divf %sub3A, %add3A_450 : vector<256x1xf32>
    %sign3A = tpu.bitcast %div3A_451 : vector<256x1xf32> -> vector<256x1xi32>
    %sign3A_452 = arith.constant -2147483648 : i32
    %sign3A_453 = vector.broadcast %sign3A_452 : i32 to vector<256x1xi32>
    %sign3A_454 = arith.andi %sign3A, %sign3A_453 : vector<256x1xi32>
    %sign3A_455 = arith.constant 1065353216 : i32
    %sign3A_456 = vector.broadcast %sign3A_455 : i32 to vector<256x1xi32>
    %sign3A_457 = arith.ori %sign3A_456, %sign3A_454 : vector<256x1xi32>
    %sign3A_458 = tpu.bitcast %sign3A_457 : vector<256x1xi32> -> vector<256x1xf32>
    %sign3A_459 = math.absf %div3A_451 : vector<256x1xf32>
    %sign3A_460 = arith.constant 0.000000e+00 : f32
    %sign3A_461 = vector.broadcast %sign3A_460 : f32 to vector<256x1xf32>
    %sign3A_462 = arith.cmpf ogt, %sign3A_459, %sign3A_461 : vector<256x1xf32>
    %sign3A_463 = arith.select %sign3A_462, %sign3A_458, %div3A_451 : vector<256x1xi1>, vector<256x1xf32>
    %abs3A_464 = math.absf %div3A_451 : vector<256x1xf32>
    %gt3A = arith.constant 2.41421366 : f32
    %gt3A_465 = vector.broadcast %gt3A : f32 to vector<256x1xf32>
    %gt3A_466 = arith.cmpf ogt, %abs3A_464, %gt3A_465 : vector<256x1xf32>
    %gt3A_467 = arith.constant 0.414213568 : f32
    %gt3A_468 = vector.broadcast %gt3A_467 : f32 to vector<256x1xf32>
    %gt3A_469 = arith.cmpf ogt, %abs3A_464, %gt3A_468 : vector<256x1xf32>
    %div3A_470 = arith.constant -1.000000e+00 : f32
    %div3A_471 = vector.broadcast %div3A_470 : f32 to vector<256x1xf32>
    %div3A_472 = arith.divf %div3A_471, %abs3A_464 : vector<256x1xf32>
    %sub3A_473 = arith.constant 1.000000e+00 : f32
    %sub3A_474 = vector.broadcast %sub3A_473 : f32 to vector<256x1xf32>
    %sub3A_475 = arith.subf %abs3A_464, %sub3A_474 : vector<256x1xf32>
    %add3A_476 = arith.constant 1.000000e+00 : f32
    %add3A_477 = vector.broadcast %add3A_476 : f32 to vector<256x1xf32>
    %add3A_478 = arith.addf %abs3A_464, %add3A_477 : vector<256x1xf32>
    %div3A_479 = arith.divf %sub3A_475, %add3A_478 : vector<256x1xf32>
    %select_n3A_480 = arith.select %gt3A_469, %div3A_479, %abs3A_464 : vector<256x1xi1>, vector<256x1xf32>
    %select_n3A_481 = arith.select %gt3A_466, %div3A_472, %select_n3A_480 : vector<256x1xi1>, vector<256x1xf32>
    %jit3A_482 = arith.constant 0.785398185 : f32
    %jit3A_483 = arith.constant 0.000000e+00 : f32
    %broadcast_in_dim3A_484 = vector.broadcast %jit3A_482 : f32 to vector<256x1xf32>
    %broadcast_in_dim3A_485 = vector.broadcast %jit3A_483 : f32 to vector<256x1xf32>
    %select_n3A_486 = arith.select %gt3A_469, %broadcast_in_dim3A_484, %broadcast_in_dim3A_485 : vector<256x1xi1>, vector<256x1xf32>
    %jit3A_487 = arith.constant 1.57079637 : f32
    %broadcast_in_dim3A_488 = vector.broadcast %jit3A_487 : f32 to vector<256x1xf32>
    %select_n3A_489 = arith.select %gt3A_466, %broadcast_in_dim3A_488, %select_n3A_486 : vector<256x1xi1>, vector<256x1xf32>
    %mul3A_490 = arith.mulf %select_n3A_481, %select_n3A_481 : vector<256x1xf32>
    %mul3A_491 = arith.constant 0.0805374458 : f32
    %mul3A_492 = vector.broadcast %mul3A_491 : f32 to vector<256x1xf32>
    %mul3A_493 = arith.mulf %mul3A_492, %mul3A_490 : vector<256x1xf32>
    %sub3A_494 = arith.constant 0.138776854 : f32
    %sub3A_495 = vector.broadcast %sub3A_494 : f32 to vector<256x1xf32>
    %sub3A_496 = arith.subf %mul3A_493, %sub3A_495 : vector<256x1xf32>
    %mul3A_497 = arith.mulf %sub3A_496, %mul3A_490 : vector<256x1xf32>
    %add3A_498 = arith.constant 0.199777111 : f32
    %add3A_499 = vector.broadcast %add3A_498 : f32 to vector<256x1xf32>
    %add3A_500 = arith.addf %mul3A_497, %add3A_499 : vector<256x1xf32>
    %mul3A_501 = arith.mulf %add3A_500, %mul3A_490 : vector<256x1xf32>
    %sub3A_502 = arith.constant 0.333329499 : f32
    %sub3A_503 = vector.broadcast %sub3A_502 : f32 to vector<256x1xf32>
    %sub3A_504 = arith.subf %mul3A_501, %sub3A_503 : vector<256x1xf32>
    %mul3A_505 = arith.mulf %sub3A_504, %mul3A_490 : vector<256x1xf32>
    %mul3A_506 = arith.mulf %mul3A_505, %select_n3A_481 : vector<256x1xf32>
    %add3A_507 = arith.addf %mul3A_506, %select_n3A_481 : vector<256x1xf32>
    %add3A_508 = arith.addf %select_n3A_489, %add3A_507 : vector<256x1xf32>
    %mul3A_509 = arith.mulf %sign3A_463, %add3A_508 : vector<256x1xf32>
    %add3A_510 = arith.constant 1.000000e-10 : f32
    %add3A_511 = vector.broadcast %add3A_510 : f32 to vector<256x1xf32>
    %add3A_512 = arith.addf %mul3A_374, %add3A_511 : vector<256x1xf32>
    %div3A_513 = arith.divf %mul3A_366, %add3A_512 : vector<256x1xf32>
    %sign3A_514 = tpu.bitcast %div3A_513 : vector<256x1xf32> -> vector<256x1xi32>
    %sign3A_515 = arith.constant -2147483648 : i32
    %sign3A_516 = vector.broadcast %sign3A_515 : i32 to vector<256x1xi32>
    %sign3A_517 = arith.andi %sign3A_514, %sign3A_516 : vector<256x1xi32>
    %sign3A_518 = arith.constant 1065353216 : i32
    %sign3A_519 = vector.broadcast %sign3A_518 : i32 to vector<256x1xi32>
    %sign3A_520 = arith.ori %sign3A_519, %sign3A_517 : vector<256x1xi32>
    %sign3A_521 = tpu.bitcast %sign3A_520 : vector<256x1xi32> -> vector<256x1xf32>
    %sign3A_522 = math.absf %div3A_513 : vector<256x1xf32>
    %sign3A_523 = arith.constant 0.000000e+00 : f32
    %sign3A_524 = vector.broadcast %sign3A_523 : f32 to vector<256x1xf32>
    %sign3A_525 = arith.cmpf ogt, %sign3A_522, %sign3A_524 : vector<256x1xf32>
    %sign3A_526 = arith.select %sign3A_525, %sign3A_521, %div3A_513 : vector<256x1xi1>, vector<256x1xf32>
    %abs3A_527 = math.absf %div3A_513 : vector<256x1xf32>
    %gt3A_528 = arith.constant 2.41421366 : f32
    %gt3A_529 = vector.broadcast %gt3A_528 : f32 to vector<256x1xf32>
    %gt3A_530 = arith.cmpf ogt, %abs3A_527, %gt3A_529 : vector<256x1xf32>
    %gt3A_531 = arith.constant 0.414213568 : f32
    %gt3A_532 = vector.broadcast %gt3A_531 : f32 to vector<256x1xf32>
    %gt3A_533 = arith.cmpf ogt, %abs3A_527, %gt3A_532 : vector<256x1xf32>
    %div3A_534 = arith.constant -1.000000e+00 : f32
    %div3A_535 = vector.broadcast %div3A_534 : f32 to vector<256x1xf32>
    %div3A_536 = arith.divf %div3A_535, %abs3A_527 : vector<256x1xf32>
    %sub3A_537 = arith.constant 1.000000e+00 : f32
    %sub3A_538 = vector.broadcast %sub3A_537 : f32 to vector<256x1xf32>
    %sub3A_539 = arith.subf %abs3A_527, %sub3A_538 : vector<256x1xf32>
    %add3A_540 = arith.constant 1.000000e+00 : f32
    %add3A_541 = vector.broadcast %add3A_540 : f32 to vector<256x1xf32>
    %add3A_542 = arith.addf %abs3A_527, %add3A_541 : vector<256x1xf32>
    %div3A_543 = arith.divf %sub3A_539, %add3A_542 : vector<256x1xf32>
    %select_n3A_544 = arith.select %gt3A_533, %div3A_543, %abs3A_527 : vector<256x1xi1>, vector<256x1xf32>
    %select_n3A_545 = arith.select %gt3A_530, %div3A_536, %select_n3A_544 : vector<256x1xi1>, vector<256x1xf32>
    %jit3A_546 = arith.constant 0.785398185 : f32
    %jit3A_547 = arith.constant 0.000000e+00 : f32
    %broadcast_in_dim3A_548 = vector.broadcast %jit3A_546 : f32 to vector<256x1xf32>
    %broadcast_in_dim3A_549 = vector.broadcast %jit3A_547 : f32 to vector<256x1xf32>
    %select_n3A_550 = arith.select %gt3A_533, %broadcast_in_dim3A_548, %broadcast_in_dim3A_549 : vector<256x1xi1>, vector<256x1xf32>
    %jit3A_551 = arith.constant 1.57079637 : f32
    %broadcast_in_dim3A_552 = vector.broadcast %jit3A_551 : f32 to vector<256x1xf32>
    %select_n3A_553 = arith.select %gt3A_530, %broadcast_in_dim3A_552, %select_n3A_550 : vector<256x1xi1>, vector<256x1xf32>
    %mul3A_554 = arith.mulf %select_n3A_545, %select_n3A_545 : vector<256x1xf32>
    %mul3A_555 = arith.constant 0.0805374458 : f32
    %mul3A_556 = vector.broadcast %mul3A_555 : f32 to vector<256x1xf32>
    %mul3A_557 = arith.mulf %mul3A_556, %mul3A_554 : vector<256x1xf32>
    %sub3A_558 = arith.constant 0.138776854 : f32
    %sub3A_559 = vector.broadcast %sub3A_558 : f32 to vector<256x1xf32>
    %sub3A_560 = arith.subf %mul3A_557, %sub3A_559 : vector<256x1xf32>
    %mul3A_561 = arith.mulf %sub3A_560, %mul3A_554 : vector<256x1xf32>
    %add3A_562 = arith.constant 0.199777111 : f32
    %add3A_563 = vector.broadcast %add3A_562 : f32 to vector<256x1xf32>
    %add3A_564 = arith.addf %mul3A_561, %add3A_563 : vector<256x1xf32>
    %mul3A_565 = arith.mulf %add3A_564, %mul3A_554 : vector<256x1xf32>
    %sub3A_566 = arith.constant 0.333329499 : f32
    %sub3A_567 = vector.broadcast %sub3A_566 : f32 to vector<256x1xf32>
    %sub3A_568 = arith.subf %mul3A_565, %sub3A_567 : vector<256x1xf32>
    %mul3A_569 = arith.mulf %sub3A_568, %mul3A_554 : vector<256x1xf32>
    %mul3A_570 = arith.mulf %mul3A_569, %select_n3A_545 : vector<256x1xf32>
    %add3A_571 = arith.addf %mul3A_570, %select_n3A_545 : vector<256x1xf32>
    %add3A_572 = arith.addf %select_n3A_553, %add3A_571 : vector<256x1xf32>
    %mul3A_573 = arith.mulf %sign3A_526, %add3A_572 : vector<256x1xf32>
    %sub3A_574 = arith.subf %mul3A_509, %mul3A_573 : vector<256x1xf32>
    %integer_pow3A_575 = arith.mulf %sub3A_574, %sub3A_574 : vector<256x1xf32>
    %mul3A_576 = arith.constant 0.405284733 : f32
    %mul3A_577 = vector.broadcast %mul3A_576 : f32 to vector<256x1xf32>
    %mul3A_578 = arith.mulf %mul3A_577, %integer_pow3A_575 : vector<256x1xf32>
    %sub3A_579 = arith.constant 1.000000e+00 : f32
    %sub3A_580 = vector.broadcast %sub3A_579 : f32 to vector<256x1xf32>
    %sub3A_581 = arith.subf %sub3A_580, %div3A_431 : vector<256x1xf32>
    %add3A_582 = arith.addf %sub3A_581, %mul3A_578 : vector<256x1xf32>
    %add3A_583 = arith.constant 1.000000e-10 : f32
    %add3A_584 = vector.broadcast %add3A_583 : f32 to vector<256x1xf32>
    %add3A_585 = arith.addf %add3A_582, %add3A_584 : vector<256x1xf32>
    %div3A_586 = arith.divf %mul3A_578, %add3A_585 : vector<256x1xf32>
    %div3A_587 = arith.divf %add3A_435, %add3A_447 : vector<256x1xf32>
    %sub3A_588 = arith.subf %div3A_431, %div3A_587 : vector<256x1xf32>
    %mul3A_589 = arith.mulf %div3A_586, %mul3A_578 : vector<256x1xf32>
    %sub3A_590 = arith.subf %sub3A_588, %mul3A_589 : vector<256x1xf32>
    %sub3A_591 = arith.constant 1.000000e+00 : f32
    %sub3A_592 = vector.broadcast %sub3A_591 : f32 to vector<256x1xf32>
    %sub3A_593 = arith.subf %sub3A_592, %sub3A_590 : vector<256x1xf32>
    %mul3A_594 = arith.mulf %sub3A_593, %convert_element_type3A_7 : vector<256x1xf32>
    %reduce_sum3A_595 = vector.shape_cast %mul3A_594 : vector<256x1xf32> to vector<1x256x1xf32>
    %reduce_sum3A_596 = arith.constant dense<0.000000e+00> : vector<1xf32>
    %reduce_sum3A_597 = vector.multi_reduction <add>, %reduce_sum3A_595, %reduce_sum3A_596 [1, 2] : vector<1x256x1xf32> to vector<1xf32>
    %reduce_sum3A_598 = vector.shape_cast %reduce_sum3A_597 : vector<1xf32> to vector<1x1x1xf32>
    %reduce_sum3A_599 = vector.extract %reduce_sum3A_598[0, 0, 0] : f32 from vector<1x1x1xf32>
    %reduce_sum3A_600 = vector.shape_cast %convert_element_type3A_7 : vector<256x1xf32> to vector<1x256x1xf32>
    %reduce_sum3A_601 = arith.constant dense<0.000000e+00> : vector<1xf32>
    %reduce_sum3A_602 = vector.multi_reduction <add>, %reduce_sum3A_600, %reduce_sum3A_601 [1, 2] : vector<1x256x1xf32> to vector<1xf32>
    %reduce_sum3A_603 = vector.shape_cast %reduce_sum3A_602 : vector<1xf32> to vector<1x1x1xf32>
    %reduce_sum3A_604 = vector.extract %reduce_sum3A_603[0, 0, 0] : f32 from vector<1x1x1xf32>
    %max3A_605 = arith.constant 1.000000e+00 : f32
    %max3A_606 = arith.maximumf %reduce_sum3A_604, %max3A_605 : f32
    %get3A_607 = arith.constant 0 : index
    %get3A_608 = arith.constant 0 : index
    %get3A_609 = vector.load %arg3[%get3A_607, %get3A_608] : memref<1x1xf32, #tpu.memory_space<vmem>>, vector<1x1xf32>
    %get3A_610 = vector.extract %get3A_609[0, 0] : f32 from vector<1x1xf32>
    %sub3A_611 = arith.subf %get3A_610, %reduce_sum3A_257 : f32
    %div3A_612 = arith.constant 3.072000e+05 : f32
    %div3A_613 = arith.divf %sub3A_611, %div3A_612 : f32
    %div3A_614 = arith.divf %reduce_sum3A_599, %max3A_606 : f32
    %div3A_615 = arith.divf %reduce_sum3A_294, %max3A_606 : f32
    %mul3A_616 = arith.constant 5.000000e+00 : f32
    %mul3A_617 = arith.mulf %mul3A_616, %div3A_614 : f32
    %add3A_618 = arith.addf %mul3A_617, %div3A_613 : f32
    %add3A_619 = arith.addf %add3A_618, %div3A_615 : f32
    %stack3A = vector.broadcast %add3A_619 : f32 to vector<1xf32>
    %stack3A_620 = vector.broadcast %div3A_614 : f32 to vector<1xf32>
    %stack3A_621 = vector.broadcast %div3A_613 : f32 to vector<1xf32>
    %stack3A_622 = vector.broadcast %div3A_615 : f32 to vector<1xf32>
    %stack3A_623 = tpu.concatenate %stack3A, %stack3A_620, %stack3A_621, %stack3A_622 in 0 : vector<1xf32>, vector<1xf32>, vector<1xf32>, vector<1xf32> -> vector<4xf32>
    %reshape3A = vector.shape_cast %stack3A_623 : vector<4xf32> to vector<1x4xf32>
    %swap3A = arith.constant 0 : index
    %swap3A_624 = arith.constant 0 : index
    %swap3A_625 = vector.load %arg4[%swap3A, %swap3A_624] : memref<1x4xf32, #tpu.memory_space<vmem>>, vector<1x4xf32>
    tpu.vector_store %arg4[%swap3A, %swap3A_624], %reshape3A {strides = array<i32>} : memref<1x4xf32, #tpu.memory_space<vmem>>, vector<1x4xf32>,
    return
  }
}

</mosaic_0001>

<sc_bundles>
// kernel: kernel.5.cloned.1.call-start
scs
__scs_entry_jumppad:
0x0: {  	(pc) =	sbr.rel $0x88, $3  }
0x1: {  	(tag) =	ssettag $0x0;
	lr =	simm.s32 $0x1  }
0x2: {  	[smem:$0x3F9F] =	sst lr;
	_ =	strace $0xD0000000  }
0x3: {  	_ = 	snop  }
0x4: {  	_ = 	snop  }
0x5: {  	_ = 	snop  }
0x6: {  	_ = 	snop  }
0x7: {  	_ = 	snop  }
__scs_overlays_trampoline_lowered:
0x8: {  	[smem:$0x3FAE] =	sst s0  }
0x9: {  	[smem:$0x3FAF] =	sst s1  }
0xa: {  	[smem:$0x3FB0] =	sst s2  }
0xb: {  	[smem:$0x3FB1] =	sst s3  }
0xc: {  	[smem:$0x3FB2] =	sst s4  }
0xd: {  	[smem:$0x3FB3] =	sst s5  }
0xe: {  	[smem:$0x3FB4] =	sst s6  }
0xf: {  	[smem:$0x3FB5] =	sst s7  }
0x10: {  	[smem:$0x3FB6] =	sst s8  }
0x11: {  	[smem:$0x3FB7] =	sst s9;
	s0 =	simm.s32 @!p0 $0x0  }
0x12: {  	s1 =	sld [smem:$0x3F9D];
	s0 =	simm.s32 @p0 $0x1  }
0x13: {  	[smem:$0x3FB8] =	sst s0;
	s0 =	simm.s32 @!p1 $0x0  }
0x14: {  	s2 =	sld [smem:$0x3F9C];
	s0 =	simm.s32 @p1 $0x1  }
0x15: {  	[smem:$0x3FB9] =	sst s0;
	s0 =	simm.s32 @!p2 $0x0  }
0x16: {  	s3 =	sld [smem:$0x3FDB];
	s0 =	simm.s32 @p2 $0x1  }
0x17: {  	s4 =	simm.s32 $0x1BF5;
	[smem:$0x3FBB] =	sst s0  }
0x18: {  	s0 =	sld [smem:$0x3F9E];
	_ =	swait.ge [sflag:s4], $0x0  }
0x19: {  	s7 =	sld [smem:$0x3F9F]  }
0x1a: {  	s8 =	sadd.s32 $0xFFFFE003, lr  }
0x1b: {  	s9 =	sadd.s32 $0xFFFFFEF7, lr;
	s5 =	simm.s32 $0xFFFFFFFF;
	p2 =	slt.u32 s8, $0xFFFFF086  }
0x1c: {  	p1 =	slt.u32 s9, $0xF7A;
	s5 =	simm.s32 @!p2 $0x0  }
0x1d: {  	s5 =	simm.s32 @p1 $0x1;
	p0 =	seq.s32 s7, s2  }
0x1e: {  	s7 =	smul.u32 @!p0 $0xF7A, s2;
	p2 =	seq.s32 @!p0 s5, $0x0  }
0x1f: {  	s9 =	smul.u32 $0xF7A, s1;
	s8 =	simm.s32 @!p0 $0x1BF5;
	p2 =	por !p2, p0  }
0x20: {  	[sflag:s8] =	ssyncset.s32 @!p0 $0xFFFFF086;
	s6 =	sadd.s32 @!p0 s3, s7;
	s7 =	simm.s32 @!p0 $0x108  }
0x21: {  	s3 =	sadd.s32 s3, s9;
	s6 =	sadd.s32 @!p0 $0x88, s6;
	s7 =	simm.s32 @p2 $0x1082  }
0x22: {  	[simem:s7], [sflag:s8] =	dma.local @!p0 [hbm:s6], $0xF7A  }
0x23: {  	s9 =	sor.u32 $0xD0000000, s2;
	s6 =	simm.s32 $0x108;
	_ =	swait.ge @!p0 [sflag:s8], $0x0  }
0x24: {  	s3 =	sadd.s32 $0x88, s3;
	s6 =	simm.s32 @!p1 $0x1082;
	[sflag:s4] =	ssyncset.s32 $0xFFFFF086  }
0x25: {  	[simem:s6], [sflag:s4] =	dma.local [hbm:s3], $0xF7A  }
0x26: {  	[smem:$0x3F9F] =	sst s1;
	(tag) =	ssettag s2;
	_ =	strace s9  }
0x27: {  	s1 =	sld [smem:$0x3FAF]  }
0x28: {  	s2 =	sld [smem:$0x3FB0]  }
0x29: {  	s4 =	sld [smem:$0x3FB2]  }
0x2a: {  	p0 =	seq.s32 s5, $0x0;
	s5 =	sld [smem:$0x3FB3]  }
0x2b: {  	s6 =	sld [smem:$0x3FB4]  }
0x2c: {  	s7 =	sld [smem:$0x3FB5]  }
0x2d: {  	s3 =	simm.s32 $0x108;
	s8 =	sld [smem:$0x3FB6]  }
0x2e: {  	s3 =	simm.s32 @!p0 $0x1082;
	s9 =	sld [smem:$0x3FB7]  }
0x2f: {  	lr =	sadd.s32 s0, s3;
	s0 =	sld [smem:$0x3FAE]  }
0x30: {  	s3 =	sld [smem:$0x3FB1]  }
0x31: {  	[smem:$0x3FBA] =	sst s10  }
0x32: {  	s10 =	sld [smem:$0x3FB8];
	_ =	sdelay $0x3  }
0x33: {  	p0 =	seq.s32 s10, $0x1;
	s10 =	sld [smem:$0x3FBA];
	_ =	sdelay $0x3  }
0x34: {  	[smem:$0x3FBA] =	sst s10  }
0x35: {  	s10 =	sld [smem:$0x3FB9];
	_ =	sdelay $0x3  }
0x36: {  	p1 =	seq.s32 s10, $0x1;
	s10 =	sld [smem:$0x3FBA];
	_ =	sdelay $0x3  }
0x37: {  	[smem:$0x3FBA] =	sst s10  }
0x38: {  	s10 =	sld [smem:$0x3FBB]  }
0x39: {  	_ = 	snop;
	(pc) =	sbr.ind lr, $3  }
0x3a: {  	_ = 	snop  }
0x3b: {  	_ = 	snop  }
0x3c: {  	p2 =	seq.s32 s10, $0x1;
	s10 =	sld [smem:$0x3FBA]  }
0x3d: {  	_ =	shalt  }
0x3e: {  	_ =	shalt  }
0x3f: {  	_ =	shalt  }
0x40: {  	_ =	shalt  }
0x41: {  	_ =	shalt  }
0x42: {  	_ =	shalt  }
0x43: {  	_ =	shalt  }
0x44: {  	_ =	shalt  }
0x45: {  	_ =	shalt  }
0x46: {  	_ =	shalt  }
0x47: {  	_ =	shalt  }
0x48: {  	_ =	shalt  }
0x49: {  	_ =	shalt  }
0x4a: {  	_ =	shalt  }
0x4b: {  	_ =	shalt  }
0x4c: {  	_ =	shalt  }
0x4d: {  	_ =	shalt  }
0x4e: {  	_ =	shalt  }
0x4f: {  	_ =	shalt  }
0x50: {  	_ =	shalt  }
0x51: {  	_ =	shalt  }
0x52: {  	_ =	shalt  }
0x53: {  	_ =	shalt  }
0x54: {  	_ =	shalt  }
0x55: {  	_ =	shalt  }
0x56: {  	_ =	shalt  }
0x57: {  	_ =	shalt  }
0x58: {  	_ =	shalt  }
0x59: {  	_ =	shalt  }
0x5a: {  	_ =	shalt  }
0x5b: {  	_ =	shalt  }
0x5c: {  	_ =	shalt  }
0x5d: {  	_ =	shalt  }
0x5e: {  	_ =	shalt  }
0x5f: {  	_ =	shalt  }
0x60: {  	_ =	shalt  }
0x61: {  	_ =	shalt  }
0x62: {  	_ =	shalt  }
0x63: {  	_ =	shalt  }
0x64: {  	_ =	shalt  }
0x65: {  	_ =	shalt  }
0x66: {  	_ =	shalt  }
0x67: {  	_ =	shalt  }
0x68: {  	_ =	shalt  }
0x69: {  	_ =	shalt  }
0x6a: {  	_ =	shalt  }
0x6b: {  	_ =	shalt  }
0x6c: {  	_ =	shalt  }
0x6d: {  	_ =	shalt  }
0x6e: {  	_ =	shalt  }
0x6f: {  	_ =	shalt  }
0x70: {  	_ =	shalt  }
0x71: {  	_ =	shalt  }
0x72: {  	_ =	shalt  }
0x73: {  	_ =	shalt  }
0x74: {  	_ =	shalt  }
0x75: {  	_ =	shalt  }
0x76: {  	_ =	shalt  }
0x77: {  	_ =	shalt  }
0x78: {  	_ =	shalt  }
0x79: {  	_ =	shalt  }
0x7a: {  	_ =	shalt  }
0x7b: {  	_ =	shalt  }
0x7c: {  	_ =	shalt  }
0x7d: {  	_ =	shalt  }
0x7e: {  	_ =	shalt  }
0x7f: {  	_ =	shalt  }
0x80: {  	_ =	shalt  }
0x81: {  	_ =	shalt  }
0x82: {  	_ =	shalt  }
0x83: {  	_ =	shalt  }
0x84: {  	_ =	shalt  }
0x85: {  	_ =	shalt  }
0x86: {  	_ =	shalt  }
0x87: {  	_ =	shalt  }
.Lfunc_end0:
.L_simem_size_0:
called_computation_lowered:
.L_overlay_start_0:
0x88: {  	s2 =	sld [smem:$0x3FD9]  }
0x89: {  	s3 =	sld [smem:$0x3FFE];
	_ =	sdelay $0x1  }
0x8a: {  	s1 =	srdreg.scid  }
0x8b: {  	s0 =	sand.u32 $0x1, s1  }
0x8c: {  	s17 =	sshll.u32 s0, $0xA;
	s2 =	sadd.s32 s3, s2  }
0x8d: {  	s2 =	sadd.s32 s2, s17  }
0x8e: {  	[smem:$0x3FC6] =	sst s2  }
0x8f: {  	_ = 	snop  }
0x90: {  	s2 =	sld [smem:$0x3FC9];
	(tm) =	ssettm $0x1  }
0x91: {  	s18 =	sld [smem:$0x3FFB];
	_ =	sdelay $0x3  }
0x92: {  	_ =	strace s18  }
0x93: {  	s3 =	sld [smem:$0x3FFC];
	_ =	sdelay $0x3  }
0x94: {  	_ =	strace s3  }
0x95: {  	s3 =	sld [smem:$0x3FFD];
	_ =	sdelay $0x3  }
0x96: {  	_ =	strace s3  }
0x97: {  	_ =	strace $0x8FFFFFFF  }
0x98: {  	s19 =	sld [smem:$0x3FDB];
	_ =	sdelay $0x1  }
0x99: {  	s4 =	simm.s32 $_scs_section_size  }
0x9a: {  	s5 =	simm.s32 $_size__tile_overlayer_lowered;
	s6 =	simm.s32 $_tile_overlayer_lowered  }
0x9b: {  	s22 =	simm.s32 $0x1BFF;
	s21 =	sshll.u32 s6, $0x1;
	s3 =	sadd.s32 s4, s19  }
0x9c: {  	s7 =	simm.s32 $0x0;
	s20 =	sshll.u32 s5, $0x1;
	s5 =	sadd.s32 s21, s3  }
0x9d: {  	[timem:s7], [sflag:s22] =	dma.local [hbm:s5], s20  }
0x9e: {  	_ =	swait.ge [sflag:s22], s20  }
0x9f: {  	s4 =	ssub.s32 $0x0, s20;
	[sflag:s22] =	ssyncset.done $0x0  }
0xa0: {  	[sflag:s22] =	ssyncadd.s32 s4;
	_ =	sdelay $0x1  }
0xa1: {  	s23 =	simm.s32 $0x1B8B  }
0xa2: {  	_ =	swait.ge [sflag:s23], $0x1  }
0xa3: {  	[sflag:s23] =	ssyncset.done $0x0  }
0xa4: {  	s25 =	simm.s32 $0x1B8E;
	s24 =	sld [smem:$0x3FFE];
	[sflag:s23] =	ssyncadd.s32 $0xFFFFFFFF  }
0xa5: {  	s26 =	simm.s32 $execute0_lowered;
	[smem:$0x3FD2] =	sst s25  }
0xa6: {  	s5 =	sshll.u32 s26, $0x1;
	_ =	strace $0x80000046;
	[dreg:$0x1] =	wrdreg $0xFFFFFFFF  }
0xa7: {  	s28 =	simm.s32 $_size_execute0_lowered;
	s3 =	sadd.s32 s3, s5;
	[dreg:$0x0] =	wrdreg $0x0  }
0xa8: {  	s5 =	sshll.u32 s28, $0x1;
	[dreg:$0x2] =	wrdreg s3  }
0xa9: {  	[dreg:$0x3] =	wrdreg s5  }
0xaa: {  	[dreg:$0x4] =	wrdreg $0xC0  }
0xab: {  	_ =	task [dreg:s7], $0x5FFFF  }
0xac: {  	[dreg:$0x1] =	wrdreg $0xFFFFFFFF  }
0xad: {  	[dreg:$0x0] =	wrdreg $0x60  }
0xae: {  	[dreg:$0x2] =	wrdreg s2  }
0xaf: {  	[dreg:$0x3] =	wrdreg s24  }
0xb0: {  	[dreg:$0x4] =	wrdreg $0x9  }
0xb1: {  	_ =	task.clear_ibuf [dreg:s7], $0x5FFFF;
	_ =	strace $0x90000046  }
0xb2: {  	s29 =	simm.s32 $0x9;
	_ =	strace $0x80000048  }
0xb3: {  	_ =	swait.ge [sflag:s29], $0x1  }
0xb4: {  	[sflag:s29] =	ssyncadd.s32 $0xFFFFFFFF  }
0xb5: {  	_ =	strace $0x90000048  }
0xb6: {  	_ =	sfence  }
0xb7: {  	s30 =	sld [smem:$0x0];
	_ =	sdelay $0x2  }
0xb8: {  	s31 =	sshll.u32 s1, $0xD;
	s1 =	sshrl.u32 s1, $0x2  }
0xb9: {  	s3 =	sand.u32 $0x4000, s31;
	s1 =	sadd.s32 s1, s30  }
0xba: {  	s0 =	sor.u32 s3, s0;
	s1 =	sshll.u32 s1, $0x11  }
0xbb: {  	s0 =	sor.u32 s1, s0  }
0xbc: {  	s0 =	sadd.s32 $0x8F2B, s0  }
0xbd: {  	[sflag:s0] =	ssyncadd.remote.s32 $0x1  }
0xbe: {  	_ =	sfence.sel $0xFFFF  }
0xbf: {  	[dreg:$0x0] =	wrdreg $0xFFFFFFFF;
	(pc) =	sbr.abs _section_cstart, $3  }
0xc0: {  	[dreg:$0x1] =	wrdreg $0xFFFFFFFF  }
0xc1: {  	_ =	task.clear_ibuf [dreg:s7], $0x2FFFF;
	_ =	strace $0x9FFFFFFF  }
0xc2: {  	(tm) =	ssettm $0x7FFFFFFF  }
0xc3: {  	_ =	shalt  }
tec
execute0_lowered:
.L_overlay_start_1:
0x0: {  	(tag) =	ssettag $0x1  }
0x1: {  	s1 =	srdreg.scid  }
0x2: {  	s0 =	stileid.u32;
	s4 =	sand.u32 $0x1, s1  }
0x3: {  	s16 =	sshll.u32 s0, $0x4;
	s2 =	sshll.u32 s4, $0x3  }
0x4: {  	s6 =	sor.u32 s2, s16  }
0x5: {  	v0 =	vmov s6  }
0x6: {  	v0 =	vmul.u32 $0x6, v0  }
0x7: {  	s5 =	rddreg [dreg:$0x1]  }
0x8: {  	s3 =	simm.s32 $0x0;
	s1 =	rddreg [dreg:$0x2];
	v2 =	vbroadcast v0, $0x0  }
0x9: {  	[smem:$0x7FF] =	sst s3;
	s7 =	sor.u32 $0x1, s6  }
0xa: {  	s2 =	rddreg [dreg:$0x0];
	_ =	strace $0x80000047;
	s17 =	sor.u32 $0x2, s6;
	v51 =	vmov s7;
	v1 =	vor.u32 $0x3, v2;
	[tilespmem:$0x1FC10] =	vst v2  }
0xb: {  	s18 =	sor.u32 $0x3, s6;
	v54 =	vmov s17;
	v0 =	vor.u32 $0x2, v2;
	[tilespmem:$0x1FBF0] =	vst v1;
	v1 =	vmul.u32 $0x6, v51  }
0xc: {  	v56 =	vmov s18;
	v48 =	vor.u32 $0x4, v2;
	[tilespmem:$0x1FBE0] =	vst v0;
	v0 =	vmul.u32 $0x6, v54  }
0xd: {  	v58 =	vmul.u32 $0x6, v56;
	v2 =	vor.u32 $0x5, v2;
	[tilespmem:$0x1FC00] =	vst v48;
	v3 =	vbroadcast v1, $0x0  }
0xe: {  	[tilespmem:$0x1FC20] =	vst v2;
	v61 =	vbroadcast v0, $0x0  }
0xf: {  	v1 =	vbroadcast v58, $0x0;
	[tilespmem:$0x1FC60] =	vst v3  }
0x10: {  	v58 =	vlaneseq.u32;
	[tilespmem:$0x1FCB0] =	vst v61  }
0x11: {  	v32 =	vor.u32 $0x10, v58;
	[tilespmem:$0x1FD00] =	vst v1  }
0x12: {  	v33 =	vor.u32 $0x20, v58;
	[tilespmem:$0x1FE60] =	vst v32  }
0x13: {  	v34 =	vor.u32 $0x30, v58;
	[tilespmem:$0x1FE70] =	vst v33  }
0x14: {  	v35 =	vor.u32 $0x40, v58;
	[tilespmem:$0x1FE80] =	vst v34  }
0x15: {  	v36 =	vor.u32 $0x100, v58;
	[tilespmem:$0x1FE90] =	vst v35  }
0x16: {  	v38 =	vor.u32 $0x110, v58;
	[tilespmem:$0x1FEB0] =	vst v36  }
0x17: {  	s19 =	sor.u32 $0x4, s6;
	v39 =	vor.u32 $0x120, v58;
	[tilespmem:$0x1FEC0] =	vst v38  }
0x18: {  	v63 =	vmov s19;
	v40 =	vor.u32 $0x130, v58;
	[tilespmem:$0x1FED0] =	vst v39  }
0x19: {  	v0 =	vmul.u32 $0x6, v63;
	v63 =	vor.u32 $0x230, v58;
	[tilespmem:$0x1FEE0] =	vst v40  }
0x1a: {  	v57 =	vadd.s32 $0x2, v3;
	[tilespmem:$0x1FFF0] =	vst v63  }
0x1b: {  	v59 =	vadd.s32 $0x3, v3;
	[tilespmem:$0x1FC30] =	vst v57  }
0x1c: {  	v46 =	vimm.f32 $2.000000000e+00;
	v60 =	vadd.s32 $0x4, v3;
	[tilespmem:$0x1FC40] =	vst v59  }
0x1d: {  	v47 =	vimm.f32 $8.000000000e+00;
	(erf) = vrcp.f32 v46;
	v62 =	vadd.s32 $0x5, v3;
	[tilespmem:$0x1FC50] =	vst v60  }
0x1e: {  	v49 =	vimm.f32 $1.250000000e+00;
	(erf) = vrcp.f32 v47;
	v6 =	vor.u32 $0x2, v61;
	[tilespmem:$0x1FC70] =	vst v62  }
0x1f: {  	(erf) = vrcp.f32 v49;
	v7 =	vor.u32 $0x3, v61;
	[tilespmem:$0x1FC80] =	vst v6  }
0x20: {  	v8 =	vadd.s32 $0x4, v61;
	[tilespmem:$0x1FC90] =	vst v7  }
0x21: {  	v2 =	vadd.s32 $0x5, v61;
	[tilespmem:$0x1FCA0] =	vst v8  }
0x22: {  	v9 =	vadd.s32 $0x2, v1;
	[tilespmem:$0x1FCC0] =	vst v2  }
0x23: {  	v10 =	vadd.s32 $0x3, v1;
	[tilespmem:$0x1FCD0] =	vst v9  }
0x24: {  	v13 =	vor.u32 $0x4, v1;
	[tilespmem:$0x1FCE0] =	vst v10  }
0x25: {  	v1 =	vor.u32 $0x5, v1;
	[tilespmem:$0x1FCF0] =	vst v13  }
0x26: {  	v50 =	vimm.f32 $1.625000000e+00;
	v54 =	vpop (erf);
	v11 =	vbroadcast v0, $0x0;
	v61 =	vor.u32 $0x210, v58;
	[tilespmem:$0x1FD10] =	vst v1  }
0x27: {  	(erf) = vrcp.f32 v50;
	v56 =	vpop (erf);
	[tilespmem:$0x1FFD0] =	vst v61  }
0x28: {  	v49 =	vpop (erf);
	[tilespmem:$0x1FD50] =	vst v11  }
0x29: {  	v52 =	vimm.f32 $3.750000000e+00;
	v57 =	vor.u32 $0x140, v58;
	[tilespmem:$0x1FF30] =	vst v49  }
0x2a: {  	(erf) = vrcp.f32 v52;
	v59 =	vor.u32 $0x200, v58;
	[tilespmem:$0x1FFA0] =	vst v57  }
0x2b: {  	v62 =	vor.u32 $0x220, v58;
	[tilespmem:$0x1FFB0] =	vst v59  }
0x2c: {  	s20 =	sor.u32 $0x5, s6;
	v14 =	vor.u32 $0x2, v11;
	[tilespmem:$0x1FFE0] =	vst v62  }
0x2d: {  	s21 =	sor.u32 $0x6, s6;
	v12 =	vmov s20;
	v15 =	vor.u32 $0x3, v11;
	[tilespmem:$0x1FD20] =	vst v14  }
0x2e: {  	v16 =	vmov s21;
	v0 =	vmul.u32 $0x6, v12;
	v4 =	vor.u32 $0x4, v11;
	[tilespmem:$0x1FD30] =	vst v15  }
0x2f: {  	v18 =	vmul.u32 $0x6, v16;
	v2 =	vor.u32 $0x5, v11;
	[tilespmem:$0x1FD40] =	vst v4  }
0x30: {  	v17 =	vbroadcast v0, $0x0;
	v50 =	vpop (erf);
	[tilespmem:$0x1FD60] =	vst v2  }
0x31: {  	v0 =	vbroadcast v18, $0x0;
	[tilespmem:$0x1FF40] =	vst v50  }
0x32: {  	[tilespmem:$0x1FDA0] =	vst v17  }
0x33: {  	v51 =	vpop (erf);
	[tilespmem:$0x1FDF0] =	vst v0  }
0x34: {  	v53 =	vimm.f32 $4.125000000e+00;
	v20 =	vadd.s32 $0x2, v17;
	[tilespmem:$0x1FF50] =	vst v51  }
0x35: {  	(erf) = vrcp.f32 v53;
	v21 =	vadd.s32 $0x3, v17;
	[tilespmem:$0x1FD70] =	vst v20  }
0x36: {  	v22 =	vadd.s32 $0x4, v17;
	[tilespmem:$0x1FD80] =	vst v21  }
0x37: {  	v55 =	vimm.f32 $2.875000000e+00;
	v31 =	vimm.s32 $0x53525150;
	s22 =	sor.u32 $0x7, s6;
	v23 =	vadd.s32 $0x5, v17;
	[tilespmem:$0x1FD90] =	vst v22  }
0x38: {  	vm0 =	vcmask $0xF00;
	v19 =	vmov s22;
	v24 =	vor.u32 $0x2, v0;
	[tilespmem:$0x1FDB0] =	vst v23  }
0x39: {  	v25 =	vor.u32 $0x3, v0;
	v26 =	vadd.s32 $0x4, v0;
	v0 =	vadd.s32 $0x5, v0;
	[tilespmem:$0x1FDC0] =	vst v24  }
0x3a: {  	v37 =	vimm.s32 $0x154;
	v1 =	vmul.u32 $0x6, v19;
	[tilespmem:$0x1FE00] =	vst v0;
	v0 =	vunpack.c.0.s8.s32 v31  }
0x3b: {  	vm3 =	vcmask $0x300;
	vm2 =	vcmask $0x704;
	vm1 =	vcmask $0xB08;
	[tilespmem:$0x1FDD0] =	vst v25  }
0x3c: {  	vm15 =	vcmask $0xF0C;
	v1 =	vbroadcast v1, $0x0;
	[tilespmem:$0x1FDE0] =	vst v26;
	v0 =	vnsel vm0, $0x54, v0  }
0x3d: {  	v41 =	vimm.s32 $0x254;
	(erf) = vrcp.f32 v55;
	[tilespmem:$0x1FEA0] =	vst v0;
	v0 =	vsel vm3, $0x150, v37  }
0x3e: {  	v42 =	vimm.s32 $0x354;
	v43 =	vimm.s32 $0x454;
	v55 =	vpop (erf);
	[tilespmem:$0x1FE40] =	vst v1;
	v0 =	vsel vm2, $0x151, v0  }
0x3f: {  	v46 =	vimm.s32 $0x554;
	v27 =	vadd.s32 $0x2, v1;
	[tilespmem:$0x1FF80] =	vst v55;
	v0 =	vsel vm1, $0x152, v0  }
0x40: {  	s23 =	sadd.s32 $0xA00, s5;
	v47 =	vimm.s32 $0x654;
	v2 =	vsel vm3, $0x450, v43;
	[tilespmem:$0x1FE10] =	vst v27;
	v0 =	vsel vm15, $0x153, v0  }
0x41: {  	s24 =	simm.s32 $0x1300;
	[dreg:$0x3] =	wrdreg s23;
	v28 =	vadd.s32 $0x3, v1;
	v29 =	vor.u32 $0x4, v1;
	[tilespmem:$0x1FEF0] =	vst v0;
	v0 =	vsel vm3, $0x250, v41  }
0x42: {  	s25 =	simm.s32 $0x1400;
	[dreg:$0x5] =	wrdreg s24;
	v30 =	vor.u32 $0x5, v1;
	v1 =	vsel vm3, $0x350, v42;
	[tilespmem:$0x1FE20] =	vst v28;
	v0 =	vsel vm2, $0x251, v0  }
0x43: {  	s28 =	simm.s32 $0x1500;
	[dreg:$0x6] =	wrdreg s25;
	v2 =	vsel vm2, $0x451, v2;
	[tilespmem:$0x1FE30] =	vst v29;
	v1 =	vsel vm2, $0x351, v1;
	v0 =	vsel vm1, $0x252, v0  }
0x44: {  	s29 =	simm.s32 $0x1600;
	s30 =	simm.s32 $0x1700;
	[dreg:$0x7] =	wrdreg s28;
	v45 =	vsel vm1, $0x452, v2;
	[tilespmem:$0x1FE50] =	vst v30;
	v1 =	vsel vm1, $0x352, v1;
	v0 =	vsel vm15, $0x253, v0  }
0x45: {  	s31 =	simm.s32 $0x1800;
	s8 =	simm.s32 $0x1900;
	[dreg:$0x8] =	wrdreg s29;
	v44 =	vsel vm15, $0x353, v1;
	v1 =	vsel vm3, $0x650, v47;
	[tilespmem:$0x1FF00] =	vst v0;
	v0 =	vsel vm15, $0x453, v45  }
0x46: {  	s10 =	simm.s32 $0x1A00;
	s4 =	ssub.s32 $0x2, s4;
	[dreg:$0x9] =	wrdreg s30;
	v48 =	vimm.s32 $0x754;
	v60 =	vpop (erf);
	v1 =	vsel vm2, $0x651, v1;
	[tilespmem:$0x1FF20] =	vst v0;
	v0 =	vsel vm3, $0x550, v46  }
0x47: {  	s9 =	simm.s32 $0x1;
	s26 =	sshrl.u32 s4, $0x1;
	[dreg:$0xa] =	wrdreg s31;
	v2 =	vsel vm3, $0x750, v48;
	[tilespmem:$0x1FFC0] =	vst v60;
	v1 =	vsel vm1, $0x652, v1;
	v0 =	vsel vm2, $0x551, v0  }
0x48: {  	[dreg:$0xb] =	wrdreg s8;
	s8 =	simm.s32 $0x1200;
	s6 =	sshll.u32 s6, $0x4;
	v2 =	vsel vm2, $0x751, v2;
	[tilespmem:$0x1FF10] =	vst v44;
	v52 =	vsel vm15, $0x653, v1;
	v0 =	vsel vm1, $0x552, v0  }
0x49: {  	[dreg:$0xc] =	wrdreg s10;
	s4 =	ssub.s32 s4, s26;
	s5 =	sadd.s32 s6, s5;
	v53 =	vsel vm1, $0x752, v2;
	[tilespmem:$0x1FF70] =	vst v52;
	v0 =	vsel vm15, $0x553, v0  }
0x4a: {  	s4 =	smax.u32 s4, $0x1;
	s6 =	simm.s32 $0x80;
	s5 =	sadd.s32 $0xC00, s5;
	[tilespmem:$0x1FF60] =	vst v0;
	v0 =	vsel vm15, $0x753, v53  }
0x4b: {  	s7 =	simm.s32 $0x400;
	[dreg:$0x4] =	wrdreg s5;
	s5 =	simm.s32 $0x2;
	[tilespmem:$0x1FF90] =	vst v0  }
.LBB2_1:
0x4c: {  	s10 =	rddreg [dreg:$0x3]  }
0x4d: {  	[tilespmem:s3], [sflag:$0x2] =	stream.linear.gather [hbm4b:s10+s3], $0x600, $0x38;
	[tilespmem:$0x1E00] =	vst v63  }
0x4e: {  	_ =	swait.ge [sflag:s5], $0x600  }
0x4f: {  	v0 =	vld [tilespmem:$0x1FBE0]  }
0x50: {  	v1 =	vld [tilespmem:$0x1FBF0]  }
0x51: {  	v2 =	vld [tilespmem:$0x1FC20]  }
0x52: {  	v3 =	vld [tilespmem:$0x1FC00];
	_ =	sdelay $0x2  }
0x53: {  	[sflag:s5] =	ssyncset.done $0x0  }
0x54: {  	[sflag:s5] =	ssyncadd.s32 $0xFFFFFA00  }
0x55: {  	v0 =	vld.idx.msk [tilespmem:v0+s3+$0x0], $0xffff  }
0x56: {  	v1 =	vld.idx.msk [tilespmem:v1+s3+$0x0], $0xffff  }
0x57: {  	v2 =	vld.idx.msk [tilespmem:v2+s3+$0x0], $0xffff  }
0x58: {  	v3 =	vld.idx.msk [tilespmem:v3+s3+$0x0], $0xffff  }
0x59: {  	v4 =	vld [tilespmem:$0x1FC10];
	_ =	sdelay $0x4  }
0x5a: {  	v5 =	vadd.f32 v2, v1  }
0x5b: {  	v6 =	vadd.f32 v3, v0  }
0x5c: {  	v5 =	vmul.f32 v5, v54  }
0x5d: {  	v6 =	vmul.f32 v6, v54;
	v4 =	vld.idx.msk [tilespmem:v4+s3+$0x0], $0xffff  }
0x5e: {  	v5 =	vmul.f32 v5, v56  }
0x5f: {  	v6 =	vmul.f32 v6, v56  }
0x60: {  	v5 =	vtrunc.f32 v5  }
0x61: {  	v14 =	vld [tilespmem:$0x1FC30];
	v6 =	vtrunc.f32 v6;
	v5 =	vcvt.f32.s32 v5  }
0x62: {  	v15 =	vld [tilespmem:$0x1FC40];
	v6 =	vcvt.f32.s32 v6;
	v4 =	vtrunc.f32 v4  }
0x63: {  	v16 =	vld [tilespmem:$0x1FC70];
	v4 =	vcvt.f32.s32 v4;
	vm1 =	vgt.s32 v5, $0x0  }
0x64: {  	v17 =	vld [tilespmem:$0x1FC50];
	vm14 =	vgt.s32 v6, $0x0;
	v5 =	vnsel vm1, $0x0, v5  }
0x65: {  	v13 =	vnsel vm14, $0x0, v6;
	vm0 =	vgt.s32 v4, $0x0;
	v8 =	vmin.u32 v5, $0x4F  }
0x66: {  	v7 =	vmin.u32 v13, $0x4F;
	v4 =	vnsel vm0, $0x0, v4;
	[tilespmem:$0x680] =	vst v8  }
0x67: {  	[tilespmem:$0x700] =	vst v7;
	v10 =	vmin.u32 v4, $0xF  }
0x68: {  	v18 =	vld [tilespmem:$0x1FC60];
	[tilespmem:$0x600] =	vst v10  }
0x69: {  	v20 =	vld.idx.msk [tilespmem:v14+s3+$0x0], $0xffff  }
0x6a: {  	v4 =	vld.idx.msk [tilespmem:v15+s3+$0x0], $0xffff  }
0x6b: {  	v14 =	vld.idx.msk [tilespmem:v16+s3+$0x0], $0xffff  }
0x6c: {  	v26 =	vld.idx.msk [tilespmem:v17+s3+$0x0], $0xffff;
	_ =	sdelay $0x3  }
0x6d: {  	v5 =	vld.idx.msk [tilespmem:v18+s3+$0x0], $0xffff;
	v9 =	vadd.f32 v14, v4  }
0x6e: {  	v11 =	vadd.f32 v26, v20  }
0x6f: {  	v9 =	vmul.f32 v9, v54  }
0x70: {  	v11 =	vmul.f32 v11, v54  }
0x71: {  	v9 =	vmul.f32 v9, v56  }
0x72: {  	v5 =	vtrunc.f32 v5;
	v11 =	vmul.f32 v11, v56  }
0x73: {  	v21 =	vld [tilespmem:$0x1FC80];
	v5 =	vcvt.f32.s32 v5;
	v9 =	vtrunc.f32 v9  }
0x74: {  	v22 =	vld [tilespmem:$0x1FC90];
	v11 =	vtrunc.f32 v11;
	v9 =	vcvt.f32.s32 v9  }
0x75: {  	v23 =	vld [tilespmem:$0x1FCC0];
	vm15 =	vgt.s32 v5, $0x0;
	v11 =	vcvt.f32.s32 v11  }
0x76: {  	v24 =	vld [tilespmem:$0x1FCA0];
	v5 =	vnsel vm15, $0x0, v5;
	vm4 =	vgt.s32 v9, $0x0  }
0x77: {  	v5 =	vmin.u32 v5, $0xF;
	vm5 =	vgt.s32 v11, $0x0;
	v9 =	vnsel vm4, $0x0, v9  }
0x78: {  	[tilespmem:$0x780] =	vst v5;
	v11 =	vnsel vm5, $0x0, v11;
	v9 =	vmin.u32 v9, $0x4F  }
0x79: {  	v19 =	vmin.u32 v11, $0x4F;
	[tilespmem:$0x800] =	vst v9  }
0x7a: {  	v25 =	vld [tilespmem:$0x1FCB0];
	[tilespmem:$0x880] =	vst v19  }
0x7b: {  	v19 =	vld.idx.msk [tilespmem:v21+s3+$0x0], $0xffff  }
0x7c: {  	v5 =	vld.idx.msk [tilespmem:v22+s3+$0x0], $0xffff  }
0x7d: {  	v17 =	vld.idx.msk [tilespmem:v23+s3+$0x0], $0xffff  }
0x7e: {  	v24 =	vld.idx.msk [tilespmem:v24+s3+$0x0], $0xffff;
	_ =	sdelay $0x3  }
0x7f: {  	v9 =	vld.idx.msk [tilespmem:v25+s3+$0x0], $0xffff;
	v27 =	vadd.f32 v17, v5  }
0x80: {  	v12 =	vadd.f32 v24, v19  }
0x81: {  	v11 =	vmul.f32 v27, v54  }
0x82: {  	v12 =	vmul.f32 v12, v54  }
0x83: {  	v11 =	vmul.f32 v11, v56  }
0x84: {  	v9 =	vtrunc.f32 v9;
	v12 =	vmul.f32 v12, v56  }
0x85: {  	v29 =	vld [tilespmem:$0x1FCD0];
	v9 =	vcvt.f32.s32 v9;
	v11 =	vtrunc.f32 v11  }
0x86: {  	v30 =	vld [tilespmem:$0x1FCE0];
	v12 =	vtrunc.f32 v12;
	v11 =	vcvt.f32.s32 v11  }
0x87: {  	v31 =	vld [tilespmem:$0x1FD10];
	vm6 =	vgt.s32 v9, $0x0;
	v12 =	vcvt.f32.s32 v12  }
0x88: {  	v32 =	vld [tilespmem:$0x1FCF0];
	v9 =	vnsel vm6, $0x0, v9;
	vm7 =	vgt.s32 v11, $0x0  }
0x89: {  	v9 =	vmin.u32 v9, $0xF;
	vm8 =	vgt.s32 v12, $0x0;
	v11 =	vnsel vm7, $0x0, v11  }
0x8a: {  	[tilespmem:$0x900] =	vst v9;
	v12 =	vnsel vm8, $0x0, v12;
	v11 =	vmin.u32 v11, $0x4F  }
0x8b: {  	v28 =	vmin.u32 v12, $0x4F;
	[tilespmem:$0x980] =	vst v11  }
0x8c: {  	v33 =	vld [tilespmem:$0x1FD00];
	[tilespmem:$0xA00] =	vst v28  }
0x8d: {  	v9 =	vld.idx.msk [tilespmem:v29+s3+$0x0], $0xffff  }
0x8e: {  	v42 =	vld.idx.msk [tilespmem:v30+s3+$0x0], $0xffff  }
0x8f: {  	v47 =	vld.idx.msk [tilespmem:v31+s3+$0x0], $0xffff  }
0x90: {  	v29 =	vld.idx.msk [tilespmem:v32+s3+$0x0], $0xffff;
	_ =	sdelay $0x3  }
0x91: {  	v11 =	vld.idx.msk [tilespmem:v33+s3+$0x0], $0xffff;
	v34 =	vadd.f32 v47, v42  }
0x92: {  	v13 =	vadd.f32 v29, v9  }
0x93: {  	v12 =	vmul.f32 v34, v54  }
0x94: {  	v13 =	vmul.f32 v13, v54  }
0x95: {  	v12 =	vmul.f32 v12, v56  }
0x96: {  	v11 =	vtrunc.f32 v11;
	v13 =	vmul.f32 v13, v56  }
0x97: {  	v36 =	vld [tilespmem:$0x1FD20];
	v11 =	vcvt.f32.s32 v11;
	v12 =	vtrunc.f32 v12  }
0x98: {  	v37 =	vld [tilespmem:$0x1FD30];
	v13 =	vtrunc.f32 v13;
	v12 =	vcvt.f32.s32 v12  }
0x99: {  	v38 =	vld [tilespmem:$0x1FD60];
	vm9 =	vgt.s32 v11, $0x0;
	v13 =	vcvt.f32.s32 v13  }
0x9a: {  	v39 =	vld [tilespmem:$0x1FD40];
	v11 =	vnsel vm9, $0x0, v11;
	vm10 =	vgt.s32 v12, $0x0  }
0x9b: {  	v11 =	vmin.u32 v11, $0xF;
	vm11 =	vgt.s32 v13, $0x0;
	v12 =	vnsel vm10, $0x0, v12  }
0x9c: {  	[tilespmem:$0xA80] =	vst v11;
	v13 =	vnsel vm11, $0x0, v13;
	v12 =	vmin.u32 v12, $0x4F  }
0x9d: {  	v35 =	vmin.u32 v13, $0x4F;
	[tilespmem:$0xB00] =	vst v12  }
0x9e: {  	v40 =	vld [tilespmem:$0x1FD50];
	[tilespmem:$0xB80] =	vst v35  }
0x9f: {  	v34 =	vld.idx.msk [tilespmem:v36+s3+$0x0], $0xffff  }
0xa0: {  	v32 =	vld.idx.msk [tilespmem:v37+s3+$0x0], $0xffff  }
0xa1: {  	v35 =	vld.idx.msk [tilespmem:v38+s3+$0x0], $0xffff  }
0xa2: {  	v53 =	vld.idx.msk [tilespmem:v39+s3+$0x0], $0xffff;
	_ =	sdelay $0x3  }
0xa3: {  	v11 =	vld.idx.msk [tilespmem:v40+s3+$0x0], $0xffff;
	v41 =	vadd.f32 v35, v32  }
0xa4: {  	v43 =	vadd.f32 v53, v34  }
0xa5: {  	v12 =	vmul.f32 v41, v54  }
0xa6: {  	v13 =	vmul.f32 v43, v54  }
0xa7: {  	v12 =	vmul.f32 v12, v56  }
0xa8: {  	v11 =	vtrunc.f32 v11;
	v13 =	vmul.f32 v13, v56  }
0xa9: {  	v45 =	vld [tilespmem:$0x1FD70];
	v11 =	vcvt.f32.s32 v11;
	v12 =	vtrunc.f32 v12  }
0xaa: {  	v46 =	vld [tilespmem:$0x1FD80];
	v13 =	vtrunc.f32 v13;
	v12 =	vcvt.f32.s32 v12  }
0xab: {  	v48 =	vld [tilespmem:$0x1FDB0];
	vm12 =	vgt.s32 v11, $0x0;
	v13 =	vcvt.f32.s32 v13  }
0xac: {  	v49 =	vld [tilespmem:$0x1FD90];
	v11 =	vnsel vm12, $0x0, v11;
	vm13 =	vgt.s32 v12, $0x0  }
0xad: {  	v11 =	vmin.u32 v11, $0xF;
	vm14 =	vgt.s32 v13, $0x0;
	v12 =	vnsel vm13, $0x0, v12  }
0xae: {  	[tilespmem:$0xC00] =	vst v11;
	v13 =	vnsel vm14, $0x0, v13;
	v12 =	vmin.u32 v12, $0x4F  }
0xaf: {  	v44 =	vmin.u32 v13, $0x4F;
	[tilespmem:$0xC80] =	vst v12  }
0xb0: {  	v50 =	vld [tilespmem:$0x1FDA0];
	[tilespmem:$0xD00] =	vst v44  }
0xb1: {  	v38 =	vld.idx.msk [tilespmem:v45+s3+$0x0], $0xffff  }
0xb2: {  	v36 =	vld.idx.msk [tilespmem:v46+s3+$0x0], $0xffff  }
0xb3: {  	v37 =	vld.idx.msk [tilespmem:v48+s3+$0x0], $0xffff  }
0xb4: {  	v46 =	vld.idx.msk [tilespmem:v49+s3+$0x0], $0xffff;
	_ =	sdelay $0x3  }
0xb5: {  	v11 =	vld.idx.msk [tilespmem:v50+s3+$0x0], $0xffff;
	v51 =	vadd.f32 v37, v36  }
0xb6: {  	v52 =	vadd.f32 v46, v38  }
0xb7: {  	v12 =	vmul.f32 v51, v54  }
0xb8: {  	v13 =	vmul.f32 v52, v54  }
0xb9: {  	v12 =	vmul.f32 v12, v56  }
0xba: {  	v11 =	vtrunc.f32 v11;
	v13 =	vmul.f32 v13, v56  }
0xbb: {  	v57 =	vld [tilespmem:$0x1FDC0];
	v11 =	vcvt.f32.s32 v11;
	v12 =	vtrunc.f32 v12  }
0xbc: {  	v59 =	vld [tilespmem:$0x1FDD0];
	v13 =	vtrunc.f32 v13;
	v12 =	vcvt.f32.s32 v12  }
0xbd: {  	v60 =	vld [tilespmem:$0x1FE00];
	vm15 =	vgt.s32 v11, $0x0;
	v13 =	vcvt.f32.s32 v13  }
0xbe: {  	v61 =	vld [tilespmem:$0x1FDE0];
	v11 =	vnsel vm15, $0x0, v11;
	vm4 =	vgt.s32 v12, $0x0  }
0xbf: {  	v11 =	vmin.u32 v11, $0xF;
	vm5 =	vgt.s32 v13, $0x0;
	v12 =	vnsel vm4, $0x0, v12  }
0xc0: {  	[tilespmem:$0xD80] =	vst v11;
	v13 =	vnsel vm5, $0x0, v13;
	v12 =	vmin.u32 v12, $0x4F  }
0xc1: {  	v55 =	vmin.u32 v13, $0x4F;
	[tilespmem:$0xE00] =	vst v12  }
0xc2: {  	v62 =	vld [tilespmem:$0x1FDF0];
	[tilespmem:$0xE80] =	vst v55  }
0xc3: {  	v33 =	vld.idx.msk [tilespmem:v57+s3+$0x0], $0xffff  }
0xc4: {  	v44 =	vld.idx.msk [tilespmem:v59+s3+$0x0], $0xffff  }
0xc5: {  	v39 =	vld.idx.msk [tilespmem:v60+s3+$0x0], $0xffff  }
0xc6: {  	v16 =	vld.idx.msk [tilespmem:v61+s3+$0x0], $0xffff;
	_ =	sdelay $0x3  }
0xc7: {  	v11 =	vld.idx.msk [tilespmem:v62+s3+$0x0], $0xffff;
	v63 =	vadd.f32 v39, v44  }
0xc8: {  	v6 =	vadd.f32 v16, v33  }
0xc9: {  	v12 =	vmul.f32 v63, v54  }
0xca: {  	v13 =	vmul.f32 v6, v54  }
0xcb: {  	v12 =	vmul.f32 v12, v56  }
0xcc: {  	v11 =	vtrunc.f32 v11;
	v13 =	vmul.f32 v13, v56  }
0xcd: {  	v15 =	vld [tilespmem:$0x1FE10];
	v11 =	vcvt.f32.s32 v11;
	v12 =	vtrunc.f32 v12  }
0xce: {  	v18 =	vld [tilespmem:$0x1FE20];
	v13 =	vtrunc.f32 v13;
	v12 =	vcvt.f32.s32 v12  }
0xcf: {  	v22 =	vld [tilespmem:$0x1FE50];
	vm6 =	vgt.s32 v11, $0x0;
	v13 =	vcvt.f32.s32 v13  }
0xd0: {  	v23 =	vld [tilespmem:$0x1FE30];
	v11 =	vnsel vm6, $0x0, v11;
	vm7 =	vgt.s32 v12, $0x0  }
0xd1: {  	v11 =	vmin.u32 v11, $0xF;
	vm8 =	vgt.s32 v13, $0x0;
	v12 =	vnsel vm7, $0x0, v12  }
0xd2: {  	(v2sf) =	vpush v10, $0x0;
	[tilespmem:$0xF00] =	vst v11;
	v13 =	vnsel vm8, $0x0, v13;
	v12 =	vmin.u32 v12, $0x4F  }
0xd3: {  	(v2sf) =	vpush v8, $0x0;
	v13 =	vmin.u32 v13, $0x4F;
	[tilespmem:$0xF80] =	vst v12  }
0xd4: {  	(v2sf) =	vpush v7, $0x0;
	v28 =	vld [tilespmem:$0x1FE40];
	[tilespmem:$0x1000] =	vst v13  }
0xd5: {  	v25 =	vld.idx.msk [tilespmem:v15+s3+$0x0], $0xffff  }
0xd6: {  	v21 =	vld.idx.msk [tilespmem:v18+s3+$0x0], $0xffff  }
0xd7: {  	v27 =	vld.idx.msk [tilespmem:v22+s3+$0x0], $0xffff  }
0xd8: {  	v30 =	vld.idx.msk [tilespmem:v23+s3+$0x0], $0xffff;
	_ =	sdelay $0x3  }
0xd9: {  	v7 =	vld.idx.msk [tilespmem:v28+s3+$0x0], $0xffff;
	v31 =	vadd.f32 v27, v21  }
0xda: {  	v40 =	vadd.f32 v30, v25  }
0xdb: {  	v8 =	vmul.f32 v31, v54  }
0xdc: {  	v10 =	vmul.f32 v40, v54  }
0xdd: {  	v8 =	vmul.f32 v8, v56  }
0xde: {  	s14 =	spop (v2sf);
	v7 =	vtrunc.f32 v7;
	v10 =	vmul.f32 v10, v56  }
0xdf: {  	s10 =	smul.u32 $0x190000, s14;
	s11 =	spop (v2sf);
	v7 =	vcvt.f32.s32 v7;
	v8 =	vtrunc.f32 v8  }
0xe0: {  	s11 =	smul.u32 $0x5000, s11;
	s12 =	spop (v2sf);
	v10 =	vtrunc.f32 v10;
	v8 =	vcvt.f32.s32 v8  }
0xe1: {  	s13 =	sshll.u32 s12, $0x8;
	vm9 =	vgt.s32 v7, $0x0;
	v10 =	vcvt.f32.s32 v10  }
0xe2: {  	s12 =	sshll.u32 s12, $0x7;
	s10 =	sadd.s32 s10, s11;
	s15 =	sand.u32 $0x7800, s13;
	v7 =	vnsel vm9, $0x0, v7;
	vm10 =	vgt.s32 v8, $0x0  }
0xe3: {  	s16 =	sand.u32 $0x380, s12;
	s10 =	sadd.s32 s15, s10;
	v7 =	vmin.u32 v7, $0xF;
	vm11 =	vgt.s32 v10, $0x0;
	v8 =	vnsel vm10, $0x0, v8  }
0xe4: {  	s10 =	sor.u32 s16, s10;
	[tilespmem:$0x1080] =	vst v7;
	v10 =	vnsel vm11, $0x0, v10;
	v8 =	vmin.u32 v8, $0x4F  }
0xe5: {  	s10 =	sshrl.u32 s10, $0x3;
	v41 =	vmin.u32 v10, $0x4F;
	[tilespmem:$0x1100] =	vst v8  }
0xe6: {  	s10 =	sadd.s32 s2, s10;
	[tilespmem:$0x1180] =	vst v41  }
0xe7: {  	[tilespmem:s8], [sflag:$0x1] =	stream.strided.gather [hbm4b:s10+s6], $0x100, s7, s6, $0x38;
	[tilespmem:$0x1E00] =	vst v63  }
0xe8: {  	v43 =	vld [tilespmem:$0x780]  }
0xe9: {  	v45 =	vld [tilespmem:$0x800]  }
0xea: {  	v48 =	vld [tilespmem:$0x880];
	_ =	sdelay $0x2  }
0xeb: {  	(v2sf) =	vpush v43, $0x0  }
0xec: {  	(v2sf) =	vpush v45, $0x0  }
0xed: {  	(v2sf) =	vpush v48, $0x0;
	_ =	sdelay $0xc  }
0xee: {  	s17 =	spop (v2sf)  }
0xef: {  	s10 =	smul.u32 $0x190000, s17;
	s18 =	spop (v2sf)  }
0xf0: {  	s11 =	smul.u32 $0x5000, s18;
	s19 =	spop (v2sf)  }
0xf1: {  	s20 =	sshll.u32 s19, $0x8  }
0xf2: {  	s12 =	sshll.u32 s19, $0x7;
	s10 =	sadd.s32 s10, s11;
	s21 =	sand.u32 $0xFFFFF800, s20  }
0xf3: {  	s22 =	sand.u32 $0x380, s12;
	s10 =	sadd.s32 s21, s10  }
0xf4: {  	s10 =	sor.u32 s22, s10  }
0xf5: {  	s10 =	sshrl.u32 s10, $0x3  }
0xf6: {  	s23 =	rddreg [dreg:$0x5];
	s10 =	sadd.s32 s2, s10  }
0xf7: {  	[tilespmem:s23], [sflag:$0x1] =	stream.strided.gather [hbm4b:s10+s6], $0x100, s7, s6, $0x38;
	[tilespmem:$0x1E00] =	vst v63  }
0xf8: {  	v49 =	vld [tilespmem:$0x900]  }
0xf9: {  	v50 =	vld [tilespmem:$0x980]  }
0xfa: {  	v51 =	vld [tilespmem:$0xA00];
	_ =	sdelay $0x2  }
0xfb: {  	(v2sf) =	vpush v49, $0x0  }
0xfc: {  	(v2sf) =	vpush v50, $0x0  }
0xfd: {  	(v2sf) =	vpush v51, $0x0;
	_ =	sdelay $0xc  }
0xfe: {  	s24 =	spop (v2sf)  }
0xff: {  	s10 =	smul.u32 $0x190000, s24;
	s25 =	spop (v2sf)  }
0x100: {  	s11 =	smul.u32 $0x5000, s25;
	s26 =	spop (v2sf)  }
0x101: {  	s28 =	sshll.u32 s26, $0x8  }
0x102: {  	s12 =	sshll.u32 s26, $0x7;
	s10 =	sadd.s32 s10, s11;
	s29 =	sand.u32 $0xFFFFF800, s28  }
0x103: {  	s30 =	sand.u32 $0x380, s12;
	s10 =	sadd.s32 s29, s10  }
0x104: {  	s10 =	sor.u32 s30, s10  }
0x105: {  	s10 =	sshrl.u32 s10, $0x3  }
0x106: {  	s31 =	rddreg [dreg:$0x6];
	s10 =	sadd.s32 s2, s10  }
0x107: {  	[tilespmem:s31], [sflag:$0x1] =	stream.strided.gather [hbm4b:s10+s6], $0x100, s7, s6, $0x38;
	[tilespmem:$0x1E00] =	vst v63  }
0x108: {  	v52 =	vld [tilespmem:$0xA80]  }
0x109: {  	v55 =	vld [tilespmem:$0xB00]  }
0x10a: {  	v57 =	vld [tilespmem:$0xB80];
	_ =	sdelay $0x2  }
0x10b: {  	(v2sf) =	vpush v52, $0x0  }
0x10c: {  	(v2sf) =	vpush v55, $0x0  }
0x10d: {  	(v2sf) =	vpush v57, $0x0;
	_ =	sdelay $0xc  }
0x10e: {  	s12 =	spop (v2sf)  }
0x10f: {  	s10 =	smul.u32 $0x190000, s12;
	s13 =	spop (v2sf)  }
0x110: {  	s11 =	smul.u32 $0x5000, s13;
	s14 =	spop (v2sf)  }
0x111: {  	s15 =	sshll.u32 s14, $0x8  }
0x112: {  	s12 =	sshll.u32 s14, $0x7;
	s10 =	sadd.s32 s10, s11;
	s16 =	sand.u32 $0xFFFFF800, s15  }
0x113: {  	s17 =	sand.u32 $0x380, s12;
	s10 =	sadd.s32 s16, s10  }
0x114: {  	s10 =	sor.u32 s17, s10  }
0x115: {  	s10 =	sshrl.u32 s10, $0x3  }
0x116: {  	s18 =	rddreg [dreg:$0x7];
	s10 =	sadd.s32 s2, s10  }
0x117: {  	[tilespmem:s18], [sflag:$0x1] =	stream.strided.gather [hbm4b:s10+s6], $0x100, s7, s6, $0x38;
	[tilespmem:$0x1E00] =	vst v63  }
0x118: {  	v59 =	vld [tilespmem:$0xC00]  }
0x119: {  	v60 =	vld [tilespmem:$0xC80]  }
0x11a: {  	v61 =	vld [tilespmem:$0xD00];
	_ =	sdelay $0x2  }
0x11b: {  	(v2sf) =	vpush v59, $0x0  }
0x11c: {  	(v2sf) =	vpush v60, $0x0  }
0x11d: {  	(v2sf) =	vpush v61, $0x0;
	_ =	sdelay $0xc  }
0x11e: {  	s19 =	spop (v2sf)  }
0x11f: {  	s10 =	smul.u32 $0x190000, s19;
	s20 =	spop (v2sf)  }
0x120: {  	s11 =	smul.u32 $0x5000, s20;
	s21 =	spop (v2sf)  }
0x121: {  	s22 =	sshll.u32 s21, $0x8  }
0x122: {  	s12 =	sshll.u32 s21, $0x7;
	s10 =	sadd.s32 s10, s11;
	s23 =	sand.u32 $0xFFFFF800, s22  }
0x123: {  	s24 =	sand.u32 $0x380, s12;
	s10 =	sadd.s32 s23, s10  }
0x124: {  	s10 =	sor.u32 s24, s10  }
0x125: {  	s10 =	sshrl.u32 s10, $0x3  }
0x126: {  	s25 =	rddreg [dreg:$0x8];
	s10 =	sadd.s32 s2, s10  }
0x127: {  	[tilespmem:s25], [sflag:$0x1] =	stream.strided.gather [hbm4b:s10+s6], $0x100, s7, s6, $0x38;
	[tilespmem:$0x1E00] =	vst v63  }
0x128: {  	v62 =	vld [tilespmem:$0xD80]  }
0x129: {  	v63 =	vld [tilespmem:$0xE00]  }
0x12a: {  	v12 =	vld [tilespmem:$0xE80];
	_ =	sdelay $0x2  }
0x12b: {  	(v2sf) =	vpush v62, $0x0  }
0x12c: {  	(v2sf) =	vpush v63, $0x0  }
0x12d: {  	(v2sf) =	vpush v12, $0x0;
	_ =	sdelay $0xa  }
0x12e: {  	v1 =	vsub.f32 v2, v1;
	_ =	sdelay $0x1  }
0x12f: {  	v0 =	vsub.f32 v3, v0;
	v2 =	vmul.f32 v1, v56;
	v1 =	vld [tilespmem:$0x1FF30];
	s26 =	spop (v2sf)  }
0x130: {  	s10 =	smul.u32 $0x190000, s26;
	s28 =	spop (v2sf)  }
0x131: {  	v0 =	vmul.f32 v0, v56;
	v13 =	vsub.f32 v26, v20;
	v7 =	vld [tilespmem:$0x1FF50];
	s11 =	smul.u32 $0x5000, s28;
	s29 =	spop (v2sf)  }
0x132: {  	v4 =	vsub.f32 v14, v4;
	v41 =	vld [tilespmem:$0x1FF80];
	s30 =	sshll.u32 s29, $0x8  }
0x133: {  	v28 =	vmul.f32 v0, v54;
	v22 =	vsub.f32 v24, v19;
	v14 =	vmul.f32 v13, v56;
	s12 =	sshll.u32 s29, $0x7;
	s10 =	sadd.s32 s10, s11;
	s31 =	sand.u32 $0xFFFFF800, s30  }
0x134: {  	v6 =	vld [tilespmem:$0x1FF40];
	v15 =	vmul.f32 v4, v56;
	v40 =	vmul.f32 v0, v1;
	s13 =	sand.u32 $0x380, s12;
	s10 =	sadd.s32 s31, s10  }
0x135: {  	v26 =	vmul.f32 v22, v56;
	[tilespmem:$0x1F960] =	vst v21;
	v21 =	vmul.f32 v14, v54;
	s10 =	sor.u32 s13, s10  }
0x136: {  	v34 =	vsub.f32 v53, v34;
	(erf) = vrcp.f32 v40;
	v10 =	vmul.f32 v2, v7;
	s10 =	sshrl.u32 s10, $0x3  }
0x137: {  	v5 =	vsub.f32 v17, v5;
	v18 =	vmul.f32 v15, v7;
	v23 =	vmul.f32 v0, v41;
	s14 =	rddreg [dreg:$0x9];
	s10 =	sadd.s32 s2, s10  }
0x138: {  	v11 =	vmul.f32 v14, v41;
	v0 =	vmul.f32 v34, v56;
	v62 =	vld [tilespmem:$0x1FFC0];
	[tilespmem:s14], [sflag:$0x1] =	stream.strided.gather [hbm4b:s10+s6], $0x100, s7, s6, $0x38  }
0x139: {  	v35 =	vsub.f32 v35, v32;
	v48 =	vmul.f32 v5, v56;
	v57 =	vmul.f32 v2, v6;
	v24 =	vld [tilespmem:$0xF00]  }
0x13a: {  	v32 =	vmul.f32 v0, v54;
	v5 =	vmul.f32 v26, v54;
	v51 =	vsub.f32 v47, v42;
	v43 =	vld [tilespmem:$0xF80]  }
0x13b: {  	v22 =	vmul.f32 v48, v7;
	(erf) = vrcp.f32 v57;
	v49 =	vld [tilespmem:$0x1000]  }
0x13c: {  	v50 =	vsub.f32 v29, v9;
	v9 =	vmul.f32 v51, v56;
	(erf) = vrcp.f32 v28  }
0x13d: {  	(erf) = vrcp.f32 v10;
	v2 =	vmul.f32 v2, v62  }
0x13e: {  	(erf) = vrcp.f32 v23;
	v60 =	vmul.f32 v14, v1;
	(v2sf) =	vpush v24, $0x0  }
0x13f: {  	v61 =	vmul.f32 v15, v6;
	(erf) = vrcp.f32 v2;
	(v2sf) =	vpush v43, $0x0  }
0x140: {  	v51 =	vmul.f32 v9, v7;
	(erf) = vrcp.f32 v60;
	(v2sf) =	vpush v49, $0x0  }
0x141: {  	v52 =	vmul.f32 v26, v1;
	(erf) = vrcp.f32 v61  }
0x142: {  	v55 =	vmul.f32 v48, v6;
	(erf) = vrcp.f32 v21  }
0x143: {  	v45 =	vpop (erf);
	v31 =	vmul.f32 v15, v62;
	(erf) = vrcp.f32 v18  }
0x144: {  	v59 =	vmul.f32 v50, v56;
	v15 =	vpop (erf);
	(erf) = vrcp.f32 v11  }
0x145: {  	v14 =	vmul.f32 v35, v56;
	v13 =	vpop (erf);
	(erf) = vrcp.f32 v31  }
0x146: {  	v50 =	vmul.f32 v59, v54;
	(erf) = vrcp.f32 v52;
	v43 =	vpop (erf)  }
0x147: {  	v53 =	vmul.f32 v59, v41;
	(erf) = vrcp.f32 v55;
	v12 =	vpop (erf)  }
0x148: {  	v63 =	vmul.f32 v26, v41;
	(erf) = vrcp.f32 v5;
	v8 =	vpop (erf)  }
0x149: {  	v4 =	vmul.f32 v48, v62;
	(erf) = vrcp.f32 v22;
	v20 =	vpop (erf)  }
0x14a: {  	v48 =	vmul.f32 v59, v1;
	(erf) = vrcp.f32 v63;
	v24 =	vpop (erf)  }
0x14b: {  	v49 =	vmul.f32 v9, v6;
	(erf) = vrcp.f32 v4;
	[tilespmem:$0x1F970] =	vst v20;
	v26 =	vpop (erf)  }
0x14c: {  	v35 =	vmul.f32 v14, v7;
	(erf) = vrcp.f32 v48;
	[tilespmem:$0x1F980] =	vst v24;
	v29 =	vpop (erf)  }
0x14d: {  	v3 =	vmul.f32 v14, v62;
	(erf) = vrcp.f32 v49;
	[tilespmem:$0x1F990] =	vst v26;
	v42 =	vpop (erf);
	s15 =	spop (v2sf)  }
0x14e: {  	v9 =	vmul.f32 v9, v62;
	(erf) = vrcp.f32 v50;
	[tilespmem:$0x1F9A0] =	vst v29;
	v47 =	vpop (erf);
	s10 =	smul.u32 $0x190000, s15;
	s16 =	spop (v2sf)  }
0x14f: {  	v24 =	vsub.f32 v46, v38;
	v46 =	vmul.f32 v0, v41;
	(erf) = vrcp.f32 v51;
	[tilespmem:$0x1F9B0] =	vst v42;
	v59 =	vpop (erf);
	s11 =	smul.u32 $0x5000, s16;
	s17 =	spop (v2sf)  }
0x150: {  	v16 =	vsub.f32 v16, v33;
	(erf) = vrcp.f32 v53;
	v42 =	vmul.f32 v0, v1;
	[tilespmem:$0x1F9C0] =	vst v47;
	v17 =	vpop (erf);
	s18 =	sshll.u32 s17, $0x8  }
0x151: {  	v26 =	vmul.f32 v14, v6;
	v29 =	vsub.f32 v37, v36;
	(erf) = vrcp.f32 v9;
	[tilespmem:$0x1F9D0] =	vst v59;
	v19 =	vpop (erf);
	s12 =	sshll.u32 s17, $0x7;
	s10 =	sadd.s32 s10, s11;
	s19 =	sand.u32 $0xFFFFF800, s18  }
0x152: {  	v0 =	vsub.f32 v39, v44;
	v44 =	vmul.f32 v16, v56;
	(erf) = vrcp.f32 v42;
	[tilespmem:$0x1F9E0] =	vst v17;
	v20 =	vpop (erf);
	s20 =	sand.u32 $0x380, s12;
	s10 =	sadd.s32 s19, s10  }
0x153: {  	(erf) = vrcp.f32 v26;
	v17 =	vmul.f32 v24, v56;
	[tilespmem:$0x1F9F0] =	vst v19;
	v34 =	vpop (erf);
	s10 =	sor.u32 s20, s10  }
0x154: {  	(erf) = vrcp.f32 v32;
	v19 =	vmul.f32 v29, v56;
	[tilespmem:$0x1FA00] =	vst v20;
	v47 =	vpop (erf);
	s10 =	sshrl.u32 s10, $0x3  }
0x155: {  	s21 =	rddreg [dreg:$0xa];
	(erf) = vrcp.f32 v35;
	v14 =	vmul.f32 v17, v1;
	[tilespmem:$0x1FA10] =	vst v34;
	v36 =	vpop (erf);
	s10 =	sadd.s32 s2, s10  }
0x156: {  	v29 =	vmul.f32 v17, v54;
	(erf) = vrcp.f32 v46;
	v37 =	vpop (erf);
	[tilespmem:s21], [sflag:$0x1] =	stream.strided.gather [hbm4b:s10+s6], $0x100, s7, s6, $0x38;
	[tilespmem:$0x1E00] =	vst v63  }
0x157: {  	v24 =	vmul.f32 v19, v6;
	(erf) = vrcp.f32 v3;
	[tilespmem:$0x1FA20] =	vst v36;
	v38 =	vpop (erf);
	v20 =	vld [tilespmem:$0x1080]  }
0x158: {  	v33 =	vmul.f32 v17, v41;
	(erf) = vrcp.f32 v14;
	[tilespmem:$0x1FA30] =	vst v37;
	v59 =	vpop (erf);
	v37 =	vld [tilespmem:$0x1100]  }
0x159: {  	v34 =	vmul.f32 v19, v7;
	(erf) = vrcp.f32 v24;
	[tilespmem:$0x1FA40] =	vst v38;
	v17 =	vpop (erf);
	v39 =	vld [tilespmem:$0x1180]  }
0x15a: {  	v30 =	vsub.f32 v30, v25;
	v25 =	vld [tilespmem:$0x1F960];
	v36 =	vmul.f32 v19, v62;
	(erf) = vrcp.f32 v29;
	[tilespmem:$0x1FA50] =	vst v59;
	v59 =	vpop (erf)  }
0x15b: {  	v38 =	vmul.f32 v0, v56;
	(erf) = vrcp.f32 v34;
	[tilespmem:$0x1FA60] =	vst v17;
	v19 =	vpop (erf)  }
0x15c: {  	v16 =	vmul.f32 v44, v1;
	(erf) = vrcp.f32 v33;
	[tilespmem:$0x1FA70] =	vst v19;
	(v2sf) =	vpush v20, $0x0;
	v20 =	vpop (erf)  }
0x15d: {  	v17 =	vmul.f32 v38, v6;
	(erf) = vrcp.f32 v36;
	(v2sf) =	vpush v37, $0x0;
	[tilespmem:$0x1FA80] =	vst v20;
	v37 =	vpop (erf)  }
0x15e: {  	(erf) = vrcp.f32 v16;
	v19 =	vmul.f32 v44, v54;
	(v2sf) =	vpush v39, $0x0;
	[tilespmem:$0x1FA90] =	vst v37;
	v39 =	vpop (erf)  }
0x15f: {  	(erf) = vrcp.f32 v17;
	v20 =	vmul.f32 v38, v7;
	v37 =	vsub.f32 v27, v25;
	[tilespmem:$0x1FAA0] =	vst v39;
	v27 =	vpop (erf)  }
0x160: {  	v30 =	vmul.f32 v30, v56;
	(erf) = vrcp.f32 v19;
	[tilespmem:$0x1FAB0] =	vst v27;
	v39 =	vpop (erf)  }
0x161: {  	v25 =	vmul.f32 v44, v41;
	(erf) = vrcp.f32 v20;
	[tilespmem:$0x1FAC0] =	vst v39;
	v44 =	vpop (erf)  }
0x162: {  	v27 =	vmul.f32 v38, v62;
	v0 =	vmul.f32 v37, v56;
	[tilespmem:$0x1FAD0] =	vst v44;
	v44 =	vpop (erf)  }
0x163: {  	v1 =	vmul.f32 v30, v1;
	(erf) = vrcp.f32 v25;
	[tilespmem:$0x1FAE0] =	vst v44;
	v44 =	vpop (erf)  }
0x164: {  	(erf) = vrcp.f32 v27;
	[tilespmem:$0x1FAF0] =	vst v44;
	v44 =	vmul.f32 v0, v6;
	v39 =	vpop (erf)  }
0x165: {  	(erf) = vrcp.f32 v1;
	[tilespmem:$0x1FB00] =	vst v39;
	v39 =	vmul.f32 v30, v54  }
0x166: {  	v38 =	vmul.f32 v0, v7;
	v6 =	vpop (erf);
	(erf) = vrcp.f32 v44  }
0x167: {  	v37 =	vmul.f32 v30, v41;
	v30 =	vpop (erf);
	(erf) = vrcp.f32 v39  }
0x168: {  	[tilespmem:$0x1FB90] =	vst v1;
	v41 =	vpop (erf);
	(erf) = vrcp.f32 v38  }
0x169: {  	[tilespmem:$0x1FB20] =	vst v30;
	v30 =	vmul.f32 v0, v62;
	v62 =	vpop (erf);
	(erf) = vrcp.f32 v37  }
0x16a: {  	[tilespmem:$0x1FB10] =	vst v6;
	v6 =	vpop (erf)  }
0x16b: {  	[tilespmem:$0x1FB30] =	vst v41;
	(erf) = vrcp.f32 v30;
	v7 =	vpop (erf);
	s22 =	spop (v2sf)  }
0x16c: {  	[tilespmem:$0x1FB40] =	vst v62;
	v41 =	vpop (erf);
	s23 =	spop (v2sf);
	s10 =	smul.u32 $0x190000, s22  }
0x16d: {  	[tilespmem:$0x1FB50] =	vst v6;
	v62 =	vpop (erf);
	s11 =	smul.u32 $0x5000, s23;
	s24 =	spop (v2sf)  }
0x16e: {  	[tilespmem:$0x1FB70] =	vst v41;
	v41 =	vpop (erf);
	s25 =	sshll.u32 s24, $0x8  }
0x16f: {  	[tilespmem:$0x1FB80] =	vst v62;
	s12 =	sshll.u32 s24, $0x7;
	s10 =	sadd.s32 s10, s11;
	s26 =	sand.u32 $0xFFFFF800, s25;
	v62 =	vpop (erf)  }
0x170: {  	[tilespmem:$0x1FB60] =	vst v7;
	s28 =	sand.u32 $0x380, s12;
	s10 =	sadd.s32 s26, s10;
	v6 =	vpop (erf)  }
0x171: {  	s10 =	sor.u32 s28, s10;
	[tilespmem:$0x1FBA0] =	vst v6;
	v7 =	vpop (erf)  }
0x172: {  	s10 =	sshrl.u32 s10, $0x3;
	[tilespmem:$0x1FBB0] =	vst v7;
	v6 =	vpop (erf)  }
0x173: {  	s29 =	rddreg [dreg:$0xb];
	s10 =	sadd.s32 s2, s10;
	[tilespmem:$0x1FBC0] =	vst v6  }
0x174: {  	v7 =	vpop (erf);
	[tilespmem:s29], [sflag:$0x1] =	stream.strided.gather [hbm4b:s10+s6], $0x100, s7, s6, $0x38;
	[tilespmem:$0x1E00] =	vst v63  }
0x175: {  	[tilespmem:$0x1FBD0] =	vst v7  }
0x176: {  	_ =	swait.ge [sflag:s9], $0x100  }
0x177: {  	[sflag:s9] =	ssyncset.done $0x0  }
0x178: {  	[sflag:s9] =	ssyncadd.s32 $0xFFFFFF00  }
0x179: {  	_ =	swait.ge [sflag:s9], $0x100  }
0x17a: {  	[sflag:s9] =	ssyncset.done $0x0  }
0x17b: {  	[sflag:s9] =	ssyncadd.s32 $0xFFFFFF00  }
0x17c: {  	_ =	swait.ge [sflag:s9], $0x100  }
0x17d: {  	[sflag:s9] =	ssyncset.done $0x0  }
0x17e: {  	[sflag:s9] =	ssyncadd.s32 $0xFFFFFF00  }
0x17f: {  	_ =	swait.ge [sflag:s9], $0x100  }
0x180: {  	[sflag:s9] =	ssyncset.done $0x0  }
0x181: {  	[sflag:s9] =	ssyncadd.s32 $0xFFFFFF00  }
0x182: {  	_ =	swait.ge [sflag:s9], $0x100  }
0x183: {  	[sflag:s9] =	ssyncset.done $0x0  }
0x184: {  	[sflag:s9] =	ssyncadd.s32 $0xFFFFFF00  }
0x185: {  	v40 =	vmax.f32 v40, v45;
	v15 =	vmax.f32 v57, v15;
	v13 =	vmax.f32 v28, v13;
	_ =	swait.ge [sflag:s9], $0x100  }
0x186: {  	v45 =	vmax.f32 v10, v43;
	v10 =	vimm.s32 $0x0;
	v57 =	vmax.f32 v23, v12;
	[sflag:s9] =	ssyncset.done $0x0  }
0x187: {  	v12 =	vmax.f32 v2, v8;
	v1 =	vmax.f32 v13, v45;
	v0 =	vmax.f32 v40, v15;
	[sflag:s9] =	ssyncadd.s32 $0xFFFFFF00  }
0x188: {  	vm12 =	vlt.f32 v1, v0;
	v0 =	vmin.f32 v0, v1;
	v6 =	vmax.f32 v57, v12;
	_ =	swait.ge [sflag:s9], $0x100  }
0x189: {  	v13 =	vsel vm12, $0x55, v10;
	vm13 =	vlt.f32 v6, v0;
	[sflag:s9] =	ssyncset.done $0x0  }
0x18a: {  	v0 =	vsel vm13, $0xAA, v13;
	[sflag:s9] =	ssyncadd.s32 $0xFFFFFF00  }
0x18b: {  	v15 =	vadd.s32 v58, v0;
	_ =	swait.ge [sflag:s9], $0x100  }
0x18c: {  	v23 =	vld [tilespmem:$0x1FE60];
	_ =	sdelay $0x1  }
0x18d: {  	[sflag:s9] =	ssyncset.done $0x0  }
0x18e: {  	[sflag:s9] =	ssyncadd.s32 $0xFFFFFF00  }
0x18f: {  	v1 =	vld.idx.msk [tilespmem:v15+s8+$0x0], $0xffff  }
0x190: {  	v6 =	vadd.s32 v23, v0  }
0x191: {  	v28 =	vld [tilespmem:$0x1FE70];
	_ =	sdelay $0x2  }
0x192: {  	[tilespmem:$0x1A00] =	vst v1  }
0x193: {  	v1 =	vld.idx.msk [tilespmem:v6+s8+$0x0], $0xffff  }
0x194: {  	v6 =	vadd.s32 v28, v0  }
0x195: {  	v40 =	vld [tilespmem:$0x1FE80];
	_ =	sdelay $0x2  }
0x196: {  	[tilespmem:$0x1A10] =	vst v1  }
0x197: {  	v1 =	vld.idx.msk [tilespmem:v6+s8+$0x0], $0xffff  }
0x198: {  	v6 =	vadd.s32 v40, v0  }
0x199: {  	v43 =	vld [tilespmem:$0x1FE90]  }
0x19a: {  	v45 =	vld [tilespmem:$0x1F970]  }
0x19b: {  	v7 =	vld [tilespmem:$0x1FEA0]  }
0x19c: {  	v13 =	vld [tilespmem:$0x1F9A0];
	[tilespmem:$0x1A20] =	vst v1  }
0x19d: {  	v1 =	vld.idx.msk [tilespmem:v6+s8+$0x0], $0xffff  }
0x19e: {  	v8 =	vld [tilespmem:$0x1F990];
	v6 =	vadd.s32 v43, v0  }
0x19f: {  	v15 =	vld [tilespmem:$0x1F9B0]  }
0x1a0: {  	v57 =	vmax.f32 v60, v45;
	v60 =	vld [tilespmem:$0x1F980]  }
0x1a1: {  	v2 =	vmax.f32 v18, v13;
	v18 =	vld [tilespmem:$0x1F9C0]  }
0x1a2: {  	[tilespmem:$0x1A30] =	vst v1  }
0x1a3: {  	v1 =	vld.idx.msk [tilespmem:v6+s8+$0x0], $0xffff  }
0x1a4: {  	v12 =	vmax.f32 v21, v8;
	v0 =	vadd.s32 v7, v0  }
0x1a5: {  	v23 =	vld [tilespmem:$0x1FEB0];
	v2 =	vmax.f32 v12, v2;
	v61 =	vmax.f32 v61, v60  }
0x1a6: {  	v8 =	vmax.f32 v31, v18;
	v7 =	vmax.f32 v11, v15;
	v6 =	vmax.f32 v57, v61  }
0x1a7: {  	v7 =	vmax.f32 v7, v8;
	vm14 =	vlt.f32 v2, v6;
	v2 =	vmin.f32 v6, v2  }
0x1a8: {  	vm15 =	vlt.f32 v7, v2;
	v21 =	vsel vm14, $0x55, v10;
	[tilespmem:$0x1A40] =	vst v1  }
0x1a9: {  	v1 =	vsel vm15, $0xAA, v21;
	v0 =	vld.idx.msk [tilespmem:v0+s8+$0x0], $0xffff  }
0x1aa: {  	v2 =	vadd.s32 v23, v1  }
0x1ab: {  	v28 =	vld [tilespmem:$0x1FEC0];
	_ =	sdelay $0x2  }
0x1ac: {  	[tilespmem:$0x1A50] =	vst v0  }
0x1ad: {  	v0 =	vld.idx.msk [tilespmem:v2+s8+$0x0], $0xffff  }
0x1ae: {  	v2 =	vadd.s32 v28, v1  }
0x1af: {  	v31 =	vld [tilespmem:$0x1FED0];
	_ =	sdelay $0x2  }
0x1b0: {  	[tilespmem:$0x1A80] =	vst v0  }
0x1b1: {  	v0 =	vld.idx.msk [tilespmem:v2+s8+$0x0], $0xffff  }
0x1b2: {  	v2 =	vadd.s32 v31, v1  }
0x1b3: {  	v40 =	vld [tilespmem:$0x1FEE0];
	_ =	sdelay $0x2  }
0x1b4: {  	[tilespmem:$0x1A90] =	vst v0  }
0x1b5: {  	v0 =	vld.idx.msk [tilespmem:v2+s8+$0x0], $0xffff  }
0x1b6: {  	v2 =	vadd.s32 v40, v1  }
0x1b7: {  	v43 =	vld [tilespmem:$0x1FFA0];
	_ =	sdelay $0x2  }
0x1b8: {  	[tilespmem:$0x1AA0] =	vst v0  }
0x1b9: {  	v0 =	vld.idx.msk [tilespmem:v2+s8+$0x0], $0xffff  }
0x1ba: {  	v2 =	vadd.s32 v43, v1  }
0x1bb: {  	v45 =	vld [tilespmem:$0x1F9D0];
	_ =	sdelay $0x2  }
0x1bc: {  	[tilespmem:$0x1AB0] =	vst v0  }
0x1bd: {  	v0 =	vld.idx.msk [tilespmem:v2+s8+$0x0], $0xffff  }
0x1be: {  	v2 =	vmax.f32 v52, v45;
	v52 =	vld [tilespmem:$0x1F9E0];
	_ =	sdelay $0x1  }
0x1bf: {  	v60 =	vld [tilespmem:$0x1FA00]  }
0x1c0: {  	v57 =	vld [tilespmem:$0x1F9F0]  }
0x1c1: {  	v61 =	vld [tilespmem:$0x1FA10]  }
0x1c2: {  	v6 =	vmax.f32 v55, v52;
	v55 =	vld [tilespmem:$0x1FEF0];
	_ =	sdelay $0x2  }
0x1c3: {  	v4 =	vmax.f32 v4, v47  }
0x1c4: {  	v5 =	vmax.f32 v5, v57;
	v2 =	vmax.f32 v2, v6;
	v6 =	vmax.f32 v22, v60  }
0x1c5: {  	v5 =	vmax.f32 v5, v6;
	v6 =	vmax.f32 v63, v61;
	v1 =	vadd.s32 v55, v1  }
0x1c6: {  	v4 =	vmax.f32 v6, v4;
	v6 =	vld [tilespmem:$0x1FFB0];
	_ =	sdelay $0x1  }
0x1c7: {  	vm4 =	vlt.f32 v5, v2;
	v2 =	vmin.f32 v2, v5  }
0x1c8: {  	[tilespmem:$0x1AC0] =	vst v0;
	vm5 =	vlt.f32 v4, v2;
	v5 =	vsel vm4, $0x55, v10  }
0x1c9: {  	v0 =	vsel vm5, $0xAA, v5;
	v1 =	vld.idx.msk [tilespmem:v1+s8+$0x0], $0xffff  }
0x1ca: {  	v2 =	vadd.s32 v6, v0  }
0x1cb: {  	v7 =	vld [tilespmem:$0x1FFD0];
	_ =	sdelay $0x2  }
0x1cc: {  	[tilespmem:$0x1AD0] =	vst v1  }
0x1cd: {  	v1 =	vld.idx.msk [tilespmem:v2+s8+$0x0], $0xffff  }
0x1ce: {  	v2 =	vadd.s32 v7, v0  }
0x1cf: {  	v8 =	vld [tilespmem:$0x1FFE0];
	_ =	sdelay $0x2  }
0x1d0: {  	[tilespmem:$0x1B00] =	vst v1  }
0x1d1: {  	v1 =	vld.idx.msk [tilespmem:v2+s8+$0x0], $0xffff  }
0x1d2: {  	v2 =	vadd.s32 v8, v0  }
0x1d3: {  	v11 =	vld [tilespmem:$0x1FFF0];
	_ =	sdelay $0x2  }
0x1d4: {  	[tilespmem:$0x1B10] =	vst v1  }
0x1d5: {  	v1 =	vld.idx.msk [tilespmem:v2+s8+$0x0], $0xffff  }
0x1d6: {  	v2 =	vadd.s32 v11, v0;
	_ =	sdelay $0x2  }
0x1d7: {  	v13 =	vld [tilespmem:$0x1FA20]  }
0x1d8: {  	v18 =	vld [tilespmem:$0x1FF00];
	[tilespmem:$0x1B20] =	vst v1  }
0x1d9: {  	v12 =	vor.u32 $0x240, v58;
	v1 =	vld.idx.msk [tilespmem:v2+s8+$0x0], $0xffff  }
0x1da: {  	v15 =	vld [tilespmem:$0x1FA30];
	v2 =	vadd.s32 v12, v0  }
0x1db: {  	v21 =	vld [tilespmem:$0x1FA40]  }
0x1dc: {  	v22 =	vld [tilespmem:$0x1FA50]  }
0x1dd: {  	v23 =	vld [tilespmem:$0x1FA60]  }
0x1de: {  	[tilespmem:$0x1B30] =	vst v1  }
0x1df: {  	v1 =	vld.idx.msk [tilespmem:v2+s8+$0x0], $0xffff  }
0x1e0: {  	v4 =	vmax.f32 v49, v15;
	v0 =	vadd.s32 v18, v0;
	v2 =	vmax.f32 v48, v13  }
0x1e1: {  	v5 =	vmax.f32 v51, v22;
	v2 =	vmax.f32 v2, v4;
	v4 =	vmax.f32 v50, v21  }
0x1e2: {  	v28 =	vmax.f32 v9, v59;
	v4 =	vmax.f32 v4, v5;
	v5 =	vmax.f32 v53, v23  }
0x1e3: {  	v5 =	vmax.f32 v5, v28;
	vm6 =	vlt.f32 v4, v2;
	v2 =	vmin.f32 v2, v4  }
0x1e4: {  	vm7 =	vlt.f32 v5, v2;
	v31 =	vsel vm6, $0x55, v10;
	[tilespmem:$0x1B40] =	vst v1  }
0x1e5: {  	v40 =	vor.u32 $0x300, v58;
	v1 =	vsel vm7, $0xAA, v31;
	v0 =	vld.idx.msk [tilespmem:v0+s8+$0x0], $0xffff  }
0x1e6: {  	v2 =	vadd.s32 v40, v1;
	_ =	sdelay $0x3  }
0x1e7: {  	[tilespmem:$0x1B50] =	vst v0  }
0x1e8: {  	v43 =	vor.u32 $0x310, v58;
	v0 =	vld.idx.msk [tilespmem:v2+s8+$0x0], $0xffff  }
0x1e9: {  	v2 =	vadd.s32 v43, v1;
	_ =	sdelay $0x3  }
0x1ea: {  	[tilespmem:$0x1B80] =	vst v0  }
0x1eb: {  	v45 =	vor.u32 $0x320, v58;
	v0 =	vld.idx.msk [tilespmem:v2+s8+$0x0], $0xffff  }
0x1ec: {  	v2 =	vadd.s32 v45, v1;
	_ =	sdelay $0x3  }
0x1ed: {  	[tilespmem:$0x1B90] =	vst v0  }
0x1ee: {  	v47 =	vor.u32 $0x330, v58;
	v0 =	vld.idx.msk [tilespmem:v2+s8+$0x0], $0xffff  }
0x1ef: {  	v2 =	vadd.s32 v47, v1;
	_ =	sdelay $0x1  }
0x1f0: {  	v57 =	vld [tilespmem:$0x1FAC0]  }
0x1f1: {  	v52 =	vld [tilespmem:$0x1FA90]  }
0x1f2: {  	v49 =	vld [tilespmem:$0x1FA70];
	[tilespmem:$0x1BA0] =	vst v0  }
0x1f3: {  	v48 =	vor.u32 $0x340, v58;
	v0 =	vld.idx.msk [tilespmem:v2+s8+$0x0], $0xffff  }
0x1f4: {  	v51 =	vld [tilespmem:$0x1FF10];
	v2 =	vadd.s32 v48, v1  }
0x1f5: {  	v50 =	vld [tilespmem:$0x1FA80]  }
0x1f6: {  	v53 =	vld [tilespmem:$0x1FAA0]  }
0x1f7: {  	v55 =	vld [tilespmem:$0x1FAB0]  }
0x1f8: {  	[tilespmem:$0x1BB0] =	vst v0  }
0x1f9: {  	v0 =	vld.idx.msk [tilespmem:v2+s8+$0x0], $0xffff  }
0x1fa: {  	v4 =	vmax.f32 v26, v50;
	v1 =	vadd.s32 v51, v1;
	v2 =	vmax.f32 v42, v49  }
0x1fb: {  	v5 =	vmax.f32 v35, v53;
	v2 =	vmax.f32 v2, v4;
	v4 =	vmax.f32 v32, v52  }
0x1fc: {  	v3 =	vmax.f32 v3, v57;
	v4 =	vmax.f32 v4, v5;
	v5 =	vmax.f32 v46, v55  }
0x1fd: {  	v3 =	vmax.f32 v5, v3;
	vm8 =	vlt.f32 v4, v2;
	v2 =	vmin.f32 v2, v4  }
0x1fe: {  	vm9 =	vlt.f32 v3, v2;
	v59 =	vsel vm8, $0x55, v10;
	[tilespmem:$0x1BC0] =	vst v0  }
0x1ff: {  	v60 =	vor.u32 $0x400, v58;
	v0 =	vsel vm9, $0xAA, v59;
	v1 =	vld.idx.msk [tilespmem:v1+s8+$0x0], $0xffff  }
0x200: {  	v2 =	vadd.s32 v60, v0;
	_ =	sdelay $0x3  }
0x201: {  	[tilespmem:$0x1BD0] =	vst v1  }
0x202: {  	v61 =	vor.u32 $0x410, v58;
	v1 =	vld.idx.msk [tilespmem:v2+s8+$0x0], $0xffff  }
0x203: {  	v2 =	vadd.s32 v61, v0;
	_ =	sdelay $0x3  }
0x204: {  	[tilespmem:$0x1C00] =	vst v1  }
0x205: {  	v63 =	vor.u32 $0x420, v58;
	v1 =	vld.idx.msk [tilespmem:v2+s8+$0x0], $0xffff  }
0x206: {  	v2 =	vadd.s32 v63, v0;
	_ =	sdelay $0x3  }
0x207: {  	[tilespmem:$0x1C10] =	vst v1  }
0x208: {  	v4 =	vor.u32 $0x430, v58;
	v1 =	vld.idx.msk [tilespmem:v2+s8+$0x0], $0xffff  }
0x209: {  	v2 =	vadd.s32 v4, v0;
	_ =	sdelay $0x1  }
0x20a: {  	v9 =	vld [tilespmem:$0x1FAF0]  }
0x20b: {  	v6 =	vld [tilespmem:$0x1FAD0]  }
0x20c: {  	v7 =	vld [tilespmem:$0x1FAE0];
	[tilespmem:$0x1C20] =	vst v1  }
0x20d: {  	v5 =	vor.u32 $0x440, v58;
	v1 =	vld.idx.msk [tilespmem:v2+s8+$0x0], $0xffff  }
0x20e: {  	v8 =	vld [tilespmem:$0x1FF20];
	v2 =	vadd.s32 v5, v0  }
0x20f: {  	v11 =	vld [tilespmem:$0x1FB00]  }
0x210: {  	v12 =	vld [tilespmem:$0x1FB10]  }
0x211: {  	v13 =	vld [tilespmem:$0x1FB20]  }
0x212: {  	[tilespmem:$0x1C30] =	vst v1  }
0x213: {  	v1 =	vld.idx.msk [tilespmem:v2+s8+$0x0], $0xffff  }
0x214: {  	v3 =	vmax.f32 v24, v7;
	v0 =	vadd.s32 v8, v0;
	v2 =	vmax.f32 v14, v6  }
0x215: {  	v4 =	vmax.f32 v34, v11;
	v2 =	vmax.f32 v2, v3;
	v3 =	vmax.f32 v29, v9  }
0x216: {  	v5 =	vmax.f32 v36, v13;
	v3 =	vmax.f32 v3, v4;
	v4 =	vmax.f32 v33, v12  }
0x217: {  	v4 =	vmax.f32 v4, v5;
	vm10 =	vlt.f32 v3, v2;
	v2 =	vmin.f32 v2, v3  }
0x218: {  	vm11 =	vlt.f32 v4, v2;
	v14 =	vsel vm10, $0x55, v10;
	[tilespmem:$0x1C40] =	vst v1  }
0x219: {  	v15 =	vor.u32 $0x500, v58;
	v1 =	vsel vm11, $0xAA, v14;
	v0 =	vld.idx.msk [tilespmem:v0+s8+$0x0], $0xffff  }
0x21a: {  	v2 =	vadd.s32 v15, v1;
	_ =	sdelay $0x3  }
0x21b: {  	[tilespmem:$0x1C50] =	vst v0  }
0x21c: {  	v18 =	vor.u32 $0x510, v58;
	v0 =	vld.idx.msk [tilespmem:v2+s8+$0x0], $0xffff  }
0x21d: {  	v2 =	vadd.s32 v18, v1;
	_ =	sdelay $0x3  }
0x21e: {  	[tilespmem:$0x1C80] =	vst v0  }
0x21f: {  	v21 =	vor.u32 $0x520, v58;
	v0 =	vld.idx.msk [tilespmem:v2+s8+$0x0], $0xffff  }
0x220: {  	v2 =	vadd.s32 v21, v1;
	_ =	sdelay $0x3  }
0x221: {  	[tilespmem:$0x1C90] =	vst v0  }
0x222: {  	v22 =	vor.u32 $0x530, v58;
	v0 =	vld.idx.msk [tilespmem:v2+s8+$0x0], $0xffff  }
0x223: {  	v2 =	vadd.s32 v22, v1;
	_ =	sdelay $0x1  }
0x224: {  	v28 =	vld [tilespmem:$0x1FF60]  }
0x225: {  	v31 =	vld [tilespmem:$0x1FB60]  }
0x226: {  	v26 =	vld [tilespmem:$0x1FB40];
	[tilespmem:$0x1CA0] =	vst v0  }
0x227: {  	v23 =	vor.u32 $0x540, v58;
	v0 =	vld.idx.msk [tilespmem:v2+s8+$0x0], $0xffff  }
0x228: {  	v32 =	vld [tilespmem:$0x1FB70];
	v2 =	vadd.s32 v23, v1  }
0x229: {  	v24 =	vld [tilespmem:$0x1FB30]  }
0x22a: {  	v29 =	vld [tilespmem:$0x1FB50]  }
0x22b: {  	v33 =	vld [tilespmem:$0x1FB80]  }
0x22c: {  	[tilespmem:$0x1CB0] =	vst v0  }
0x22d: {  	v0 =	vld.idx.msk [tilespmem:v2+s8+$0x0], $0xffff  }
0x22e: {  	v3 =	vmax.f32 v17, v26;
	v1 =	vadd.s32 v28, v1;
	v2 =	vmax.f32 v16, v24  }
0x22f: {  	v4 =	vmax.f32 v20, v31;
	v2 =	vmax.f32 v2, v3;
	v3 =	vmax.f32 v19, v29  }
0x230: {  	v5 =	vmax.f32 v27, v33;
	v3 =	vmax.f32 v3, v4;
	v4 =	vmax.f32 v25, v32  }
0x231: {  	v4 =	vmax.f32 v4, v5;
	vm12 =	vlt.f32 v3, v2;
	v2 =	vmin.f32 v2, v3  }
0x232: {  	vm13 =	vlt.f32 v4, v2;
	v34 =	vsel vm12, $0x55, v10;
	[tilespmem:$0x1CC0] =	vst v0  }
0x233: {  	v36 =	vor.u32 $0x600, v58;
	v35 =	vsel vm13, $0xAA, v34;
	v1 =	vld.idx.msk [tilespmem:v1+s8+$0x0], $0xffff  }
0x234: {  	v2 =	vadd.s32 v36, v35;
	_ =	sdelay $0x3  }
0x235: {  	[tilespmem:$0x1CD0] =	vst v1  }
0x236: {  	v40 =	vor.u32 $0x610, v58;
	v1 =	vld.idx.msk [tilespmem:v2+s8+$0x0], $0xffff  }
0x237: {  	v2 =	vadd.s32 v40, v35;
	_ =	sdelay $0x3  }
0x238: {  	[tilespmem:$0x1D00] =	vst v1  }
0x239: {  	v42 =	vor.u32 $0x620, v58;
	v1 =	vld.idx.msk [tilespmem:v2+s8+$0x0], $0xffff  }
0x23a: {  	v2 =	vadd.s32 v42, v35;
	_ =	sdelay $0x3  }
0x23b: {  	[tilespmem:$0x1D10] =	vst v1  }
0x23c: {  	v43 =	vor.u32 $0x630, v58;
	v1 =	vld.idx.msk [tilespmem:v2+s8+$0x0], $0xffff  }
0x23d: {  	v2 =	vadd.s32 v43, v35;
	_ =	sdelay $0x2  }
0x23e: {  	v50 =	vld [tilespmem:$0x1FBB0]  }
0x23f: {  	v48 =	vld [tilespmem:$0x1FF70];
	[tilespmem:$0x1D20] =	vst v1  }
0x240: {  	v45 =	vor.u32 $0x640, v58;
	v1 =	vld.idx.msk [tilespmem:v2+s8+$0x0], $0xffff  }
0x241: {  	v49 =	vld [tilespmem:$0x1FBA0];
	v2 =	vadd.s32 v45, v35  }
0x242: {  	v52 =	vld [tilespmem:$0x1FBD0]  }
0x243: {  	v46 =	vld [tilespmem:$0x1FB90]  }
0x244: {  	v51 =	vld [tilespmem:$0x1FBC0]  }
0x245: {  	[tilespmem:$0x1D30] =	vst v1  }
0x246: {  	v1 =	vld.idx.msk [tilespmem:v2+s8+$0x0], $0xffff  }
0x247: {  	v47 =	vmax.f32 v44, v62;
	v3 =	vmax.f32 v39, v49;
	v0 =	vadd.s32 v48, v35  }
0x248: {  	v5 =	vmax.f32 v30, v52;
	v4 =	vmax.f32 v38, v50;
	v2 =	vmax.f32 v46, v41  }
0x249: {  	v3 =	vmax.f32 v3, v4;
	v4 =	vmax.f32 v37, v51;
	v2 =	vmax.f32 v2, v47  }
0x24a: {  	v4 =	vmax.f32 v4, v5;
	vm14 =	vlt.f32 v3, v2;
	v2 =	vmin.f32 v2, v3  }
0x24b: {  	vm15 =	vlt.f32 v4, v2;
	v53 =	vsel vm14, $0x55, v10;
	[tilespmem:$0x1D40] =	vst v1  }
0x24c: {  	v57 =	vor.u32 $0x700, v58;
	v55 =	vsel vm15, $0xAA, v53;
	v0 =	vld.idx.msk [tilespmem:v0+s8+$0x0], $0xffff  }
0x24d: {  	v2 =	vadd.s32 v57, v55;
	_ =	sdelay $0x3  }
0x24e: {  	[tilespmem:$0x1D50] =	vst v0  }
0x24f: {  	v59 =	vor.u32 $0x710, v58;
	v0 =	vld.idx.msk [tilespmem:v2+s8+$0x0], $0xffff  }
0x250: {  	v2 =	vadd.s32 v59, v55;
	_ =	sdelay $0x3  }
0x251: {  	[tilespmem:$0x1D80] =	vst v0  }
0x252: {  	v60 =	vor.u32 $0x720, v58;
	v0 =	vld.idx.msk [tilespmem:v2+s8+$0x0], $0xffff  }
0x253: {  	v2 =	vadd.s32 v60, v55;
	_ =	sdelay $0x3  }
0x254: {  	[tilespmem:$0x1D90] =	vst v0  }
0x255: {  	v61 =	vor.u32 $0x730, v58;
	v0 =	vld.idx.msk [tilespmem:v2+s8+$0x0], $0xffff  }
0x256: {  	v2 =	vadd.s32 v61, v55;
	_ =	sdelay $0x3  }
0x257: {  	[tilespmem:$0x1DA0] =	vst v0  }
0x258: {  	v62 =	vor.u32 $0x740, v58;
	v0 =	vld.idx.msk [tilespmem:v2+s8+$0x0], $0xffff  }
0x259: {  	v2 =	vadd.s32 v62, v55  }
0x25a: {  	v63 =	vld [tilespmem:$0x1FF90];
	_ =	sdelay $0x2  }
0x25b: {  	[tilespmem:$0x1DB0] =	vst v0  }
0x25c: {  	v0 =	vld.idx.msk [tilespmem:v2+s8+$0x0], $0xffff  }
0x25d: {  	v1 =	vadd.s32 v63, v55;
	_ =	sdelay $0x3  }
0x25e: {  	[tilespmem:$0x1DC0] =	vst v0  }
0x25f: {  	v0 =	vld.idx.msk [tilespmem:v1+s8+$0x0], $0xffff;
	_ =	sdelay $0x3  }
0x260: {  	p0 =	sne.s32 s4, $0x1;
	s30 =	rddreg [dreg:$0x4]  }
.Ltmp0:
0x261: {  	s31 =	rddreg [dreg:$0xc];
	[tilespmem:$0x1DD0] =	vst v0;
	(pc) =	sbr.rel @p0 .LBB2_1-.Ltmp0, $4  }
0x262: {  	[hbm4b:s30+s3] =	stream.linear.scatter [tilespmem:s31], [sflag:$0x2], $0x400, $0x38;
	[tilespmem:$0x1E00] =	vst v63  }
0x263: {  	_ =	swait.ge [sflag:s5], $0x400  }
0x264: {  	[sflag:s5] =	ssyncset.done $0x0  }
0x265: {  	s4 =	sadd.s32 $0xFFFFFFFF, s4;
	[sflag:s5] =	ssyncadd.s32 $0xFFFFFC00  }
0x266: {  	_ =	sfence.sel $0x180000  }
0x267: {  	[bflag:$0x0] =	sbarrier.arrive $0xFFFF  }
0x268: {  	p0 =	sne.s32 s0, $0x0;
	_ =	strace $0x90000047  }
0x269: {  	s0 =	sadd.s32 @!p0 $0x100000, s1;
	[bflag:$0x2] =	sbarrier.arrive $0xFFFF  }
0x26a: {  	[sflag:s0] =	ssyncadd.tile.s32 @!p0 $0x1;
	_ =	shalt  }
.Lfunc_end2:
_tile_overlayer_lowered:
.L_overlay_start_2:
0x26b: {  	(tag) =	ssettag $0x2  }
0x26c: {  	s0 =	rddreg [dreg:$0x0];
	s2 =	stileid.u32  }
0x26d: {  	s1 =	rddreg [dreg:$0x1];
	p0 =	sne.s32 s2, $0x0  }
0x26e: {  	s3 =	rddreg [dreg:$0x2];
	[bflag:$0x3] =	sbarrier.arrive $0xFFFF;
	s2 =	simm.s32 @!p0 $0x1C02  }
0x26f: {  	[timem:s3], [sflag:s2] =	dma.local @!p0 [hbm:s0], s1  }
0x270: {  	s0 =	simm.s32 @!p0 $0x2  }
0x271: {  	_ =	swait.ge @!p0 [sflag:s0], s1  }
0x272: {  	s1 =	ssub.s32 @!p0 $0x0, s1;
	[sflag:s0] =	ssyncset.done @!p0 $0x0  }
0x273: {  	[sflag:s0] =	ssyncadd.s32 @!p0 s1  }
0x274: {  	[bflag:$0x3] =	sbarrier.arrive $0xFFFF  }
0x275: {  	_ =	shalt  }

</sc_bundles>
